<compile_context>
chip_gen: v7x
topology: tpu7x:2x2x1
jax: 0.10.2.dev20260603
libtpu: 0.0.44.dev20260713+nightly
codegen_flags: <defaults>
</compile_context>

<pallas_src>
import functools

import jax
import jax.numpy as jnp
from jax import lax
from jax.experimental import pallas as pl
from jax.experimental.pallas import tpu as pltpu
from jax.experimental.pallas import tpu_sc as plsc

_ROWS = 32768
_COLS = 1024
_CW = 32
_BAND = 128
_NC = 2
_NS = 16
_NW = _NC * _NS
_RPW = _ROWS // _NW
_BR = 256
_NBLK = _RPW // _BR
_L = 16

_mesh = plsc.VectorSubcoreMesh(
    core_axis_name="c", subcore_axis_name="s", num_cores=_NC,
    num_subcores=_NS)


def _make_sc_pair(chunk_starts):
    @functools.partial(
        pl.kernel,
        out_type=[jax.ShapeDtypeStruct((_ROWS, _CW), jnp.float32)]
        * len(chunk_starts),
        mesh=_mesh,
        scratch_types=[
            pltpu.VMEM((_BR, _BAND), jnp.float32),
            pltpu.VMEM((_BR, _BAND), jnp.float32),
            pltpu.VMEM((_BR, _CW), jnp.float32),
            pltpu.VMEM((_BR, _CW), jnp.float32),
            pltpu.SemaphoreType.DMA,
            pltpu.SemaphoreType.DMA,
            pltpu.SemaphoreType.DMA,
            pltpu.SemaphoreType.DMA,
        ],
    )
    def _sc_pair(x_hbm, *refs):
        outs = refs[:len(chunk_starts)]
        b0, b1, c0, c1, l0, l1, s0, s1 = refs[len(chunk_starts):]
        bufs = (b0, b1)
        cbufs = (c0, c1)
        lsems = (l0, l1)
        ssems = (s0, s1)
        wid = lax.axis_index("s") * _NC + lax.axis_index("c")
        base = wid * _RPW
        niter = len(chunk_starts) * _NBLK

        def rows(i):
            return pl.ds(base + (i % _NBLK) * _BR, _BR)

        def load(i):
            return pltpu.make_async_copy(
                x_hbm.at[rows(i), pl.ds(chunk_starts[i // _NBLK], _BAND)],
                bufs[i % 2], lsems[i % 2])

        def store(i):
            return pltpu.make_async_copy(
                cbufs[i % 2], outs[i // _NBLK].at[rows(i), :],
                ssems[i % 2])

        def compact(i):
            src = bufs[i % 2]
            dst = cbufs[i % 2]

            def body(r, carry):
                dst[r, pl.ds(0, _L)] = src[r, pl.ds(0, _L)]
                dst[r, pl.ds(_L, _L)] = src[r, pl.ds(_L, _L)]
                return carry

            lax.fori_loop(0, _BR, body, 0, unroll=8)

        load(0).start()
        for i in range(niter):
            if i + 1 < niter:
                load(i + 1).start()
            load(i).wait()
            if i >= 2:
                store(i - 2).wait()
            compact(i)
            store(i).start()
        store(niter - 2).wait()
        store(niter - 1).wait()

    return _sc_pair


_sc_pair_a = _make_sc_pair((0, 256))
_sc_single_b = _make_sc_pair((512,))

_TC_R = 32768


def _tc_body(x3_ref, o3_ref):
    o3_ref[...] = x3_ref[:, 0:_CW]


_tc_select = pl.pallas_call(
    _tc_body,
    grid=(_ROWS // _TC_R,),
    in_specs=[pl.BlockSpec((_TC_R, _BAND), lambda i: (i, 768 // _BAND))],
    out_specs=[pl.BlockSpec((_TC_R, _CW), lambda i: (i, 0))],
    out_shape=[jax.ShapeDtypeStruct((_ROWS, _CW), jnp.float32)],
)


def kernel(x):
    o0, o1 = _sc_pair_a(x)
    (o2,) = _sc_single_b(x)
    (o3,) = _tc_select(x)
    return (o0, o1, o2, o3)

# --- scband reference (transcript-rebuilt; emitter-appended) ---
"""Pipeline reference for scband-chunk-select-51505247814344 (READ-ONLY COPY).

The authoritative reference and input builder live on the scoring server;
editing this copy changes nothing except your own understanding.
"""

import jax, jax.numpy as jnp
import numpy as np

CHUNKS_IDX = [list(range(0, 32)), list(range(256, 288)), list(range(512, 544)), list(range(768, 800))]


def setup_inputs(seed: int = 0) -> dict:
    key = jax.random.key(seed)
    x = jax.random.normal(key, (32768, 1024), dtype=jnp.float32)
    return {"x": x}


def reference(x):
    # Faithful translation of ChunkSelect.call: one gather along the last axis per chunk.
    idxs = [jnp.array(ci, dtype=jnp.int32) for ci in CHUNKS_IDX]
    return tuple(jnp.take(x, ci, axis=-1) for ci in idxs)

if __name__ == "__main__":
    import jax
    _d = setup_inputs()
    print(jax.jit(kernel)(*tuple(_d.values())))

</pallas_src>

<mosaic_0001>
#map = affine_map<(d0, d1) -> (0, 0)>
module attributes {stable_mosaic.version = 14 : i64} {
  func.func @_sc_pair(%arg0: i32, %arg1: i32, %arg2: memref<32768x1024xf32, #tpu.memory_space<hbm>>, %arg3: memref<32768x32xf32, #tpu.memory_space<hbm>>, %arg4: memref<32768x32xf32, #tpu.memory_space<hbm>>, %arg5: memref<256x128xf32, #tpu.memory_space<vmem>>, %arg6: memref<256x128xf32, #tpu.memory_space<vmem>>, %arg7: memref<256x32xf32, #tpu.memory_space<vmem>>, %arg8: memref<256x32xf32, #tpu.memory_space<vmem>>, %arg9: memref<!tpu.dma_semaphore, #tpu.memory_space<semaphore_mem>>, %arg10: memref<!tpu.dma_semaphore, #tpu.memory_space<semaphore_mem>>, %arg11: memref<!tpu.dma_semaphore, #tpu.memory_space<semaphore_mem>>, %arg12: memref<!tpu.dma_semaphore, #tpu.memory_space<semaphore_mem>>) attributes {dimension_semantics = [#tpu.dimension_semantics<core_parallel>, #tpu.dimension_semantics<subcore_parallel>], iteration_bounds = array<i64: 2, 16>, scalar_prefetch = 0 : i64, scratch_operands = 8 : i64, tpu.core_type = #tpu.core_type<sc_vector_subcore>, window_params = [{transform_indices = #map}, {transform_indices = #map}, {transform_indices = #map}]} {
    %mul3A = arith.constant 2 : i32
    %mul3A_0 = arith.muli %arg1, %mul3A : i32
    %add3A = arith.addi %mul3A_0, %arg0 : i32
    %mul3A_1 = arith.constant 1024 : i32
    %mul3A_2 = arith.muli %add3A, %mul3A_1 : i32
    %add3A_3 = arith.constant 0 : i32
    %add3A_4 = arith.addi %mul3A_2, %add3A_3 : i32
    %dma_start3A = arith.constant 0 : i32
    %dma_start3A_5 = tpu.memref_slice %arg2[%add3A_4, %dma_start3A] : memref<32768x1024xf32, #tpu.memory_space<hbm>> -> memref<256x128xf32, #tpu.memory_space<hbm>>
    %dma_start3A_6 = arith.constant 0 : i32
    %dma_start3A_7 = tpu.memref_slice %arg2[%add3A_4, %dma_start3A_6] : memref<32768x1024xf32, #tpu.memory_space<hbm>> -> memref<256x128xf32, #tpu.memory_space<hbm>>
    tpu.enqueue_dma source(%dma_start3A_7 : memref<256x128xf32, #tpu.memory_space<hbm>>) target(%arg5 : memref<256x128xf32, #tpu.memory_space<vmem>>) target_semaphore(%arg9 : memref<!tpu.dma_semaphore, #tpu.memory_space<semaphore_mem>>)
    %add3A_8 = arith.constant 256 : i32
    %add3A_9 = arith.addi %mul3A_2, %add3A_8 : i32
    %dma_start3A_10 = arith.constant 0 : i32
    %dma_start3A_11 = tpu.memref_slice %arg2[%add3A_9, %dma_start3A_10] : memref<32768x1024xf32, #tpu.memory_space<hbm>> -> memref<256x128xf32, #tpu.memory_space<hbm>>
    %dma_start3A_12 = arith.constant 0 : i32
    %dma_start3A_13 = tpu.memref_slice %arg2[%add3A_9, %dma_start3A_12] : memref<32768x1024xf32, #tpu.memory_space<hbm>> -> memref<256x128xf32, #tpu.memory_space<hbm>>
    tpu.enqueue_dma source(%dma_start3A_13 : memref<256x128xf32, #tpu.memory_space<hbm>>) target(%arg6 : memref<256x128xf32, #tpu.memory_space<vmem>>) target_semaphore(%arg10 : memref<!tpu.dma_semaphore, #tpu.memory_space<semaphore_mem>>)
    %add3A_14 = arith.constant 0 : i32
    %add3A_15 = arith.addi %mul3A_2, %add3A_14 : i32
    %dma_wait3A = arith.constant 0 : i32
    %dma_wait3A_16 = tpu.memref_slice %arg2[%add3A_15, %dma_wait3A] : memref<32768x1024xf32, #tpu.memory_space<hbm>> -> memref<256x128xf32, #tpu.memory_space<hbm>>
    %dma_wait3A_17 = arith.constant 0 : i32
    %dma_wait3A_18 = tpu.memref_slice %arg2[%add3A_15, %dma_wait3A_17] : memref<32768x1024xf32, #tpu.memory_space<hbm>> -> memref<256x128xf32, #tpu.memory_space<hbm>>
    tpu.wait_dma2 semaphore(%arg9 : memref<!tpu.dma_semaphore, #tpu.memory_space<semaphore_mem>>) src(%dma_wait3A_18 : memref<256x128xf32, #tpu.memory_space<hbm>>) dst(%arg5 : memref<256x128xf32, #tpu.memory_space<vmem>>)
    %scan3A = arith.constant 0 : i32
    %scan3A_19 = arith.constant 0 : i32
    %scan3A_20 = arith.constant 256 : i32
    %scan3A_21 = arith.addi %scan3A_19, %scan3A_20 : i32
    %scan3A_22 = arith.constant 8 : i32
    scf.for %scan3A_240 = %scan3A_19 to %scan3A_21 step %scan3A_22  : i32 {
      %get3A = arith.index_cast %scan3A_240 : i32 to index
      %get3A_241 = arith.constant 0 : index
      %get3A_242 = tpu.vector_load %arg5[%get3A, %get3A_241] {strides = array<i32>} : memref<256x128xf32, #tpu.memory_space<vmem>>, vector<1x16xf32>,
      %get3A_243 = vector.shape_cast %get3A_242 : vector<1x16xf32> to vector<16xf32>
      %swap3A = arith.index_cast %scan3A_240 : i32 to index
      %swap3A_244 = arith.constant 0 : index
      %swap3A_245 = tpu.vector_load %arg7[%swap3A, %swap3A_244] {strides = array<i32>} : memref<256x32xf32, #tpu.memory_space<vmem>>, vector<1x16xf32>,
      %swap3A_246 = vector.shape_cast %swap3A_245 : vector<1x16xf32> to vector<16xf32>
      %swap3A_247 = vector.shape_cast %get3A_243 : vector<16xf32> to vector<1x16xf32>
      tpu.vector_store %arg7[%swap3A, %swap3A_244], %swap3A_247 {strides = array<i32>} : memref<256x32xf32, #tpu.memory_space<vmem>>, vector<1x16xf32>,
      %get3A_248 = arith.index_cast %scan3A_240 : i32 to index
      %get3A_249 = arith.constant 16 : index
      %get3A_250 = tpu.vector_load %arg5[%get3A_248, %get3A_249] {strides = array<i32>} : memref<256x128xf32, #tpu.memory_space<vmem>>, vector<1x16xf32>,
      %get3A_251 = vector.shape_cast %get3A_250 : vector<1x16xf32> to vector<16xf32>
      %swap3A_252 = arith.index_cast %scan3A_240 : i32 to index
      %swap3A_253 = arith.constant 16 : index
      %swap3A_254 = tpu.vector_load %arg7[%swap3A_252, %swap3A_253] {strides = array<i32>} : memref<256x32xf32, #tpu.memory_space<vmem>>, vector<1x16xf32>,
      %swap3A_255 = vector.shape_cast %swap3A_254 : vector<1x16xf32> to vector<16xf32>
      %swap3A_256 = vector.shape_cast %get3A_251 : vector<16xf32> to vector<1x16xf32>
      tpu.vector_store %arg7[%swap3A_252, %swap3A_253], %swap3A_256 {strides = array<i32>} : memref<256x32xf32, #tpu.memory_space<vmem>>, vector<1x16xf32>,
      %scan3A_257 = arith.constant 1 : i32
      %scan3A_258 = arith.addi %scan3A_240, %scan3A_257 : i32
      %get3A_259 = arith.index_cast %scan3A_258 : i32 to index
      %get3A_260 = arith.constant 0 : index
      %get3A_261 = tpu.vector_load %arg5[%get3A_259, %get3A_260] {strides = array<i32>} : memref<256x128xf32, #tpu.memory_space<vmem>>, vector<1x16xf32>,
      %get3A_262 = vector.shape_cast %get3A_261 : vector<1x16xf32> to vector<16xf32>
      %swap3A_263 = arith.index_cast %scan3A_258 : i32 to index
      %swap3A_264 = arith.constant 0 : index
      %swap3A_265 = tpu.vector_load %arg7[%swap3A_263, %swap3A_264] {strides = array<i32>} : memref<256x32xf32, #tpu.memory_space<vmem>>, vector<1x16xf32>,
      %swap3A_266 = vector.shape_cast %swap3A_265 : vector<1x16xf32> to vector<16xf32>
      %swap3A_267 = vector.shape_cast %get3A_262 : vector<16xf32> to vector<1x16xf32>
      tpu.vector_store %arg7[%swap3A_263, %swap3A_264], %swap3A_267 {strides = array<i32>} : memref<256x32xf32, #tpu.memory_space<vmem>>, vector<1x16xf32>,
      %get3A_268 = arith.index_cast %scan3A_258 : i32 to index
      %get3A_269 = arith.constant 16 : index
      %get3A_270 = tpu.vector_load %arg5[%get3A_268, %get3A_269] {strides = array<i32>} : memref<256x128xf32, #tpu.memory_space<vmem>>, vector<1x16xf32>,
      %get3A_271 = vector.shape_cast %get3A_270 : vector<1x16xf32> to vector<16xf32>
      %swap3A_272 = arith.index_cast %scan3A_258 : i32 to index
      %swap3A_273 = arith.constant 16 : index
      %swap3A_274 = tpu.vector_load %arg7[%swap3A_272, %swap3A_273] {strides = array<i32>} : memref<256x32xf32, #tpu.memory_space<vmem>>, vector<1x16xf32>,
      %swap3A_275 = vector.shape_cast %swap3A_274 : vector<1x16xf32> to vector<16xf32>
      %swap3A_276 = vector.shape_cast %get3A_271 : vector<16xf32> to vector<1x16xf32>
      tpu.vector_store %arg7[%swap3A_272, %swap3A_273], %swap3A_276 {strides = array<i32>} : memref<256x32xf32, #tpu.memory_space<vmem>>, vector<1x16xf32>,
      %scan3A_277 = arith.constant 2 : i32
      %scan3A_278 = arith.addi %scan3A_240, %scan3A_277 : i32
      %get3A_279 = arith.index_cast %scan3A_278 : i32 to index
      %get3A_280 = arith.constant 0 : index
      %get3A_281 = tpu.vector_load %arg5[%get3A_279, %get3A_280] {strides = array<i32>} : memref<256x128xf32, #tpu.memory_space<vmem>>, vector<1x16xf32>,
      %get3A_282 = vector.shape_cast %get3A_281 : vector<1x16xf32> to vector<16xf32>
      %swap3A_283 = arith.index_cast %scan3A_278 : i32 to index
      %swap3A_284 = arith.constant 0 : index
      %swap3A_285 = tpu.vector_load %arg7[%swap3A_283, %swap3A_284] {strides = array<i32>} : memref<256x32xf32, #tpu.memory_space<vmem>>, vector<1x16xf32>,
      %swap3A_286 = vector.shape_cast %swap3A_285 : vector<1x16xf32> to vector<16xf32>
      %swap3A_287 = vector.shape_cast %get3A_282 : vector<16xf32> to vector<1x16xf32>
      tpu.vector_store %arg7[%swap3A_283, %swap3A_284], %swap3A_287 {strides = array<i32>} : memref<256x32xf32, #tpu.memory_space<vmem>>, vector<1x16xf32>,
      %get3A_288 = arith.index_cast %scan3A_278 : i32 to index
      %get3A_289 = arith.constant 16 : index
      %get3A_290 = tpu.vector_load %arg5[%get3A_288, %get3A_289] {strides = array<i32>} : memref<256x128xf32, #tpu.memory_space<vmem>>, vector<1x16xf32>,
      %get3A_291 = vector.shape_cast %get3A_290 : vector<1x16xf32> to vector<16xf32>
      %swap3A_292 = arith.index_cast %scan3A_278 : i32 to index
      %swap3A_293 = arith.constant 16 : index
      %swap3A_294 = tpu.vector_load %arg7[%swap3A_292, %swap3A_293] {strides = array<i32>} : memref<256x32xf32, #tpu.memory_space<vmem>>, vector<1x16xf32>,
      %swap3A_295 = vector.shape_cast %swap3A_294 : vector<1x16xf32> to vector<16xf32>
      %swap3A_296 = vector.shape_cast %get3A_291 : vector<16xf32> to vector<1x16xf32>
      tpu.vector_store %arg7[%swap3A_292, %swap3A_293], %swap3A_296 {strides = array<i32>} : memref<256x32xf32, #tpu.memory_space<vmem>>, vector<1x16xf32>,
      %scan3A_297 = arith.constant 3 : i32
      %scan3A_298 = arith.addi %scan3A_240, %scan3A_297 : i32
      %get3A_299 = arith.index_cast %scan3A_298 : i32 to index
      %get3A_300 = arith.constant 0 : index
      %get3A_301 = tpu.vector_load %arg5[%get3A_299, %get3A_300] {strides = array<i32>} : memref<256x128xf32, #tpu.memory_space<vmem>>, vector<1x16xf32>,
      %get3A_302 = vector.shape_cast %get3A_301 : vector<1x16xf32> to vector<16xf32>
      %swap3A_303 = arith.index_cast %scan3A_298 : i32 to index
      %swap3A_304 = arith.constant 0 : index
      %swap3A_305 = tpu.vector_load %arg7[%swap3A_303, %swap3A_304] {strides = array<i32>} : memref<256x32xf32, #tpu.memory_space<vmem>>, vector<1x16xf32>,
      %swap3A_306 = vector.shape_cast %swap3A_305 : vector<1x16xf32> to vector<16xf32>
      %swap3A_307 = vector.shape_cast %get3A_302 : vector<16xf32> to vector<1x16xf32>
      tpu.vector_store %arg7[%swap3A_303, %swap3A_304], %swap3A_307 {strides = array<i32>} : memref<256x32xf32, #tpu.memory_space<vmem>>, vector<1x16xf32>,
      %get3A_308 = arith.index_cast %scan3A_298 : i32 to index
      %get3A_309 = arith.constant 16 : index
      %get3A_310 = tpu.vector_load %arg5[%get3A_308, %get3A_309] {strides = array<i32>} : memref<256x128xf32, #tpu.memory_space<vmem>>, vector<1x16xf32>,
      %get3A_311 = vector.shape_cast %get3A_310 : vector<1x16xf32> to vector<16xf32>
      %swap3A_312 = arith.index_cast %scan3A_298 : i32 to index
      %swap3A_313 = arith.constant 16 : index
      %swap3A_314 = tpu.vector_load %arg7[%swap3A_312, %swap3A_313] {strides = array<i32>} : memref<256x32xf32, #tpu.memory_space<vmem>>, vector<1x16xf32>,
      %swap3A_315 = vector.shape_cast %swap3A_314 : vector<1x16xf32> to vector<16xf32>
      %swap3A_316 = vector.shape_cast %get3A_311 : vector<16xf32> to vector<1x16xf32>
      tpu.vector_store %arg7[%swap3A_312, %swap3A_313], %swap3A_316 {strides = array<i32>} : memref<256x32xf32, #tpu.memory_space<vmem>>, vector<1x16xf32>,
      %scan3A_317 = arith.constant 4 : i32
      %scan3A_318 = arith.addi %scan3A_240, %scan3A_317 : i32
      %get3A_319 = arith.index_cast %scan3A_318 : i32 to index
      %get3A_320 = arith.constant 0 : index
      %get3A_321 = tpu.vector_load %arg5[%get3A_319, %get3A_320] {strides = array<i32>} : memref<256x128xf32, #tpu.memory_space<vmem>>, vector<1x16xf32>,
      %get3A_322 = vector.shape_cast %get3A_321 : vector<1x16xf32> to vector<16xf32>
      %swap3A_323 = arith.index_cast %scan3A_318 : i32 to index
      %swap3A_324 = arith.constant 0 : index
      %swap3A_325 = tpu.vector_load %arg7[%swap3A_323, %swap3A_324] {strides = array<i32>} : memref<256x32xf32, #tpu.memory_space<vmem>>, vector<1x16xf32>,
      %swap3A_326 = vector.shape_cast %swap3A_325 : vector<1x16xf32> to vector<16xf32>
      %swap3A_327 = vector.shape_cast %get3A_322 : vector<16xf32> to vector<1x16xf32>
      tpu.vector_store %arg7[%swap3A_323, %swap3A_324], %swap3A_327 {strides = array<i32>} : memref<256x32xf32, #tpu.memory_space<vmem>>, vector<1x16xf32>,
      %get3A_328 = arith.index_cast %scan3A_318 : i32 to index
      %get3A_329 = arith.constant 16 : index
      %get3A_330 = tpu.vector_load %arg5[%get3A_328, %get3A_329] {strides = array<i32>} : memref<256x128xf32, #tpu.memory_space<vmem>>, vector<1x16xf32>,
      %get3A_331 = vector.shape_cast %get3A_330 : vector<1x16xf32> to vector<16xf32>
      %swap3A_332 = arith.index_cast %scan3A_318 : i32 to index
      %swap3A_333 = arith.constant 16 : index
      %swap3A_334 = tpu.vector_load %arg7[%swap3A_332, %swap3A_333] {strides = array<i32>} : memref<256x32xf32, #tpu.memory_space<vmem>>, vector<1x16xf32>,
      %swap3A_335 = vector.shape_cast %swap3A_334 : vector<1x16xf32> to vector<16xf32>
      %swap3A_336 = vector.shape_cast %get3A_331 : vector<16xf32> to vector<1x16xf32>
      tpu.vector_store %arg7[%swap3A_332, %swap3A_333], %swap3A_336 {strides = array<i32>} : memref<256x32xf32, #tpu.memory_space<vmem>>, vector<1x16xf32>,
      %scan3A_337 = arith.constant 5 : i32
      %scan3A_338 = arith.addi %scan3A_240, %scan3A_337 : i32
      %get3A_339 = arith.index_cast %scan3A_338 : i32 to index
      %get3A_340 = arith.constant 0 : index
      %get3A_341 = tpu.vector_load %arg5[%get3A_339, %get3A_340] {strides = array<i32>} : memref<256x128xf32, #tpu.memory_space<vmem>>, vector<1x16xf32>,
      %get3A_342 = vector.shape_cast %get3A_341 : vector<1x16xf32> to vector<16xf32>
      %swap3A_343 = arith.index_cast %scan3A_338 : i32 to index
      %swap3A_344 = arith.constant 0 : index
      %swap3A_345 = tpu.vector_load %arg7[%swap3A_343, %swap3A_344] {strides = array<i32>} : memref<256x32xf32, #tpu.memory_space<vmem>>, vector<1x16xf32>,
      %swap3A_346 = vector.shape_cast %swap3A_345 : vector<1x16xf32> to vector<16xf32>
      %swap3A_347 = vector.shape_cast %get3A_342 : vector<16xf32> to vector<1x16xf32>
      tpu.vector_store %arg7[%swap3A_343, %swap3A_344], %swap3A_347 {strides = array<i32>} : memref<256x32xf32, #tpu.memory_space<vmem>>, vector<1x16xf32>,
      %get3A_348 = arith.index_cast %scan3A_338 : i32 to index
      %get3A_349 = arith.constant 16 : index
      %get3A_350 = tpu.vector_load %arg5[%get3A_348, %get3A_349] {strides = array<i32>} : memref<256x128xf32, #tpu.memory_space<vmem>>, vector<1x16xf32>,
      %get3A_351 = vector.shape_cast %get3A_350 : vector<1x16xf32> to vector<16xf32>
      %swap3A_352 = arith.index_cast %scan3A_338 : i32 to index
      %swap3A_353 = arith.constant 16 : index
      %swap3A_354 = tpu.vector_load %arg7[%swap3A_352, %swap3A_353] {strides = array<i32>} : memref<256x32xf32, #tpu.memory_space<vmem>>, vector<1x16xf32>,
      %swap3A_355 = vector.shape_cast %swap3A_354 : vector<1x16xf32> to vector<16xf32>
      %swap3A_356 = vector.shape_cast %get3A_351 : vector<16xf32> to vector<1x16xf32>
      tpu.vector_store %arg7[%swap3A_352, %swap3A_353], %swap3A_356 {strides = array<i32>} : memref<256x32xf32, #tpu.memory_space<vmem>>, vector<1x16xf32>,
      %scan3A_357 = arith.constant 6 : i32
      %scan3A_358 = arith.addi %scan3A_240, %scan3A_357 : i32
      %get3A_359 = arith.index_cast %scan3A_358 : i32 to index
      %get3A_360 = arith.constant 0 : index
      %get3A_361 = tpu.vector_load %arg5[%get3A_359, %get3A_360] {strides = array<i32>} : memref<256x128xf32, #tpu.memory_space<vmem>>, vector<1x16xf32>,
      %get3A_362 = vector.shape_cast %get3A_361 : vector<1x16xf32> to vector<16xf32>
      %swap3A_363 = arith.index_cast %scan3A_358 : i32 to index
      %swap3A_364 = arith.constant 0 : index
      %swap3A_365 = tpu.vector_load %arg7[%swap3A_363, %swap3A_364] {strides = array<i32>} : memref<256x32xf32, #tpu.memory_space<vmem>>, vector<1x16xf32>,
      %swap3A_366 = vector.shape_cast %swap3A_365 : vector<1x16xf32> to vector<16xf32>
      %swap3A_367 = vector.shape_cast %get3A_362 : vector<16xf32> to vector<1x16xf32>
      tpu.vector_store %arg7[%swap3A_363, %swap3A_364], %swap3A_367 {strides = array<i32>} : memref<256x32xf32, #tpu.memory_space<vmem>>, vector<1x16xf32>,
      %get3A_368 = arith.index_cast %scan3A_358 : i32 to index
      %get3A_369 = arith.constant 16 : index
      %get3A_370 = tpu.vector_load %arg5[%get3A_368, %get3A_369] {strides = array<i32>} : memref<256x128xf32, #tpu.memory_space<vmem>>, vector<1x16xf32>,
      %get3A_371 = vector.shape_cast %get3A_370 : vector<1x16xf32> to vector<16xf32>
      %swap3A_372 = arith.index_cast %scan3A_358 : i32 to index
      %swap3A_373 = arith.constant 16 : index
      %swap3A_374 = tpu.vector_load %arg7[%swap3A_372, %swap3A_373] {strides = array<i32>} : memref<256x32xf32, #tpu.memory_space<vmem>>, vector<1x16xf32>,
      %swap3A_375 = vector.shape_cast %swap3A_374 : vector<1x16xf32> to vector<16xf32>
      %swap3A_376 = vector.shape_cast %get3A_371 : vector<16xf32> to vector<1x16xf32>
      tpu.vector_store %arg7[%swap3A_372, %swap3A_373], %swap3A_376 {strides = array<i32>} : memref<256x32xf32, #tpu.memory_space<vmem>>, vector<1x16xf32>,
      %scan3A_377 = arith.constant 7 : i32
      %scan3A_378 = arith.addi %scan3A_240, %scan3A_377 : i32
      %get3A_379 = arith.index_cast %scan3A_378 : i32 to index
      %get3A_380 = arith.constant 0 : index
      %get3A_381 = tpu.vector_load %arg5[%get3A_379, %get3A_380] {strides = array<i32>} : memref<256x128xf32, #tpu.memory_space<vmem>>, vector<1x16xf32>,
      %get3A_382 = vector.shape_cast %get3A_381 : vector<1x16xf32> to vector<16xf32>
      %swap3A_383 = arith.index_cast %scan3A_378 : i32 to index
      %swap3A_384 = arith.constant 0 : index
      %swap3A_385 = tpu.vector_load %arg7[%swap3A_383, %swap3A_384] {strides = array<i32>} : memref<256x32xf32, #tpu.memory_space<vmem>>, vector<1x16xf32>,
      %swap3A_386 = vector.shape_cast %swap3A_385 : vector<1x16xf32> to vector<16xf32>
      %swap3A_387 = vector.shape_cast %get3A_382 : vector<16xf32> to vector<1x16xf32>
      tpu.vector_store %arg7[%swap3A_383, %swap3A_384], %swap3A_387 {strides = array<i32>} : memref<256x32xf32, #tpu.memory_space<vmem>>, vector<1x16xf32>,
      %get3A_388 = arith.index_cast %scan3A_378 : i32 to index
      %get3A_389 = arith.constant 16 : index
      %get3A_390 = tpu.vector_load %arg5[%get3A_388, %get3A_389] {strides = array<i32>} : memref<256x128xf32, #tpu.memory_space<vmem>>, vector<1x16xf32>,
      %get3A_391 = vector.shape_cast %get3A_390 : vector<1x16xf32> to vector<16xf32>
      %swap3A_392 = arith.index_cast %scan3A_378 : i32 to index
      %swap3A_393 = arith.constant 16 : index
      %swap3A_394 = tpu.vector_load %arg7[%swap3A_392, %swap3A_393] {strides = array<i32>} : memref<256x32xf32, #tpu.memory_space<vmem>>, vector<1x16xf32>,
      %swap3A_395 = vector.shape_cast %swap3A_394 : vector<1x16xf32> to vector<16xf32>
      %swap3A_396 = vector.shape_cast %get3A_391 : vector<16xf32> to vector<1x16xf32>
      tpu.vector_store %arg7[%swap3A_392, %swap3A_393], %swap3A_396 {strides = array<i32>} : memref<256x32xf32, #tpu.memory_space<vmem>>, vector<1x16xf32>,
    }
    %scan3A_23 = arith.constant 256 : i32
    %add3A_24 = arith.constant 0 : i32
    %add3A_25 = arith.addi %mul3A_2, %add3A_24 : i32
    %dma_start3A_26 = arith.constant 0 : i32
    %dma_start3A_27 = tpu.memref_slice %arg3[%add3A_25, %dma_start3A_26] : memref<32768x32xf32, #tpu.memory_space<hbm>> -> memref<256x32xf32, #tpu.memory_space<hbm>>
    %dma_start3A_28 = arith.constant 0 : i32
    %dma_start3A_29 = tpu.memref_slice %arg3[%add3A_25, %dma_start3A_28] : memref<32768x32xf32, #tpu.memory_space<hbm>> -> memref<256x32xf32, #tpu.memory_space<hbm>>
    tpu.enqueue_dma source(%arg7 : memref<256x32xf32, #tpu.memory_space<vmem>>) target(%dma_start3A_29 : memref<256x32xf32, #tpu.memory_space<hbm>>) target_semaphore(%arg11 : memref<!tpu.dma_semaphore, #tpu.memory_space<semaphore_mem>>)
    %add3A_30 = arith.constant 512 : i32
    %add3A_31 = arith.addi %mul3A_2, %add3A_30 : i32
    %dma_start3A_32 = arith.constant 0 : i32
    %dma_start3A_33 = tpu.memref_slice %arg2[%add3A_31, %dma_start3A_32] : memref<32768x1024xf32, #tpu.memory_space<hbm>> -> memref<256x128xf32, #tpu.memory_space<hbm>>
    %dma_start3A_34 = arith.constant 0 : i32
    %dma_start3A_35 = tpu.memref_slice %arg2[%add3A_31, %dma_start3A_34] : memref<32768x1024xf32, #tpu.memory_space<hbm>> -> memref<256x128xf32, #tpu.memory_space<hbm>>
    tpu.enqueue_dma source(%dma_start3A_35 : memref<256x128xf32, #tpu.memory_space<hbm>>) target(%arg5 : memref<256x128xf32, #tpu.memory_space<vmem>>) target_semaphore(%arg9 : memref<!tpu.dma_semaphore, #tpu.memory_space<semaphore_mem>>)
    %add3A_36 = arith.constant 256 : i32
    %add3A_37 = arith.addi %mul3A_2, %add3A_36 : i32
    %dma_wait3A_38 = arith.constant 0 : i32
    %dma_wait3A_39 = tpu.memref_slice %arg2[%add3A_37, %dma_wait3A_38] : memref<32768x1024xf32, #tpu.memory_space<hbm>> -> memref<256x128xf32, #tpu.memory_space<hbm>>
    %dma_wait3A_40 = arith.constant 0 : i32
    %dma_wait3A_41 = tpu.memref_slice %arg2[%add3A_37, %dma_wait3A_40] : memref<32768x1024xf32, #tpu.memory_space<hbm>> -> memref<256x128xf32, #tpu.memory_space<hbm>>
    tpu.wait_dma2 semaphore(%arg10 : memref<!tpu.dma_semaphore, #tpu.memory_space<semaphore_mem>>) src(%dma_wait3A_41 : memref<256x128xf32, #tpu.memory_space<hbm>>) dst(%arg6 : memref<256x128xf32, #tpu.memory_space<vmem>>)
    %scan3A_42 = arith.constant 0 : i32
    %scan3A_43 = arith.constant 0 : i32
    %scan3A_44 = arith.constant 256 : i32
    %scan3A_45 = arith.addi %scan3A_43, %scan3A_44 : i32
    %scan3A_46 = arith.constant 8 : i32
    scf.for %scan3A_240 = %scan3A_43 to %scan3A_45 step %scan3A_46  : i32 {
      %get3A = arith.index_cast %scan3A_240 : i32 to index
      %get3A_241 = arith.constant 0 : index
      %get3A_242 = tpu.vector_load %arg6[%get3A, %get3A_241] {strides = array<i32>} : memref<256x128xf32, #tpu.memory_space<vmem>>, vector<1x16xf32>,
      %get3A_243 = vector.shape_cast %get3A_242 : vector<1x16xf32> to vector<16xf32>
      %swap3A = arith.index_cast %scan3A_240 : i32 to index
      %swap3A_244 = arith.constant 0 : index
      %swap3A_245 = tpu.vector_load %arg8[%swap3A, %swap3A_244] {strides = array<i32>} : memref<256x32xf32, #tpu.memory_space<vmem>>, vector<1x16xf32>,
      %swap3A_246 = vector.shape_cast %swap3A_245 : vector<1x16xf32> to vector<16xf32>
      %swap3A_247 = vector.shape_cast %get3A_243 : vector<16xf32> to vector<1x16xf32>
      tpu.vector_store %arg8[%swap3A, %swap3A_244], %swap3A_247 {strides = array<i32>} : memref<256x32xf32, #tpu.memory_space<vmem>>, vector<1x16xf32>,
      %get3A_248 = arith.index_cast %scan3A_240 : i32 to index
      %get3A_249 = arith.constant 16 : index
      %get3A_250 = tpu.vector_load %arg6[%get3A_248, %get3A_249] {strides = array<i32>} : memref<256x128xf32, #tpu.memory_space<vmem>>, vector<1x16xf32>,
      %get3A_251 = vector.shape_cast %get3A_250 : vector<1x16xf32> to vector<16xf32>
      %swap3A_252 = arith.index_cast %scan3A_240 : i32 to index
      %swap3A_253 = arith.constant 16 : index
      %swap3A_254 = tpu.vector_load %arg8[%swap3A_252, %swap3A_253] {strides = array<i32>} : memref<256x32xf32, #tpu.memory_space<vmem>>, vector<1x16xf32>,
      %swap3A_255 = vector.shape_cast %swap3A_254 : vector<1x16xf32> to vector<16xf32>
      %swap3A_256 = vector.shape_cast %get3A_251 : vector<16xf32> to vector<1x16xf32>
      tpu.vector_store %arg8[%swap3A_252, %swap3A_253], %swap3A_256 {strides = array<i32>} : memref<256x32xf32, #tpu.memory_space<vmem>>, vector<1x16xf32>,
      %scan3A_257 = arith.constant 1 : i32
      %scan3A_258 = arith.addi %scan3A_240, %scan3A_257 : i32
      %get3A_259 = arith.index_cast %scan3A_258 : i32 to index
      %get3A_260 = arith.constant 0 : index
      %get3A_261 = tpu.vector_load %arg6[%get3A_259, %get3A_260] {strides = array<i32>} : memref<256x128xf32, #tpu.memory_space<vmem>>, vector<1x16xf32>,
      %get3A_262 = vector.shape_cast %get3A_261 : vector<1x16xf32> to vector<16xf32>
      %swap3A_263 = arith.index_cast %scan3A_258 : i32 to index
      %swap3A_264 = arith.constant 0 : index
      %swap3A_265 = tpu.vector_load %arg8[%swap3A_263, %swap3A_264] {strides = array<i32>} : memref<256x32xf32, #tpu.memory_space<vmem>>, vector<1x16xf32>,
      %swap3A_266 = vector.shape_cast %swap3A_265 : vector<1x16xf32> to vector<16xf32>
      %swap3A_267 = vector.shape_cast %get3A_262 : vector<16xf32> to vector<1x16xf32>
      tpu.vector_store %arg8[%swap3A_263, %swap3A_264], %swap3A_267 {strides = array<i32>} : memref<256x32xf32, #tpu.memory_space<vmem>>, vector<1x16xf32>,
      %get3A_268 = arith.index_cast %scan3A_258 : i32 to index
      %get3A_269 = arith.constant 16 : index
      %get3A_270 = tpu.vector_load %arg6[%get3A_268, %get3A_269] {strides = array<i32>} : memref<256x128xf32, #tpu.memory_space<vmem>>, vector<1x16xf32>,
      %get3A_271 = vector.shape_cast %get3A_270 : vector<1x16xf32> to vector<16xf32>
      %swap3A_272 = arith.index_cast %scan3A_258 : i32 to index
      %swap3A_273 = arith.constant 16 : index
      %swap3A_274 = tpu.vector_load %arg8[%swap3A_272, %swap3A_273] {strides = array<i32>} : memref<256x32xf32, #tpu.memory_space<vmem>>, vector<1x16xf32>,
      %swap3A_275 = vector.shape_cast %swap3A_274 : vector<1x16xf32> to vector<16xf32>
      %swap3A_276 = vector.shape_cast %get3A_271 : vector<16xf32> to vector<1x16xf32>
      tpu.vector_store %arg8[%swap3A_272, %swap3A_273], %swap3A_276 {strides = array<i32>} : memref<256x32xf32, #tpu.memory_space<vmem>>, vector<1x16xf32>,
      %scan3A_277 = arith.constant 2 : i32
      %scan3A_278 = arith.addi %scan3A_240, %scan3A_277 : i32
      %get3A_279 = arith.index_cast %scan3A_278 : i32 to index
      %get3A_280 = arith.constant 0 : index
      %get3A_281 = tpu.vector_load %arg6[%get3A_279, %get3A_280] {strides = array<i32>} : memref<256x128xf32, #tpu.memory_space<vmem>>, vector<1x16xf32>,
      %get3A_282 = vector.shape_cast %get3A_281 : vector<1x16xf32> to vector<16xf32>
      %swap3A_283 = arith.index_cast %scan3A_278 : i32 to index
      %swap3A_284 = arith.constant 0 : index
      %swap3A_285 = tpu.vector_load %arg8[%swap3A_283, %swap3A_284] {strides = array<i32>} : memref<256x32xf32, #tpu.memory_space<vmem>>, vector<1x16xf32>,
      %swap3A_286 = vector.shape_cast %swap3A_285 : vector<1x16xf32> to vector<16xf32>
      %swap3A_287 = vector.shape_cast %get3A_282 : vector<16xf32> to vector<1x16xf32>
      tpu.vector_store %arg8[%swap3A_283, %swap3A_284], %swap3A_287 {strides = array<i32>} : memref<256x32xf32, #tpu.memory_space<vmem>>, vector<1x16xf32>,
      %get3A_288 = arith.index_cast %scan3A_278 : i32 to index
      %get3A_289 = arith.constant 16 : index
      %get3A_290 = tpu.vector_load %arg6[%get3A_288, %get3A_289] {strides = array<i32>} : memref<256x128xf32, #tpu.memory_space<vmem>>, vector<1x16xf32>,
      %get3A_291 = vector.shape_cast %get3A_290 : vector<1x16xf32> to vector<16xf32>
      %swap3A_292 = arith.index_cast %scan3A_278 : i32 to index
      %swap3A_293 = arith.constant 16 : index
      %swap3A_294 = tpu.vector_load %arg8[%swap3A_292, %swap3A_293] {strides = array<i32>} : memref<256x32xf32, #tpu.memory_space<vmem>>, vector<1x16xf32>,
      %swap3A_295 = vector.shape_cast %swap3A_294 : vector<1x16xf32> to vector<16xf32>
      %swap3A_296 = vector.shape_cast %get3A_291 : vector<16xf32> to vector<1x16xf32>
      tpu.vector_store %arg8[%swap3A_292, %swap3A_293], %swap3A_296 {strides = array<i32>} : memref<256x32xf32, #tpu.memory_space<vmem>>, vector<1x16xf32>,
      %scan3A_297 = arith.constant 3 : i32
      %scan3A_298 = arith.addi %scan3A_240, %scan3A_297 : i32
      %get3A_299 = arith.index_cast %scan3A_298 : i32 to index
      %get3A_300 = arith.constant 0 : index
      %get3A_301 = tpu.vector_load %arg6[%get3A_299, %get3A_300] {strides = array<i32>} : memref<256x128xf32, #tpu.memory_space<vmem>>, vector<1x16xf32>,
      %get3A_302 = vector.shape_cast %get3A_301 : vector<1x16xf32> to vector<16xf32>
      %swap3A_303 = arith.index_cast %scan3A_298 : i32 to index
      %swap3A_304 = arith.constant 0 : index
      %swap3A_305 = tpu.vector_load %arg8[%swap3A_303, %swap3A_304] {strides = array<i32>} : memref<256x32xf32, #tpu.memory_space<vmem>>, vector<1x16xf32>,
      %swap3A_306 = vector.shape_cast %swap3A_305 : vector<1x16xf32> to vector<16xf32>
      %swap3A_307 = vector.shape_cast %get3A_302 : vector<16xf32> to vector<1x16xf32>
      tpu.vector_store %arg8[%swap3A_303, %swap3A_304], %swap3A_307 {strides = array<i32>} : memref<256x32xf32, #tpu.memory_space<vmem>>, vector<1x16xf32>,
      %get3A_308 = arith.index_cast %scan3A_298 : i32 to index
      %get3A_309 = arith.constant 16 : index
      %get3A_310 = tpu.vector_load %arg6[%get3A_308, %get3A_309] {strides = array<i32>} : memref<256x128xf32, #tpu.memory_space<vmem>>, vector<1x16xf32>,
      %get3A_311 = vector.shape_cast %get3A_310 : vector<1x16xf32> to vector<16xf32>
      %swap3A_312 = arith.index_cast %scan3A_298 : i32 to index
      %swap3A_313 = arith.constant 16 : index
      %swap3A_314 = tpu.vector_load %arg8[%swap3A_312, %swap3A_313] {strides = array<i32>} : memref<256x32xf32, #tpu.memory_space<vmem>>, vector<1x16xf32>,
      %swap3A_315 = vector.shape_cast %swap3A_314 : vector<1x16xf32> to vector<16xf32>
      %swap3A_316 = vector.shape_cast %get3A_311 : vector<16xf32> to vector<1x16xf32>
      tpu.vector_store %arg8[%swap3A_312, %swap3A_313], %swap3A_316 {strides = array<i32>} : memref<256x32xf32, #tpu.memory_space<vmem>>, vector<1x16xf32>,
      %scan3A_317 = arith.constant 4 : i32
      %scan3A_318 = arith.addi %scan3A_240, %scan3A_317 : i32
      %get3A_319 = arith.index_cast %scan3A_318 : i32 to index
      %get3A_320 = arith.constant 0 : index
      %get3A_321 = tpu.vector_load %arg6[%get3A_319, %get3A_320] {strides = array<i32>} : memref<256x128xf32, #tpu.memory_space<vmem>>, vector<1x16xf32>,
      %get3A_322 = vector.shape_cast %get3A_321 : vector<1x16xf32> to vector<16xf32>
      %swap3A_323 = arith.index_cast %scan3A_318 : i32 to index
      %swap3A_324 = arith.constant 0 : index
      %swap3A_325 = tpu.vector_load %arg8[%swap3A_323, %swap3A_324] {strides = array<i32>} : memref<256x32xf32, #tpu.memory_space<vmem>>, vector<1x16xf32>,
      %swap3A_326 = vector.shape_cast %swap3A_325 : vector<1x16xf32> to vector<16xf32>
      %swap3A_327 = vector.shape_cast %get3A_322 : vector<16xf32> to vector<1x16xf32>
      tpu.vector_store %arg8[%swap3A_323, %swap3A_324], %swap3A_327 {strides = array<i32>} : memref<256x32xf32, #tpu.memory_space<vmem>>, vector<1x16xf32>,
      %get3A_328 = arith.index_cast %scan3A_318 : i32 to index
      %get3A_329 = arith.constant 16 : index
      %get3A_330 = tpu.vector_load %arg6[%get3A_328, %get3A_329] {strides = array<i32>} : memref<256x128xf32, #tpu.memory_space<vmem>>, vector<1x16xf32>,
      %get3A_331 = vector.shape_cast %get3A_330 : vector<1x16xf32> to vector<16xf32>
      %swap3A_332 = arith.index_cast %scan3A_318 : i32 to index
      %swap3A_333 = arith.constant 16 : index
      %swap3A_334 = tpu.vector_load %arg8[%swap3A_332, %swap3A_333] {strides = array<i32>} : memref<256x32xf32, #tpu.memory_space<vmem>>, vector<1x16xf32>,
      %swap3A_335 = vector.shape_cast %swap3A_334 : vector<1x16xf32> to vector<16xf32>
      %swap3A_336 = vector.shape_cast %get3A_331 : vector<16xf32> to vector<1x16xf32>
      tpu.vector_store %arg8[%swap3A_332, %swap3A_333], %swap3A_336 {strides = array<i32>} : memref<256x32xf32, #tpu.memory_space<vmem>>, vector<1x16xf32>,
      %scan3A_337 = arith.constant 5 : i32
      %scan3A_338 = arith.addi %scan3A_240, %scan3A_337 : i32
      %get3A_339 = arith.index_cast %scan3A_338 : i32 to index
      %get3A_340 = arith.constant 0 : index
      %get3A_341 = tpu.vector_load %arg6[%get3A_339, %get3A_340] {strides = array<i32>} : memref<256x128xf32, #tpu.memory_space<vmem>>, vector<1x16xf32>,
      %get3A_342 = vector.shape_cast %get3A_341 : vector<1x16xf32> to vector<16xf32>
      %swap3A_343 = arith.index_cast %scan3A_338 : i32 to index
      %swap3A_344 = arith.constant 0 : index
      %swap3A_345 = tpu.vector_load %arg8[%swap3A_343, %swap3A_344] {strides = array<i32>} : memref<256x32xf32, #tpu.memory_space<vmem>>, vector<1x16xf32>,
      %swap3A_346 = vector.shape_cast %swap3A_345 : vector<1x16xf32> to vector<16xf32>
      %swap3A_347 = vector.shape_cast %get3A_342 : vector<16xf32> to vector<1x16xf32>
      tpu.vector_store %arg8[%swap3A_343, %swap3A_344], %swap3A_347 {strides = array<i32>} : memref<256x32xf32, #tpu.memory_space<vmem>>, vector<1x16xf32>,
      %get3A_348 = arith.index_cast %scan3A_338 : i32 to index
      %get3A_349 = arith.constant 16 : index
      %get3A_350 = tpu.vector_load %arg6[%get3A_348, %get3A_349] {strides = array<i32>} : memref<256x128xf32, #tpu.memory_space<vmem>>, vector<1x16xf32>,
      %get3A_351 = vector.shape_cast %get3A_350 : vector<1x16xf32> to vector<16xf32>
      %swap3A_352 = arith.index_cast %scan3A_338 : i32 to index
      %swap3A_353 = arith.constant 16 : index
      %swap3A_354 = tpu.vector_load %arg8[%swap3A_352, %swap3A_353] {strides = array<i32>} : memref<256x32xf32, #tpu.memory_space<vmem>>, vector<1x16xf32>,
      %swap3A_355 = vector.shape_cast %swap3A_354 : vector<1x16xf32> to vector<16xf32>
      %swap3A_356 = vector.shape_cast %get3A_351 : vector<16xf32> to vector<1x16xf32>
      tpu.vector_store %arg8[%swap3A_352, %swap3A_353], %swap3A_356 {strides = array<i32>} : memref<256x32xf32, #tpu.memory_space<vmem>>, vector<1x16xf32>,
      %scan3A_357 = arith.constant 6 : i32
      %scan3A_358 = arith.addi %scan3A_240, %scan3A_357 : i32
      %get3A_359 = arith.index_cast %scan3A_358 : i32 to index
      %get3A_360 = arith.constant 0 : index
      %get3A_361 = tpu.vector_load %arg6[%get3A_359, %get3A_360] {strides = array<i32>} : memref<256x128xf32, #tpu.memory_space<vmem>>, vector<1x16xf32>,
      %get3A_362 = vector.shape_cast %get3A_361 : vector<1x16xf32> to vector<16xf32>
      %swap3A_363 = arith.index_cast %scan3A_358 : i32 to index
      %swap3A_364 = arith.constant 0 : index
      %swap3A_365 = tpu.vector_load %arg8[%swap3A_363, %swap3A_364] {strides = array<i32>} : memref<256x32xf32, #tpu.memory_space<vmem>>, vector<1x16xf32>,
      %swap3A_366 = vector.shape_cast %swap3A_365 : vector<1x16xf32> to vector<16xf32>
      %swap3A_367 = vector.shape_cast %get3A_362 : vector<16xf32> to vector<1x16xf32>
      tpu.vector_store %arg8[%swap3A_363, %swap3A_364], %swap3A_367 {strides = array<i32>} : memref<256x32xf32, #tpu.memory_space<vmem>>, vector<1x16xf32>,
      %get3A_368 = arith.index_cast %scan3A_358 : i32 to index
      %get3A_369 = arith.constant 16 : index
      %get3A_370 = tpu.vector_load %arg6[%get3A_368, %get3A_369] {strides = array<i32>} : memref<256x128xf32, #tpu.memory_space<vmem>>, vector<1x16xf32>,
      %get3A_371 = vector.shape_cast %get3A_370 : vector<1x16xf32> to vector<16xf32>
      %swap3A_372 = arith.index_cast %scan3A_358 : i32 to index
      %swap3A_373 = arith.constant 16 : index
      %swap3A_374 = tpu.vector_load %arg8[%swap3A_372, %swap3A_373] {strides = array<i32>} : memref<256x32xf32, #tpu.memory_space<vmem>>, vector<1x16xf32>,
      %swap3A_375 = vector.shape_cast %swap3A_374 : vector<1x16xf32> to vector<16xf32>
      %swap3A_376 = vector.shape_cast %get3A_371 : vector<16xf32> to vector<1x16xf32>
      tpu.vector_store %arg8[%swap3A_372, %swap3A_373], %swap3A_376 {strides = array<i32>} : memref<256x32xf32, #tpu.memory_space<vmem>>, vector<1x16xf32>,
      %scan3A_377 = arith.constant 7 : i32
      %scan3A_378 = arith.addi %scan3A_240, %scan3A_377 : i32
      %get3A_379 = arith.index_cast %scan3A_378 : i32 to index
      %get3A_380 = arith.constant 0 : index
      %get3A_381 = tpu.vector_load %arg6[%get3A_379, %get3A_380] {strides = array<i32>} : memref<256x128xf32, #tpu.memory_space<vmem>>, vector<1x16xf32>,
      %get3A_382 = vector.shape_cast %get3A_381 : vector<1x16xf32> to vector<16xf32>
      %swap3A_383 = arith.index_cast %scan3A_378 : i32 to index
      %swap3A_384 = arith.constant 0 : index
      %swap3A_385 = tpu.vector_load %arg8[%swap3A_383, %swap3A_384] {strides = array<i32>} : memref<256x32xf32, #tpu.memory_space<vmem>>, vector<1x16xf32>,
      %swap3A_386 = vector.shape_cast %swap3A_385 : vector<1x16xf32> to vector<16xf32>
      %swap3A_387 = vector.shape_cast %get3A_382 : vector<16xf32> to vector<1x16xf32>
      tpu.vector_store %arg8[%swap3A_383, %swap3A_384], %swap3A_387 {strides = array<i32>} : memref<256x32xf32, #tpu.memory_space<vmem>>, vector<1x16xf32>,
      %get3A_388 = arith.index_cast %scan3A_378 : i32 to index
      %get3A_389 = arith.constant 16 : index
      %get3A_390 = tpu.vector_load %arg6[%get3A_388, %get3A_389] {strides = array<i32>} : memref<256x128xf32, #tpu.memory_space<vmem>>, vector<1x16xf32>,
      %get3A_391 = vector.shape_cast %get3A_390 : vector<1x16xf32> to vector<16xf32>
      %swap3A_392 = arith.index_cast %scan3A_378 : i32 to index
      %swap3A_393 = arith.constant 16 : index
      %swap3A_394 = tpu.vector_load %arg8[%swap3A_392, %swap3A_393] {strides = array<i32>} : memref<256x32xf32, #tpu.memory_space<vmem>>, vector<1x16xf32>,
      %swap3A_395 = vector.shape_cast %swap3A_394 : vector<1x16xf32> to vector<16xf32>
      %swap3A_396 = vector.shape_cast %get3A_391 : vector<16xf32> to vector<1x16xf32>
      tpu.vector_store %arg8[%swap3A_392, %swap3A_393], %swap3A_396 {strides = array<i32>} : memref<256x32xf32, #tpu.memory_space<vmem>>, vector<1x16xf32>,
    }
    %scan3A_47 = arith.constant 256 : i32
    %add3A_48 = arith.constant 256 : i32
    %add3A_49 = arith.addi %mul3A_2, %add3A_48 : i32
    %dma_start3A_50 = arith.constant 0 : i32
    %dma_start3A_51 = tpu.memref_slice %arg3[%add3A_49, %dma_start3A_50] : memref<32768x32xf32, #tpu.memory_space<hbm>> -> memref<256x32xf32, #tpu.memory_space<hbm>>
    %dma_start3A_52 = arith.constant 0 : i32
    %dma_start3A_53 = tpu.memref_slice %arg3[%add3A_49, %dma_start3A_52] : memref<32768x32xf32, #tpu.memory_space<hbm>> -> memref<256x32xf32, #tpu.memory_space<hbm>>
    tpu.enqueue_dma source(%arg8 : memref<256x32xf32, #tpu.memory_space<vmem>>) target(%dma_start3A_53 : memref<256x32xf32, #tpu.memory_space<hbm>>) target_semaphore(%arg12 : memref<!tpu.dma_semaphore, #tpu.memory_space<semaphore_mem>>)
    %add3A_54 = arith.constant 768 : i32
    %add3A_55 = arith.addi %mul3A_2, %add3A_54 : i32
    %dma_start3A_56 = arith.constant 0 : i32
    %dma_start3A_57 = tpu.memref_slice %arg2[%add3A_55, %dma_start3A_56] : memref<32768x1024xf32, #tpu.memory_space<hbm>> -> memref<256x128xf32, #tpu.memory_space<hbm>>
    %dma_start3A_58 = arith.constant 0 : i32
    %dma_start3A_59 = tpu.memref_slice %arg2[%add3A_55, %dma_start3A_58] : memref<32768x1024xf32, #tpu.memory_space<hbm>> -> memref<256x128xf32, #tpu.memory_space<hbm>>
    tpu.enqueue_dma source(%dma_start3A_59 : memref<256x128xf32, #tpu.memory_space<hbm>>) target(%arg6 : memref<256x128xf32, #tpu.memory_space<vmem>>) target_semaphore(%arg10 : memref<!tpu.dma_semaphore, #tpu.memory_space<semaphore_mem>>)
    %add3A_60 = arith.constant 512 : i32
    %add3A_61 = arith.addi %mul3A_2, %add3A_60 : i32
    %dma_wait3A_62 = arith.constant 0 : i32
    %dma_wait3A_63 = tpu.memref_slice %arg2[%add3A_61, %dma_wait3A_62] : memref<32768x1024xf32, #tpu.memory_space<hbm>> -> memref<256x128xf32, #tpu.memory_space<hbm>>
    %dma_wait3A_64 = arith.constant 0 : i32
    %dma_wait3A_65 = tpu.memref_slice %arg2[%add3A_61, %dma_wait3A_64] : memref<32768x1024xf32, #tpu.memory_space<hbm>> -> memref<256x128xf32, #tpu.memory_space<hbm>>
    tpu.wait_dma2 semaphore(%arg9 : memref<!tpu.dma_semaphore, #tpu.memory_space<semaphore_mem>>) src(%dma_wait3A_65 : memref<256x128xf32, #tpu.memory_space<hbm>>) dst(%arg5 : memref<256x128xf32, #tpu.memory_space<vmem>>)
    %add3A_66 = arith.constant 0 : i32
    %add3A_67 = arith.addi %mul3A_2, %add3A_66 : i32
    %dma_wait3A_68 = arith.constant 0 : i32
    %dma_wait3A_69 = tpu.memref_slice %arg3[%add3A_67, %dma_wait3A_68] : memref<32768x32xf32, #tpu.memory_space<hbm>> -> memref<256x32xf32, #tpu.memory_space<hbm>>
    %dma_wait3A_70 = arith.constant 0 : i32
    %dma_wait3A_71 = tpu.memref_slice %arg3[%add3A_67, %dma_wait3A_70] : memref<32768x32xf32, #tpu.memory_space<hbm>> -> memref<256x32xf32, #tpu.memory_space<hbm>>
    tpu.wait_dma2 semaphore(%arg11 : memref<!tpu.dma_semaphore, #tpu.memory_space<semaphore_mem>>) src(%arg7 : memref<256x32xf32, #tpu.memory_space<vmem>>) dst(%dma_wait3A_71 : memref<256x32xf32, #tpu.memory_space<hbm>>)
    %scan3A_72 = arith.constant 0 : i32
    %scan3A_73 = arith.constant 0 : i32
    %scan3A_74 = arith.constant 256 : i32
    %scan3A_75 = arith.addi %scan3A_73, %scan3A_74 : i32
    %scan3A_76 = arith.constant 8 : i32
    scf.for %scan3A_240 = %scan3A_73 to %scan3A_75 step %scan3A_76  : i32 {
      %get3A = arith.index_cast %scan3A_240 : i32 to index
      %get3A_241 = arith.constant 0 : index
      %get3A_242 = tpu.vector_load %arg5[%get3A, %get3A_241] {strides = array<i32>} : memref<256x128xf32, #tpu.memory_space<vmem>>, vector<1x16xf32>,
      %get3A_243 = vector.shape_cast %get3A_242 : vector<1x16xf32> to vector<16xf32>
      %swap3A = arith.index_cast %scan3A_240 : i32 to index
      %swap3A_244 = arith.constant 0 : index
      %swap3A_245 = tpu.vector_load %arg7[%swap3A, %swap3A_244] {strides = array<i32>} : memref<256x32xf32, #tpu.memory_space<vmem>>, vector<1x16xf32>,
      %swap3A_246 = vector.shape_cast %swap3A_245 : vector<1x16xf32> to vector<16xf32>
      %swap3A_247 = vector.shape_cast %get3A_243 : vector<16xf32> to vector<1x16xf32>
      tpu.vector_store %arg7[%swap3A, %swap3A_244], %swap3A_247 {strides = array<i32>} : memref<256x32xf32, #tpu.memory_space<vmem>>, vector<1x16xf32>,
      %get3A_248 = arith.index_cast %scan3A_240 : i32 to index
      %get3A_249 = arith.constant 16 : index
      %get3A_250 = tpu.vector_load %arg5[%get3A_248, %get3A_249] {strides = array<i32>} : memref<256x128xf32, #tpu.memory_space<vmem>>, vector<1x16xf32>,
      %get3A_251 = vector.shape_cast %get3A_250 : vector<1x16xf32> to vector<16xf32>
      %swap3A_252 = arith.index_cast %scan3A_240 : i32 to index
      %swap3A_253 = arith.constant 16 : index
      %swap3A_254 = tpu.vector_load %arg7[%swap3A_252, %swap3A_253] {strides = array<i32>} : memref<256x32xf32, #tpu.memory_space<vmem>>, vector<1x16xf32>,
      %swap3A_255 = vector.shape_cast %swap3A_254 : vector<1x16xf32> to vector<16xf32>
      %swap3A_256 = vector.shape_cast %get3A_251 : vector<16xf32> to vector<1x16xf32>
      tpu.vector_store %arg7[%swap3A_252, %swap3A_253], %swap3A_256 {strides = array<i32>} : memref<256x32xf32, #tpu.memory_space<vmem>>, vector<1x16xf32>,
      %scan3A_257 = arith.constant 1 : i32
      %scan3A_258 = arith.addi %scan3A_240, %scan3A_257 : i32
      %get3A_259 = arith.index_cast %scan3A_258 : i32 to index
      %get3A_260 = arith.constant 0 : index
      %get3A_261 = tpu.vector_load %arg5[%get3A_259, %get3A_260] {strides = array<i32>} : memref<256x128xf32, #tpu.memory_space<vmem>>, vector<1x16xf32>,
      %get3A_262 = vector.shape_cast %get3A_261 : vector<1x16xf32> to vector<16xf32>
      %swap3A_263 = arith.index_cast %scan3A_258 : i32 to index
      %swap3A_264 = arith.constant 0 : index
      %swap3A_265 = tpu.vector_load %arg7[%swap3A_263, %swap3A_264] {strides = array<i32>} : memref<256x32xf32, #tpu.memory_space<vmem>>, vector<1x16xf32>,
      %swap3A_266 = vector.shape_cast %swap3A_265 : vector<1x16xf32> to vector<16xf32>
      %swap3A_267 = vector.shape_cast %get3A_262 : vector<16xf32> to vector<1x16xf32>
      tpu.vector_store %arg7[%swap3A_263, %swap3A_264], %swap3A_267 {strides = array<i32>} : memref<256x32xf32, #tpu.memory_space<vmem>>, vector<1x16xf32>,
      %get3A_268 = arith.index_cast %scan3A_258 : i32 to index
      %get3A_269 = arith.constant 16 : index
      %get3A_270 = tpu.vector_load %arg5[%get3A_268, %get3A_269] {strides = array<i32>} : memref<256x128xf32, #tpu.memory_space<vmem>>, vector<1x16xf32>,
      %get3A_271 = vector.shape_cast %get3A_270 : vector<1x16xf32> to vector<16xf32>
      %swap3A_272 = arith.index_cast %scan3A_258 : i32 to index
      %swap3A_273 = arith.constant 16 : index
      %swap3A_274 = tpu.vector_load %arg7[%swap3A_272, %swap3A_273] {strides = array<i32>} : memref<256x32xf32, #tpu.memory_space<vmem>>, vector<1x16xf32>,
      %swap3A_275 = vector.shape_cast %swap3A_274 : vector<1x16xf32> to vector<16xf32>
      %swap3A_276 = vector.shape_cast %get3A_271 : vector<16xf32> to vector<1x16xf32>
      tpu.vector_store %arg7[%swap3A_272, %swap3A_273], %swap3A_276 {strides = array<i32>} : memref<256x32xf32, #tpu.memory_space<vmem>>, vector<1x16xf32>,
      %scan3A_277 = arith.constant 2 : i32
      %scan3A_278 = arith.addi %scan3A_240, %scan3A_277 : i32
      %get3A_279 = arith.index_cast %scan3A_278 : i32 to index
      %get3A_280 = arith.constant 0 : index
      %get3A_281 = tpu.vector_load %arg5[%get3A_279, %get3A_280] {strides = array<i32>} : memref<256x128xf32, #tpu.memory_space<vmem>>, vector<1x16xf32>,
      %get3A_282 = vector.shape_cast %get3A_281 : vector<1x16xf32> to vector<16xf32>
      %swap3A_283 = arith.index_cast %scan3A_278 : i32 to index
      %swap3A_284 = arith.constant 0 : index
      %swap3A_285 = tpu.vector_load %arg7[%swap3A_283, %swap3A_284] {strides = array<i32>} : memref<256x32xf32, #tpu.memory_space<vmem>>, vector<1x16xf32>,
      %swap3A_286 = vector.shape_cast %swap3A_285 : vector<1x16xf32> to vector<16xf32>
      %swap3A_287 = vector.shape_cast %get3A_282 : vector<16xf32> to vector<1x16xf32>
      tpu.vector_store %arg7[%swap3A_283, %swap3A_284], %swap3A_287 {strides = array<i32>} : memref<256x32xf32, #tpu.memory_space<vmem>>, vector<1x16xf32>,
      %get3A_288 = arith.index_cast %scan3A_278 : i32 to index
      %get3A_289 = arith.constant 16 : index
      %get3A_290 = tpu.vector_load %arg5[%get3A_288, %get3A_289] {strides = array<i32>} : memref<256x128xf32, #tpu.memory_space<vmem>>, vector<1x16xf32>,
      %get3A_291 = vector.shape_cast %get3A_290 : vector<1x16xf32> to vector<16xf32>
      %swap3A_292 = arith.index_cast %scan3A_278 : i32 to index
      %swap3A_293 = arith.constant 16 : index
      %swap3A_294 = tpu.vector_load %arg7[%swap3A_292, %swap3A_293] {strides = array<i32>} : memref<256x32xf32, #tpu.memory_space<vmem>>, vector<1x16xf32>,
      %swap3A_295 = vector.shape_cast %swap3A_294 : vector<1x16xf32> to vector<16xf32>
      %swap3A_296 = vector.shape_cast %get3A_291 : vector<16xf32> to vector<1x16xf32>
      tpu.vector_store %arg7[%swap3A_292, %swap3A_293], %swap3A_296 {strides = array<i32>} : memref<256x32xf32, #tpu.memory_space<vmem>>, vector<1x16xf32>,
      %scan3A_297 = arith.constant 3 : i32
      %scan3A_298 = arith.addi %scan3A_240, %scan3A_297 : i32
      %get3A_299 = arith.index_cast %scan3A_298 : i32 to index
      %get3A_300 = arith.constant 0 : index
      %get3A_301 = tpu.vector_load %arg5[%get3A_299, %get3A_300] {strides = array<i32>} : memref<256x128xf32, #tpu.memory_space<vmem>>, vector<1x16xf32>,
      %get3A_302 = vector.shape_cast %get3A_301 : vector<1x16xf32> to vector<16xf32>
      %swap3A_303 = arith.index_cast %scan3A_298 : i32 to index
      %swap3A_304 = arith.constant 0 : index
      %swap3A_305 = tpu.vector_load %arg7[%swap3A_303, %swap3A_304] {strides = array<i32>} : memref<256x32xf32, #tpu.memory_space<vmem>>, vector<1x16xf32>,
      %swap3A_306 = vector.shape_cast %swap3A_305 : vector<1x16xf32> to vector<16xf32>
      %swap3A_307 = vector.shape_cast %get3A_302 : vector<16xf32> to vector<1x16xf32>
      tpu.vector_store %arg7[%swap3A_303, %swap3A_304], %swap3A_307 {strides = array<i32>} : memref<256x32xf32, #tpu.memory_space<vmem>>, vector<1x16xf32>,
      %get3A_308 = arith.index_cast %scan3A_298 : i32 to index
      %get3A_309 = arith.constant 16 : index
      %get3A_310 = tpu.vector_load %arg5[%get3A_308, %get3A_309] {strides = array<i32>} : memref<256x128xf32, #tpu.memory_space<vmem>>, vector<1x16xf32>,
      %get3A_311 = vector.shape_cast %get3A_310 : vector<1x16xf32> to vector<16xf32>
      %swap3A_312 = arith.index_cast %scan3A_298 : i32 to index
      %swap3A_313 = arith.constant 16 : index
      %swap3A_314 = tpu.vector_load %arg7[%swap3A_312, %swap3A_313] {strides = array<i32>} : memref<256x32xf32, #tpu.memory_space<vmem>>, vector<1x16xf32>,
      %swap3A_315 = vector.shape_cast %swap3A_314 : vector<1x16xf32> to vector<16xf32>
      %swap3A_316 = vector.shape_cast %get3A_311 : vector<16xf32> to vector<1x16xf32>
      tpu.vector_store %arg7[%swap3A_312, %swap3A_313], %swap3A_316 {strides = array<i32>} : memref<256x32xf32, #tpu.memory_space<vmem>>, vector<1x16xf32>,
      %scan3A_317 = arith.constant 4 : i32
      %scan3A_318 = arith.addi %scan3A_240, %scan3A_317 : i32
      %get3A_319 = arith.index_cast %scan3A_318 : i32 to index
      %get3A_320 = arith.constant 0 : index
      %get3A_321 = tpu.vector_load %arg5[%get3A_319, %get3A_320] {strides = array<i32>} : memref<256x128xf32, #tpu.memory_space<vmem>>, vector<1x16xf32>,
      %get3A_322 = vector.shape_cast %get3A_321 : vector<1x16xf32> to vector<16xf32>
      %swap3A_323 = arith.index_cast %scan3A_318 : i32 to index
      %swap3A_324 = arith.constant 0 : index
      %swap3A_325 = tpu.vector_load %arg7[%swap3A_323, %swap3A_324] {strides = array<i32>} : memref<256x32xf32, #tpu.memory_space<vmem>>, vector<1x16xf32>,
      %swap3A_326 = vector.shape_cast %swap3A_325 : vector<1x16xf32> to vector<16xf32>
      %swap3A_327 = vector.shape_cast %get3A_322 : vector<16xf32> to vector<1x16xf32>
      tpu.vector_store %arg7[%swap3A_323, %swap3A_324], %swap3A_327 {strides = array<i32>} : memref<256x32xf32, #tpu.memory_space<vmem>>, vector<1x16xf32>,
      %get3A_328 = arith.index_cast %scan3A_318 : i32 to index
      %get3A_329 = arith.constant 16 : index
      %get3A_330 = tpu.vector_load %arg5[%get3A_328, %get3A_329] {strides = array<i32>} : memref<256x128xf32, #tpu.memory_space<vmem>>, vector<1x16xf32>,
      %get3A_331 = vector.shape_cast %get3A_330 : vector<1x16xf32> to vector<16xf32>
      %swap3A_332 = arith.index_cast %scan3A_318 : i32 to index
      %swap3A_333 = arith.constant 16 : index
      %swap3A_334 = tpu.vector_load %arg7[%swap3A_332, %swap3A_333] {strides = array<i32>} : memref<256x32xf32, #tpu.memory_space<vmem>>, vector<1x16xf32>,
      %swap3A_335 = vector.shape_cast %swap3A_334 : vector<1x16xf32> to vector<16xf32>
      %swap3A_336 = vector.shape_cast %get3A_331 : vector<16xf32> to vector<1x16xf32>
      tpu.vector_store %arg7[%swap3A_332, %swap3A_333], %swap3A_336 {strides = array<i32>} : memref<256x32xf32, #tpu.memory_space<vmem>>, vector<1x16xf32>,
      %scan3A_337 = arith.constant 5 : i32
      %scan3A_338 = arith.addi %scan3A_240, %scan3A_337 : i32
      %get3A_339 = arith.index_cast %scan3A_338 : i32 to index
      %get3A_340 = arith.constant 0 : index
      %get3A_341 = tpu.vector_load %arg5[%get3A_339, %get3A_340] {strides = array<i32>} : memref<256x128xf32, #tpu.memory_space<vmem>>, vector<1x16xf32>,
      %get3A_342 = vector.shape_cast %get3A_341 : vector<1x16xf32> to vector<16xf32>
      %swap3A_343 = arith.index_cast %scan3A_338 : i32 to index
      %swap3A_344 = arith.constant 0 : index
      %swap3A_345 = tpu.vector_load %arg7[%swap3A_343, %swap3A_344] {strides = array<i32>} : memref<256x32xf32, #tpu.memory_space<vmem>>, vector<1x16xf32>,
      %swap3A_346 = vector.shape_cast %swap3A_345 : vector<1x16xf32> to vector<16xf32>
      %swap3A_347 = vector.shape_cast %get3A_342 : vector<16xf32> to vector<1x16xf32>
      tpu.vector_store %arg7[%swap3A_343, %swap3A_344], %swap3A_347 {strides = array<i32>} : memref<256x32xf32, #tpu.memory_space<vmem>>, vector<1x16xf32>,
      %get3A_348 = arith.index_cast %scan3A_338 : i32 to index
      %get3A_349 = arith.constant 16 : index
      %get3A_350 = tpu.vector_load %arg5[%get3A_348, %get3A_349] {strides = array<i32>} : memref<256x128xf32, #tpu.memory_space<vmem>>, vector<1x16xf32>,
      %get3A_351 = vector.shape_cast %get3A_350 : vector<1x16xf32> to vector<16xf32>
      %swap3A_352 = arith.index_cast %scan3A_338 : i32 to index
      %swap3A_353 = arith.constant 16 : index
      %swap3A_354 = tpu.vector_load %arg7[%swap3A_352, %swap3A_353] {strides = array<i32>} : memref<256x32xf32, #tpu.memory_space<vmem>>, vector<1x16xf32>,
      %swap3A_355 = vector.shape_cast %swap3A_354 : vector<1x16xf32> to vector<16xf32>
      %swap3A_356 = vector.shape_cast %get3A_351 : vector<16xf32> to vector<1x16xf32>
      tpu.vector_store %arg7[%swap3A_352, %swap3A_353], %swap3A_356 {strides = array<i32>} : memref<256x32xf32, #tpu.memory_space<vmem>>, vector<1x16xf32>,
      %scan3A_357 = arith.constant 6 : i32
      %scan3A_358 = arith.addi %scan3A_240, %scan3A_357 : i32
      %get3A_359 = arith.index_cast %scan3A_358 : i32 to index
      %get3A_360 = arith.constant 0 : index
      %get3A_361 = tpu.vector_load %arg5[%get3A_359, %get3A_360] {strides = array<i32>} : memref<256x128xf32, #tpu.memory_space<vmem>>, vector<1x16xf32>,
      %get3A_362 = vector.shape_cast %get3A_361 : vector<1x16xf32> to vector<16xf32>
      %swap3A_363 = arith.index_cast %scan3A_358 : i32 to index
      %swap3A_364 = arith.constant 0 : index
      %swap3A_365 = tpu.vector_load %arg7[%swap3A_363, %swap3A_364] {strides = array<i32>} : memref<256x32xf32, #tpu.memory_space<vmem>>, vector<1x16xf32>,
      %swap3A_366 = vector.shape_cast %swap3A_365 : vector<1x16xf32> to vector<16xf32>
      %swap3A_367 = vector.shape_cast %get3A_362 : vector<16xf32> to vector<1x16xf32>
      tpu.vector_store %arg7[%swap3A_363, %swap3A_364], %swap3A_367 {strides = array<i32>} : memref<256x32xf32, #tpu.memory_space<vmem>>, vector<1x16xf32>,
      %get3A_368 = arith.index_cast %scan3A_358 : i32 to index
      %get3A_369 = arith.constant 16 : index
      %get3A_370 = tpu.vector_load %arg5[%get3A_368, %get3A_369] {strides = array<i32>} : memref<256x128xf32, #tpu.memory_space<vmem>>, vector<1x16xf32>,
      %get3A_371 = vector.shape_cast %get3A_370 : vector<1x16xf32> to vector<16xf32>
      %swap3A_372 = arith.index_cast %scan3A_358 : i32 to index
      %swap3A_373 = arith.constant 16 : index
      %swap3A_374 = tpu.vector_load %arg7[%swap3A_372, %swap3A_373] {strides = array<i32>} : memref<256x32xf32, #tpu.memory_space<vmem>>, vector<1x16xf32>,
      %swap3A_375 = vector.shape_cast %swap3A_374 : vector<1x16xf32> to vector<16xf32>
      %swap3A_376 = vector.shape_cast %get3A_371 : vector<16xf32> to vector<1x16xf32>
      tpu.vector_store %arg7[%swap3A_372, %swap3A_373], %swap3A_376 {strides = array<i32>} : memref<256x32xf32, #tpu.memory_space<vmem>>, vector<1x16xf32>,
      %scan3A_377 = arith.constant 7 : i32
      %scan3A_378 = arith.addi %scan3A_240, %scan3A_377 : i32
      %get3A_379 = arith.index_cast %scan3A_378 : i32 to index
      %get3A_380 = arith.constant 0 : index
      %get3A_381 = tpu.vector_load %arg5[%get3A_379, %get3A_380] {strides = array<i32>} : memref<256x128xf32, #tpu.memory_space<vmem>>, vector<1x16xf32>,
      %get3A_382 = vector.shape_cast %get3A_381 : vector<1x16xf32> to vector<16xf32>
      %swap3A_383 = arith.index_cast %scan3A_378 : i32 to index
      %swap3A_384 = arith.constant 0 : index
      %swap3A_385 = tpu.vector_load %arg7[%swap3A_383, %swap3A_384] {strides = array<i32>} : memref<256x32xf32, #tpu.memory_space<vmem>>, vector<1x16xf32>,
      %swap3A_386 = vector.shape_cast %swap3A_385 : vector<1x16xf32> to vector<16xf32>
      %swap3A_387 = vector.shape_cast %get3A_382 : vector<16xf32> to vector<1x16xf32>
      tpu.vector_store %arg7[%swap3A_383, %swap3A_384], %swap3A_387 {strides = array<i32>} : memref<256x32xf32, #tpu.memory_space<vmem>>, vector<1x16xf32>,
      %get3A_388 = arith.index_cast %scan3A_378 : i32 to index
      %get3A_389 = arith.constant 16 : index
      %get3A_390 = tpu.vector_load %arg5[%get3A_388, %get3A_389] {strides = array<i32>} : memref<256x128xf32, #tpu.memory_space<vmem>>, vector<1x16xf32>,
      %get3A_391 = vector.shape_cast %get3A_390 : vector<1x16xf32> to vector<16xf32>
      %swap3A_392 = arith.index_cast %scan3A_378 : i32 to index
      %swap3A_393 = arith.constant 16 : index
      %swap3A_394 = tpu.vector_load %arg7[%swap3A_392, %swap3A_393] {strides = array<i32>} : memref<256x32xf32, #tpu.memory_space<vmem>>, vector<1x16xf32>,
      %swap3A_395 = vector.shape_cast %swap3A_394 : vector<1x16xf32> to vector<16xf32>
      %swap3A_396 = vector.shape_cast %get3A_391 : vector<16xf32> to vector<1x16xf32>
      tpu.vector_store %arg7[%swap3A_392, %swap3A_393], %swap3A_396 {strides = array<i32>} : memref<256x32xf32, #tpu.memory_space<vmem>>, vector<1x16xf32>,
    }
    %scan3A_77 = arith.constant 256 : i32
    %add3A_78 = arith.constant 512 : i32
    %add3A_79 = arith.addi %mul3A_2, %add3A_78 : i32
    %dma_start3A_80 = arith.constant 0 : i32
    %dma_start3A_81 = tpu.memref_slice %arg3[%add3A_79, %dma_start3A_80] : memref<32768x32xf32, #tpu.memory_space<hbm>> -> memref<256x32xf32, #tpu.memory_space<hbm>>
    %dma_start3A_82 = arith.constant 0 : i32
    %dma_start3A_83 = tpu.memref_slice %arg3[%add3A_79, %dma_start3A_82] : memref<32768x32xf32, #tpu.memory_space<hbm>> -> memref<256x32xf32, #tpu.memory_space<hbm>>
    tpu.enqueue_dma source(%arg7 : memref<256x32xf32, #tpu.memory_space<vmem>>) target(%dma_start3A_83 : memref<256x32xf32, #tpu.memory_space<hbm>>) target_semaphore(%arg11 : memref<!tpu.dma_semaphore, #tpu.memory_space<semaphore_mem>>)
    %add3A_84 = arith.constant 0 : i32
    %add3A_85 = arith.addi %mul3A_2, %add3A_84 : i32
    %dma_start3A_86 = arith.constant 256 : i32
    %dma_start3A_87 = tpu.memref_slice %arg2[%add3A_85, %dma_start3A_86] : memref<32768x1024xf32, #tpu.memory_space<hbm>> -> memref<256x128xf32, #tpu.memory_space<hbm>>
    %dma_start3A_88 = arith.constant 256 : i32
    %dma_start3A_89 = tpu.memref_slice %arg2[%add3A_85, %dma_start3A_88] : memref<32768x1024xf32, #tpu.memory_space<hbm>> -> memref<256x128xf32, #tpu.memory_space<hbm>>
    tpu.enqueue_dma source(%dma_start3A_89 : memref<256x128xf32, #tpu.memory_space<hbm>>) target(%arg5 : memref<256x128xf32, #tpu.memory_space<vmem>>) target_semaphore(%arg9 : memref<!tpu.dma_semaphore, #tpu.memory_space<semaphore_mem>>)
    %add3A_90 = arith.constant 768 : i32
    %add3A_91 = arith.addi %mul3A_2, %add3A_90 : i32
    %dma_wait3A_92 = arith.constant 0 : i32
    %dma_wait3A_93 = tpu.memref_slice %arg2[%add3A_91, %dma_wait3A_92] : memref<32768x1024xf32, #tpu.memory_space<hbm>> -> memref<256x128xf32, #tpu.memory_space<hbm>>
    %dma_wait3A_94 = arith.constant 0 : i32
    %dma_wait3A_95 = tpu.memref_slice %arg2[%add3A_91, %dma_wait3A_94] : memref<32768x1024xf32, #tpu.memory_space<hbm>> -> memref<256x128xf32, #tpu.memory_space<hbm>>
    tpu.wait_dma2 semaphore(%arg10 : memref<!tpu.dma_semaphore, #tpu.memory_space<semaphore_mem>>) src(%dma_wait3A_95 : memref<256x128xf32, #tpu.memory_space<hbm>>) dst(%arg6 : memref<256x128xf32, #tpu.memory_space<vmem>>)
    %add3A_96 = arith.constant 256 : i32
    %add3A_97 = arith.addi %mul3A_2, %add3A_96 : i32
    %dma_wait3A_98 = arith.constant 0 : i32
    %dma_wait3A_99 = tpu.memref_slice %arg3[%add3A_97, %dma_wait3A_98] : memref<32768x32xf32, #tpu.memory_space<hbm>> -> memref<256x32xf32, #tpu.memory_space<hbm>>
    %dma_wait3A_100 = arith.constant 0 : i32
    %dma_wait3A_101 = tpu.memref_slice %arg3[%add3A_97, %dma_wait3A_100] : memref<32768x32xf32, #tpu.memory_space<hbm>> -> memref<256x32xf32, #tpu.memory_space<hbm>>
    tpu.wait_dma2 semaphore(%arg12 : memref<!tpu.dma_semaphore, #tpu.memory_space<semaphore_mem>>) src(%arg8 : memref<256x32xf32, #tpu.memory_space<vmem>>) dst(%dma_wait3A_101 : memref<256x32xf32, #tpu.memory_space<hbm>>)
    %scan3A_102 = arith.constant 0 : i32
    %scan3A_103 = arith.constant 0 : i32
    %scan3A_104 = arith.constant 256 : i32
    %scan3A_105 = arith.addi %scan3A_103, %scan3A_104 : i32
    %scan3A_106 = arith.constant 8 : i32
    scf.for %scan3A_240 = %scan3A_103 to %scan3A_105 step %scan3A_106  : i32 {
      %get3A = arith.index_cast %scan3A_240 : i32 to index
      %get3A_241 = arith.constant 0 : index
      %get3A_242 = tpu.vector_load %arg6[%get3A, %get3A_241] {strides = array<i32>} : memref<256x128xf32, #tpu.memory_space<vmem>>, vector<1x16xf32>,
      %get3A_243 = vector.shape_cast %get3A_242 : vector<1x16xf32> to vector<16xf32>
      %swap3A = arith.index_cast %scan3A_240 : i32 to index
      %swap3A_244 = arith.constant 0 : index
      %swap3A_245 = tpu.vector_load %arg8[%swap3A, %swap3A_244] {strides = array<i32>} : memref<256x32xf32, #tpu.memory_space<vmem>>, vector<1x16xf32>,
      %swap3A_246 = vector.shape_cast %swap3A_245 : vector<1x16xf32> to vector<16xf32>
      %swap3A_247 = vector.shape_cast %get3A_243 : vector<16xf32> to vector<1x16xf32>
      tpu.vector_store %arg8[%swap3A, %swap3A_244], %swap3A_247 {strides = array<i32>} : memref<256x32xf32, #tpu.memory_space<vmem>>, vector<1x16xf32>,
      %get3A_248 = arith.index_cast %scan3A_240 : i32 to index
      %get3A_249 = arith.constant 16 : index
      %get3A_250 = tpu.vector_load %arg6[%get3A_248, %get3A_249] {strides = array<i32>} : memref<256x128xf32, #tpu.memory_space<vmem>>, vector<1x16xf32>,
      %get3A_251 = vector.shape_cast %get3A_250 : vector<1x16xf32> to vector<16xf32>
      %swap3A_252 = arith.index_cast %scan3A_240 : i32 to index
      %swap3A_253 = arith.constant 16 : index
      %swap3A_254 = tpu.vector_load %arg8[%swap3A_252, %swap3A_253] {strides = array<i32>} : memref<256x32xf32, #tpu.memory_space<vmem>>, vector<1x16xf32>,
      %swap3A_255 = vector.shape_cast %swap3A_254 : vector<1x16xf32> to vector<16xf32>
      %swap3A_256 = vector.shape_cast %get3A_251 : vector<16xf32> to vector<1x16xf32>
      tpu.vector_store %arg8[%swap3A_252, %swap3A_253], %swap3A_256 {strides = array<i32>} : memref<256x32xf32, #tpu.memory_space<vmem>>, vector<1x16xf32>,
      %scan3A_257 = arith.constant 1 : i32
      %scan3A_258 = arith.addi %scan3A_240, %scan3A_257 : i32
      %get3A_259 = arith.index_cast %scan3A_258 : i32 to index
      %get3A_260 = arith.constant 0 : index
      %get3A_261 = tpu.vector_load %arg6[%get3A_259, %get3A_260] {strides = array<i32>} : memref<256x128xf32, #tpu.memory_space<vmem>>, vector<1x16xf32>,
      %get3A_262 = vector.shape_cast %get3A_261 : vector<1x16xf32> to vector<16xf32>
      %swap3A_263 = arith.index_cast %scan3A_258 : i32 to index
      %swap3A_264 = arith.constant 0 : index
      %swap3A_265 = tpu.vector_load %arg8[%swap3A_263, %swap3A_264] {strides = array<i32>} : memref<256x32xf32, #tpu.memory_space<vmem>>, vector<1x16xf32>,
      %swap3A_266 = vector.shape_cast %swap3A_265 : vector<1x16xf32> to vector<16xf32>
      %swap3A_267 = vector.shape_cast %get3A_262 : vector<16xf32> to vector<1x16xf32>
      tpu.vector_store %arg8[%swap3A_263, %swap3A_264], %swap3A_267 {strides = array<i32>} : memref<256x32xf32, #tpu.memory_space<vmem>>, vector<1x16xf32>,
      %get3A_268 = arith.index_cast %scan3A_258 : i32 to index
      %get3A_269 = arith.constant 16 : index
      %get3A_270 = tpu.vector_load %arg6[%get3A_268, %get3A_269] {strides = array<i32>} : memref<256x128xf32, #tpu.memory_space<vmem>>, vector<1x16xf32>,
      %get3A_271 = vector.shape_cast %get3A_270 : vector<1x16xf32> to vector<16xf32>
      %swap3A_272 = arith.index_cast %scan3A_258 : i32 to index
      %swap3A_273 = arith.constant 16 : index
      %swap3A_274 = tpu.vector_load %arg8[%swap3A_272, %swap3A_273] {strides = array<i32>} : memref<256x32xf32, #tpu.memory_space<vmem>>, vector<1x16xf32>,
      %swap3A_275 = vector.shape_cast %swap3A_274 : vector<1x16xf32> to vector<16xf32>
      %swap3A_276 = vector.shape_cast %get3A_271 : vector<16xf32> to vector<1x16xf32>
      tpu.vector_store %arg8[%swap3A_272, %swap3A_273], %swap3A_276 {strides = array<i32>} : memref<256x32xf32, #tpu.memory_space<vmem>>, vector<1x16xf32>,
      %scan3A_277 = arith.constant 2 : i32
      %scan3A_278 = arith.addi %scan3A_240, %scan3A_277 : i32
      %get3A_279 = arith.index_cast %scan3A_278 : i32 to index
      %get3A_280 = arith.constant 0 : index
      %get3A_281 = tpu.vector_load %arg6[%get3A_279, %get3A_280] {strides = array<i32>} : memref<256x128xf32, #tpu.memory_space<vmem>>, vector<1x16xf32>,
      %get3A_282 = vector.shape_cast %get3A_281 : vector<1x16xf32> to vector<16xf32>
      %swap3A_283 = arith.index_cast %scan3A_278 : i32 to index
      %swap3A_284 = arith.constant 0 : index
      %swap3A_285 = tpu.vector_load %arg8[%swap3A_283, %swap3A_284] {strides = array<i32>} : memref<256x32xf32, #tpu.memory_space<vmem>>, vector<1x16xf32>,
      %swap3A_286 = vector.shape_cast %swap3A_285 : vector<1x16xf32> to vector<16xf32>
      %swap3A_287 = vector.shape_cast %get3A_282 : vector<16xf32> to vector<1x16xf32>
      tpu.vector_store %arg8[%swap3A_283, %swap3A_284], %swap3A_287 {strides = array<i32>} : memref<256x32xf32, #tpu.memory_space<vmem>>, vector<1x16xf32>,
      %get3A_288 = arith.index_cast %scan3A_278 : i32 to index
      %get3A_289 = arith.constant 16 : index
      %get3A_290 = tpu.vector_load %arg6[%get3A_288, %get3A_289] {strides = array<i32>} : memref<256x128xf32, #tpu.memory_space<vmem>>, vector<1x16xf32>,
      %get3A_291 = vector.shape_cast %get3A_290 : vector<1x16xf32> to vector<16xf32>
      %swap3A_292 = arith.index_cast %scan3A_278 : i32 to index
      %swap3A_293 = arith.constant 16 : index
      %swap3A_294 = tpu.vector_load %arg8[%swap3A_292, %swap3A_293] {strides = array<i32>} : memref<256x32xf32, #tpu.memory_space<vmem>>, vector<1x16xf32>,
      %swap3A_295 = vector.shape_cast %swap3A_294 : vector<1x16xf32> to vector<16xf32>
      %swap3A_296 = vector.shape_cast %get3A_291 : vector<16xf32> to vector<1x16xf32>
      tpu.vector_store %arg8[%swap3A_292, %swap3A_293], %swap3A_296 {strides = array<i32>} : memref<256x32xf32, #tpu.memory_space<vmem>>, vector<1x16xf32>,
      %scan3A_297 = arith.constant 3 : i32
      %scan3A_298 = arith.addi %scan3A_240, %scan3A_297 : i32
      %get3A_299 = arith.index_cast %scan3A_298 : i32 to index
      %get3A_300 = arith.constant 0 : index
      %get3A_301 = tpu.vector_load %arg6[%get3A_299, %get3A_300] {strides = array<i32>} : memref<256x128xf32, #tpu.memory_space<vmem>>, vector<1x16xf32>,
      %get3A_302 = vector.shape_cast %get3A_301 : vector<1x16xf32> to vector<16xf32>
      %swap3A_303 = arith.index_cast %scan3A_298 : i32 to index
      %swap3A_304 = arith.constant 0 : index
      %swap3A_305 = tpu.vector_load %arg8[%swap3A_303, %swap3A_304] {strides = array<i32>} : memref<256x32xf32, #tpu.memory_space<vmem>>, vector<1x16xf32>,
      %swap3A_306 = vector.shape_cast %swap3A_305 : vector<1x16xf32> to vector<16xf32>
      %swap3A_307 = vector.shape_cast %get3A_302 : vector<16xf32> to vector<1x16xf32>
      tpu.vector_store %arg8[%swap3A_303, %swap3A_304], %swap3A_307 {strides = array<i32>} : memref<256x32xf32, #tpu.memory_space<vmem>>, vector<1x16xf32>,
      %get3A_308 = arith.index_cast %scan3A_298 : i32 to index
      %get3A_309 = arith.constant 16 : index
      %get3A_310 = tpu.vector_load %arg6[%get3A_308, %get3A_309] {strides = array<i32>} : memref<256x128xf32, #tpu.memory_space<vmem>>, vector<1x16xf32>,
      %get3A_311 = vector.shape_cast %get3A_310 : vector<1x16xf32> to vector<16xf32>
      %swap3A_312 = arith.index_cast %scan3A_298 : i32 to index
      %swap3A_313 = arith.constant 16 : index
      %swap3A_314 = tpu.vector_load %arg8[%swap3A_312, %swap3A_313] {strides = array<i32>} : memref<256x32xf32, #tpu.memory_space<vmem>>, vector<1x16xf32>,
      %swap3A_315 = vector.shape_cast %swap3A_314 : vector<1x16xf32> to vector<16xf32>
      %swap3A_316 = vector.shape_cast %get3A_311 : vector<16xf32> to vector<1x16xf32>
      tpu.vector_store %arg8[%swap3A_312, %swap3A_313], %swap3A_316 {strides = array<i32>} : memref<256x32xf32, #tpu.memory_space<vmem>>, vector<1x16xf32>,
      %scan3A_317 = arith.constant 4 : i32
      %scan3A_318 = arith.addi %scan3A_240, %scan3A_317 : i32
      %get3A_319 = arith.index_cast %scan3A_318 : i32 to index
      %get3A_320 = arith.constant 0 : index
      %get3A_321 = tpu.vector_load %arg6[%get3A_319, %get3A_320] {strides = array<i32>} : memref<256x128xf32, #tpu.memory_space<vmem>>, vector<1x16xf32>,
      %get3A_322 = vector.shape_cast %get3A_321 : vector<1x16xf32> to vector<16xf32>
      %swap3A_323 = arith.index_cast %scan3A_318 : i32 to index
      %swap3A_324 = arith.constant 0 : index
      %swap3A_325 = tpu.vector_load %arg8[%swap3A_323, %swap3A_324] {strides = array<i32>} : memref<256x32xf32, #tpu.memory_space<vmem>>, vector<1x16xf32>,
      %swap3A_326 = vector.shape_cast %swap3A_325 : vector<1x16xf32> to vector<16xf32>
      %swap3A_327 = vector.shape_cast %get3A_322 : vector<16xf32> to vector<1x16xf32>
      tpu.vector_store %arg8[%swap3A_323, %swap3A_324], %swap3A_327 {strides = array<i32>} : memref<256x32xf32, #tpu.memory_space<vmem>>, vector<1x16xf32>,
      %get3A_328 = arith.index_cast %scan3A_318 : i32 to index
      %get3A_329 = arith.constant 16 : index
      %get3A_330 = tpu.vector_load %arg6[%get3A_328, %get3A_329] {strides = array<i32>} : memref<256x128xf32, #tpu.memory_space<vmem>>, vector<1x16xf32>,
      %get3A_331 = vector.shape_cast %get3A_330 : vector<1x16xf32> to vector<16xf32>
      %swap3A_332 = arith.index_cast %scan3A_318 : i32 to index
      %swap3A_333 = arith.constant 16 : index
      %swap3A_334 = tpu.vector_load %arg8[%swap3A_332, %swap3A_333] {strides = array<i32>} : memref<256x32xf32, #tpu.memory_space<vmem>>, vector<1x16xf32>,
      %swap3A_335 = vector.shape_cast %swap3A_334 : vector<1x16xf32> to vector<16xf32>
      %swap3A_336 = vector.shape_cast %get3A_331 : vector<16xf32> to vector<1x16xf32>
      tpu.vector_store %arg8[%swap3A_332, %swap3A_333], %swap3A_336 {strides = array<i32>} : memref<256x32xf32, #tpu.memory_space<vmem>>, vector<1x16xf32>,
      %scan3A_337 = arith.constant 5 : i32
      %scan3A_338 = arith.addi %scan3A_240, %scan3A_337 : i32
      %get3A_339 = arith.index_cast %scan3A_338 : i32 to index
      %get3A_340 = arith.constant 0 : index
      %get3A_341 = tpu.vector_load %arg6[%get3A_339, %get3A_340] {strides = array<i32>} : memref<256x128xf32, #tpu.memory_space<vmem>>, vector<1x16xf32>,
      %get3A_342 = vector.shape_cast %get3A_341 : vector<1x16xf32> to vector<16xf32>
      %swap3A_343 = arith.index_cast %scan3A_338 : i32 to index
      %swap3A_344 = arith.constant 0 : index
      %swap3A_345 = tpu.vector_load %arg8[%swap3A_343, %swap3A_344] {strides = array<i32>} : memref<256x32xf32, #tpu.memory_space<vmem>>, vector<1x16xf32>,
      %swap3A_346 = vector.shape_cast %swap3A_345 : vector<1x16xf32> to vector<16xf32>
      %swap3A_347 = vector.shape_cast %get3A_342 : vector<16xf32> to vector<1x16xf32>
      tpu.vector_store %arg8[%swap3A_343, %swap3A_344], %swap3A_347 {strides = array<i32>} : memref<256x32xf32, #tpu.memory_space<vmem>>, vector<1x16xf32>,
      %get3A_348 = arith.index_cast %scan3A_338 : i32 to index
      %get3A_349 = arith.constant 16 : index
      %get3A_350 = tpu.vector_load %arg6[%get3A_348, %get3A_349] {strides = array<i32>} : memref<256x128xf32, #tpu.memory_space<vmem>>, vector<1x16xf32>,
      %get3A_351 = vector.shape_cast %get3A_350 : vector<1x16xf32> to vector<16xf32>
      %swap3A_352 = arith.index_cast %scan3A_338 : i32 to index
      %swap3A_353 = arith.constant 16 : index
      %swap3A_354 = tpu.vector_load %arg8[%swap3A_352, %swap3A_353] {strides = array<i32>} : memref<256x32xf32, #tpu.memory_space<vmem>>, vector<1x16xf32>,
      %swap3A_355 = vector.shape_cast %swap3A_354 : vector<1x16xf32> to vector<16xf32>
      %swap3A_356 = vector.shape_cast %get3A_351 : vector<16xf32> to vector<1x16xf32>
      tpu.vector_store %arg8[%swap3A_352, %swap3A_353], %swap3A_356 {strides = array<i32>} : memref<256x32xf32, #tpu.memory_space<vmem>>, vector<1x16xf32>,
      %scan3A_357 = arith.constant 6 : i32
      %scan3A_358 = arith.addi %scan3A_240, %scan3A_357 : i32
      %get3A_359 = arith.index_cast %scan3A_358 : i32 to index
      %get3A_360 = arith.constant 0 : index
      %get3A_361 = tpu.vector_load %arg6[%get3A_359, %get3A_360] {strides = array<i32>} : memref<256x128xf32, #tpu.memory_space<vmem>>, vector<1x16xf32>,
      %get3A_362 = vector.shape_cast %get3A_361 : vector<1x16xf32> to vector<16xf32>
      %swap3A_363 = arith.index_cast %scan3A_358 : i32 to index
      %swap3A_364 = arith.constant 0 : index
      %swap3A_365 = tpu.vector_load %arg8[%swap3A_363, %swap3A_364] {strides = array<i32>} : memref<256x32xf32, #tpu.memory_space<vmem>>, vector<1x16xf32>,
      %swap3A_366 = vector.shape_cast %swap3A_365 : vector<1x16xf32> to vector<16xf32>
      %swap3A_367 = vector.shape_cast %get3A_362 : vector<16xf32> to vector<1x16xf32>
      tpu.vector_store %arg8[%swap3A_363, %swap3A_364], %swap3A_367 {strides = array<i32>} : memref<256x32xf32, #tpu.memory_space<vmem>>, vector<1x16xf32>,
      %get3A_368 = arith.index_cast %scan3A_358 : i32 to index
      %get3A_369 = arith.constant 16 : index
      %get3A_370 = tpu.vector_load %arg6[%get3A_368, %get3A_369] {strides = array<i32>} : memref<256x128xf32, #tpu.memory_space<vmem>>, vector<1x16xf32>,
      %get3A_371 = vector.shape_cast %get3A_370 : vector<1x16xf32> to vector<16xf32>
      %swap3A_372 = arith.index_cast %scan3A_358 : i32 to index
      %swap3A_373 = arith.constant 16 : index
      %swap3A_374 = tpu.vector_load %arg8[%swap3A_372, %swap3A_373] {strides = array<i32>} : memref<256x32xf32, #tpu.memory_space<vmem>>, vector<1x16xf32>,
      %swap3A_375 = vector.shape_cast %swap3A_374 : vector<1x16xf32> to vector<16xf32>
      %swap3A_376 = vector.shape_cast %get3A_371 : vector<16xf32> to vector<1x16xf32>
      tpu.vector_store %arg8[%swap3A_372, %swap3A_373], %swap3A_376 {strides = array<i32>} : memref<256x32xf32, #tpu.memory_space<vmem>>, vector<1x16xf32>,
      %scan3A_377 = arith.constant 7 : i32
      %scan3A_378 = arith.addi %scan3A_240, %scan3A_377 : i32
      %get3A_379 = arith.index_cast %scan3A_378 : i32 to index
      %get3A_380 = arith.constant 0 : index
      %get3A_381 = tpu.vector_load %arg6[%get3A_379, %get3A_380] {strides = array<i32>} : memref<256x128xf32, #tpu.memory_space<vmem>>, vector<1x16xf32>,
      %get3A_382 = vector.shape_cast %get3A_381 : vector<1x16xf32> to vector<16xf32>
      %swap3A_383 = arith.index_cast %scan3A_378 : i32 to index
      %swap3A_384 = arith.constant 0 : index
      %swap3A_385 = tpu.vector_load %arg8[%swap3A_383, %swap3A_384] {strides = array<i32>} : memref<256x32xf32, #tpu.memory_space<vmem>>, vector<1x16xf32>,
      %swap3A_386 = vector.shape_cast %swap3A_385 : vector<1x16xf32> to vector<16xf32>
      %swap3A_387 = vector.shape_cast %get3A_382 : vector<16xf32> to vector<1x16xf32>
      tpu.vector_store %arg8[%swap3A_383, %swap3A_384], %swap3A_387 {strides = array<i32>} : memref<256x32xf32, #tpu.memory_space<vmem>>, vector<1x16xf32>,
      %get3A_388 = arith.index_cast %scan3A_378 : i32 to index
      %get3A_389 = arith.constant 16 : index
      %get3A_390 = tpu.vector_load %arg6[%get3A_388, %get3A_389] {strides = array<i32>} : memref<256x128xf32, #tpu.memory_space<vmem>>, vector<1x16xf32>,
      %get3A_391 = vector.shape_cast %get3A_390 : vector<1x16xf32> to vector<16xf32>
      %swap3A_392 = arith.index_cast %scan3A_378 : i32 to index
      %swap3A_393 = arith.constant 16 : index
      %swap3A_394 = tpu.vector_load %arg8[%swap3A_392, %swap3A_393] {strides = array<i32>} : memref<256x32xf32, #tpu.memory_space<vmem>>, vector<1x16xf32>,
      %swap3A_395 = vector.shape_cast %swap3A_394 : vector<1x16xf32> to vector<16xf32>
      %swap3A_396 = vector.shape_cast %get3A_391 : vector<16xf32> to vector<1x16xf32>
      tpu.vector_store %arg8[%swap3A_392, %swap3A_393], %swap3A_396 {strides = array<i32>} : memref<256x32xf32, #tpu.memory_space<vmem>>, vector<1x16xf32>,
    }
    %scan3A_107 = arith.constant 256 : i32
    %add3A_108 = arith.constant 768 : i32
    %add3A_109 = arith.addi %mul3A_2, %add3A_108 : i32
    %dma_start3A_110 = arith.constant 0 : i32
    %dma_start3A_111 = tpu.memref_slice %arg3[%add3A_109, %dma_start3A_110] : memref<32768x32xf32, #tpu.memory_space<hbm>> -> memref<256x32xf32, #tpu.memory_space<hbm>>
    %dma_start3A_112 = arith.constant 0 : i32
    %dma_start3A_113 = tpu.memref_slice %arg3[%add3A_109, %dma_start3A_112] : memref<32768x32xf32, #tpu.memory_space<hbm>> -> memref<256x32xf32, #tpu.memory_space<hbm>>
    tpu.enqueue_dma source(%arg8 : memref<256x32xf32, #tpu.memory_space<vmem>>) target(%dma_start3A_113 : memref<256x32xf32, #tpu.memory_space<hbm>>) target_semaphore(%arg12 : memref<!tpu.dma_semaphore, #tpu.memory_space<semaphore_mem>>)
    %add3A_114 = arith.constant 256 : i32
    %add3A_115 = arith.addi %mul3A_2, %add3A_114 : i32
    %dma_start3A_116 = arith.constant 256 : i32
    %dma_start3A_117 = tpu.memref_slice %arg2[%add3A_115, %dma_start3A_116] : memref<32768x1024xf32, #tpu.memory_space<hbm>> -> memref<256x128xf32, #tpu.memory_space<hbm>>
    %dma_start3A_118 = arith.constant 256 : i32
    %dma_start3A_119 = tpu.memref_slice %arg2[%add3A_115, %dma_start3A_118] : memref<32768x1024xf32, #tpu.memory_space<hbm>> -> memref<256x128xf32, #tpu.memory_space<hbm>>
    tpu.enqueue_dma source(%dma_start3A_119 : memref<256x128xf32, #tpu.memory_space<hbm>>) target(%arg6 : memref<256x128xf32, #tpu.memory_space<vmem>>) target_semaphore(%arg10 : memref<!tpu.dma_semaphore, #tpu.memory_space<semaphore_mem>>)
    %add3A_120 = arith.constant 0 : i32
    %add3A_121 = arith.addi %mul3A_2, %add3A_120 : i32
    %dma_wait3A_122 = arith.constant 256 : i32
    %dma_wait3A_123 = tpu.memref_slice %arg2[%add3A_121, %dma_wait3A_122] : memref<32768x1024xf32, #tpu.memory_space<hbm>> -> memref<256x128xf32, #tpu.memory_space<hbm>>
    %dma_wait3A_124 = arith.constant 256 : i32
    %dma_wait3A_125 = tpu.memref_slice %arg2[%add3A_121, %dma_wait3A_124] : memref<32768x1024xf32, #tpu.memory_space<hbm>> -> memref<256x128xf32, #tpu.memory_space<hbm>>
    tpu.wait_dma2 semaphore(%arg9 : memref<!tpu.dma_semaphore, #tpu.memory_space<semaphore_mem>>) src(%dma_wait3A_125 : memref<256x128xf32, #tpu.memory_space<hbm>>) dst(%arg5 : memref<256x128xf32, #tpu.memory_space<vmem>>)
    %add3A_126 = arith.constant 512 : i32
    %add3A_127 = arith.addi %mul3A_2, %add3A_126 : i32
    %dma_wait3A_128 = arith.constant 0 : i32
    %dma_wait3A_129 = tpu.memref_slice %arg3[%add3A_127, %dma_wait3A_128] : memref<32768x32xf32, #tpu.memory_space<hbm>> -> memref<256x32xf32, #tpu.memory_space<hbm>>
    %dma_wait3A_130 = arith.constant 0 : i32
    %dma_wait3A_131 = tpu.memref_slice %arg3[%add3A_127, %dma_wait3A_130] : memref<32768x32xf32, #tpu.memory_space<hbm>> -> memref<256x32xf32, #tpu.memory_space<hbm>>
    tpu.wait_dma2 semaphore(%arg11 : memref<!tpu.dma_semaphore, #tpu.memory_space<semaphore_mem>>) src(%arg7 : memref<256x32xf32, #tpu.memory_space<vmem>>) dst(%dma_wait3A_131 : memref<256x32xf32, #tpu.memory_space<hbm>>)
    %scan3A_132 = arith.constant 0 : i32
    %scan3A_133 = arith.constant 0 : i32
    %scan3A_134 = arith.constant 256 : i32
    %scan3A_135 = arith.addi %scan3A_133, %scan3A_134 : i32
    %scan3A_136 = arith.constant 8 : i32
    scf.for %scan3A_240 = %scan3A_133 to %scan3A_135 step %scan3A_136  : i32 {
      %get3A = arith.index_cast %scan3A_240 : i32 to index
      %get3A_241 = arith.constant 0 : index
      %get3A_242 = tpu.vector_load %arg5[%get3A, %get3A_241] {strides = array<i32>} : memref<256x128xf32, #tpu.memory_space<vmem>>, vector<1x16xf32>,
      %get3A_243 = vector.shape_cast %get3A_242 : vector<1x16xf32> to vector<16xf32>
      %swap3A = arith.index_cast %scan3A_240 : i32 to index
      %swap3A_244 = arith.constant 0 : index
      %swap3A_245 = tpu.vector_load %arg7[%swap3A, %swap3A_244] {strides = array<i32>} : memref<256x32xf32, #tpu.memory_space<vmem>>, vector<1x16xf32>,
      %swap3A_246 = vector.shape_cast %swap3A_245 : vector<1x16xf32> to vector<16xf32>
      %swap3A_247 = vector.shape_cast %get3A_243 : vector<16xf32> to vector<1x16xf32>
      tpu.vector_store %arg7[%swap3A, %swap3A_244], %swap3A_247 {strides = array<i32>} : memref<256x32xf32, #tpu.memory_space<vmem>>, vector<1x16xf32>,
      %get3A_248 = arith.index_cast %scan3A_240 : i32 to index
      %get3A_249 = arith.constant 16 : index
      %get3A_250 = tpu.vector_load %arg5[%get3A_248, %get3A_249] {strides = array<i32>} : memref<256x128xf32, #tpu.memory_space<vmem>>, vector<1x16xf32>,
      %get3A_251 = vector.shape_cast %get3A_250 : vector<1x16xf32> to vector<16xf32>
      %swap3A_252 = arith.index_cast %scan3A_240 : i32 to index
      %swap3A_253 = arith.constant 16 : index
      %swap3A_254 = tpu.vector_load %arg7[%swap3A_252, %swap3A_253] {strides = array<i32>} : memref<256x32xf32, #tpu.memory_space<vmem>>, vector<1x16xf32>,
      %swap3A_255 = vector.shape_cast %swap3A_254 : vector<1x16xf32> to vector<16xf32>
      %swap3A_256 = vector.shape_cast %get3A_251 : vector<16xf32> to vector<1x16xf32>
      tpu.vector_store %arg7[%swap3A_252, %swap3A_253], %swap3A_256 {strides = array<i32>} : memref<256x32xf32, #tpu.memory_space<vmem>>, vector<1x16xf32>,
      %scan3A_257 = arith.constant 1 : i32
      %scan3A_258 = arith.addi %scan3A_240, %scan3A_257 : i32
      %get3A_259 = arith.index_cast %scan3A_258 : i32 to index
      %get3A_260 = arith.constant 0 : index
      %get3A_261 = tpu.vector_load %arg5[%get3A_259, %get3A_260] {strides = array<i32>} : memref<256x128xf32, #tpu.memory_space<vmem>>, vector<1x16xf32>,
      %get3A_262 = vector.shape_cast %get3A_261 : vector<1x16xf32> to vector<16xf32>
      %swap3A_263 = arith.index_cast %scan3A_258 : i32 to index
      %swap3A_264 = arith.constant 0 : index
      %swap3A_265 = tpu.vector_load %arg7[%swap3A_263, %swap3A_264] {strides = array<i32>} : memref<256x32xf32, #tpu.memory_space<vmem>>, vector<1x16xf32>,
      %swap3A_266 = vector.shape_cast %swap3A_265 : vector<1x16xf32> to vector<16xf32>
      %swap3A_267 = vector.shape_cast %get3A_262 : vector<16xf32> to vector<1x16xf32>
      tpu.vector_store %arg7[%swap3A_263, %swap3A_264], %swap3A_267 {strides = array<i32>} : memref<256x32xf32, #tpu.memory_space<vmem>>, vector<1x16xf32>,
      %get3A_268 = arith.index_cast %scan3A_258 : i32 to index
      %get3A_269 = arith.constant 16 : index
      %get3A_270 = tpu.vector_load %arg5[%get3A_268, %get3A_269] {strides = array<i32>} : memref<256x128xf32, #tpu.memory_space<vmem>>, vector<1x16xf32>,
      %get3A_271 = vector.shape_cast %get3A_270 : vector<1x16xf32> to vector<16xf32>
      %swap3A_272 = arith.index_cast %scan3A_258 : i32 to index
      %swap3A_273 = arith.constant 16 : index
      %swap3A_274 = tpu.vector_load %arg7[%swap3A_272, %swap3A_273] {strides = array<i32>} : memref<256x32xf32, #tpu.memory_space<vmem>>, vector<1x16xf32>,
      %swap3A_275 = vector.shape_cast %swap3A_274 : vector<1x16xf32> to vector<16xf32>
      %swap3A_276 = vector.shape_cast %get3A_271 : vector<16xf32> to vector<1x16xf32>
      tpu.vector_store %arg7[%swap3A_272, %swap3A_273], %swap3A_276 {strides = array<i32>} : memref<256x32xf32, #tpu.memory_space<vmem>>, vector<1x16xf32>,
      %scan3A_277 = arith.constant 2 : i32
      %scan3A_278 = arith.addi %scan3A_240, %scan3A_277 : i32
      %get3A_279 = arith.index_cast %scan3A_278 : i32 to index
      %get3A_280 = arith.constant 0 : index
      %get3A_281 = tpu.vector_load %arg5[%get3A_279, %get3A_280] {strides = array<i32>} : memref<256x128xf32, #tpu.memory_space<vmem>>, vector<1x16xf32>,
      %get3A_282 = vector.shape_cast %get3A_281 : vector<1x16xf32> to vector<16xf32>
      %swap3A_283 = arith.index_cast %scan3A_278 : i32 to index
      %swap3A_284 = arith.constant 0 : index
      %swap3A_285 = tpu.vector_load %arg7[%swap3A_283, %swap3A_284] {strides = array<i32>} : memref<256x32xf32, #tpu.memory_space<vmem>>, vector<1x16xf32>,
      %swap3A_286 = vector.shape_cast %swap3A_285 : vector<1x16xf32> to vector<16xf32>
      %swap3A_287 = vector.shape_cast %get3A_282 : vector<16xf32> to vector<1x16xf32>
      tpu.vector_store %arg7[%swap3A_283, %swap3A_284], %swap3A_287 {strides = array<i32>} : memref<256x32xf32, #tpu.memory_space<vmem>>, vector<1x16xf32>,
      %get3A_288 = arith.index_cast %scan3A_278 : i32 to index
      %get3A_289 = arith.constant 16 : index
      %get3A_290 = tpu.vector_load %arg5[%get3A_288, %get3A_289] {strides = array<i32>} : memref<256x128xf32, #tpu.memory_space<vmem>>, vector<1x16xf32>,
      %get3A_291 = vector.shape_cast %get3A_290 : vector<1x16xf32> to vector<16xf32>
      %swap3A_292 = arith.index_cast %scan3A_278 : i32 to index
      %swap3A_293 = arith.constant 16 : index
      %swap3A_294 = tpu.vector_load %arg7[%swap3A_292, %swap3A_293] {strides = array<i32>} : memref<256x32xf32, #tpu.memory_space<vmem>>, vector<1x16xf32>,
      %swap3A_295 = vector.shape_cast %swap3A_294 : vector<1x16xf32> to vector<16xf32>
      %swap3A_296 = vector.shape_cast %get3A_291 : vector<16xf32> to vector<1x16xf32>
      tpu.vector_store %arg7[%swap3A_292, %swap3A_293], %swap3A_296 {strides = array<i32>} : memref<256x32xf32, #tpu.memory_space<vmem>>, vector<1x16xf32>,
      %scan3A_297 = arith.constant 3 : i32
      %scan3A_298 = arith.addi %scan3A_240, %scan3A_297 : i32
      %get3A_299 = arith.index_cast %scan3A_298 : i32 to index
      %get3A_300 = arith.constant 0 : index
      %get3A_301 = tpu.vector_load %arg5[%get3A_299, %get3A_300] {strides = array<i32>} : memref<256x128xf32, #tpu.memory_space<vmem>>, vector<1x16xf32>,
      %get3A_302 = vector.shape_cast %get3A_301 : vector<1x16xf32> to vector<16xf32>
      %swap3A_303 = arith.index_cast %scan3A_298 : i32 to index
      %swap3A_304 = arith.constant 0 : index
      %swap3A_305 = tpu.vector_load %arg7[%swap3A_303, %swap3A_304] {strides = array<i32>} : memref<256x32xf32, #tpu.memory_space<vmem>>, vector<1x16xf32>,
      %swap3A_306 = vector.shape_cast %swap3A_305 : vector<1x16xf32> to vector<16xf32>
      %swap3A_307 = vector.shape_cast %get3A_302 : vector<16xf32> to vector<1x16xf32>
      tpu.vector_store %arg7[%swap3A_303, %swap3A_304], %swap3A_307 {strides = array<i32>} : memref<256x32xf32, #tpu.memory_space<vmem>>, vector<1x16xf32>,
      %get3A_308 = arith.index_cast %scan3A_298 : i32 to index
      %get3A_309 = arith.constant 16 : index
      %get3A_310 = tpu.vector_load %arg5[%get3A_308, %get3A_309] {strides = array<i32>} : memref<256x128xf32, #tpu.memory_space<vmem>>, vector<1x16xf32>,
      %get3A_311 = vector.shape_cast %get3A_310 : vector<1x16xf32> to vector<16xf32>
      %swap3A_312 = arith.index_cast %scan3A_298 : i32 to index
      %swap3A_313 = arith.constant 16 : index
      %swap3A_314 = tpu.vector_load %arg7[%swap3A_312, %swap3A_313] {strides = array<i32>} : memref<256x32xf32, #tpu.memory_space<vmem>>, vector<1x16xf32>,
      %swap3A_315 = vector.shape_cast %swap3A_314 : vector<1x16xf32> to vector<16xf32>
      %swap3A_316 = vector.shape_cast %get3A_311 : vector<16xf32> to vector<1x16xf32>
      tpu.vector_store %arg7[%swap3A_312, %swap3A_313], %swap3A_316 {strides = array<i32>} : memref<256x32xf32, #tpu.memory_space<vmem>>, vector<1x16xf32>,
      %scan3A_317 = arith.constant 4 : i32
      %scan3A_318 = arith.addi %scan3A_240, %scan3A_317 : i32
      %get3A_319 = arith.index_cast %scan3A_318 : i32 to index
      %get3A_320 = arith.constant 0 : index
      %get3A_321 = tpu.vector_load %arg5[%get3A_319, %get3A_320] {strides = array<i32>} : memref<256x128xf32, #tpu.memory_space<vmem>>, vector<1x16xf32>,
      %get3A_322 = vector.shape_cast %get3A_321 : vector<1x16xf32> to vector<16xf32>
      %swap3A_323 = arith.index_cast %scan3A_318 : i32 to index
      %swap3A_324 = arith.constant 0 : index
      %swap3A_325 = tpu.vector_load %arg7[%swap3A_323, %swap3A_324] {strides = array<i32>} : memref<256x32xf32, #tpu.memory_space<vmem>>, vector<1x16xf32>,
      %swap3A_326 = vector.shape_cast %swap3A_325 : vector<1x16xf32> to vector<16xf32>
      %swap3A_327 = vector.shape_cast %get3A_322 : vector<16xf32> to vector<1x16xf32>
      tpu.vector_store %arg7[%swap3A_323, %swap3A_324], %swap3A_327 {strides = array<i32>} : memref<256x32xf32, #tpu.memory_space<vmem>>, vector<1x16xf32>,
      %get3A_328 = arith.index_cast %scan3A_318 : i32 to index
      %get3A_329 = arith.constant 16 : index
      %get3A_330 = tpu.vector_load %arg5[%get3A_328, %get3A_329] {strides = array<i32>} : memref<256x128xf32, #tpu.memory_space<vmem>>, vector<1x16xf32>,
      %get3A_331 = vector.shape_cast %get3A_330 : vector<1x16xf32> to vector<16xf32>
      %swap3A_332 = arith.index_cast %scan3A_318 : i32 to index
      %swap3A_333 = arith.constant 16 : index
      %swap3A_334 = tpu.vector_load %arg7[%swap3A_332, %swap3A_333] {strides = array<i32>} : memref<256x32xf32, #tpu.memory_space<vmem>>, vector<1x16xf32>,
      %swap3A_335 = vector.shape_cast %swap3A_334 : vector<1x16xf32> to vector<16xf32>
      %swap3A_336 = vector.shape_cast %get3A_331 : vector<16xf32> to vector<1x16xf32>
      tpu.vector_store %arg7[%swap3A_332, %swap3A_333], %swap3A_336 {strides = array<i32>} : memref<256x32xf32, #tpu.memory_space<vmem>>, vector<1x16xf32>,
      %scan3A_337 = arith.constant 5 : i32
      %scan3A_338 = arith.addi %scan3A_240, %scan3A_337 : i32
      %get3A_339 = arith.index_cast %scan3A_338 : i32 to index
      %get3A_340 = arith.constant 0 : index
      %get3A_341 = tpu.vector_load %arg5[%get3A_339, %get3A_340] {strides = array<i32>} : memref<256x128xf32, #tpu.memory_space<vmem>>, vector<1x16xf32>,
      %get3A_342 = vector.shape_cast %get3A_341 : vector<1x16xf32> to vector<16xf32>
      %swap3A_343 = arith.index_cast %scan3A_338 : i32 to index
      %swap3A_344 = arith.constant 0 : index
      %swap3A_345 = tpu.vector_load %arg7[%swap3A_343, %swap3A_344] {strides = array<i32>} : memref<256x32xf32, #tpu.memory_space<vmem>>, vector<1x16xf32>,
      %swap3A_346 = vector.shape_cast %swap3A_345 : vector<1x16xf32> to vector<16xf32>
      %swap3A_347 = vector.shape_cast %get3A_342 : vector<16xf32> to vector<1x16xf32>
      tpu.vector_store %arg7[%swap3A_343, %swap3A_344], %swap3A_347 {strides = array<i32>} : memref<256x32xf32, #tpu.memory_space<vmem>>, vector<1x16xf32>,
      %get3A_348 = arith.index_cast %scan3A_338 : i32 to index
      %get3A_349 = arith.constant 16 : index
      %get3A_350 = tpu.vector_load %arg5[%get3A_348, %get3A_349] {strides = array<i32>} : memref<256x128xf32, #tpu.memory_space<vmem>>, vector<1x16xf32>,
      %get3A_351 = vector.shape_cast %get3A_350 : vector<1x16xf32> to vector<16xf32>
      %swap3A_352 = arith.index_cast %scan3A_338 : i32 to index
      %swap3A_353 = arith.constant 16 : index
      %swap3A_354 = tpu.vector_load %arg7[%swap3A_352, %swap3A_353] {strides = array<i32>} : memref<256x32xf32, #tpu.memory_space<vmem>>, vector<1x16xf32>,
      %swap3A_355 = vector.shape_cast %swap3A_354 : vector<1x16xf32> to vector<16xf32>
      %swap3A_356 = vector.shape_cast %get3A_351 : vector<16xf32> to vector<1x16xf32>
      tpu.vector_store %arg7[%swap3A_352, %swap3A_353], %swap3A_356 {strides = array<i32>} : memref<256x32xf32, #tpu.memory_space<vmem>>, vector<1x16xf32>,
      %scan3A_357 = arith.constant 6 : i32
      %scan3A_358 = arith.addi %scan3A_240, %scan3A_357 : i32
      %get3A_359 = arith.index_cast %scan3A_358 : i32 to index
      %get3A_360 = arith.constant 0 : index
      %get3A_361 = tpu.vector_load %arg5[%get3A_359, %get3A_360] {strides = array<i32>} : memref<256x128xf32, #tpu.memory_space<vmem>>, vector<1x16xf32>,
      %get3A_362 = vector.shape_cast %get3A_361 : vector<1x16xf32> to vector<16xf32>
      %swap3A_363 = arith.index_cast %scan3A_358 : i32 to index
      %swap3A_364 = arith.constant 0 : index
      %swap3A_365 = tpu.vector_load %arg7[%swap3A_363, %swap3A_364] {strides = array<i32>} : memref<256x32xf32, #tpu.memory_space<vmem>>, vector<1x16xf32>,
      %swap3A_366 = vector.shape_cast %swap3A_365 : vector<1x16xf32> to vector<16xf32>
      %swap3A_367 = vector.shape_cast %get3A_362 : vector<16xf32> to vector<1x16xf32>
      tpu.vector_store %arg7[%swap3A_363, %swap3A_364], %swap3A_367 {strides = array<i32>} : memref<256x32xf32, #tpu.memory_space<vmem>>, vector<1x16xf32>,
      %get3A_368 = arith.index_cast %scan3A_358 : i32 to index
      %get3A_369 = arith.constant 16 : index
      %get3A_370 = tpu.vector_load %arg5[%get3A_368, %get3A_369] {strides = array<i32>} : memref<256x128xf32, #tpu.memory_space<vmem>>, vector<1x16xf32>,
      %get3A_371 = vector.shape_cast %get3A_370 : vector<1x16xf32> to vector<16xf32>
      %swap3A_372 = arith.index_cast %scan3A_358 : i32 to index
      %swap3A_373 = arith.constant 16 : index
      %swap3A_374 = tpu.vector_load %arg7[%swap3A_372, %swap3A_373] {strides = array<i32>} : memref<256x32xf32, #tpu.memory_space<vmem>>, vector<1x16xf32>,
      %swap3A_375 = vector.shape_cast %swap3A_374 : vector<1x16xf32> to vector<16xf32>
      %swap3A_376 = vector.shape_cast %get3A_371 : vector<16xf32> to vector<1x16xf32>
      tpu.vector_store %arg7[%swap3A_372, %swap3A_373], %swap3A_376 {strides = array<i32>} : memref<256x32xf32, #tpu.memory_space<vmem>>, vector<1x16xf32>,
      %scan3A_377 = arith.constant 7 : i32
      %scan3A_378 = arith.addi %scan3A_240, %scan3A_377 : i32
      %get3A_379 = arith.index_cast %scan3A_378 : i32 to index
      %get3A_380 = arith.constant 0 : index
      %get3A_381 = tpu.vector_load %arg5[%get3A_379, %get3A_380] {strides = array<i32>} : memref<256x128xf32, #tpu.memory_space<vmem>>, vector<1x16xf32>,
      %get3A_382 = vector.shape_cast %get3A_381 : vector<1x16xf32> to vector<16xf32>
      %swap3A_383 = arith.index_cast %scan3A_378 : i32 to index
      %swap3A_384 = arith.constant 0 : index
      %swap3A_385 = tpu.vector_load %arg7[%swap3A_383, %swap3A_384] {strides = array<i32>} : memref<256x32xf32, #tpu.memory_space<vmem>>, vector<1x16xf32>,
      %swap3A_386 = vector.shape_cast %swap3A_385 : vector<1x16xf32> to vector<16xf32>
      %swap3A_387 = vector.shape_cast %get3A_382 : vector<16xf32> to vector<1x16xf32>
      tpu.vector_store %arg7[%swap3A_383, %swap3A_384], %swap3A_387 {strides = array<i32>} : memref<256x32xf32, #tpu.memory_space<vmem>>, vector<1x16xf32>,
      %get3A_388 = arith.index_cast %scan3A_378 : i32 to index
      %get3A_389 = arith.constant 16 : index
      %get3A_390 = tpu.vector_load %arg5[%get3A_388, %get3A_389] {strides = array<i32>} : memref<256x128xf32, #tpu.memory_space<vmem>>, vector<1x16xf32>,
      %get3A_391 = vector.shape_cast %get3A_390 : vector<1x16xf32> to vector<16xf32>
      %swap3A_392 = arith.index_cast %scan3A_378 : i32 to index
      %swap3A_393 = arith.constant 16 : index
      %swap3A_394 = tpu.vector_load %arg7[%swap3A_392, %swap3A_393] {strides = array<i32>} : memref<256x32xf32, #tpu.memory_space<vmem>>, vector<1x16xf32>,
      %swap3A_395 = vector.shape_cast %swap3A_394 : vector<1x16xf32> to vector<16xf32>
      %swap3A_396 = vector.shape_cast %get3A_391 : vector<16xf32> to vector<1x16xf32>
      tpu.vector_store %arg7[%swap3A_392, %swap3A_393], %swap3A_396 {strides = array<i32>} : memref<256x32xf32, #tpu.memory_space<vmem>>, vector<1x16xf32>,
    }
    %scan3A_137 = arith.constant 256 : i32
    %add3A_138 = arith.constant 0 : i32
    %add3A_139 = arith.addi %mul3A_2, %add3A_138 : i32
    %dma_start3A_140 = arith.constant 0 : i32
    %dma_start3A_141 = tpu.memref_slice %arg4[%add3A_139, %dma_start3A_140] : memref<32768x32xf32, #tpu.memory_space<hbm>> -> memref<256x32xf32, #tpu.memory_space<hbm>>
    %dma_start3A_142 = arith.constant 0 : i32
    %dma_start3A_143 = tpu.memref_slice %arg4[%add3A_139, %dma_start3A_142] : memref<32768x32xf32, #tpu.memory_space<hbm>> -> memref<256x32xf32, #tpu.memory_space<hbm>>
    tpu.enqueue_dma source(%arg7 : memref<256x32xf32, #tpu.memory_space<vmem>>) target(%dma_start3A_143 : memref<256x32xf32, #tpu.memory_space<hbm>>) target_semaphore(%arg11 : memref<!tpu.dma_semaphore, #tpu.memory_space<semaphore_mem>>)
    %add3A_144 = arith.constant 512 : i32
    %add3A_145 = arith.addi %mul3A_2, %add3A_144 : i32
    %dma_start3A_146 = arith.constant 256 : i32
    %dma_start3A_147 = tpu.memref_slice %arg2[%add3A_145, %dma_start3A_146] : memref<32768x1024xf32, #tpu.memory_space<hbm>> -> memref<256x128xf32, #tpu.memory_space<hbm>>
    %dma_start3A_148 = arith.constant 256 : i32
    %dma_start3A_149 = tpu.memref_slice %arg2[%add3A_145, %dma_start3A_148] : memref<32768x1024xf32, #tpu.memory_space<hbm>> -> memref<256x128xf32, #tpu.memory_space<hbm>>
    tpu.enqueue_dma source(%dma_start3A_149 : memref<256x128xf32, #tpu.memory_space<hbm>>) target(%arg5 : memref<256x128xf32, #tpu.memory_space<vmem>>) target_semaphore(%arg9 : memref<!tpu.dma_semaphore, #tpu.memory_space<semaphore_mem>>)
    %add3A_150 = arith.constant 256 : i32
    %add3A_151 = arith.addi %mul3A_2, %add3A_150 : i32
    %dma_wait3A_152 = arith.constant 256 : i32
    %dma_wait3A_153 = tpu.memref_slice %arg2[%add3A_151, %dma_wait3A_152] : memref<32768x1024xf32, #tpu.memory_space<hbm>> -> memref<256x128xf32, #tpu.memory_space<hbm>>
    %dma_wait3A_154 = arith.constant 256 : i32
    %dma_wait3A_155 = tpu.memref_slice %arg2[%add3A_151, %dma_wait3A_154] : memref<32768x1024xf32, #tpu.memory_space<hbm>> -> memref<256x128xf32, #tpu.memory_space<hbm>>
    tpu.wait_dma2 semaphore(%arg10 : memref<!tpu.dma_semaphore, #tpu.memory_space<semaphore_mem>>) src(%dma_wait3A_155 : memref<256x128xf32, #tpu.memory_space<hbm>>) dst(%arg6 : memref<256x128xf32, #tpu.memory_space<vmem>>)
    %add3A_156 = arith.constant 768 : i32
    %add3A_157 = arith.addi %mul3A_2, %add3A_156 : i32
    %dma_wait3A_158 = arith.constant 0 : i32
    %dma_wait3A_159 = tpu.memref_slice %arg3[%add3A_157, %dma_wait3A_158] : memref<32768x32xf32, #tpu.memory_space<hbm>> -> memref<256x32xf32, #tpu.memory_space<hbm>>
    %dma_wait3A_160 = arith.constant 0 : i32
    %dma_wait3A_161 = tpu.memref_slice %arg3[%add3A_157, %dma_wait3A_160] : memref<32768x32xf32, #tpu.memory_space<hbm>> -> memref<256x32xf32, #tpu.memory_space<hbm>>
    tpu.wait_dma2 semaphore(%arg12 : memref<!tpu.dma_semaphore, #tpu.memory_space<semaphore_mem>>) src(%arg8 : memref<256x32xf32, #tpu.memory_space<vmem>>) dst(%dma_wait3A_161 : memref<256x32xf32, #tpu.memory_space<hbm>>)
    %scan3A_162 = arith.constant 0 : i32
    %scan3A_163 = arith.constant 0 : i32
    %scan3A_164 = arith.constant 256 : i32
    %scan3A_165 = arith.addi %scan3A_163, %scan3A_164 : i32
    %scan3A_166 = arith.constant 8 : i32
    scf.for %scan3A_240 = %scan3A_163 to %scan3A_165 step %scan3A_166  : i32 {
      %get3A = arith.index_cast %scan3A_240 : i32 to index
      %get3A_241 = arith.constant 0 : index
      %get3A_242 = tpu.vector_load %arg6[%get3A, %get3A_241] {strides = array<i32>} : memref<256x128xf32, #tpu.memory_space<vmem>>, vector<1x16xf32>,
      %get3A_243 = vector.shape_cast %get3A_242 : vector<1x16xf32> to vector<16xf32>
      %swap3A = arith.index_cast %scan3A_240 : i32 to index
      %swap3A_244 = arith.constant 0 : index
      %swap3A_245 = tpu.vector_load %arg8[%swap3A, %swap3A_244] {strides = array<i32>} : memref<256x32xf32, #tpu.memory_space<vmem>>, vector<1x16xf32>,
      %swap3A_246 = vector.shape_cast %swap3A_245 : vector<1x16xf32> to vector<16xf32>
      %swap3A_247 = vector.shape_cast %get3A_243 : vector<16xf32> to vector<1x16xf32>
      tpu.vector_store %arg8[%swap3A, %swap3A_244], %swap3A_247 {strides = array<i32>} : memref<256x32xf32, #tpu.memory_space<vmem>>, vector<1x16xf32>,
      %get3A_248 = arith.index_cast %scan3A_240 : i32 to index
      %get3A_249 = arith.constant 16 : index
      %get3A_250 = tpu.vector_load %arg6[%get3A_248, %get3A_249] {strides = array<i32>} : memref<256x128xf32, #tpu.memory_space<vmem>>, vector<1x16xf32>,
      %get3A_251 = vector.shape_cast %get3A_250 : vector<1x16xf32> to vector<16xf32>
      %swap3A_252 = arith.index_cast %scan3A_240 : i32 to index
      %swap3A_253 = arith.constant 16 : index
      %swap3A_254 = tpu.vector_load %arg8[%swap3A_252, %swap3A_253] {strides = array<i32>} : memref<256x32xf32, #tpu.memory_space<vmem>>, vector<1x16xf32>,
      %swap3A_255 = vector.shape_cast %swap3A_254 : vector<1x16xf32> to vector<16xf32>
      %swap3A_256 = vector.shape_cast %get3A_251 : vector<16xf32> to vector<1x16xf32>
      tpu.vector_store %arg8[%swap3A_252, %swap3A_253], %swap3A_256 {strides = array<i32>} : memref<256x32xf32, #tpu.memory_space<vmem>>, vector<1x16xf32>,
      %scan3A_257 = arith.constant 1 : i32
      %scan3A_258 = arith.addi %scan3A_240, %scan3A_257 : i32
      %get3A_259 = arith.index_cast %scan3A_258 : i32 to index
      %get3A_260 = arith.constant 0 : index
      %get3A_261 = tpu.vector_load %arg6[%get3A_259, %get3A_260] {strides = array<i32>} : memref<256x128xf32, #tpu.memory_space<vmem>>, vector<1x16xf32>,
      %get3A_262 = vector.shape_cast %get3A_261 : vector<1x16xf32> to vector<16xf32>
      %swap3A_263 = arith.index_cast %scan3A_258 : i32 to index
      %swap3A_264 = arith.constant 0 : index
      %swap3A_265 = tpu.vector_load %arg8[%swap3A_263, %swap3A_264] {strides = array<i32>} : memref<256x32xf32, #tpu.memory_space<vmem>>, vector<1x16xf32>,
      %swap3A_266 = vector.shape_cast %swap3A_265 : vector<1x16xf32> to vector<16xf32>
      %swap3A_267 = vector.shape_cast %get3A_262 : vector<16xf32> to vector<1x16xf32>
      tpu.vector_store %arg8[%swap3A_263, %swap3A_264], %swap3A_267 {strides = array<i32>} : memref<256x32xf32, #tpu.memory_space<vmem>>, vector<1x16xf32>,
      %get3A_268 = arith.index_cast %scan3A_258 : i32 to index
      %get3A_269 = arith.constant 16 : index
      %get3A_270 = tpu.vector_load %arg6[%get3A_268, %get3A_269] {strides = array<i32>} : memref<256x128xf32, #tpu.memory_space<vmem>>, vector<1x16xf32>,
      %get3A_271 = vector.shape_cast %get3A_270 : vector<1x16xf32> to vector<16xf32>
      %swap3A_272 = arith.index_cast %scan3A_258 : i32 to index
      %swap3A_273 = arith.constant 16 : index
      %swap3A_274 = tpu.vector_load %arg8[%swap3A_272, %swap3A_273] {strides = array<i32>} : memref<256x32xf32, #tpu.memory_space<vmem>>, vector<1x16xf32>,
      %swap3A_275 = vector.shape_cast %swap3A_274 : vector<1x16xf32> to vector<16xf32>
      %swap3A_276 = vector.shape_cast %get3A_271 : vector<16xf32> to vector<1x16xf32>
      tpu.vector_store %arg8[%swap3A_272, %swap3A_273], %swap3A_276 {strides = array<i32>} : memref<256x32xf32, #tpu.memory_space<vmem>>, vector<1x16xf32>,
      %scan3A_277 = arith.constant 2 : i32
      %scan3A_278 = arith.addi %scan3A_240, %scan3A_277 : i32
      %get3A_279 = arith.index_cast %scan3A_278 : i32 to index
      %get3A_280 = arith.constant 0 : index
      %get3A_281 = tpu.vector_load %arg6[%get3A_279, %get3A_280] {strides = array<i32>} : memref<256x128xf32, #tpu.memory_space<vmem>>, vector<1x16xf32>,
      %get3A_282 = vector.shape_cast %get3A_281 : vector<1x16xf32> to vector<16xf32>
      %swap3A_283 = arith.index_cast %scan3A_278 : i32 to index
      %swap3A_284 = arith.constant 0 : index
      %swap3A_285 = tpu.vector_load %arg8[%swap3A_283, %swap3A_284] {strides = array<i32>} : memref<256x32xf32, #tpu.memory_space<vmem>>, vector<1x16xf32>,
      %swap3A_286 = vector.shape_cast %swap3A_285 : vector<1x16xf32> to vector<16xf32>
      %swap3A_287 = vector.shape_cast %get3A_282 : vector<16xf32> to vector<1x16xf32>
      tpu.vector_store %arg8[%swap3A_283, %swap3A_284], %swap3A_287 {strides = array<i32>} : memref<256x32xf32, #tpu.memory_space<vmem>>, vector<1x16xf32>,
      %get3A_288 = arith.index_cast %scan3A_278 : i32 to index
      %get3A_289 = arith.constant 16 : index
      %get3A_290 = tpu.vector_load %arg6[%get3A_288, %get3A_289] {strides = array<i32>} : memref<256x128xf32, #tpu.memory_space<vmem>>, vector<1x16xf32>,
      %get3A_291 = vector.shape_cast %get3A_290 : vector<1x16xf32> to vector<16xf32>
      %swap3A_292 = arith.index_cast %scan3A_278 : i32 to index
      %swap3A_293 = arith.constant 16 : index
      %swap3A_294 = tpu.vector_load %arg8[%swap3A_292, %swap3A_293] {strides = array<i32>} : memref<256x32xf32, #tpu.memory_space<vmem>>, vector<1x16xf32>,
      %swap3A_295 = vector.shape_cast %swap3A_294 : vector<1x16xf32> to vector<16xf32>
      %swap3A_296 = vector.shape_cast %get3A_291 : vector<16xf32> to vector<1x16xf32>
      tpu.vector_store %arg8[%swap3A_292, %swap3A_293], %swap3A_296 {strides = array<i32>} : memref<256x32xf32, #tpu.memory_space<vmem>>, vector<1x16xf32>,
      %scan3A_297 = arith.constant 3 : i32
      %scan3A_298 = arith.addi %scan3A_240, %scan3A_297 : i32
      %get3A_299 = arith.index_cast %scan3A_298 : i32 to index
      %get3A_300 = arith.constant 0 : index
      %get3A_301 = tpu.vector_load %arg6[%get3A_299, %get3A_300] {strides = array<i32>} : memref<256x128xf32, #tpu.memory_space<vmem>>, vector<1x16xf32>,
      %get3A_302 = vector.shape_cast %get3A_301 : vector<1x16xf32> to vector<16xf32>
      %swap3A_303 = arith.index_cast %scan3A_298 : i32 to index
      %swap3A_304 = arith.constant 0 : index
      %swap3A_305 = tpu.vector_load %arg8[%swap3A_303, %swap3A_304] {strides = array<i32>} : memref<256x32xf32, #tpu.memory_space<vmem>>, vector<1x16xf32>,
      %swap3A_306 = vector.shape_cast %swap3A_305 : vector<1x16xf32> to vector<16xf32>
      %swap3A_307 = vector.shape_cast %get3A_302 : vector<16xf32> to vector<1x16xf32>
      tpu.vector_store %arg8[%swap3A_303, %swap3A_304], %swap3A_307 {strides = array<i32>} : memref<256x32xf32, #tpu.memory_space<vmem>>, vector<1x16xf32>,
      %get3A_308 = arith.index_cast %scan3A_298 : i32 to index
      %get3A_309 = arith.constant 16 : index
      %get3A_310 = tpu.vector_load %arg6[%get3A_308, %get3A_309] {strides = array<i32>} : memref<256x128xf32, #tpu.memory_space<vmem>>, vector<1x16xf32>,
      %get3A_311 = vector.shape_cast %get3A_310 : vector<1x16xf32> to vector<16xf32>
      %swap3A_312 = arith.index_cast %scan3A_298 : i32 to index
      %swap3A_313 = arith.constant 16 : index
      %swap3A_314 = tpu.vector_load %arg8[%swap3A_312, %swap3A_313] {strides = array<i32>} : memref<256x32xf32, #tpu.memory_space<vmem>>, vector<1x16xf32>,
      %swap3A_315 = vector.shape_cast %swap3A_314 : vector<1x16xf32> to vector<16xf32>
      %swap3A_316 = vector.shape_cast %get3A_311 : vector<16xf32> to vector<1x16xf32>
      tpu.vector_store %arg8[%swap3A_312, %swap3A_313], %swap3A_316 {strides = array<i32>} : memref<256x32xf32, #tpu.memory_space<vmem>>, vector<1x16xf32>,
      %scan3A_317 = arith.constant 4 : i32
      %scan3A_318 = arith.addi %scan3A_240, %scan3A_317 : i32
      %get3A_319 = arith.index_cast %scan3A_318 : i32 to index
      %get3A_320 = arith.constant 0 : index
      %get3A_321 = tpu.vector_load %arg6[%get3A_319, %get3A_320] {strides = array<i32>} : memref<256x128xf32, #tpu.memory_space<vmem>>, vector<1x16xf32>,
      %get3A_322 = vector.shape_cast %get3A_321 : vector<1x16xf32> to vector<16xf32>
      %swap3A_323 = arith.index_cast %scan3A_318 : i32 to index
      %swap3A_324 = arith.constant 0 : index
      %swap3A_325 = tpu.vector_load %arg8[%swap3A_323, %swap3A_324] {strides = array<i32>} : memref<256x32xf32, #tpu.memory_space<vmem>>, vector<1x16xf32>,
      %swap3A_326 = vector.shape_cast %swap3A_325 : vector<1x16xf32> to vector<16xf32>
      %swap3A_327 = vector.shape_cast %get3A_322 : vector<16xf32> to vector<1x16xf32>
      tpu.vector_store %arg8[%swap3A_323, %swap3A_324], %swap3A_327 {strides = array<i32>} : memref<256x32xf32, #tpu.memory_space<vmem>>, vector<1x16xf32>,
      %get3A_328 = arith.index_cast %scan3A_318 : i32 to index
      %get3A_329 = arith.constant 16 : index
      %get3A_330 = tpu.vector_load %arg6[%get3A_328, %get3A_329] {strides = array<i32>} : memref<256x128xf32, #tpu.memory_space<vmem>>, vector<1x16xf32>,
      %get3A_331 = vector.shape_cast %get3A_330 : vector<1x16xf32> to vector<16xf32>
      %swap3A_332 = arith.index_cast %scan3A_318 : i32 to index
      %swap3A_333 = arith.constant 16 : index
      %swap3A_334 = tpu.vector_load %arg8[%swap3A_332, %swap3A_333] {strides = array<i32>} : memref<256x32xf32, #tpu.memory_space<vmem>>, vector<1x16xf32>,
      %swap3A_335 = vector.shape_cast %swap3A_334 : vector<1x16xf32> to vector<16xf32>
      %swap3A_336 = vector.shape_cast %get3A_331 : vector<16xf32> to vector<1x16xf32>
      tpu.vector_store %arg8[%swap3A_332, %swap3A_333], %swap3A_336 {strides = array<i32>} : memref<256x32xf32, #tpu.memory_space<vmem>>, vector<1x16xf32>,
      %scan3A_337 = arith.constant 5 : i32
      %scan3A_338 = arith.addi %scan3A_240, %scan3A_337 : i32
      %get3A_339 = arith.index_cast %scan3A_338 : i32 to index
      %get3A_340 = arith.constant 0 : index
      %get3A_341 = tpu.vector_load %arg6[%get3A_339, %get3A_340] {strides = array<i32>} : memref<256x128xf32, #tpu.memory_space<vmem>>, vector<1x16xf32>,
      %get3A_342 = vector.shape_cast %get3A_341 : vector<1x16xf32> to vector<16xf32>
      %swap3A_343 = arith.index_cast %scan3A_338 : i32 to index
      %swap3A_344 = arith.constant 0 : index
      %swap3A_345 = tpu.vector_load %arg8[%swap3A_343, %swap3A_344] {strides = array<i32>} : memref<256x32xf32, #tpu.memory_space<vmem>>, vector<1x16xf32>,
      %swap3A_346 = vector.shape_cast %swap3A_345 : vector<1x16xf32> to vector<16xf32>
      %swap3A_347 = vector.shape_cast %get3A_342 : vector<16xf32> to vector<1x16xf32>
      tpu.vector_store %arg8[%swap3A_343, %swap3A_344], %swap3A_347 {strides = array<i32>} : memref<256x32xf32, #tpu.memory_space<vmem>>, vector<1x16xf32>,
      %get3A_348 = arith.index_cast %scan3A_338 : i32 to index
      %get3A_349 = arith.constant 16 : index
      %get3A_350 = tpu.vector_load %arg6[%get3A_348, %get3A_349] {strides = array<i32>} : memref<256x128xf32, #tpu.memory_space<vmem>>, vector<1x16xf32>,
      %get3A_351 = vector.shape_cast %get3A_350 : vector<1x16xf32> to vector<16xf32>
      %swap3A_352 = arith.index_cast %scan3A_338 : i32 to index
      %swap3A_353 = arith.constant 16 : index
      %swap3A_354 = tpu.vector_load %arg8[%swap3A_352, %swap3A_353] {strides = array<i32>} : memref<256x32xf32, #tpu.memory_space<vmem>>, vector<1x16xf32>,
      %swap3A_355 = vector.shape_cast %swap3A_354 : vector<1x16xf32> to vector<16xf32>
      %swap3A_356 = vector.shape_cast %get3A_351 : vector<16xf32> to vector<1x16xf32>
      tpu.vector_store %arg8[%swap3A_352, %swap3A_353], %swap3A_356 {strides = array<i32>} : memref<256x32xf32, #tpu.memory_space<vmem>>, vector<1x16xf32>,
      %scan3A_357 = arith.constant 6 : i32
      %scan3A_358 = arith.addi %scan3A_240, %scan3A_357 : i32
      %get3A_359 = arith.index_cast %scan3A_358 : i32 to index
      %get3A_360 = arith.constant 0 : index
      %get3A_361 = tpu.vector_load %arg6[%get3A_359, %get3A_360] {strides = array<i32>} : memref<256x128xf32, #tpu.memory_space<vmem>>, vector<1x16xf32>,
      %get3A_362 = vector.shape_cast %get3A_361 : vector<1x16xf32> to vector<16xf32>
      %swap3A_363 = arith.index_cast %scan3A_358 : i32 to index
      %swap3A_364 = arith.constant 0 : index
      %swap3A_365 = tpu.vector_load %arg8[%swap3A_363, %swap3A_364] {strides = array<i32>} : memref<256x32xf32, #tpu.memory_space<vmem>>, vector<1x16xf32>,
      %swap3A_366 = vector.shape_cast %swap3A_365 : vector<1x16xf32> to vector<16xf32>
      %swap3A_367 = vector.shape_cast %get3A_362 : vector<16xf32> to vector<1x16xf32>
      tpu.vector_store %arg8[%swap3A_363, %swap3A_364], %swap3A_367 {strides = array<i32>} : memref<256x32xf32, #tpu.memory_space<vmem>>, vector<1x16xf32>,
      %get3A_368 = arith.index_cast %scan3A_358 : i32 to index
      %get3A_369 = arith.constant 16 : index
      %get3A_370 = tpu.vector_load %arg6[%get3A_368, %get3A_369] {strides = array<i32>} : memref<256x128xf32, #tpu.memory_space<vmem>>, vector<1x16xf32>,
      %get3A_371 = vector.shape_cast %get3A_370 : vector<1x16xf32> to vector<16xf32>
      %swap3A_372 = arith.index_cast %scan3A_358 : i32 to index
      %swap3A_373 = arith.constant 16 : index
      %swap3A_374 = tpu.vector_load %arg8[%swap3A_372, %swap3A_373] {strides = array<i32>} : memref<256x32xf32, #tpu.memory_space<vmem>>, vector<1x16xf32>,
      %swap3A_375 = vector.shape_cast %swap3A_374 : vector<1x16xf32> to vector<16xf32>
      %swap3A_376 = vector.shape_cast %get3A_371 : vector<16xf32> to vector<1x16xf32>
      tpu.vector_store %arg8[%swap3A_372, %swap3A_373], %swap3A_376 {strides = array<i32>} : memref<256x32xf32, #tpu.memory_space<vmem>>, vector<1x16xf32>,
      %scan3A_377 = arith.constant 7 : i32
      %scan3A_378 = arith.addi %scan3A_240, %scan3A_377 : i32
      %get3A_379 = arith.index_cast %scan3A_378 : i32 to index
      %get3A_380 = arith.constant 0 : index
      %get3A_381 = tpu.vector_load %arg6[%get3A_379, %get3A_380] {strides = array<i32>} : memref<256x128xf32, #tpu.memory_space<vmem>>, vector<1x16xf32>,
      %get3A_382 = vector.shape_cast %get3A_381 : vector<1x16xf32> to vector<16xf32>
      %swap3A_383 = arith.index_cast %scan3A_378 : i32 to index
      %swap3A_384 = arith.constant 0 : index
      %swap3A_385 = tpu.vector_load %arg8[%swap3A_383, %swap3A_384] {strides = array<i32>} : memref<256x32xf32, #tpu.memory_space<vmem>>, vector<1x16xf32>,
      %swap3A_386 = vector.shape_cast %swap3A_385 : vector<1x16xf32> to vector<16xf32>
      %swap3A_387 = vector.shape_cast %get3A_382 : vector<16xf32> to vector<1x16xf32>
      tpu.vector_store %arg8[%swap3A_383, %swap3A_384], %swap3A_387 {strides = array<i32>} : memref<256x32xf32, #tpu.memory_space<vmem>>, vector<1x16xf32>,
      %get3A_388 = arith.index_cast %scan3A_378 : i32 to index
      %get3A_389 = arith.constant 16 : index
      %get3A_390 = tpu.vector_load %arg6[%get3A_388, %get3A_389] {strides = array<i32>} : memref<256x128xf32, #tpu.memory_space<vmem>>, vector<1x16xf32>,
      %get3A_391 = vector.shape_cast %get3A_390 : vector<1x16xf32> to vector<16xf32>
      %swap3A_392 = arith.index_cast %scan3A_378 : i32 to index
      %swap3A_393 = arith.constant 16 : index
      %swap3A_394 = tpu.vector_load %arg8[%swap3A_392, %swap3A_393] {strides = array<i32>} : memref<256x32xf32, #tpu.memory_space<vmem>>, vector<1x16xf32>,
      %swap3A_395 = vector.shape_cast %swap3A_394 : vector<1x16xf32> to vector<16xf32>
      %swap3A_396 = vector.shape_cast %get3A_391 : vector<16xf32> to vector<1x16xf32>
      tpu.vector_store %arg8[%swap3A_392, %swap3A_393], %swap3A_396 {strides = array<i32>} : memref<256x32xf32, #tpu.memory_space<vmem>>, vector<1x16xf32>,
    }
    %scan3A_167 = arith.constant 256 : i32
    %add3A_168 = arith.constant 256 : i32
    %add3A_169 = arith.addi %mul3A_2, %add3A_168 : i32
    %dma_start3A_170 = arith.constant 0 : i32
    %dma_start3A_171 = tpu.memref_slice %arg4[%add3A_169, %dma_start3A_170] : memref<32768x32xf32, #tpu.memory_space<hbm>> -> memref<256x32xf32, #tpu.memory_space<hbm>>
    %dma_start3A_172 = arith.constant 0 : i32
    %dma_start3A_173 = tpu.memref_slice %arg4[%add3A_169, %dma_start3A_172] : memref<32768x32xf32, #tpu.memory_space<hbm>> -> memref<256x32xf32, #tpu.memory_space<hbm>>
    tpu.enqueue_dma source(%arg8 : memref<256x32xf32, #tpu.memory_space<vmem>>) target(%dma_start3A_173 : memref<256x32xf32, #tpu.memory_space<hbm>>) target_semaphore(%arg12 : memref<!tpu.dma_semaphore, #tpu.memory_space<semaphore_mem>>)
    %add3A_174 = arith.constant 768 : i32
    %add3A_175 = arith.addi %mul3A_2, %add3A_174 : i32
    %dma_start3A_176 = arith.constant 256 : i32
    %dma_start3A_177 = tpu.memref_slice %arg2[%add3A_175, %dma_start3A_176] : memref<32768x1024xf32, #tpu.memory_space<hbm>> -> memref<256x128xf32, #tpu.memory_space<hbm>>
    %dma_start3A_178 = arith.constant 256 : i32
    %dma_start3A_179 = tpu.memref_slice %arg2[%add3A_175, %dma_start3A_178] : memref<32768x1024xf32, #tpu.memory_space<hbm>> -> memref<256x128xf32, #tpu.memory_space<hbm>>
    tpu.enqueue_dma source(%dma_start3A_179 : memref<256x128xf32, #tpu.memory_space<hbm>>) target(%arg6 : memref<256x128xf32, #tpu.memory_space<vmem>>) target_semaphore(%arg10 : memref<!tpu.dma_semaphore, #tpu.memory_space<semaphore_mem>>)
    %add3A_180 = arith.constant 512 : i32
    %add3A_181 = arith.addi %mul3A_2, %add3A_180 : i32
    %dma_wait3A_182 = arith.constant 256 : i32
    %dma_wait3A_183 = tpu.memref_slice %arg2[%add3A_181, %dma_wait3A_182] : memref<32768x1024xf32, #tpu.memory_space<hbm>> -> memref<256x128xf32, #tpu.memory_space<hbm>>
    %dma_wait3A_184 = arith.constant 256 : i32
    %dma_wait3A_185 = tpu.memref_slice %arg2[%add3A_181, %dma_wait3A_184] : memref<32768x1024xf32, #tpu.memory_space<hbm>> -> memref<256x128xf32, #tpu.memory_space<hbm>>
    tpu.wait_dma2 semaphore(%arg9 : memref<!tpu.dma_semaphore, #tpu.memory_space<semaphore_mem>>) src(%dma_wait3A_185 : memref<256x128xf32, #tpu.memory_space<hbm>>) dst(%arg5 : memref<256x128xf32, #tpu.memory_space<vmem>>)
    %add3A_186 = arith.constant 0 : i32
    %add3A_187 = arith.addi %mul3A_2, %add3A_186 : i32
    %dma_wait3A_188 = arith.constant 0 : i32
    %dma_wait3A_189 = tpu.memref_slice %arg4[%add3A_187, %dma_wait3A_188] : memref<32768x32xf32, #tpu.memory_space<hbm>> -> memref<256x32xf32, #tpu.memory_space<hbm>>
    %dma_wait3A_190 = arith.constant 0 : i32
    %dma_wait3A_191 = tpu.memref_slice %arg4[%add3A_187, %dma_wait3A_190] : memref<32768x32xf32, #tpu.memory_space<hbm>> -> memref<256x32xf32, #tpu.memory_space<hbm>>
    tpu.wait_dma2 semaphore(%arg11 : memref<!tpu.dma_semaphore, #tpu.memory_space<semaphore_mem>>) src(%arg7 : memref<256x32xf32, #tpu.memory_space<vmem>>) dst(%dma_wait3A_191 : memref<256x32xf32, #tpu.memory_space<hbm>>)
    %scan3A_192 = arith.constant 0 : i32
    %scan3A_193 = arith.constant 0 : i32
    %scan3A_194 = arith.constant 256 : i32
    %scan3A_195 = arith.addi %scan3A_193, %scan3A_194 : i32
    %scan3A_196 = arith.constant 8 : i32
    scf.for %scan3A_240 = %scan3A_193 to %scan3A_195 step %scan3A_196  : i32 {
      %get3A = arith.index_cast %scan3A_240 : i32 to index
      %get3A_241 = arith.constant 0 : index
      %get3A_242 = tpu.vector_load %arg5[%get3A, %get3A_241] {strides = array<i32>} : memref<256x128xf32, #tpu.memory_space<vmem>>, vector<1x16xf32>,
      %get3A_243 = vector.shape_cast %get3A_242 : vector<1x16xf32> to vector<16xf32>
      %swap3A = arith.index_cast %scan3A_240 : i32 to index
      %swap3A_244 = arith.constant 0 : index
      %swap3A_245 = tpu.vector_load %arg7[%swap3A, %swap3A_244] {strides = array<i32>} : memref<256x32xf32, #tpu.memory_space<vmem>>, vector<1x16xf32>,
      %swap3A_246 = vector.shape_cast %swap3A_245 : vector<1x16xf32> to vector<16xf32>
      %swap3A_247 = vector.shape_cast %get3A_243 : vector<16xf32> to vector<1x16xf32>
      tpu.vector_store %arg7[%swap3A, %swap3A_244], %swap3A_247 {strides = array<i32>} : memref<256x32xf32, #tpu.memory_space<vmem>>, vector<1x16xf32>,
      %get3A_248 = arith.index_cast %scan3A_240 : i32 to index
      %get3A_249 = arith.constant 16 : index
      %get3A_250 = tpu.vector_load %arg5[%get3A_248, %get3A_249] {strides = array<i32>} : memref<256x128xf32, #tpu.memory_space<vmem>>, vector<1x16xf32>,
      %get3A_251 = vector.shape_cast %get3A_250 : vector<1x16xf32> to vector<16xf32>
      %swap3A_252 = arith.index_cast %scan3A_240 : i32 to index
      %swap3A_253 = arith.constant 16 : index
      %swap3A_254 = tpu.vector_load %arg7[%swap3A_252, %swap3A_253] {strides = array<i32>} : memref<256x32xf32, #tpu.memory_space<vmem>>, vector<1x16xf32>,
      %swap3A_255 = vector.shape_cast %swap3A_254 : vector<1x16xf32> to vector<16xf32>
      %swap3A_256 = vector.shape_cast %get3A_251 : vector<16xf32> to vector<1x16xf32>
      tpu.vector_store %arg7[%swap3A_252, %swap3A_253], %swap3A_256 {strides = array<i32>} : memref<256x32xf32, #tpu.memory_space<vmem>>, vector<1x16xf32>,
      %scan3A_257 = arith.constant 1 : i32
      %scan3A_258 = arith.addi %scan3A_240, %scan3A_257 : i32
      %get3A_259 = arith.index_cast %scan3A_258 : i32 to index
      %get3A_260 = arith.constant 0 : index
      %get3A_261 = tpu.vector_load %arg5[%get3A_259, %get3A_260] {strides = array<i32>} : memref<256x128xf32, #tpu.memory_space<vmem>>, vector<1x16xf32>,
      %get3A_262 = vector.shape_cast %get3A_261 : vector<1x16xf32> to vector<16xf32>
      %swap3A_263 = arith.index_cast %scan3A_258 : i32 to index
      %swap3A_264 = arith.constant 0 : index
      %swap3A_265 = tpu.vector_load %arg7[%swap3A_263, %swap3A_264] {strides = array<i32>} : memref<256x32xf32, #tpu.memory_space<vmem>>, vector<1x16xf32>,
      %swap3A_266 = vector.shape_cast %swap3A_265 : vector<1x16xf32> to vector<16xf32>
      %swap3A_267 = vector.shape_cast %get3A_262 : vector<16xf32> to vector<1x16xf32>
      tpu.vector_store %arg7[%swap3A_263, %swap3A_264], %swap3A_267 {strides = array<i32>} : memref<256x32xf32, #tpu.memory_space<vmem>>, vector<1x16xf32>,
      %get3A_268 = arith.index_cast %scan3A_258 : i32 to index
      %get3A_269 = arith.constant 16 : index
      %get3A_270 = tpu.vector_load %arg5[%get3A_268, %get3A_269] {strides = array<i32>} : memref<256x128xf32, #tpu.memory_space<vmem>>, vector<1x16xf32>,
      %get3A_271 = vector.shape_cast %get3A_270 : vector<1x16xf32> to vector<16xf32>
      %swap3A_272 = arith.index_cast %scan3A_258 : i32 to index
      %swap3A_273 = arith.constant 16 : index
      %swap3A_274 = tpu.vector_load %arg7[%swap3A_272, %swap3A_273] {strides = array<i32>} : memref<256x32xf32, #tpu.memory_space<vmem>>, vector<1x16xf32>,
      %swap3A_275 = vector.shape_cast %swap3A_274 : vector<1x16xf32> to vector<16xf32>
      %swap3A_276 = vector.shape_cast %get3A_271 : vector<16xf32> to vector<1x16xf32>
      tpu.vector_store %arg7[%swap3A_272, %swap3A_273], %swap3A_276 {strides = array<i32>} : memref<256x32xf32, #tpu.memory_space<vmem>>, vector<1x16xf32>,
      %scan3A_277 = arith.constant 2 : i32
      %scan3A_278 = arith.addi %scan3A_240, %scan3A_277 : i32
      %get3A_279 = arith.index_cast %scan3A_278 : i32 to index
      %get3A_280 = arith.constant 0 : index
      %get3A_281 = tpu.vector_load %arg5[%get3A_279, %get3A_280] {strides = array<i32>} : memref<256x128xf32, #tpu.memory_space<vmem>>, vector<1x16xf32>,
      %get3A_282 = vector.shape_cast %get3A_281 : vector<1x16xf32> to vector<16xf32>
      %swap3A_283 = arith.index_cast %scan3A_278 : i32 to index
      %swap3A_284 = arith.constant 0 : index
      %swap3A_285 = tpu.vector_load %arg7[%swap3A_283, %swap3A_284] {strides = array<i32>} : memref<256x32xf32, #tpu.memory_space<vmem>>, vector<1x16xf32>,
      %swap3A_286 = vector.shape_cast %swap3A_285 : vector<1x16xf32> to vector<16xf32>
      %swap3A_287 = vector.shape_cast %get3A_282 : vector<16xf32> to vector<1x16xf32>
      tpu.vector_store %arg7[%swap3A_283, %swap3A_284], %swap3A_287 {strides = array<i32>} : memref<256x32xf32, #tpu.memory_space<vmem>>, vector<1x16xf32>,
      %get3A_288 = arith.index_cast %scan3A_278 : i32 to index
      %get3A_289 = arith.constant 16 : index
      %get3A_290 = tpu.vector_load %arg5[%get3A_288, %get3A_289] {strides = array<i32>} : memref<256x128xf32, #tpu.memory_space<vmem>>, vector<1x16xf32>,
      %get3A_291 = vector.shape_cast %get3A_290 : vector<1x16xf32> to vector<16xf32>
      %swap3A_292 = arith.index_cast %scan3A_278 : i32 to index
      %swap3A_293 = arith.constant 16 : index
      %swap3A_294 = tpu.vector_load %arg7[%swap3A_292, %swap3A_293] {strides = array<i32>} : memref<256x32xf32, #tpu.memory_space<vmem>>, vector<1x16xf32>,
      %swap3A_295 = vector.shape_cast %swap3A_294 : vector<1x16xf32> to vector<16xf32>
      %swap3A_296 = vector.shape_cast %get3A_291 : vector<16xf32> to vector<1x16xf32>
      tpu.vector_store %arg7[%swap3A_292, %swap3A_293], %swap3A_296 {strides = array<i32>} : memref<256x32xf32, #tpu.memory_space<vmem>>, vector<1x16xf32>,
      %scan3A_297 = arith.constant 3 : i32
      %scan3A_298 = arith.addi %scan3A_240, %scan3A_297 : i32
      %get3A_299 = arith.index_cast %scan3A_298 : i32 to index
      %get3A_300 = arith.constant 0 : index
      %get3A_301 = tpu.vector_load %arg5[%get3A_299, %get3A_300] {strides = array<i32>} : memref<256x128xf32, #tpu.memory_space<vmem>>, vector<1x16xf32>,
      %get3A_302 = vector.shape_cast %get3A_301 : vector<1x16xf32> to vector<16xf32>
      %swap3A_303 = arith.index_cast %scan3A_298 : i32 to index
      %swap3A_304 = arith.constant 0 : index
      %swap3A_305 = tpu.vector_load %arg7[%swap3A_303, %swap3A_304] {strides = array<i32>} : memref<256x32xf32, #tpu.memory_space<vmem>>, vector<1x16xf32>,
      %swap3A_306 = vector.shape_cast %swap3A_305 : vector<1x16xf32> to vector<16xf32>
      %swap3A_307 = vector.shape_cast %get3A_302 : vector<16xf32> to vector<1x16xf32>
      tpu.vector_store %arg7[%swap3A_303, %swap3A_304], %swap3A_307 {strides = array<i32>} : memref<256x32xf32, #tpu.memory_space<vmem>>, vector<1x16xf32>,
      %get3A_308 = arith.index_cast %scan3A_298 : i32 to index
      %get3A_309 = arith.constant 16 : index
      %get3A_310 = tpu.vector_load %arg5[%get3A_308, %get3A_309] {strides = array<i32>} : memref<256x128xf32, #tpu.memory_space<vmem>>, vector<1x16xf32>,
      %get3A_311 = vector.shape_cast %get3A_310 : vector<1x16xf32> to vector<16xf32>
      %swap3A_312 = arith.index_cast %scan3A_298 : i32 to index
      %swap3A_313 = arith.constant 16 : index
      %swap3A_314 = tpu.vector_load %arg7[%swap3A_312, %swap3A_313] {strides = array<i32>} : memref<256x32xf32, #tpu.memory_space<vmem>>, vector<1x16xf32>,
      %swap3A_315 = vector.shape_cast %swap3A_314 : vector<1x16xf32> to vector<16xf32>
      %swap3A_316 = vector.shape_cast %get3A_311 : vector<16xf32> to vector<1x16xf32>
      tpu.vector_store %arg7[%swap3A_312, %swap3A_313], %swap3A_316 {strides = array<i32>} : memref<256x32xf32, #tpu.memory_space<vmem>>, vector<1x16xf32>,
      %scan3A_317 = arith.constant 4 : i32
      %scan3A_318 = arith.addi %scan3A_240, %scan3A_317 : i32
      %get3A_319 = arith.index_cast %scan3A_318 : i32 to index
      %get3A_320 = arith.constant 0 : index
      %get3A_321 = tpu.vector_load %arg5[%get3A_319, %get3A_320] {strides = array<i32>} : memref<256x128xf32, #tpu.memory_space<vmem>>, vector<1x16xf32>,
      %get3A_322 = vector.shape_cast %get3A_321 : vector<1x16xf32> to vector<16xf32>
      %swap3A_323 = arith.index_cast %scan3A_318 : i32 to index
      %swap3A_324 = arith.constant 0 : index
      %swap3A_325 = tpu.vector_load %arg7[%swap3A_323, %swap3A_324] {strides = array<i32>} : memref<256x32xf32, #tpu.memory_space<vmem>>, vector<1x16xf32>,
      %swap3A_326 = vector.shape_cast %swap3A_325 : vector<1x16xf32> to vector<16xf32>
      %swap3A_327 = vector.shape_cast %get3A_322 : vector<16xf32> to vector<1x16xf32>
      tpu.vector_store %arg7[%swap3A_323, %swap3A_324], %swap3A_327 {strides = array<i32>} : memref<256x32xf32, #tpu.memory_space<vmem>>, vector<1x16xf32>,
      %get3A_328 = arith.index_cast %scan3A_318 : i32 to index
      %get3A_329 = arith.constant 16 : index
      %get3A_330 = tpu.vector_load %arg5[%get3A_328, %get3A_329] {strides = array<i32>} : memref<256x128xf32, #tpu.memory_space<vmem>>, vector<1x16xf32>,
      %get3A_331 = vector.shape_cast %get3A_330 : vector<1x16xf32> to vector<16xf32>
      %swap3A_332 = arith.index_cast %scan3A_318 : i32 to index
      %swap3A_333 = arith.constant 16 : index
      %swap3A_334 = tpu.vector_load %arg7[%swap3A_332, %swap3A_333] {strides = array<i32>} : memref<256x32xf32, #tpu.memory_space<vmem>>, vector<1x16xf32>,
      %swap3A_335 = vector.shape_cast %swap3A_334 : vector<1x16xf32> to vector<16xf32>
      %swap3A_336 = vector.shape_cast %get3A_331 : vector<16xf32> to vector<1x16xf32>
      tpu.vector_store %arg7[%swap3A_332, %swap3A_333], %swap3A_336 {strides = array<i32>} : memref<256x32xf32, #tpu.memory_space<vmem>>, vector<1x16xf32>,
      %scan3A_337 = arith.constant 5 : i32
      %scan3A_338 = arith.addi %scan3A_240, %scan3A_337 : i32
      %get3A_339 = arith.index_cast %scan3A_338 : i32 to index
      %get3A_340 = arith.constant 0 : index
      %get3A_341 = tpu.vector_load %arg5[%get3A_339, %get3A_340] {strides = array<i32>} : memref<256x128xf32, #tpu.memory_space<vmem>>, vector<1x16xf32>,
      %get3A_342 = vector.shape_cast %get3A_341 : vector<1x16xf32> to vector<16xf32>
      %swap3A_343 = arith.index_cast %scan3A_338 : i32 to index
      %swap3A_344 = arith.constant 0 : index
      %swap3A_345 = tpu.vector_load %arg7[%swap3A_343, %swap3A_344] {strides = array<i32>} : memref<256x32xf32, #tpu.memory_space<vmem>>, vector<1x16xf32>,
      %swap3A_346 = vector.shape_cast %swap3A_345 : vector<1x16xf32> to vector<16xf32>
      %swap3A_347 = vector.shape_cast %get3A_342 : vector<16xf32> to vector<1x16xf32>
      tpu.vector_store %arg7[%swap3A_343, %swap3A_344], %swap3A_347 {strides = array<i32>} : memref<256x32xf32, #tpu.memory_space<vmem>>, vector<1x16xf32>,
      %get3A_348 = arith.index_cast %scan3A_338 : i32 to index
      %get3A_349 = arith.constant 16 : index
      %get3A_350 = tpu.vector_load %arg5[%get3A_348, %get3A_349] {strides = array<i32>} : memref<256x128xf32, #tpu.memory_space<vmem>>, vector<1x16xf32>,
      %get3A_351 = vector.shape_cast %get3A_350 : vector<1x16xf32> to vector<16xf32>
      %swap3A_352 = arith.index_cast %scan3A_338 : i32 to index
      %swap3A_353 = arith.constant 16 : index
      %swap3A_354 = tpu.vector_load %arg7[%swap3A_352, %swap3A_353] {strides = array<i32>} : memref<256x32xf32, #tpu.memory_space<vmem>>, vector<1x16xf32>,
      %swap3A_355 = vector.shape_cast %swap3A_354 : vector<1x16xf32> to vector<16xf32>
      %swap3A_356 = vector.shape_cast %get3A_351 : vector<16xf32> to vector<1x16xf32>
      tpu.vector_store %arg7[%swap3A_352, %swap3A_353], %swap3A_356 {strides = array<i32>} : memref<256x32xf32, #tpu.memory_space<vmem>>, vector<1x16xf32>,
      %scan3A_357 = arith.constant 6 : i32
      %scan3A_358 = arith.addi %scan3A_240, %scan3A_357 : i32
      %get3A_359 = arith.index_cast %scan3A_358 : i32 to index
      %get3A_360 = arith.constant 0 : index
      %get3A_361 = tpu.vector_load %arg5[%get3A_359, %get3A_360] {strides = array<i32>} : memref<256x128xf32, #tpu.memory_space<vmem>>, vector<1x16xf32>,
      %get3A_362 = vector.shape_cast %get3A_361 : vector<1x16xf32> to vector<16xf32>
      %swap3A_363 = arith.index_cast %scan3A_358 : i32 to index
      %swap3A_364 = arith.constant 0 : index
      %swap3A_365 = tpu.vector_load %arg7[%swap3A_363, %swap3A_364] {strides = array<i32>} : memref<256x32xf32, #tpu.memory_space<vmem>>, vector<1x16xf32>,
      %swap3A_366 = vector.shape_cast %swap3A_365 : vector<1x16xf32> to vector<16xf32>
      %swap3A_367 = vector.shape_cast %get3A_362 : vector<16xf32> to vector<1x16xf32>
      tpu.vector_store %arg7[%swap3A_363, %swap3A_364], %swap3A_367 {strides = array<i32>} : memref<256x32xf32, #tpu.memory_space<vmem>>, vector<1x16xf32>,
      %get3A_368 = arith.index_cast %scan3A_358 : i32 to index
      %get3A_369 = arith.constant 16 : index
      %get3A_370 = tpu.vector_load %arg5[%get3A_368, %get3A_369] {strides = array<i32>} : memref<256x128xf32, #tpu.memory_space<vmem>>, vector<1x16xf32>,
      %get3A_371 = vector.shape_cast %get3A_370 : vector<1x16xf32> to vector<16xf32>
      %swap3A_372 = arith.index_cast %scan3A_358 : i32 to index
      %swap3A_373 = arith.constant 16 : index
      %swap3A_374 = tpu.vector_load %arg7[%swap3A_372, %swap3A_373] {strides = array<i32>} : memref<256x32xf32, #tpu.memory_space<vmem>>, vector<1x16xf32>,
      %swap3A_375 = vector.shape_cast %swap3A_374 : vector<1x16xf32> to vector<16xf32>
      %swap3A_376 = vector.shape_cast %get3A_371 : vector<16xf32> to vector<1x16xf32>
      tpu.vector_store %arg7[%swap3A_372, %swap3A_373], %swap3A_376 {strides = array<i32>} : memref<256x32xf32, #tpu.memory_space<vmem>>, vector<1x16xf32>,
      %scan3A_377 = arith.constant 7 : i32
      %scan3A_378 = arith.addi %scan3A_240, %scan3A_377 : i32
      %get3A_379 = arith.index_cast %scan3A_378 : i32 to index
      %get3A_380 = arith.constant 0 : index
      %get3A_381 = tpu.vector_load %arg5[%get3A_379, %get3A_380] {strides = array<i32>} : memref<256x128xf32, #tpu.memory_space<vmem>>, vector<1x16xf32>,
      %get3A_382 = vector.shape_cast %get3A_381 : vector<1x16xf32> to vector<16xf32>
      %swap3A_383 = arith.index_cast %scan3A_378 : i32 to index
      %swap3A_384 = arith.constant 0 : index
      %swap3A_385 = tpu.vector_load %arg7[%swap3A_383, %swap3A_384] {strides = array<i32>} : memref<256x32xf32, #tpu.memory_space<vmem>>, vector<1x16xf32>,
      %swap3A_386 = vector.shape_cast %swap3A_385 : vector<1x16xf32> to vector<16xf32>
      %swap3A_387 = vector.shape_cast %get3A_382 : vector<16xf32> to vector<1x16xf32>
      tpu.vector_store %arg7[%swap3A_383, %swap3A_384], %swap3A_387 {strides = array<i32>} : memref<256x32xf32, #tpu.memory_space<vmem>>, vector<1x16xf32>,
      %get3A_388 = arith.index_cast %scan3A_378 : i32 to index
      %get3A_389 = arith.constant 16 : index
      %get3A_390 = tpu.vector_load %arg5[%get3A_388, %get3A_389] {strides = array<i32>} : memref<256x128xf32, #tpu.memory_space<vmem>>, vector<1x16xf32>,
      %get3A_391 = vector.shape_cast %get3A_390 : vector<1x16xf32> to vector<16xf32>
      %swap3A_392 = arith.index_cast %scan3A_378 : i32 to index
      %swap3A_393 = arith.constant 16 : index
      %swap3A_394 = tpu.vector_load %arg7[%swap3A_392, %swap3A_393] {strides = array<i32>} : memref<256x32xf32, #tpu.memory_space<vmem>>, vector<1x16xf32>,
      %swap3A_395 = vector.shape_cast %swap3A_394 : vector<1x16xf32> to vector<16xf32>
      %swap3A_396 = vector.shape_cast %get3A_391 : vector<16xf32> to vector<1x16xf32>
      tpu.vector_store %arg7[%swap3A_392, %swap3A_393], %swap3A_396 {strides = array<i32>} : memref<256x32xf32, #tpu.memory_space<vmem>>, vector<1x16xf32>,
    }
    %scan3A_197 = arith.constant 256 : i32
    %add3A_198 = arith.constant 512 : i32
    %add3A_199 = arith.addi %mul3A_2, %add3A_198 : i32
    %dma_start3A_200 = arith.constant 0 : i32
    %dma_start3A_201 = tpu.memref_slice %arg4[%add3A_199, %dma_start3A_200] : memref<32768x32xf32, #tpu.memory_space<hbm>> -> memref<256x32xf32, #tpu.memory_space<hbm>>
    %dma_start3A_202 = arith.constant 0 : i32
    %dma_start3A_203 = tpu.memref_slice %arg4[%add3A_199, %dma_start3A_202] : memref<32768x32xf32, #tpu.memory_space<hbm>> -> memref<256x32xf32, #tpu.memory_space<hbm>>
    tpu.enqueue_dma source(%arg7 : memref<256x32xf32, #tpu.memory_space<vmem>>) target(%dma_start3A_203 : memref<256x32xf32, #tpu.memory_space<hbm>>) target_semaphore(%arg11 : memref<!tpu.dma_semaphore, #tpu.memory_space<semaphore_mem>>)
    %add3A_204 = arith.constant 768 : i32
    %add3A_205 = arith.addi %mul3A_2, %add3A_204 : i32
    %dma_wait3A_206 = arith.constant 256 : i32
    %dma_wait3A_207 = tpu.memref_slice %arg2[%add3A_205, %dma_wait3A_206] : memref<32768x1024xf32, #tpu.memory_space<hbm>> -> memref<256x128xf32, #tpu.memory_space<hbm>>
    %dma_wait3A_208 = arith.constant 256 : i32
    %dma_wait3A_209 = tpu.memref_slice %arg2[%add3A_205, %dma_wait3A_208] : memref<32768x1024xf32, #tpu.memory_space<hbm>> -> memref<256x128xf32, #tpu.memory_space<hbm>>
    tpu.wait_dma2 semaphore(%arg10 : memref<!tpu.dma_semaphore, #tpu.memory_space<semaphore_mem>>) src(%dma_wait3A_209 : memref<256x128xf32, #tpu.memory_space<hbm>>) dst(%arg6 : memref<256x128xf32, #tpu.memory_space<vmem>>)
    %add3A_210 = arith.constant 256 : i32
    %add3A_211 = arith.addi %mul3A_2, %add3A_210 : i32
    %dma_wait3A_212 = arith.constant 0 : i32
    %dma_wait3A_213 = tpu.memref_slice %arg4[%add3A_211, %dma_wait3A_212] : memref<32768x32xf32, #tpu.memory_space<hbm>> -> memref<256x32xf32, #tpu.memory_space<hbm>>
    %dma_wait3A_214 = arith.constant 0 : i32
    %dma_wait3A_215 = tpu.memref_slice %arg4[%add3A_211, %dma_wait3A_214] : memref<32768x32xf32, #tpu.memory_space<hbm>> -> memref<256x32xf32, #tpu.memory_space<hbm>>
    tpu.wait_dma2 semaphore(%arg12 : memref<!tpu.dma_semaphore, #tpu.memory_space<semaphore_mem>>) src(%arg8 : memref<256x32xf32, #tpu.memory_space<vmem>>) dst(%dma_wait3A_215 : memref<256x32xf32, #tpu.memory_space<hbm>>)
    %scan3A_216 = arith.constant 0 : i32
    %scan3A_217 = arith.constant 0 : i32
    %scan3A_218 = arith.constant 256 : i32
    %scan3A_219 = arith.addi %scan3A_217, %scan3A_218 : i32
    %scan3A_220 = arith.constant 8 : i32
    scf.for %scan3A_240 = %scan3A_217 to %scan3A_219 step %scan3A_220  : i32 {
      %get3A = arith.index_cast %scan3A_240 : i32 to index
      %get3A_241 = arith.constant 0 : index
      %get3A_242 = tpu.vector_load %arg6[%get3A, %get3A_241] {strides = array<i32>} : memref<256x128xf32, #tpu.memory_space<vmem>>, vector<1x16xf32>,
      %get3A_243 = vector.shape_cast %get3A_242 : vector<1x16xf32> to vector<16xf32>
      %swap3A = arith.index_cast %scan3A_240 : i32 to index
      %swap3A_244 = arith.constant 0 : index
      %swap3A_245 = tpu.vector_load %arg8[%swap3A, %swap3A_244] {strides = array<i32>} : memref<256x32xf32, #tpu.memory_space<vmem>>, vector<1x16xf32>,
      %swap3A_246 = vector.shape_cast %swap3A_245 : vector<1x16xf32> to vector<16xf32>
      %swap3A_247 = vector.shape_cast %get3A_243 : vector<16xf32> to vector<1x16xf32>
      tpu.vector_store %arg8[%swap3A, %swap3A_244], %swap3A_247 {strides = array<i32>} : memref<256x32xf32, #tpu.memory_space<vmem>>, vector<1x16xf32>,
      %get3A_248 = arith.index_cast %scan3A_240 : i32 to index
      %get3A_249 = arith.constant 16 : index
      %get3A_250 = tpu.vector_load %arg6[%get3A_248, %get3A_249] {strides = array<i32>} : memref<256x128xf32, #tpu.memory_space<vmem>>, vector<1x16xf32>,
      %get3A_251 = vector.shape_cast %get3A_250 : vector<1x16xf32> to vector<16xf32>
      %swap3A_252 = arith.index_cast %scan3A_240 : i32 to index
      %swap3A_253 = arith.constant 16 : index
      %swap3A_254 = tpu.vector_load %arg8[%swap3A_252, %swap3A_253] {strides = array<i32>} : memref<256x32xf32, #tpu.memory_space<vmem>>, vector<1x16xf32>,
      %swap3A_255 = vector.shape_cast %swap3A_254 : vector<1x16xf32> to vector<16xf32>
      %swap3A_256 = vector.shape_cast %get3A_251 : vector<16xf32> to vector<1x16xf32>
      tpu.vector_store %arg8[%swap3A_252, %swap3A_253], %swap3A_256 {strides = array<i32>} : memref<256x32xf32, #tpu.memory_space<vmem>>, vector<1x16xf32>,
      %scan3A_257 = arith.constant 1 : i32
      %scan3A_258 = arith.addi %scan3A_240, %scan3A_257 : i32
      %get3A_259 = arith.index_cast %scan3A_258 : i32 to index
      %get3A_260 = arith.constant 0 : index
      %get3A_261 = tpu.vector_load %arg6[%get3A_259, %get3A_260] {strides = array<i32>} : memref<256x128xf32, #tpu.memory_space<vmem>>, vector<1x16xf32>,
      %get3A_262 = vector.shape_cast %get3A_261 : vector<1x16xf32> to vector<16xf32>
      %swap3A_263 = arith.index_cast %scan3A_258 : i32 to index
      %swap3A_264 = arith.constant 0 : index
      %swap3A_265 = tpu.vector_load %arg8[%swap3A_263, %swap3A_264] {strides = array<i32>} : memref<256x32xf32, #tpu.memory_space<vmem>>, vector<1x16xf32>,
      %swap3A_266 = vector.shape_cast %swap3A_265 : vector<1x16xf32> to vector<16xf32>
      %swap3A_267 = vector.shape_cast %get3A_262 : vector<16xf32> to vector<1x16xf32>
      tpu.vector_store %arg8[%swap3A_263, %swap3A_264], %swap3A_267 {strides = array<i32>} : memref<256x32xf32, #tpu.memory_space<vmem>>, vector<1x16xf32>,
      %get3A_268 = arith.index_cast %scan3A_258 : i32 to index
      %get3A_269 = arith.constant 16 : index
      %get3A_270 = tpu.vector_load %arg6[%get3A_268, %get3A_269] {strides = array<i32>} : memref<256x128xf32, #tpu.memory_space<vmem>>, vector<1x16xf32>,
      %get3A_271 = vector.shape_cast %get3A_270 : vector<1x16xf32> to vector<16xf32>
      %swap3A_272 = arith.index_cast %scan3A_258 : i32 to index
      %swap3A_273 = arith.constant 16 : index
      %swap3A_274 = tpu.vector_load %arg8[%swap3A_272, %swap3A_273] {strides = array<i32>} : memref<256x32xf32, #tpu.memory_space<vmem>>, vector<1x16xf32>,
      %swap3A_275 = vector.shape_cast %swap3A_274 : vector<1x16xf32> to vector<16xf32>
      %swap3A_276 = vector.shape_cast %get3A_271 : vector<16xf32> to vector<1x16xf32>
      tpu.vector_store %arg8[%swap3A_272, %swap3A_273], %swap3A_276 {strides = array<i32>} : memref<256x32xf32, #tpu.memory_space<vmem>>, vector<1x16xf32>,
      %scan3A_277 = arith.constant 2 : i32
      %scan3A_278 = arith.addi %scan3A_240, %scan3A_277 : i32
      %get3A_279 = arith.index_cast %scan3A_278 : i32 to index
      %get3A_280 = arith.constant 0 : index
      %get3A_281 = tpu.vector_load %arg6[%get3A_279, %get3A_280] {strides = array<i32>} : memref<256x128xf32, #tpu.memory_space<vmem>>, vector<1x16xf32>,
      %get3A_282 = vector.shape_cast %get3A_281 : vector<1x16xf32> to vector<16xf32>
      %swap3A_283 = arith.index_cast %scan3A_278 : i32 to index
      %swap3A_284 = arith.constant 0 : index
      %swap3A_285 = tpu.vector_load %arg8[%swap3A_283, %swap3A_284] {strides = array<i32>} : memref<256x32xf32, #tpu.memory_space<vmem>>, vector<1x16xf32>,
      %swap3A_286 = vector.shape_cast %swap3A_285 : vector<1x16xf32> to vector<16xf32>
      %swap3A_287 = vector.shape_cast %get3A_282 : vector<16xf32> to vector<1x16xf32>
      tpu.vector_store %arg8[%swap3A_283, %swap3A_284], %swap3A_287 {strides = array<i32>} : memref<256x32xf32, #tpu.memory_space<vmem>>, vector<1x16xf32>,
      %get3A_288 = arith.index_cast %scan3A_278 : i32 to index
      %get3A_289 = arith.constant 16 : index
      %get3A_290 = tpu.vector_load %arg6[%get3A_288, %get3A_289] {strides = array<i32>} : memref<256x128xf32, #tpu.memory_space<vmem>>, vector<1x16xf32>,
      %get3A_291 = vector.shape_cast %get3A_290 : vector<1x16xf32> to vector<16xf32>
      %swap3A_292 = arith.index_cast %scan3A_278 : i32 to index
      %swap3A_293 = arith.constant 16 : index
      %swap3A_294 = tpu.vector_load %arg8[%swap3A_292, %swap3A_293] {strides = array<i32>} : memref<256x32xf32, #tpu.memory_space<vmem>>, vector<1x16xf32>,
      %swap3A_295 = vector.shape_cast %swap3A_294 : vector<1x16xf32> to vector<16xf32>
      %swap3A_296 = vector.shape_cast %get3A_291 : vector<16xf32> to vector<1x16xf32>
      tpu.vector_store %arg8[%swap3A_292, %swap3A_293], %swap3A_296 {strides = array<i32>} : memref<256x32xf32, #tpu.memory_space<vmem>>, vector<1x16xf32>,
      %scan3A_297 = arith.constant 3 : i32
      %scan3A_298 = arith.addi %scan3A_240, %scan3A_297 : i32
      %get3A_299 = arith.index_cast %scan3A_298 : i32 to index
      %get3A_300 = arith.constant 0 : index
      %get3A_301 = tpu.vector_load %arg6[%get3A_299, %get3A_300] {strides = array<i32>} : memref<256x128xf32, #tpu.memory_space<vmem>>, vector<1x16xf32>,
      %get3A_302 = vector.shape_cast %get3A_301 : vector<1x16xf32> to vector<16xf32>
      %swap3A_303 = arith.index_cast %scan3A_298 : i32 to index
      %swap3A_304 = arith.constant 0 : index
      %swap3A_305 = tpu.vector_load %arg8[%swap3A_303, %swap3A_304] {strides = array<i32>} : memref<256x32xf32, #tpu.memory_space<vmem>>, vector<1x16xf32>,
      %swap3A_306 = vector.shape_cast %swap3A_305 : vector<1x16xf32> to vector<16xf32>
      %swap3A_307 = vector.shape_cast %get3A_302 : vector<16xf32> to vector<1x16xf32>
      tpu.vector_store %arg8[%swap3A_303, %swap3A_304], %swap3A_307 {strides = array<i32>} : memref<256x32xf32, #tpu.memory_space<vmem>>, vector<1x16xf32>,
      %get3A_308 = arith.index_cast %scan3A_298 : i32 to index
      %get3A_309 = arith.constant 16 : index
      %get3A_310 = tpu.vector_load %arg6[%get3A_308, %get3A_309] {strides = array<i32>} : memref<256x128xf32, #tpu.memory_space<vmem>>, vector<1x16xf32>,
      %get3A_311 = vector.shape_cast %get3A_310 : vector<1x16xf32> to vector<16xf32>
      %swap3A_312 = arith.index_cast %scan3A_298 : i32 to index
      %swap3A_313 = arith.constant 16 : index
      %swap3A_314 = tpu.vector_load %arg8[%swap3A_312, %swap3A_313] {strides = array<i32>} : memref<256x32xf32, #tpu.memory_space<vmem>>, vector<1x16xf32>,
      %swap3A_315 = vector.shape_cast %swap3A_314 : vector<1x16xf32> to vector<16xf32>
      %swap3A_316 = vector.shape_cast %get3A_311 : vector<16xf32> to vector<1x16xf32>
      tpu.vector_store %arg8[%swap3A_312, %swap3A_313], %swap3A_316 {strides = array<i32>} : memref<256x32xf32, #tpu.memory_space<vmem>>, vector<1x16xf32>,
      %scan3A_317 = arith.constant 4 : i32
      %scan3A_318 = arith.addi %scan3A_240, %scan3A_317 : i32
      %get3A_319 = arith.index_cast %scan3A_318 : i32 to index
      %get3A_320 = arith.constant 0 : index
      %get3A_321 = tpu.vector_load %arg6[%get3A_319, %get3A_320] {strides = array<i32>} : memref<256x128xf32, #tpu.memory_space<vmem>>, vector<1x16xf32>,
      %get3A_322 = vector.shape_cast %get3A_321 : vector<1x16xf32> to vector<16xf32>
      %swap3A_323 = arith.index_cast %scan3A_318 : i32 to index
      %swap3A_324 = arith.constant 0 : index
      %swap3A_325 = tpu.vector_load %arg8[%swap3A_323, %swap3A_324] {strides = array<i32>} : memref<256x32xf32, #tpu.memory_space<vmem>>, vector<1x16xf32>,
      %swap3A_326 = vector.shape_cast %swap3A_325 : vector<1x16xf32> to vector<16xf32>
      %swap3A_327 = vector.shape_cast %get3A_322 : vector<16xf32> to vector<1x16xf32>
      tpu.vector_store %arg8[%swap3A_323, %swap3A_324], %swap3A_327 {strides = array<i32>} : memref<256x32xf32, #tpu.memory_space<vmem>>, vector<1x16xf32>,
      %get3A_328 = arith.index_cast %scan3A_318 : i32 to index
      %get3A_329 = arith.constant 16 : index
      %get3A_330 = tpu.vector_load %arg6[%get3A_328, %get3A_329] {strides = array<i32>} : memref<256x128xf32, #tpu.memory_space<vmem>>, vector<1x16xf32>,
      %get3A_331 = vector.shape_cast %get3A_330 : vector<1x16xf32> to vector<16xf32>
      %swap3A_332 = arith.index_cast %scan3A_318 : i32 to index
      %swap3A_333 = arith.constant 16 : index
      %swap3A_334 = tpu.vector_load %arg8[%swap3A_332, %swap3A_333] {strides = array<i32>} : memref<256x32xf32, #tpu.memory_space<vmem>>, vector<1x16xf32>,
      %swap3A_335 = vector.shape_cast %swap3A_334 : vector<1x16xf32> to vector<16xf32>
      %swap3A_336 = vector.shape_cast %get3A_331 : vector<16xf32> to vector<1x16xf32>
      tpu.vector_store %arg8[%swap3A_332, %swap3A_333], %swap3A_336 {strides = array<i32>} : memref<256x32xf32, #tpu.memory_space<vmem>>, vector<1x16xf32>,
      %scan3A_337 = arith.constant 5 : i32
      %scan3A_338 = arith.addi %scan3A_240, %scan3A_337 : i32
      %get3A_339 = arith.index_cast %scan3A_338 : i32 to index
      %get3A_340 = arith.constant 0 : index
      %get3A_341 = tpu.vector_load %arg6[%get3A_339, %get3A_340] {strides = array<i32>} : memref<256x128xf32, #tpu.memory_space<vmem>>, vector<1x16xf32>,
      %get3A_342 = vector.shape_cast %get3A_341 : vector<1x16xf32> to vector<16xf32>
      %swap3A_343 = arith.index_cast %scan3A_338 : i32 to index
      %swap3A_344 = arith.constant 0 : index
      %swap3A_345 = tpu.vector_load %arg8[%swap3A_343, %swap3A_344] {strides = array<i32>} : memref<256x32xf32, #tpu.memory_space<vmem>>, vector<1x16xf32>,
      %swap3A_346 = vector.shape_cast %swap3A_345 : vector<1x16xf32> to vector<16xf32>
      %swap3A_347 = vector.shape_cast %get3A_342 : vector<16xf32> to vector<1x16xf32>
      tpu.vector_store %arg8[%swap3A_343, %swap3A_344], %swap3A_347 {strides = array<i32>} : memref<256x32xf32, #tpu.memory_space<vmem>>, vector<1x16xf32>,
      %get3A_348 = arith.index_cast %scan3A_338 : i32 to index
      %get3A_349 = arith.constant 16 : index
      %get3A_350 = tpu.vector_load %arg6[%get3A_348, %get3A_349] {strides = array<i32>} : memref<256x128xf32, #tpu.memory_space<vmem>>, vector<1x16xf32>,
      %get3A_351 = vector.shape_cast %get3A_350 : vector<1x16xf32> to vector<16xf32>
      %swap3A_352 = arith.index_cast %scan3A_338 : i32 to index
      %swap3A_353 = arith.constant 16 : index
      %swap3A_354 = tpu.vector_load %arg8[%swap3A_352, %swap3A_353] {strides = array<i32>} : memref<256x32xf32, #tpu.memory_space<vmem>>, vector<1x16xf32>,
      %swap3A_355 = vector.shape_cast %swap3A_354 : vector<1x16xf32> to vector<16xf32>
      %swap3A_356 = vector.shape_cast %get3A_351 : vector<16xf32> to vector<1x16xf32>
      tpu.vector_store %arg8[%swap3A_352, %swap3A_353], %swap3A_356 {strides = array<i32>} : memref<256x32xf32, #tpu.memory_space<vmem>>, vector<1x16xf32>,
      %scan3A_357 = arith.constant 6 : i32
      %scan3A_358 = arith.addi %scan3A_240, %scan3A_357 : i32
      %get3A_359 = arith.index_cast %scan3A_358 : i32 to index
      %get3A_360 = arith.constant 0 : index
      %get3A_361 = tpu.vector_load %arg6[%get3A_359, %get3A_360] {strides = array<i32>} : memref<256x128xf32, #tpu.memory_space<vmem>>, vector<1x16xf32>,
      %get3A_362 = vector.shape_cast %get3A_361 : vector<1x16xf32> to vector<16xf32>
      %swap3A_363 = arith.index_cast %scan3A_358 : i32 to index
      %swap3A_364 = arith.constant 0 : index
      %swap3A_365 = tpu.vector_load %arg8[%swap3A_363, %swap3A_364] {strides = array<i32>} : memref<256x32xf32, #tpu.memory_space<vmem>>, vector<1x16xf32>,
      %swap3A_366 = vector.shape_cast %swap3A_365 : vector<1x16xf32> to vector<16xf32>
      %swap3A_367 = vector.shape_cast %get3A_362 : vector<16xf32> to vector<1x16xf32>
      tpu.vector_store %arg8[%swap3A_363, %swap3A_364], %swap3A_367 {strides = array<i32>} : memref<256x32xf32, #tpu.memory_space<vmem>>, vector<1x16xf32>,
      %get3A_368 = arith.index_cast %scan3A_358 : i32 to index
      %get3A_369 = arith.constant 16 : index
      %get3A_370 = tpu.vector_load %arg6[%get3A_368, %get3A_369] {strides = array<i32>} : memref<256x128xf32, #tpu.memory_space<vmem>>, vector<1x16xf32>,
      %get3A_371 = vector.shape_cast %get3A_370 : vector<1x16xf32> to vector<16xf32>
      %swap3A_372 = arith.index_cast %scan3A_358 : i32 to index
      %swap3A_373 = arith.constant 16 : index
      %swap3A_374 = tpu.vector_load %arg8[%swap3A_372, %swap3A_373] {strides = array<i32>} : memref<256x32xf32, #tpu.memory_space<vmem>>, vector<1x16xf32>,
      %swap3A_375 = vector.shape_cast %swap3A_374 : vector<1x16xf32> to vector<16xf32>
      %swap3A_376 = vector.shape_cast %get3A_371 : vector<16xf32> to vector<1x16xf32>
      tpu.vector_store %arg8[%swap3A_372, %swap3A_373], %swap3A_376 {strides = array<i32>} : memref<256x32xf32, #tpu.memory_space<vmem>>, vector<1x16xf32>,
      %scan3A_377 = arith.constant 7 : i32
      %scan3A_378 = arith.addi %scan3A_240, %scan3A_377 : i32
      %get3A_379 = arith.index_cast %scan3A_378 : i32 to index
      %get3A_380 = arith.constant 0 : index
      %get3A_381 = tpu.vector_load %arg6[%get3A_379, %get3A_380] {strides = array<i32>} : memref<256x128xf32, #tpu.memory_space<vmem>>, vector<1x16xf32>,
      %get3A_382 = vector.shape_cast %get3A_381 : vector<1x16xf32> to vector<16xf32>
      %swap3A_383 = arith.index_cast %scan3A_378 : i32 to index
      %swap3A_384 = arith.constant 0 : index
      %swap3A_385 = tpu.vector_load %arg8[%swap3A_383, %swap3A_384] {strides = array<i32>} : memref<256x32xf32, #tpu.memory_space<vmem>>, vector<1x16xf32>,
      %swap3A_386 = vector.shape_cast %swap3A_385 : vector<1x16xf32> to vector<16xf32>
      %swap3A_387 = vector.shape_cast %get3A_382 : vector<16xf32> to vector<1x16xf32>
      tpu.vector_store %arg8[%swap3A_383, %swap3A_384], %swap3A_387 {strides = array<i32>} : memref<256x32xf32, #tpu.memory_space<vmem>>, vector<1x16xf32>,
      %get3A_388 = arith.index_cast %scan3A_378 : i32 to index
      %get3A_389 = arith.constant 16 : index
      %get3A_390 = tpu.vector_load %arg6[%get3A_388, %get3A_389] {strides = array<i32>} : memref<256x128xf32, #tpu.memory_space<vmem>>, vector<1x16xf32>,
      %get3A_391 = vector.shape_cast %get3A_390 : vector<1x16xf32> to vector<16xf32>
      %swap3A_392 = arith.index_cast %scan3A_378 : i32 to index
      %swap3A_393 = arith.constant 16 : index
      %swap3A_394 = tpu.vector_load %arg8[%swap3A_392, %swap3A_393] {strides = array<i32>} : memref<256x32xf32, #tpu.memory_space<vmem>>, vector<1x16xf32>,
      %swap3A_395 = vector.shape_cast %swap3A_394 : vector<1x16xf32> to vector<16xf32>
      %swap3A_396 = vector.shape_cast %get3A_391 : vector<16xf32> to vector<1x16xf32>
      tpu.vector_store %arg8[%swap3A_392, %swap3A_393], %swap3A_396 {strides = array<i32>} : memref<256x32xf32, #tpu.memory_space<vmem>>, vector<1x16xf32>,
    }
    %scan3A_221 = arith.constant 256 : i32
    %add3A_222 = arith.constant 768 : i32
    %add3A_223 = arith.addi %mul3A_2, %add3A_222 : i32
    %dma_start3A_224 = arith.constant 0 : i32
    %dma_start3A_225 = tpu.memref_slice %arg4[%add3A_223, %dma_start3A_224] : memref<32768x32xf32, #tpu.memory_space<hbm>> -> memref<256x32xf32, #tpu.memory_space<hbm>>
    %dma_start3A_226 = arith.constant 0 : i32
    %dma_start3A_227 = tpu.memref_slice %arg4[%add3A_223, %dma_start3A_226] : memref<32768x32xf32, #tpu.memory_space<hbm>> -> memref<256x32xf32, #tpu.memory_space<hbm>>
    tpu.enqueue_dma source(%arg8 : memref<256x32xf32, #tpu.memory_space<vmem>>) target(%dma_start3A_227 : memref<256x32xf32, #tpu.memory_space<hbm>>) target_semaphore(%arg12 : memref<!tpu.dma_semaphore, #tpu.memory_space<semaphore_mem>>)
    %add3A_228 = arith.constant 512 : i32
    %add3A_229 = arith.addi %mul3A_2, %add3A_228 : i32
    %dma_wait3A_230 = arith.constant 0 : i32
    %dma_wait3A_231 = tpu.memref_slice %arg4[%add3A_229, %dma_wait3A_230] : memref<32768x32xf32, #tpu.memory_space<hbm>> -> memref<256x32xf32, #tpu.memory_space<hbm>>
    %dma_wait3A_232 = arith.constant 0 : i32
    %dma_wait3A_233 = tpu.memref_slice %arg4[%add3A_229, %dma_wait3A_232] : memref<32768x32xf32, #tpu.memory_space<hbm>> -> memref<256x32xf32, #tpu.memory_space<hbm>>
    tpu.wait_dma2 semaphore(%arg11 : memref<!tpu.dma_semaphore, #tpu.memory_space<semaphore_mem>>) src(%arg7 : memref<256x32xf32, #tpu.memory_space<vmem>>) dst(%dma_wait3A_233 : memref<256x32xf32, #tpu.memory_space<hbm>>)
    %add3A_234 = arith.constant 768 : i32
    %add3A_235 = arith.addi %mul3A_2, %add3A_234 : i32
    %dma_wait3A_236 = arith.constant 0 : i32
    %dma_wait3A_237 = tpu.memref_slice %arg4[%add3A_235, %dma_wait3A_236] : memref<32768x32xf32, #tpu.memory_space<hbm>> -> memref<256x32xf32, #tpu.memory_space<hbm>>
    %dma_wait3A_238 = arith.constant 0 : i32
    %dma_wait3A_239 = tpu.memref_slice %arg4[%add3A_235, %dma_wait3A_238] : memref<32768x32xf32, #tpu.memory_space<hbm>> -> memref<256x32xf32, #tpu.memory_space<hbm>>
    tpu.wait_dma2 semaphore(%arg12 : memref<!tpu.dma_semaphore, #tpu.memory_space<semaphore_mem>>) src(%arg8 : memref<256x32xf32, #tpu.memory_space<vmem>>) dst(%dma_wait3A_239 : memref<256x32xf32, #tpu.memory_space<hbm>>)
    return
  }
}

#map = affine_map<(d0, d1) -> (0, 0)>
module attributes {stable_mosaic.version = 14 : i64} {
  func.func @_sc_pair(%arg0: i32, %arg1: i32, %arg2: memref<32768x1024xf32, #tpu.memory_space<hbm>>, %arg3: memref<32768x32xf32, #tpu.memory_space<hbm>>, %arg4: memref<256x128xf32, #tpu.memory_space<vmem>>, %arg5: memref<256x128xf32, #tpu.memory_space<vmem>>, %arg6: memref<256x32xf32, #tpu.memory_space<vmem>>, %arg7: memref<256x32xf32, #tpu.memory_space<vmem>>, %arg8: memref<!tpu.dma_semaphore, #tpu.memory_space<semaphore_mem>>, %arg9: memref<!tpu.dma_semaphore, #tpu.memory_space<semaphore_mem>>, %arg10: memref<!tpu.dma_semaphore, #tpu.memory_space<semaphore_mem>>, %arg11: memref<!tpu.dma_semaphore, #tpu.memory_space<semaphore_mem>>) attributes {dimension_semantics = [#tpu.dimension_semantics<core_parallel>, #tpu.dimension_semantics<subcore_parallel>], iteration_bounds = array<i64: 2, 16>, scalar_prefetch = 0 : i64, scratch_operands = 8 : i64, tpu.core_type = #tpu.core_type<sc_vector_subcore>, window_params = [{transform_indices = #map}, {transform_indices = #map}]} {
    %mul3A = arith.constant 2 : i32
    %mul3A_0 = arith.muli %arg1, %mul3A : i32
    %add3A = arith.addi %mul3A_0, %arg0 : i32
    %mul3A_1 = arith.constant 1024 : i32
    %mul3A_2 = arith.muli %add3A, %mul3A_1 : i32
    %add3A_3 = arith.constant 0 : i32
    %add3A_4 = arith.addi %mul3A_2, %add3A_3 : i32
    %dma_start3A = arith.constant 512 : i32
    %dma_start3A_5 = tpu.memref_slice %arg2[%add3A_4, %dma_start3A] : memref<32768x1024xf32, #tpu.memory_space<hbm>> -> memref<256x128xf32, #tpu.memory_space<hbm>>
    %dma_start3A_6 = arith.constant 512 : i32
    %dma_start3A_7 = tpu.memref_slice %arg2[%add3A_4, %dma_start3A_6] : memref<32768x1024xf32, #tpu.memory_space<hbm>> -> memref<256x128xf32, #tpu.memory_space<hbm>>
    tpu.enqueue_dma source(%dma_start3A_7 : memref<256x128xf32, #tpu.memory_space<hbm>>) target(%arg4 : memref<256x128xf32, #tpu.memory_space<vmem>>) target_semaphore(%arg8 : memref<!tpu.dma_semaphore, #tpu.memory_space<semaphore_mem>>)
    %add3A_8 = arith.constant 256 : i32
    %add3A_9 = arith.addi %mul3A_2, %add3A_8 : i32
    %dma_start3A_10 = arith.constant 512 : i32
    %dma_start3A_11 = tpu.memref_slice %arg2[%add3A_9, %dma_start3A_10] : memref<32768x1024xf32, #tpu.memory_space<hbm>> -> memref<256x128xf32, #tpu.memory_space<hbm>>
    %dma_start3A_12 = arith.constant 512 : i32
    %dma_start3A_13 = tpu.memref_slice %arg2[%add3A_9, %dma_start3A_12] : memref<32768x1024xf32, #tpu.memory_space<hbm>> -> memref<256x128xf32, #tpu.memory_space<hbm>>
    tpu.enqueue_dma source(%dma_start3A_13 : memref<256x128xf32, #tpu.memory_space<hbm>>) target(%arg5 : memref<256x128xf32, #tpu.memory_space<vmem>>) target_semaphore(%arg9 : memref<!tpu.dma_semaphore, #tpu.memory_space<semaphore_mem>>)
    %add3A_14 = arith.constant 0 : i32
    %add3A_15 = arith.addi %mul3A_2, %add3A_14 : i32
    %dma_wait3A = arith.constant 512 : i32
    %dma_wait3A_16 = tpu.memref_slice %arg2[%add3A_15, %dma_wait3A] : memref<32768x1024xf32, #tpu.memory_space<hbm>> -> memref<256x128xf32, #tpu.memory_space<hbm>>
    %dma_wait3A_17 = arith.constant 512 : i32
    %dma_wait3A_18 = tpu.memref_slice %arg2[%add3A_15, %dma_wait3A_17] : memref<32768x1024xf32, #tpu.memory_space<hbm>> -> memref<256x128xf32, #tpu.memory_space<hbm>>
    tpu.wait_dma2 semaphore(%arg8 : memref<!tpu.dma_semaphore, #tpu.memory_space<semaphore_mem>>) src(%dma_wait3A_18 : memref<256x128xf32, #tpu.memory_space<hbm>>) dst(%arg4 : memref<256x128xf32, #tpu.memory_space<vmem>>)
    %scan3A = arith.constant 0 : i32
    %scan3A_19 = arith.constant 0 : i32
    %scan3A_20 = arith.constant 256 : i32
    %scan3A_21 = arith.addi %scan3A_19, %scan3A_20 : i32
    %scan3A_22 = arith.constant 8 : i32
    scf.for %scan3A_120 = %scan3A_19 to %scan3A_21 step %scan3A_22  : i32 {
      %get3A = arith.index_cast %scan3A_120 : i32 to index
      %get3A_121 = arith.constant 0 : index
      %get3A_122 = tpu.vector_load %arg4[%get3A, %get3A_121] {strides = array<i32>} : memref<256x128xf32, #tpu.memory_space<vmem>>, vector<1x16xf32>,
      %get3A_123 = vector.shape_cast %get3A_122 : vector<1x16xf32> to vector<16xf32>
      %swap3A = arith.index_cast %scan3A_120 : i32 to index
      %swap3A_124 = arith.constant 0 : index
      %swap3A_125 = tpu.vector_load %arg6[%swap3A, %swap3A_124] {strides = array<i32>} : memref<256x32xf32, #tpu.memory_space<vmem>>, vector<1x16xf32>,
      %swap3A_126 = vector.shape_cast %swap3A_125 : vector<1x16xf32> to vector<16xf32>
      %swap3A_127 = vector.shape_cast %get3A_123 : vector<16xf32> to vector<1x16xf32>
      tpu.vector_store %arg6[%swap3A, %swap3A_124], %swap3A_127 {strides = array<i32>} : memref<256x32xf32, #tpu.memory_space<vmem>>, vector<1x16xf32>,
      %get3A_128 = arith.index_cast %scan3A_120 : i32 to index
      %get3A_129 = arith.constant 16 : index
      %get3A_130 = tpu.vector_load %arg4[%get3A_128, %get3A_129] {strides = array<i32>} : memref<256x128xf32, #tpu.memory_space<vmem>>, vector<1x16xf32>,
      %get3A_131 = vector.shape_cast %get3A_130 : vector<1x16xf32> to vector<16xf32>
      %swap3A_132 = arith.index_cast %scan3A_120 : i32 to index
      %swap3A_133 = arith.constant 16 : index
      %swap3A_134 = tpu.vector_load %arg6[%swap3A_132, %swap3A_133] {strides = array<i32>} : memref<256x32xf32, #tpu.memory_space<vmem>>, vector<1x16xf32>,
      %swap3A_135 = vector.shape_cast %swap3A_134 : vector<1x16xf32> to vector<16xf32>
      %swap3A_136 = vector.shape_cast %get3A_131 : vector<16xf32> to vector<1x16xf32>
      tpu.vector_store %arg6[%swap3A_132, %swap3A_133], %swap3A_136 {strides = array<i32>} : memref<256x32xf32, #tpu.memory_space<vmem>>, vector<1x16xf32>,
      %scan3A_137 = arith.constant 1 : i32
      %scan3A_138 = arith.addi %scan3A_120, %scan3A_137 : i32
      %get3A_139 = arith.index_cast %scan3A_138 : i32 to index
      %get3A_140 = arith.constant 0 : index
      %get3A_141 = tpu.vector_load %arg4[%get3A_139, %get3A_140] {strides = array<i32>} : memref<256x128xf32, #tpu.memory_space<vmem>>, vector<1x16xf32>,
      %get3A_142 = vector.shape_cast %get3A_141 : vector<1x16xf32> to vector<16xf32>
      %swap3A_143 = arith.index_cast %scan3A_138 : i32 to index
      %swap3A_144 = arith.constant 0 : index
      %swap3A_145 = tpu.vector_load %arg6[%swap3A_143, %swap3A_144] {strides = array<i32>} : memref<256x32xf32, #tpu.memory_space<vmem>>, vector<1x16xf32>,
      %swap3A_146 = vector.shape_cast %swap3A_145 : vector<1x16xf32> to vector<16xf32>
      %swap3A_147 = vector.shape_cast %get3A_142 : vector<16xf32> to vector<1x16xf32>
      tpu.vector_store %arg6[%swap3A_143, %swap3A_144], %swap3A_147 {strides = array<i32>} : memref<256x32xf32, #tpu.memory_space<vmem>>, vector<1x16xf32>,
      %get3A_148 = arith.index_cast %scan3A_138 : i32 to index
      %get3A_149 = arith.constant 16 : index
      %get3A_150 = tpu.vector_load %arg4[%get3A_148, %get3A_149] {strides = array<i32>} : memref<256x128xf32, #tpu.memory_space<vmem>>, vector<1x16xf32>,
      %get3A_151 = vector.shape_cast %get3A_150 : vector<1x16xf32> to vector<16xf32>
      %swap3A_152 = arith.index_cast %scan3A_138 : i32 to index
      %swap3A_153 = arith.constant 16 : index
      %swap3A_154 = tpu.vector_load %arg6[%swap3A_152, %swap3A_153] {strides = array<i32>} : memref<256x32xf32, #tpu.memory_space<vmem>>, vector<1x16xf32>,
      %swap3A_155 = vector.shape_cast %swap3A_154 : vector<1x16xf32> to vector<16xf32>
      %swap3A_156 = vector.shape_cast %get3A_151 : vector<16xf32> to vector<1x16xf32>
      tpu.vector_store %arg6[%swap3A_152, %swap3A_153], %swap3A_156 {strides = array<i32>} : memref<256x32xf32, #tpu.memory_space<vmem>>, vector<1x16xf32>,
      %scan3A_157 = arith.constant 2 : i32
      %scan3A_158 = arith.addi %scan3A_120, %scan3A_157 : i32
      %get3A_159 = arith.index_cast %scan3A_158 : i32 to index
      %get3A_160 = arith.constant 0 : index
      %get3A_161 = tpu.vector_load %arg4[%get3A_159, %get3A_160] {strides = array<i32>} : memref<256x128xf32, #tpu.memory_space<vmem>>, vector<1x16xf32>,
      %get3A_162 = vector.shape_cast %get3A_161 : vector<1x16xf32> to vector<16xf32>
      %swap3A_163 = arith.index_cast %scan3A_158 : i32 to index
      %swap3A_164 = arith.constant 0 : index
      %swap3A_165 = tpu.vector_load %arg6[%swap3A_163, %swap3A_164] {strides = array<i32>} : memref<256x32xf32, #tpu.memory_space<vmem>>, vector<1x16xf32>,
      %swap3A_166 = vector.shape_cast %swap3A_165 : vector<1x16xf32> to vector<16xf32>
      %swap3A_167 = vector.shape_cast %get3A_162 : vector<16xf32> to vector<1x16xf32>
      tpu.vector_store %arg6[%swap3A_163, %swap3A_164], %swap3A_167 {strides = array<i32>} : memref<256x32xf32, #tpu.memory_space<vmem>>, vector<1x16xf32>,
      %get3A_168 = arith.index_cast %scan3A_158 : i32 to index
      %get3A_169 = arith.constant 16 : index
      %get3A_170 = tpu.vector_load %arg4[%get3A_168, %get3A_169] {strides = array<i32>} : memref<256x128xf32, #tpu.memory_space<vmem>>, vector<1x16xf32>,
      %get3A_171 = vector.shape_cast %get3A_170 : vector<1x16xf32> to vector<16xf32>
      %swap3A_172 = arith.index_cast %scan3A_158 : i32 to index
      %swap3A_173 = arith.constant 16 : index
      %swap3A_174 = tpu.vector_load %arg6[%swap3A_172, %swap3A_173] {strides = array<i32>} : memref<256x32xf32, #tpu.memory_space<vmem>>, vector<1x16xf32>,
      %swap3A_175 = vector.shape_cast %swap3A_174 : vector<1x16xf32> to vector<16xf32>
      %swap3A_176 = vector.shape_cast %get3A_171 : vector<16xf32> to vector<1x16xf32>
      tpu.vector_store %arg6[%swap3A_172, %swap3A_173], %swap3A_176 {strides = array<i32>} : memref<256x32xf32, #tpu.memory_space<vmem>>, vector<1x16xf32>,
      %scan3A_177 = arith.constant 3 : i32
      %scan3A_178 = arith.addi %scan3A_120, %scan3A_177 : i32
      %get3A_179 = arith.index_cast %scan3A_178 : i32 to index
      %get3A_180 = arith.constant 0 : index
      %get3A_181 = tpu.vector_load %arg4[%get3A_179, %get3A_180] {strides = array<i32>} : memref<256x128xf32, #tpu.memory_space<vmem>>, vector<1x16xf32>,
      %get3A_182 = vector.shape_cast %get3A_181 : vector<1x16xf32> to vector<16xf32>
      %swap3A_183 = arith.index_cast %scan3A_178 : i32 to index
      %swap3A_184 = arith.constant 0 : index
      %swap3A_185 = tpu.vector_load %arg6[%swap3A_183, %swap3A_184] {strides = array<i32>} : memref<256x32xf32, #tpu.memory_space<vmem>>, vector<1x16xf32>,
      %swap3A_186 = vector.shape_cast %swap3A_185 : vector<1x16xf32> to vector<16xf32>
      %swap3A_187 = vector.shape_cast %get3A_182 : vector<16xf32> to vector<1x16xf32>
      tpu.vector_store %arg6[%swap3A_183, %swap3A_184], %swap3A_187 {strides = array<i32>} : memref<256x32xf32, #tpu.memory_space<vmem>>, vector<1x16xf32>,
      %get3A_188 = arith.index_cast %scan3A_178 : i32 to index
      %get3A_189 = arith.constant 16 : index
      %get3A_190 = tpu.vector_load %arg4[%get3A_188, %get3A_189] {strides = array<i32>} : memref<256x128xf32, #tpu.memory_space<vmem>>, vector<1x16xf32>,
      %get3A_191 = vector.shape_cast %get3A_190 : vector<1x16xf32> to vector<16xf32>
      %swap3A_192 = arith.index_cast %scan3A_178 : i32 to index
      %swap3A_193 = arith.constant 16 : index
      %swap3A_194 = tpu.vector_load %arg6[%swap3A_192, %swap3A_193] {strides = array<i32>} : memref<256x32xf32, #tpu.memory_space<vmem>>, vector<1x16xf32>,
      %swap3A_195 = vector.shape_cast %swap3A_194 : vector<1x16xf32> to vector<16xf32>
      %swap3A_196 = vector.shape_cast %get3A_191 : vector<16xf32> to vector<1x16xf32>
      tpu.vector_store %arg6[%swap3A_192, %swap3A_193], %swap3A_196 {strides = array<i32>} : memref<256x32xf32, #tpu.memory_space<vmem>>, vector<1x16xf32>,
      %scan3A_197 = arith.constant 4 : i32
      %scan3A_198 = arith.addi %scan3A_120, %scan3A_197 : i32
      %get3A_199 = arith.index_cast %scan3A_198 : i32 to index
      %get3A_200 = arith.constant 0 : index
      %get3A_201 = tpu.vector_load %arg4[%get3A_199, %get3A_200] {strides = array<i32>} : memref<256x128xf32, #tpu.memory_space<vmem>>, vector<1x16xf32>,
      %get3A_202 = vector.shape_cast %get3A_201 : vector<1x16xf32> to vector<16xf32>
      %swap3A_203 = arith.index_cast %scan3A_198 : i32 to index
      %swap3A_204 = arith.constant 0 : index
      %swap3A_205 = tpu.vector_load %arg6[%swap3A_203, %swap3A_204] {strides = array<i32>} : memref<256x32xf32, #tpu.memory_space<vmem>>, vector<1x16xf32>,
      %swap3A_206 = vector.shape_cast %swap3A_205 : vector<1x16xf32> to vector<16xf32>
      %swap3A_207 = vector.shape_cast %get3A_202 : vector<16xf32> to vector<1x16xf32>
      tpu.vector_store %arg6[%swap3A_203, %swap3A_204], %swap3A_207 {strides = array<i32>} : memref<256x32xf32, #tpu.memory_space<vmem>>, vector<1x16xf32>,
      %get3A_208 = arith.index_cast %scan3A_198 : i32 to index
      %get3A_209 = arith.constant 16 : index
      %get3A_210 = tpu.vector_load %arg4[%get3A_208, %get3A_209] {strides = array<i32>} : memref<256x128xf32, #tpu.memory_space<vmem>>, vector<1x16xf32>,
      %get3A_211 = vector.shape_cast %get3A_210 : vector<1x16xf32> to vector<16xf32>
      %swap3A_212 = arith.index_cast %scan3A_198 : i32 to index
      %swap3A_213 = arith.constant 16 : index
      %swap3A_214 = tpu.vector_load %arg6[%swap3A_212, %swap3A_213] {strides = array<i32>} : memref<256x32xf32, #tpu.memory_space<vmem>>, vector<1x16xf32>,
      %swap3A_215 = vector.shape_cast %swap3A_214 : vector<1x16xf32> to vector<16xf32>
      %swap3A_216 = vector.shape_cast %get3A_211 : vector<16xf32> to vector<1x16xf32>
      tpu.vector_store %arg6[%swap3A_212, %swap3A_213], %swap3A_216 {strides = array<i32>} : memref<256x32xf32, #tpu.memory_space<vmem>>, vector<1x16xf32>,
      %scan3A_217 = arith.constant 5 : i32
      %scan3A_218 = arith.addi %scan3A_120, %scan3A_217 : i32
      %get3A_219 = arith.index_cast %scan3A_218 : i32 to index
      %get3A_220 = arith.constant 0 : index
      %get3A_221 = tpu.vector_load %arg4[%get3A_219, %get3A_220] {strides = array<i32>} : memref<256x128xf32, #tpu.memory_space<vmem>>, vector<1x16xf32>,
      %get3A_222 = vector.shape_cast %get3A_221 : vector<1x16xf32> to vector<16xf32>
      %swap3A_223 = arith.index_cast %scan3A_218 : i32 to index
      %swap3A_224 = arith.constant 0 : index
      %swap3A_225 = tpu.vector_load %arg6[%swap3A_223, %swap3A_224] {strides = array<i32>} : memref<256x32xf32, #tpu.memory_space<vmem>>, vector<1x16xf32>,
      %swap3A_226 = vector.shape_cast %swap3A_225 : vector<1x16xf32> to vector<16xf32>
      %swap3A_227 = vector.shape_cast %get3A_222 : vector<16xf32> to vector<1x16xf32>
      tpu.vector_store %arg6[%swap3A_223, %swap3A_224], %swap3A_227 {strides = array<i32>} : memref<256x32xf32, #tpu.memory_space<vmem>>, vector<1x16xf32>,
      %get3A_228 = arith.index_cast %scan3A_218 : i32 to index
      %get3A_229 = arith.constant 16 : index
      %get3A_230 = tpu.vector_load %arg4[%get3A_228, %get3A_229] {strides = array<i32>} : memref<256x128xf32, #tpu.memory_space<vmem>>, vector<1x16xf32>,
      %get3A_231 = vector.shape_cast %get3A_230 : vector<1x16xf32> to vector<16xf32>
      %swap3A_232 = arith.index_cast %scan3A_218 : i32 to index
      %swap3A_233 = arith.constant 16 : index
      %swap3A_234 = tpu.vector_load %arg6[%swap3A_232, %swap3A_233] {strides = array<i32>} : memref<256x32xf32, #tpu.memory_space<vmem>>, vector<1x16xf32>,
      %swap3A_235 = vector.shape_cast %swap3A_234 : vector<1x16xf32> to vector<16xf32>
      %swap3A_236 = vector.shape_cast %get3A_231 : vector<16xf32> to vector<1x16xf32>
      tpu.vector_store %arg6[%swap3A_232, %swap3A_233], %swap3A_236 {strides = array<i32>} : memref<256x32xf32, #tpu.memory_space<vmem>>, vector<1x16xf32>,
      %scan3A_237 = arith.constant 6 : i32
      %scan3A_238 = arith.addi %scan3A_120, %scan3A_237 : i32
      %get3A_239 = arith.index_cast %scan3A_238 : i32 to index
      %get3A_240 = arith.constant 0 : index
      %get3A_241 = tpu.vector_load %arg4[%get3A_239, %get3A_240] {strides = array<i32>} : memref<256x128xf32, #tpu.memory_space<vmem>>, vector<1x16xf32>,
      %get3A_242 = vector.shape_cast %get3A_241 : vector<1x16xf32> to vector<16xf32>
      %swap3A_243 = arith.index_cast %scan3A_238 : i32 to index
      %swap3A_244 = arith.constant 0 : index
      %swap3A_245 = tpu.vector_load %arg6[%swap3A_243, %swap3A_244] {strides = array<i32>} : memref<256x32xf32, #tpu.memory_space<vmem>>, vector<1x16xf32>,
      %swap3A_246 = vector.shape_cast %swap3A_245 : vector<1x16xf32> to vector<16xf32>
      %swap3A_247 = vector.shape_cast %get3A_242 : vector<16xf32> to vector<1x16xf32>
      tpu.vector_store %arg6[%swap3A_243, %swap3A_244], %swap3A_247 {strides = array<i32>} : memref<256x32xf32, #tpu.memory_space<vmem>>, vector<1x16xf32>,
      %get3A_248 = arith.index_cast %scan3A_238 : i32 to index
      %get3A_249 = arith.constant 16 : index
      %get3A_250 = tpu.vector_load %arg4[%get3A_248, %get3A_249] {strides = array<i32>} : memref<256x128xf32, #tpu.memory_space<vmem>>, vector<1x16xf32>,
      %get3A_251 = vector.shape_cast %get3A_250 : vector<1x16xf32> to vector<16xf32>
      %swap3A_252 = arith.index_cast %scan3A_238 : i32 to index
      %swap3A_253 = arith.constant 16 : index
      %swap3A_254 = tpu.vector_load %arg6[%swap3A_252, %swap3A_253] {strides = array<i32>} : memref<256x32xf32, #tpu.memory_space<vmem>>, vector<1x16xf32>,
      %swap3A_255 = vector.shape_cast %swap3A_254 : vector<1x16xf32> to vector<16xf32>
      %swap3A_256 = vector.shape_cast %get3A_251 : vector<16xf32> to vector<1x16xf32>
      tpu.vector_store %arg6[%swap3A_252, %swap3A_253], %swap3A_256 {strides = array<i32>} : memref<256x32xf32, #tpu.memory_space<vmem>>, vector<1x16xf32>,
      %scan3A_257 = arith.constant 7 : i32
      %scan3A_258 = arith.addi %scan3A_120, %scan3A_257 : i32
      %get3A_259 = arith.index_cast %scan3A_258 : i32 to index
      %get3A_260 = arith.constant 0 : index
      %get3A_261 = tpu.vector_load %arg4[%get3A_259, %get3A_260] {strides = array<i32>} : memref<256x128xf32, #tpu.memory_space<vmem>>, vector<1x16xf32>,
      %get3A_262 = vector.shape_cast %get3A_261 : vector<1x16xf32> to vector<16xf32>
      %swap3A_263 = arith.index_cast %scan3A_258 : i32 to index
      %swap3A_264 = arith.constant 0 : index
      %swap3A_265 = tpu.vector_load %arg6[%swap3A_263, %swap3A_264] {strides = array<i32>} : memref<256x32xf32, #tpu.memory_space<vmem>>, vector<1x16xf32>,
      %swap3A_266 = vector.shape_cast %swap3A_265 : vector<1x16xf32> to vector<16xf32>
      %swap3A_267 = vector.shape_cast %get3A_262 : vector<16xf32> to vector<1x16xf32>
      tpu.vector_store %arg6[%swap3A_263, %swap3A_264], %swap3A_267 {strides = array<i32>} : memref<256x32xf32, #tpu.memory_space<vmem>>, vector<1x16xf32>,
      %get3A_268 = arith.index_cast %scan3A_258 : i32 to index
      %get3A_269 = arith.constant 16 : index
      %get3A_270 = tpu.vector_load %arg4[%get3A_268, %get3A_269] {strides = array<i32>} : memref<256x128xf32, #tpu.memory_space<vmem>>, vector<1x16xf32>,
      %get3A_271 = vector.shape_cast %get3A_270 : vector<1x16xf32> to vector<16xf32>
      %swap3A_272 = arith.index_cast %scan3A_258 : i32 to index
      %swap3A_273 = arith.constant 16 : index
      %swap3A_274 = tpu.vector_load %arg6[%swap3A_272, %swap3A_273] {strides = array<i32>} : memref<256x32xf32, #tpu.memory_space<vmem>>, vector<1x16xf32>,
      %swap3A_275 = vector.shape_cast %swap3A_274 : vector<1x16xf32> to vector<16xf32>
      %swap3A_276 = vector.shape_cast %get3A_271 : vector<16xf32> to vector<1x16xf32>
      tpu.vector_store %arg6[%swap3A_272, %swap3A_273], %swap3A_276 {strides = array<i32>} : memref<256x32xf32, #tpu.memory_space<vmem>>, vector<1x16xf32>,
    }
    %scan3A_23 = arith.constant 256 : i32
    %add3A_24 = arith.constant 0 : i32
    %add3A_25 = arith.addi %mul3A_2, %add3A_24 : i32
    %dma_start3A_26 = arith.constant 0 : i32
    %dma_start3A_27 = tpu.memref_slice %arg3[%add3A_25, %dma_start3A_26] : memref<32768x32xf32, #tpu.memory_space<hbm>> -> memref<256x32xf32, #tpu.memory_space<hbm>>
    %dma_start3A_28 = arith.constant 0 : i32
    %dma_start3A_29 = tpu.memref_slice %arg3[%add3A_25, %dma_start3A_28] : memref<32768x32xf32, #tpu.memory_space<hbm>> -> memref<256x32xf32, #tpu.memory_space<hbm>>
    tpu.enqueue_dma source(%arg6 : memref<256x32xf32, #tpu.memory_space<vmem>>) target(%dma_start3A_29 : memref<256x32xf32, #tpu.memory_space<hbm>>) target_semaphore(%arg10 : memref<!tpu.dma_semaphore, #tpu.memory_space<semaphore_mem>>)
    %add3A_30 = arith.constant 512 : i32
    %add3A_31 = arith.addi %mul3A_2, %add3A_30 : i32
    %dma_start3A_32 = arith.constant 512 : i32
    %dma_start3A_33 = tpu.memref_slice %arg2[%add3A_31, %dma_start3A_32] : memref<32768x1024xf32, #tpu.memory_space<hbm>> -> memref<256x128xf32, #tpu.memory_space<hbm>>
    %dma_start3A_34 = arith.constant 512 : i32
    %dma_start3A_35 = tpu.memref_slice %arg2[%add3A_31, %dma_start3A_34] : memref<32768x1024xf32, #tpu.memory_space<hbm>> -> memref<256x128xf32, #tpu.memory_space<hbm>>
    tpu.enqueue_dma source(%dma_start3A_35 : memref<256x128xf32, #tpu.memory_space<hbm>>) target(%arg4 : memref<256x128xf32, #tpu.memory_space<vmem>>) target_semaphore(%arg8 : memref<!tpu.dma_semaphore, #tpu.memory_space<semaphore_mem>>)
    %add3A_36 = arith.constant 256 : i32
    %add3A_37 = arith.addi %mul3A_2, %add3A_36 : i32
    %dma_wait3A_38 = arith.constant 512 : i32
    %dma_wait3A_39 = tpu.memref_slice %arg2[%add3A_37, %dma_wait3A_38] : memref<32768x1024xf32, #tpu.memory_space<hbm>> -> memref<256x128xf32, #tpu.memory_space<hbm>>
    %dma_wait3A_40 = arith.constant 512 : i32
    %dma_wait3A_41 = tpu.memref_slice %arg2[%add3A_37, %dma_wait3A_40] : memref<32768x1024xf32, #tpu.memory_space<hbm>> -> memref<256x128xf32, #tpu.memory_space<hbm>>
    tpu.wait_dma2 semaphore(%arg9 : memref<!tpu.dma_semaphore, #tpu.memory_space<semaphore_mem>>) src(%dma_wait3A_41 : memref<256x128xf32, #tpu.memory_space<hbm>>) dst(%arg5 : memref<256x128xf32, #tpu.memory_space<vmem>>)
    %scan3A_42 = arith.constant 0 : i32
    %scan3A_43 = arith.constant 0 : i32
    %scan3A_44 = arith.constant 256 : i32
    %scan3A_45 = arith.addi %scan3A_43, %scan3A_44 : i32
    %scan3A_46 = arith.constant 8 : i32
    scf.for %scan3A_120 = %scan3A_43 to %scan3A_45 step %scan3A_46  : i32 {
      %get3A = arith.index_cast %scan3A_120 : i32 to index
      %get3A_121 = arith.constant 0 : index
      %get3A_122 = tpu.vector_load %arg5[%get3A, %get3A_121] {strides = array<i32>} : memref<256x128xf32, #tpu.memory_space<vmem>>, vector<1x16xf32>,
      %get3A_123 = vector.shape_cast %get3A_122 : vector<1x16xf32> to vector<16xf32>
      %swap3A = arith.index_cast %scan3A_120 : i32 to index
      %swap3A_124 = arith.constant 0 : index
      %swap3A_125 = tpu.vector_load %arg7[%swap3A, %swap3A_124] {strides = array<i32>} : memref<256x32xf32, #tpu.memory_space<vmem>>, vector<1x16xf32>,
      %swap3A_126 = vector.shape_cast %swap3A_125 : vector<1x16xf32> to vector<16xf32>
      %swap3A_127 = vector.shape_cast %get3A_123 : vector<16xf32> to vector<1x16xf32>
      tpu.vector_store %arg7[%swap3A, %swap3A_124], %swap3A_127 {strides = array<i32>} : memref<256x32xf32, #tpu.memory_space<vmem>>, vector<1x16xf32>,
      %get3A_128 = arith.index_cast %scan3A_120 : i32 to index
      %get3A_129 = arith.constant 16 : index
      %get3A_130 = tpu.vector_load %arg5[%get3A_128, %get3A_129] {strides = array<i32>} : memref<256x128xf32, #tpu.memory_space<vmem>>, vector<1x16xf32>,
      %get3A_131 = vector.shape_cast %get3A_130 : vector<1x16xf32> to vector<16xf32>
      %swap3A_132 = arith.index_cast %scan3A_120 : i32 to index
      %swap3A_133 = arith.constant 16 : index
      %swap3A_134 = tpu.vector_load %arg7[%swap3A_132, %swap3A_133] {strides = array<i32>} : memref<256x32xf32, #tpu.memory_space<vmem>>, vector<1x16xf32>,
      %swap3A_135 = vector.shape_cast %swap3A_134 : vector<1x16xf32> to vector<16xf32>
      %swap3A_136 = vector.shape_cast %get3A_131 : vector<16xf32> to vector<1x16xf32>
      tpu.vector_store %arg7[%swap3A_132, %swap3A_133], %swap3A_136 {strides = array<i32>} : memref<256x32xf32, #tpu.memory_space<vmem>>, vector<1x16xf32>,
      %scan3A_137 = arith.constant 1 : i32
      %scan3A_138 = arith.addi %scan3A_120, %scan3A_137 : i32
      %get3A_139 = arith.index_cast %scan3A_138 : i32 to index
      %get3A_140 = arith.constant 0 : index
      %get3A_141 = tpu.vector_load %arg5[%get3A_139, %get3A_140] {strides = array<i32>} : memref<256x128xf32, #tpu.memory_space<vmem>>, vector<1x16xf32>,
      %get3A_142 = vector.shape_cast %get3A_141 : vector<1x16xf32> to vector<16xf32>
      %swap3A_143 = arith.index_cast %scan3A_138 : i32 to index
      %swap3A_144 = arith.constant 0 : index
      %swap3A_145 = tpu.vector_load %arg7[%swap3A_143, %swap3A_144] {strides = array<i32>} : memref<256x32xf32, #tpu.memory_space<vmem>>, vector<1x16xf32>,
      %swap3A_146 = vector.shape_cast %swap3A_145 : vector<1x16xf32> to vector<16xf32>
      %swap3A_147 = vector.shape_cast %get3A_142 : vector<16xf32> to vector<1x16xf32>
      tpu.vector_store %arg7[%swap3A_143, %swap3A_144], %swap3A_147 {strides = array<i32>} : memref<256x32xf32, #tpu.memory_space<vmem>>, vector<1x16xf32>,
      %get3A_148 = arith.index_cast %scan3A_138 : i32 to index
      %get3A_149 = arith.constant 16 : index
      %get3A_150 = tpu.vector_load %arg5[%get3A_148, %get3A_149] {strides = array<i32>} : memref<256x128xf32, #tpu.memory_space<vmem>>, vector<1x16xf32>,
      %get3A_151 = vector.shape_cast %get3A_150 : vector<1x16xf32> to vector<16xf32>
      %swap3A_152 = arith.index_cast %scan3A_138 : i32 to index
      %swap3A_153 = arith.constant 16 : index
      %swap3A_154 = tpu.vector_load %arg7[%swap3A_152, %swap3A_153] {strides = array<i32>} : memref<256x32xf32, #tpu.memory_space<vmem>>, vector<1x16xf32>,
      %swap3A_155 = vector.shape_cast %swap3A_154 : vector<1x16xf32> to vector<16xf32>
      %swap3A_156 = vector.shape_cast %get3A_151 : vector<16xf32> to vector<1x16xf32>
      tpu.vector_store %arg7[%swap3A_152, %swap3A_153], %swap3A_156 {strides = array<i32>} : memref<256x32xf32, #tpu.memory_space<vmem>>, vector<1x16xf32>,
      %scan3A_157 = arith.constant 2 : i32
      %scan3A_158 = arith.addi %scan3A_120, %scan3A_157 : i32
      %get3A_159 = arith.index_cast %scan3A_158 : i32 to index
      %get3A_160 = arith.constant 0 : index
      %get3A_161 = tpu.vector_load %arg5[%get3A_159, %get3A_160] {strides = array<i32>} : memref<256x128xf32, #tpu.memory_space<vmem>>, vector<1x16xf32>,
      %get3A_162 = vector.shape_cast %get3A_161 : vector<1x16xf32> to vector<16xf32>
      %swap3A_163 = arith.index_cast %scan3A_158 : i32 to index
      %swap3A_164 = arith.constant 0 : index
      %swap3A_165 = tpu.vector_load %arg7[%swap3A_163, %swap3A_164] {strides = array<i32>} : memref<256x32xf32, #tpu.memory_space<vmem>>, vector<1x16xf32>,
      %swap3A_166 = vector.shape_cast %swap3A_165 : vector<1x16xf32> to vector<16xf32>
      %swap3A_167 = vector.shape_cast %get3A_162 : vector<16xf32> to vector<1x16xf32>
      tpu.vector_store %arg7[%swap3A_163, %swap3A_164], %swap3A_167 {strides = array<i32>} : memref<256x32xf32, #tpu.memory_space<vmem>>, vector<1x16xf32>,
      %get3A_168 = arith.index_cast %scan3A_158 : i32 to index
      %get3A_169 = arith.constant 16 : index
      %get3A_170 = tpu.vector_load %arg5[%get3A_168, %get3A_169] {strides = array<i32>} : memref<256x128xf32, #tpu.memory_space<vmem>>, vector<1x16xf32>,
      %get3A_171 = vector.shape_cast %get3A_170 : vector<1x16xf32> to vector<16xf32>
      %swap3A_172 = arith.index_cast %scan3A_158 : i32 to index
      %swap3A_173 = arith.constant 16 : index
      %swap3A_174 = tpu.vector_load %arg7[%swap3A_172, %swap3A_173] {strides = array<i32>} : memref<256x32xf32, #tpu.memory_space<vmem>>, vector<1x16xf32>,
      %swap3A_175 = vector.shape_cast %swap3A_174 : vector<1x16xf32> to vector<16xf32>
      %swap3A_176 = vector.shape_cast %get3A_171 : vector<16xf32> to vector<1x16xf32>
      tpu.vector_store %arg7[%swap3A_172, %swap3A_173], %swap3A_176 {strides = array<i32>} : memref<256x32xf32, #tpu.memory_space<vmem>>, vector<1x16xf32>,
      %scan3A_177 = arith.constant 3 : i32
      %scan3A_178 = arith.addi %scan3A_120, %scan3A_177 : i32
      %get3A_179 = arith.index_cast %scan3A_178 : i32 to index
      %get3A_180 = arith.constant 0 : index
      %get3A_181 = tpu.vector_load %arg5[%get3A_179, %get3A_180] {strides = array<i32>} : memref<256x128xf32, #tpu.memory_space<vmem>>, vector<1x16xf32>,
      %get3A_182 = vector.shape_cast %get3A_181 : vector<1x16xf32> to vector<16xf32>
      %swap3A_183 = arith.index_cast %scan3A_178 : i32 to index
      %swap3A_184 = arith.constant 0 : index
      %swap3A_185 = tpu.vector_load %arg7[%swap3A_183, %swap3A_184] {strides = array<i32>} : memref<256x32xf32, #tpu.memory_space<vmem>>, vector<1x16xf32>,
      %swap3A_186 = vector.shape_cast %swap3A_185 : vector<1x16xf32> to vector<16xf32>
      %swap3A_187 = vector.shape_cast %get3A_182 : vector<16xf32> to vector<1x16xf32>
      tpu.vector_store %arg7[%swap3A_183, %swap3A_184], %swap3A_187 {strides = array<i32>} : memref<256x32xf32, #tpu.memory_space<vmem>>, vector<1x16xf32>,
      %get3A_188 = arith.index_cast %scan3A_178 : i32 to index
      %get3A_189 = arith.constant 16 : index
      %get3A_190 = tpu.vector_load %arg5[%get3A_188, %get3A_189] {strides = array<i32>} : memref<256x128xf32, #tpu.memory_space<vmem>>, vector<1x16xf32>,
      %get3A_191 = vector.shape_cast %get3A_190 : vector<1x16xf32> to vector<16xf32>
      %swap3A_192 = arith.index_cast %scan3A_178 : i32 to index
      %swap3A_193 = arith.constant 16 : index
      %swap3A_194 = tpu.vector_load %arg7[%swap3A_192, %swap3A_193] {strides = array<i32>} : memref<256x32xf32, #tpu.memory_space<vmem>>, vector<1x16xf32>,
      %swap3A_195 = vector.shape_cast %swap3A_194 : vector<1x16xf32> to vector<16xf32>
      %swap3A_196 = vector.shape_cast %get3A_191 : vector<16xf32> to vector<1x16xf32>
      tpu.vector_store %arg7[%swap3A_192, %swap3A_193], %swap3A_196 {strides = array<i32>} : memref<256x32xf32, #tpu.memory_space<vmem>>, vector<1x16xf32>,
      %scan3A_197 = arith.constant 4 : i32
      %scan3A_198 = arith.addi %scan3A_120, %scan3A_197 : i32
      %get3A_199 = arith.index_cast %scan3A_198 : i32 to index
      %get3A_200 = arith.constant 0 : index
      %get3A_201 = tpu.vector_load %arg5[%get3A_199, %get3A_200] {strides = array<i32>} : memref<256x128xf32, #tpu.memory_space<vmem>>, vector<1x16xf32>,
      %get3A_202 = vector.shape_cast %get3A_201 : vector<1x16xf32> to vector<16xf32>
      %swap3A_203 = arith.index_cast %scan3A_198 : i32 to index
      %swap3A_204 = arith.constant 0 : index
      %swap3A_205 = tpu.vector_load %arg7[%swap3A_203, %swap3A_204] {strides = array<i32>} : memref<256x32xf32, #tpu.memory_space<vmem>>, vector<1x16xf32>,
      %swap3A_206 = vector.shape_cast %swap3A_205 : vector<1x16xf32> to vector<16xf32>
      %swap3A_207 = vector.shape_cast %get3A_202 : vector<16xf32> to vector<1x16xf32>
      tpu.vector_store %arg7[%swap3A_203, %swap3A_204], %swap3A_207 {strides = array<i32>} : memref<256x32xf32, #tpu.memory_space<vmem>>, vector<1x16xf32>,
      %get3A_208 = arith.index_cast %scan3A_198 : i32 to index
      %get3A_209 = arith.constant 16 : index
      %get3A_210 = tpu.vector_load %arg5[%get3A_208, %get3A_209] {strides = array<i32>} : memref<256x128xf32, #tpu.memory_space<vmem>>, vector<1x16xf32>,
      %get3A_211 = vector.shape_cast %get3A_210 : vector<1x16xf32> to vector<16xf32>
      %swap3A_212 = arith.index_cast %scan3A_198 : i32 to index
      %swap3A_213 = arith.constant 16 : index
      %swap3A_214 = tpu.vector_load %arg7[%swap3A_212, %swap3A_213] {strides = array<i32>} : memref<256x32xf32, #tpu.memory_space<vmem>>, vector<1x16xf32>,
      %swap3A_215 = vector.shape_cast %swap3A_214 : vector<1x16xf32> to vector<16xf32>
      %swap3A_216 = vector.shape_cast %get3A_211 : vector<16xf32> to vector<1x16xf32>
      tpu.vector_store %arg7[%swap3A_212, %swap3A_213], %swap3A_216 {strides = array<i32>} : memref<256x32xf32, #tpu.memory_space<vmem>>, vector<1x16xf32>,
      %scan3A_217 = arith.constant 5 : i32
      %scan3A_218 = arith.addi %scan3A_120, %scan3A_217 : i32
      %get3A_219 = arith.index_cast %scan3A_218 : i32 to index
      %get3A_220 = arith.constant 0 : index
      %get3A_221 = tpu.vector_load %arg5[%get3A_219, %get3A_220] {strides = array<i32>} : memref<256x128xf32, #tpu.memory_space<vmem>>, vector<1x16xf32>,
      %get3A_222 = vector.shape_cast %get3A_221 : vector<1x16xf32> to vector<16xf32>
      %swap3A_223 = arith.index_cast %scan3A_218 : i32 to index
      %swap3A_224 = arith.constant 0 : index
      %swap3A_225 = tpu.vector_load %arg7[%swap3A_223, %swap3A_224] {strides = array<i32>} : memref<256x32xf32, #tpu.memory_space<vmem>>, vector<1x16xf32>,
      %swap3A_226 = vector.shape_cast %swap3A_225 : vector<1x16xf32> to vector<16xf32>
      %swap3A_227 = vector.shape_cast %get3A_222 : vector<16xf32> to vector<1x16xf32>
      tpu.vector_store %arg7[%swap3A_223, %swap3A_224], %swap3A_227 {strides = array<i32>} : memref<256x32xf32, #tpu.memory_space<vmem>>, vector<1x16xf32>,
      %get3A_228 = arith.index_cast %scan3A_218 : i32 to index
      %get3A_229 = arith.constant 16 : index
      %get3A_230 = tpu.vector_load %arg5[%get3A_228, %get3A_229] {strides = array<i32>} : memref<256x128xf32, #tpu.memory_space<vmem>>, vector<1x16xf32>,
      %get3A_231 = vector.shape_cast %get3A_230 : vector<1x16xf32> to vector<16xf32>
      %swap3A_232 = arith.index_cast %scan3A_218 : i32 to index
      %swap3A_233 = arith.constant 16 : index
      %swap3A_234 = tpu.vector_load %arg7[%swap3A_232, %swap3A_233] {strides = array<i32>} : memref<256x32xf32, #tpu.memory_space<vmem>>, vector<1x16xf32>,
      %swap3A_235 = vector.shape_cast %swap3A_234 : vector<1x16xf32> to vector<16xf32>
      %swap3A_236 = vector.shape_cast %get3A_231 : vector<16xf32> to vector<1x16xf32>
      tpu.vector_store %arg7[%swap3A_232, %swap3A_233], %swap3A_236 {strides = array<i32>} : memref<256x32xf32, #tpu.memory_space<vmem>>, vector<1x16xf32>,
      %scan3A_237 = arith.constant 6 : i32
      %scan3A_238 = arith.addi %scan3A_120, %scan3A_237 : i32
      %get3A_239 = arith.index_cast %scan3A_238 : i32 to index
      %get3A_240 = arith.constant 0 : index
      %get3A_241 = tpu.vector_load %arg5[%get3A_239, %get3A_240] {strides = array<i32>} : memref<256x128xf32, #tpu.memory_space<vmem>>, vector<1x16xf32>,
      %get3A_242 = vector.shape_cast %get3A_241 : vector<1x16xf32> to vector<16xf32>
      %swap3A_243 = arith.index_cast %scan3A_238 : i32 to index
      %swap3A_244 = arith.constant 0 : index
      %swap3A_245 = tpu.vector_load %arg7[%swap3A_243, %swap3A_244] {strides = array<i32>} : memref<256x32xf32, #tpu.memory_space<vmem>>, vector<1x16xf32>,
      %swap3A_246 = vector.shape_cast %swap3A_245 : vector<1x16xf32> to vector<16xf32>
      %swap3A_247 = vector.shape_cast %get3A_242 : vector<16xf32> to vector<1x16xf32>
      tpu.vector_store %arg7[%swap3A_243, %swap3A_244], %swap3A_247 {strides = array<i32>} : memref<256x32xf32, #tpu.memory_space<vmem>>, vector<1x16xf32>,
      %get3A_248 = arith.index_cast %scan3A_238 : i32 to index
      %get3A_249 = arith.constant 16 : index
      %get3A_250 = tpu.vector_load %arg5[%get3A_248, %get3A_249] {strides = array<i32>} : memref<256x128xf32, #tpu.memory_space<vmem>>, vector<1x16xf32>,
      %get3A_251 = vector.shape_cast %get3A_250 : vector<1x16xf32> to vector<16xf32>
      %swap3A_252 = arith.index_cast %scan3A_238 : i32 to index
      %swap3A_253 = arith.constant 16 : index
      %swap3A_254 = tpu.vector_load %arg7[%swap3A_252, %swap3A_253] {strides = array<i32>} : memref<256x32xf32, #tpu.memory_space<vmem>>, vector<1x16xf32>,
      %swap3A_255 = vector.shape_cast %swap3A_254 : vector<1x16xf32> to vector<16xf32>
      %swap3A_256 = vector.shape_cast %get3A_251 : vector<16xf32> to vector<1x16xf32>
      tpu.vector_store %arg7[%swap3A_252, %swap3A_253], %swap3A_256 {strides = array<i32>} : memref<256x32xf32, #tpu.memory_space<vmem>>, vector<1x16xf32>,
      %scan3A_257 = arith.constant 7 : i32
      %scan3A_258 = arith.addi %scan3A_120, %scan3A_257 : i32
      %get3A_259 = arith.index_cast %scan3A_258 : i32 to index
      %get3A_260 = arith.constant 0 : index
      %get3A_261 = tpu.vector_load %arg5[%get3A_259, %get3A_260] {strides = array<i32>} : memref<256x128xf32, #tpu.memory_space<vmem>>, vector<1x16xf32>,
      %get3A_262 = vector.shape_cast %get3A_261 : vector<1x16xf32> to vector<16xf32>
      %swap3A_263 = arith.index_cast %scan3A_258 : i32 to index
      %swap3A_264 = arith.constant 0 : index
      %swap3A_265 = tpu.vector_load %arg7[%swap3A_263, %swap3A_264] {strides = array<i32>} : memref<256x32xf32, #tpu.memory_space<vmem>>, vector<1x16xf32>,
      %swap3A_266 = vector.shape_cast %swap3A_265 : vector<1x16xf32> to vector<16xf32>
      %swap3A_267 = vector.shape_cast %get3A_262 : vector<16xf32> to vector<1x16xf32>
      tpu.vector_store %arg7[%swap3A_263, %swap3A_264], %swap3A_267 {strides = array<i32>} : memref<256x32xf32, #tpu.memory_space<vmem>>, vector<1x16xf32>,
      %get3A_268 = arith.index_cast %scan3A_258 : i32 to index
      %get3A_269 = arith.constant 16 : index
      %get3A_270 = tpu.vector_load %arg5[%get3A_268, %get3A_269] {strides = array<i32>} : memref<256x128xf32, #tpu.memory_space<vmem>>, vector<1x16xf32>,
      %get3A_271 = vector.shape_cast %get3A_270 : vector<1x16xf32> to vector<16xf32>
      %swap3A_272 = arith.index_cast %scan3A_258 : i32 to index
      %swap3A_273 = arith.constant 16 : index
      %swap3A_274 = tpu.vector_load %arg7[%swap3A_272, %swap3A_273] {strides = array<i32>} : memref<256x32xf32, #tpu.memory_space<vmem>>, vector<1x16xf32>,
      %swap3A_275 = vector.shape_cast %swap3A_274 : vector<1x16xf32> to vector<16xf32>
      %swap3A_276 = vector.shape_cast %get3A_271 : vector<16xf32> to vector<1x16xf32>
      tpu.vector_store %arg7[%swap3A_272, %swap3A_273], %swap3A_276 {strides = array<i32>} : memref<256x32xf32, #tpu.memory_space<vmem>>, vector<1x16xf32>,
    }
    %scan3A_47 = arith.constant 256 : i32
    %add3A_48 = arith.constant 256 : i32
    %add3A_49 = arith.addi %mul3A_2, %add3A_48 : i32
    %dma_start3A_50 = arith.constant 0 : i32
    %dma_start3A_51 = tpu.memref_slice %arg3[%add3A_49, %dma_start3A_50] : memref<32768x32xf32, #tpu.memory_space<hbm>> -> memref<256x32xf32, #tpu.memory_space<hbm>>
    %dma_start3A_52 = arith.constant 0 : i32
    %dma_start3A_53 = tpu.memref_slice %arg3[%add3A_49, %dma_start3A_52] : memref<32768x32xf32, #tpu.memory_space<hbm>> -> memref<256x32xf32, #tpu.memory_space<hbm>>
    tpu.enqueue_dma source(%arg7 : memref<256x32xf32, #tpu.memory_space<vmem>>) target(%dma_start3A_53 : memref<256x32xf32, #tpu.memory_space<hbm>>) target_semaphore(%arg11 : memref<!tpu.dma_semaphore, #tpu.memory_space<semaphore_mem>>)
    %add3A_54 = arith.constant 768 : i32
    %add3A_55 = arith.addi %mul3A_2, %add3A_54 : i32
    %dma_start3A_56 = arith.constant 512 : i32
    %dma_start3A_57 = tpu.memref_slice %arg2[%add3A_55, %dma_start3A_56] : memref<32768x1024xf32, #tpu.memory_space<hbm>> -> memref<256x128xf32, #tpu.memory_space<hbm>>
    %dma_start3A_58 = arith.constant 512 : i32
    %dma_start3A_59 = tpu.memref_slice %arg2[%add3A_55, %dma_start3A_58] : memref<32768x1024xf32, #tpu.memory_space<hbm>> -> memref<256x128xf32, #tpu.memory_space<hbm>>
    tpu.enqueue_dma source(%dma_start3A_59 : memref<256x128xf32, #tpu.memory_space<hbm>>) target(%arg5 : memref<256x128xf32, #tpu.memory_space<vmem>>) target_semaphore(%arg9 : memref<!tpu.dma_semaphore, #tpu.memory_space<semaphore_mem>>)
    %add3A_60 = arith.constant 512 : i32
    %add3A_61 = arith.addi %mul3A_2, %add3A_60 : i32
    %dma_wait3A_62 = arith.constant 512 : i32
    %dma_wait3A_63 = tpu.memref_slice %arg2[%add3A_61, %dma_wait3A_62] : memref<32768x1024xf32, #tpu.memory_space<hbm>> -> memref<256x128xf32, #tpu.memory_space<hbm>>
    %dma_wait3A_64 = arith.constant 512 : i32
    %dma_wait3A_65 = tpu.memref_slice %arg2[%add3A_61, %dma_wait3A_64] : memref<32768x1024xf32, #tpu.memory_space<hbm>> -> memref<256x128xf32, #tpu.memory_space<hbm>>
    tpu.wait_dma2 semaphore(%arg8 : memref<!tpu.dma_semaphore, #tpu.memory_space<semaphore_mem>>) src(%dma_wait3A_65 : memref<256x128xf32, #tpu.memory_space<hbm>>) dst(%arg4 : memref<256x128xf32, #tpu.memory_space<vmem>>)
    %add3A_66 = arith.constant 0 : i32
    %add3A_67 = arith.addi %mul3A_2, %add3A_66 : i32
    %dma_wait3A_68 = arith.constant 0 : i32
    %dma_wait3A_69 = tpu.memref_slice %arg3[%add3A_67, %dma_wait3A_68] : memref<32768x32xf32, #tpu.memory_space<hbm>> -> memref<256x32xf32, #tpu.memory_space<hbm>>
    %dma_wait3A_70 = arith.constant 0 : i32
    %dma_wait3A_71 = tpu.memref_slice %arg3[%add3A_67, %dma_wait3A_70] : memref<32768x32xf32, #tpu.memory_space<hbm>> -> memref<256x32xf32, #tpu.memory_space<hbm>>
    tpu.wait_dma2 semaphore(%arg10 : memref<!tpu.dma_semaphore, #tpu.memory_space<semaphore_mem>>) src(%arg6 : memref<256x32xf32, #tpu.memory_space<vmem>>) dst(%dma_wait3A_71 : memref<256x32xf32, #tpu.memory_space<hbm>>)
    %scan3A_72 = arith.constant 0 : i32
    %scan3A_73 = arith.constant 0 : i32
    %scan3A_74 = arith.constant 256 : i32
    %scan3A_75 = arith.addi %scan3A_73, %scan3A_74 : i32
    %scan3A_76 = arith.constant 8 : i32
    scf.for %scan3A_120 = %scan3A_73 to %scan3A_75 step %scan3A_76  : i32 {
      %get3A = arith.index_cast %scan3A_120 : i32 to index
      %get3A_121 = arith.constant 0 : index
      %get3A_122 = tpu.vector_load %arg4[%get3A, %get3A_121] {strides = array<i32>} : memref<256x128xf32, #tpu.memory_space<vmem>>, vector<1x16xf32>,
      %get3A_123 = vector.shape_cast %get3A_122 : vector<1x16xf32> to vector<16xf32>
      %swap3A = arith.index_cast %scan3A_120 : i32 to index
      %swap3A_124 = arith.constant 0 : index
      %swap3A_125 = tpu.vector_load %arg6[%swap3A, %swap3A_124] {strides = array<i32>} : memref<256x32xf32, #tpu.memory_space<vmem>>, vector<1x16xf32>,
      %swap3A_126 = vector.shape_cast %swap3A_125 : vector<1x16xf32> to vector<16xf32>
      %swap3A_127 = vector.shape_cast %get3A_123 : vector<16xf32> to vector<1x16xf32>
      tpu.vector_store %arg6[%swap3A, %swap3A_124], %swap3A_127 {strides = array<i32>} : memref<256x32xf32, #tpu.memory_space<vmem>>, vector<1x16xf32>,
      %get3A_128 = arith.index_cast %scan3A_120 : i32 to index
      %get3A_129 = arith.constant 16 : index
      %get3A_130 = tpu.vector_load %arg4[%get3A_128, %get3A_129] {strides = array<i32>} : memref<256x128xf32, #tpu.memory_space<vmem>>, vector<1x16xf32>,
      %get3A_131 = vector.shape_cast %get3A_130 : vector<1x16xf32> to vector<16xf32>
      %swap3A_132 = arith.index_cast %scan3A_120 : i32 to index
      %swap3A_133 = arith.constant 16 : index
      %swap3A_134 = tpu.vector_load %arg6[%swap3A_132, %swap3A_133] {strides = array<i32>} : memref<256x32xf32, #tpu.memory_space<vmem>>, vector<1x16xf32>,
      %swap3A_135 = vector.shape_cast %swap3A_134 : vector<1x16xf32> to vector<16xf32>
      %swap3A_136 = vector.shape_cast %get3A_131 : vector<16xf32> to vector<1x16xf32>
      tpu.vector_store %arg6[%swap3A_132, %swap3A_133], %swap3A_136 {strides = array<i32>} : memref<256x32xf32, #tpu.memory_space<vmem>>, vector<1x16xf32>,
      %scan3A_137 = arith.constant 1 : i32
      %scan3A_138 = arith.addi %scan3A_120, %scan3A_137 : i32
      %get3A_139 = arith.index_cast %scan3A_138 : i32 to index
      %get3A_140 = arith.constant 0 : index
      %get3A_141 = tpu.vector_load %arg4[%get3A_139, %get3A_140] {strides = array<i32>} : memref<256x128xf32, #tpu.memory_space<vmem>>, vector<1x16xf32>,
      %get3A_142 = vector.shape_cast %get3A_141 : vector<1x16xf32> to vector<16xf32>
      %swap3A_143 = arith.index_cast %scan3A_138 : i32 to index
      %swap3A_144 = arith.constant 0 : index
      %swap3A_145 = tpu.vector_load %arg6[%swap3A_143, %swap3A_144] {strides = array<i32>} : memref<256x32xf32, #tpu.memory_space<vmem>>, vector<1x16xf32>,
      %swap3A_146 = vector.shape_cast %swap3A_145 : vector<1x16xf32> to vector<16xf32>
      %swap3A_147 = vector.shape_cast %get3A_142 : vector<16xf32> to vector<1x16xf32>
      tpu.vector_store %arg6[%swap3A_143, %swap3A_144], %swap3A_147 {strides = array<i32>} : memref<256x32xf32, #tpu.memory_space<vmem>>, vector<1x16xf32>,
      %get3A_148 = arith.index_cast %scan3A_138 : i32 to index
      %get3A_149 = arith.constant 16 : index
      %get3A_150 = tpu.vector_load %arg4[%get3A_148, %get3A_149] {strides = array<i32>} : memref<256x128xf32, #tpu.memory_space<vmem>>, vector<1x16xf32>,
      %get3A_151 = vector.shape_cast %get3A_150 : vector<1x16xf32> to vector<16xf32>
      %swap3A_152 = arith.index_cast %scan3A_138 : i32 to index
      %swap3A_153 = arith.constant 16 : index
      %swap3A_154 = tpu.vector_load %arg6[%swap3A_152, %swap3A_153] {strides = array<i32>} : memref<256x32xf32, #tpu.memory_space<vmem>>, vector<1x16xf32>,
      %swap3A_155 = vector.shape_cast %swap3A_154 : vector<1x16xf32> to vector<16xf32>
      %swap3A_156 = vector.shape_cast %get3A_151 : vector<16xf32> to vector<1x16xf32>
      tpu.vector_store %arg6[%swap3A_152, %swap3A_153], %swap3A_156 {strides = array<i32>} : memref<256x32xf32, #tpu.memory_space<vmem>>, vector<1x16xf32>,
      %scan3A_157 = arith.constant 2 : i32
      %scan3A_158 = arith.addi %scan3A_120, %scan3A_157 : i32
      %get3A_159 = arith.index_cast %scan3A_158 : i32 to index
      %get3A_160 = arith.constant 0 : index
      %get3A_161 = tpu.vector_load %arg4[%get3A_159, %get3A_160] {strides = array<i32>} : memref<256x128xf32, #tpu.memory_space<vmem>>, vector<1x16xf32>,
      %get3A_162 = vector.shape_cast %get3A_161 : vector<1x16xf32> to vector<16xf32>
      %swap3A_163 = arith.index_cast %scan3A_158 : i32 to index
      %swap3A_164 = arith.constant 0 : index
      %swap3A_165 = tpu.vector_load %arg6[%swap3A_163, %swap3A_164] {strides = array<i32>} : memref<256x32xf32, #tpu.memory_space<vmem>>, vector<1x16xf32>,
      %swap3A_166 = vector.shape_cast %swap3A_165 : vector<1x16xf32> to vector<16xf32>
      %swap3A_167 = vector.shape_cast %get3A_162 : vector<16xf32> to vector<1x16xf32>
      tpu.vector_store %arg6[%swap3A_163, %swap3A_164], %swap3A_167 {strides = array<i32>} : memref<256x32xf32, #tpu.memory_space<vmem>>, vector<1x16xf32>,
      %get3A_168 = arith.index_cast %scan3A_158 : i32 to index
      %get3A_169 = arith.constant 16 : index
      %get3A_170 = tpu.vector_load %arg4[%get3A_168, %get3A_169] {strides = array<i32>} : memref<256x128xf32, #tpu.memory_space<vmem>>, vector<1x16xf32>,
      %get3A_171 = vector.shape_cast %get3A_170 : vector<1x16xf32> to vector<16xf32>
      %swap3A_172 = arith.index_cast %scan3A_158 : i32 to index
      %swap3A_173 = arith.constant 16 : index
      %swap3A_174 = tpu.vector_load %arg6[%swap3A_172, %swap3A_173] {strides = array<i32>} : memref<256x32xf32, #tpu.memory_space<vmem>>, vector<1x16xf32>,
      %swap3A_175 = vector.shape_cast %swap3A_174 : vector<1x16xf32> to vector<16xf32>
      %swap3A_176 = vector.shape_cast %get3A_171 : vector<16xf32> to vector<1x16xf32>
      tpu.vector_store %arg6[%swap3A_172, %swap3A_173], %swap3A_176 {strides = array<i32>} : memref<256x32xf32, #tpu.memory_space<vmem>>, vector<1x16xf32>,
      %scan3A_177 = arith.constant 3 : i32
      %scan3A_178 = arith.addi %scan3A_120, %scan3A_177 : i32
      %get3A_179 = arith.index_cast %scan3A_178 : i32 to index
      %get3A_180 = arith.constant 0 : index
      %get3A_181 = tpu.vector_load %arg4[%get3A_179, %get3A_180] {strides = array<i32>} : memref<256x128xf32, #tpu.memory_space<vmem>>, vector<1x16xf32>,
      %get3A_182 = vector.shape_cast %get3A_181 : vector<1x16xf32> to vector<16xf32>
      %swap3A_183 = arith.index_cast %scan3A_178 : i32 to index
      %swap3A_184 = arith.constant 0 : index
      %swap3A_185 = tpu.vector_load %arg6[%swap3A_183, %swap3A_184] {strides = array<i32>} : memref<256x32xf32, #tpu.memory_space<vmem>>, vector<1x16xf32>,
      %swap3A_186 = vector.shape_cast %swap3A_185 : vector<1x16xf32> to vector<16xf32>
      %swap3A_187 = vector.shape_cast %get3A_182 : vector<16xf32> to vector<1x16xf32>
      tpu.vector_store %arg6[%swap3A_183, %swap3A_184], %swap3A_187 {strides = array<i32>} : memref<256x32xf32, #tpu.memory_space<vmem>>, vector<1x16xf32>,
      %get3A_188 = arith.index_cast %scan3A_178 : i32 to index
      %get3A_189 = arith.constant 16 : index
      %get3A_190 = tpu.vector_load %arg4[%get3A_188, %get3A_189] {strides = array<i32>} : memref<256x128xf32, #tpu.memory_space<vmem>>, vector<1x16xf32>,
      %get3A_191 = vector.shape_cast %get3A_190 : vector<1x16xf32> to vector<16xf32>
      %swap3A_192 = arith.index_cast %scan3A_178 : i32 to index
      %swap3A_193 = arith.constant 16 : index
      %swap3A_194 = tpu.vector_load %arg6[%swap3A_192, %swap3A_193] {strides = array<i32>} : memref<256x32xf32, #tpu.memory_space<vmem>>, vector<1x16xf32>,
      %swap3A_195 = vector.shape_cast %swap3A_194 : vector<1x16xf32> to vector<16xf32>
      %swap3A_196 = vector.shape_cast %get3A_191 : vector<16xf32> to vector<1x16xf32>
      tpu.vector_store %arg6[%swap3A_192, %swap3A_193], %swap3A_196 {strides = array<i32>} : memref<256x32xf32, #tpu.memory_space<vmem>>, vector<1x16xf32>,
      %scan3A_197 = arith.constant 4 : i32
      %scan3A_198 = arith.addi %scan3A_120, %scan3A_197 : i32
      %get3A_199 = arith.index_cast %scan3A_198 : i32 to index
      %get3A_200 = arith.constant 0 : index
      %get3A_201 = tpu.vector_load %arg4[%get3A_199, %get3A_200] {strides = array<i32>} : memref<256x128xf32, #tpu.memory_space<vmem>>, vector<1x16xf32>,
      %get3A_202 = vector.shape_cast %get3A_201 : vector<1x16xf32> to vector<16xf32>
      %swap3A_203 = arith.index_cast %scan3A_198 : i32 to index
      %swap3A_204 = arith.constant 0 : index
      %swap3A_205 = tpu.vector_load %arg6[%swap3A_203, %swap3A_204] {strides = array<i32>} : memref<256x32xf32, #tpu.memory_space<vmem>>, vector<1x16xf32>,
      %swap3A_206 = vector.shape_cast %swap3A_205 : vector<1x16xf32> to vector<16xf32>
      %swap3A_207 = vector.shape_cast %get3A_202 : vector<16xf32> to vector<1x16xf32>
      tpu.vector_store %arg6[%swap3A_203, %swap3A_204], %swap3A_207 {strides = array<i32>} : memref<256x32xf32, #tpu.memory_space<vmem>>, vector<1x16xf32>,
      %get3A_208 = arith.index_cast %scan3A_198 : i32 to index
      %get3A_209 = arith.constant 16 : index
      %get3A_210 = tpu.vector_load %arg4[%get3A_208, %get3A_209] {strides = array<i32>} : memref<256x128xf32, #tpu.memory_space<vmem>>, vector<1x16xf32>,
      %get3A_211 = vector.shape_cast %get3A_210 : vector<1x16xf32> to vector<16xf32>
      %swap3A_212 = arith.index_cast %scan3A_198 : i32 to index
      %swap3A_213 = arith.constant 16 : index
      %swap3A_214 = tpu.vector_load %arg6[%swap3A_212, %swap3A_213] {strides = array<i32>} : memref<256x32xf32, #tpu.memory_space<vmem>>, vector<1x16xf32>,
      %swap3A_215 = vector.shape_cast %swap3A_214 : vector<1x16xf32> to vector<16xf32>
      %swap3A_216 = vector.shape_cast %get3A_211 : vector<16xf32> to vector<1x16xf32>
      tpu.vector_store %arg6[%swap3A_212, %swap3A_213], %swap3A_216 {strides = array<i32>} : memref<256x32xf32, #tpu.memory_space<vmem>>, vector<1x16xf32>,
      %scan3A_217 = arith.constant 5 : i32
      %scan3A_218 = arith.addi %scan3A_120, %scan3A_217 : i32
      %get3A_219 = arith.index_cast %scan3A_218 : i32 to index
      %get3A_220 = arith.constant 0 : index
      %get3A_221 = tpu.vector_load %arg4[%get3A_219, %get3A_220] {strides = array<i32>} : memref<256x128xf32, #tpu.memory_space<vmem>>, vector<1x16xf32>,
      %get3A_222 = vector.shape_cast %get3A_221 : vector<1x16xf32> to vector<16xf32>
      %swap3A_223 = arith.index_cast %scan3A_218 : i32 to index
      %swap3A_224 = arith.constant 0 : index
      %swap3A_225 = tpu.vector_load %arg6[%swap3A_223, %swap3A_224] {strides = array<i32>} : memref<256x32xf32, #tpu.memory_space<vmem>>, vector<1x16xf32>,
      %swap3A_226 = vector.shape_cast %swap3A_225 : vector<1x16xf32> to vector<16xf32>
      %swap3A_227 = vector.shape_cast %get3A_222 : vector<16xf32> to vector<1x16xf32>
      tpu.vector_store %arg6[%swap3A_223, %swap3A_224], %swap3A_227 {strides = array<i32>} : memref<256x32xf32, #tpu.memory_space<vmem>>, vector<1x16xf32>,
      %get3A_228 = arith.index_cast %scan3A_218 : i32 to index
      %get3A_229 = arith.constant 16 : index
      %get3A_230 = tpu.vector_load %arg4[%get3A_228, %get3A_229] {strides = array<i32>} : memref<256x128xf32, #tpu.memory_space<vmem>>, vector<1x16xf32>,
      %get3A_231 = vector.shape_cast %get3A_230 : vector<1x16xf32> to vector<16xf32>
      %swap3A_232 = arith.index_cast %scan3A_218 : i32 to index
      %swap3A_233 = arith.constant 16 : index
      %swap3A_234 = tpu.vector_load %arg6[%swap3A_232, %swap3A_233] {strides = array<i32>} : memref<256x32xf32, #tpu.memory_space<vmem>>, vector<1x16xf32>,
      %swap3A_235 = vector.shape_cast %swap3A_234 : vector<1x16xf32> to vector<16xf32>
      %swap3A_236 = vector.shape_cast %get3A_231 : vector<16xf32> to vector<1x16xf32>
      tpu.vector_store %arg6[%swap3A_232, %swap3A_233], %swap3A_236 {strides = array<i32>} : memref<256x32xf32, #tpu.memory_space<vmem>>, vector<1x16xf32>,
      %scan3A_237 = arith.constant 6 : i32
      %scan3A_238 = arith.addi %scan3A_120, %scan3A_237 : i32
      %get3A_239 = arith.index_cast %scan3A_238 : i32 to index
      %get3A_240 = arith.constant 0 : index
      %get3A_241 = tpu.vector_load %arg4[%get3A_239, %get3A_240] {strides = array<i32>} : memref<256x128xf32, #tpu.memory_space<vmem>>, vector<1x16xf32>,
      %get3A_242 = vector.shape_cast %get3A_241 : vector<1x16xf32> to vector<16xf32>
      %swap3A_243 = arith.index_cast %scan3A_238 : i32 to index
      %swap3A_244 = arith.constant 0 : index
      %swap3A_245 = tpu.vector_load %arg6[%swap3A_243, %swap3A_244] {strides = array<i32>} : memref<256x32xf32, #tpu.memory_space<vmem>>, vector<1x16xf32>,
      %swap3A_246 = vector.shape_cast %swap3A_245 : vector<1x16xf32> to vector<16xf32>
      %swap3A_247 = vector.shape_cast %get3A_242 : vector<16xf32> to vector<1x16xf32>
      tpu.vector_store %arg6[%swap3A_243, %swap3A_244], %swap3A_247 {strides = array<i32>} : memref<256x32xf32, #tpu.memory_space<vmem>>, vector<1x16xf32>,
      %get3A_248 = arith.index_cast %scan3A_238 : i32 to index
      %get3A_249 = arith.constant 16 : index
      %get3A_250 = tpu.vector_load %arg4[%get3A_248, %get3A_249] {strides = array<i32>} : memref<256x128xf32, #tpu.memory_space<vmem>>, vector<1x16xf32>,
      %get3A_251 = vector.shape_cast %get3A_250 : vector<1x16xf32> to vector<16xf32>
      %swap3A_252 = arith.index_cast %scan3A_238 : i32 to index
      %swap3A_253 = arith.constant 16 : index
      %swap3A_254 = tpu.vector_load %arg6[%swap3A_252, %swap3A_253] {strides = array<i32>} : memref<256x32xf32, #tpu.memory_space<vmem>>, vector<1x16xf32>,
      %swap3A_255 = vector.shape_cast %swap3A_254 : vector<1x16xf32> to vector<16xf32>
      %swap3A_256 = vector.shape_cast %get3A_251 : vector<16xf32> to vector<1x16xf32>
      tpu.vector_store %arg6[%swap3A_252, %swap3A_253], %swap3A_256 {strides = array<i32>} : memref<256x32xf32, #tpu.memory_space<vmem>>, vector<1x16xf32>,
      %scan3A_257 = arith.constant 7 : i32
      %scan3A_258 = arith.addi %scan3A_120, %scan3A_257 : i32
      %get3A_259 = arith.index_cast %scan3A_258 : i32 to index
      %get3A_260 = arith.constant 0 : index
      %get3A_261 = tpu.vector_load %arg4[%get3A_259, %get3A_260] {strides = array<i32>} : memref<256x128xf32, #tpu.memory_space<vmem>>, vector<1x16xf32>,
      %get3A_262 = vector.shape_cast %get3A_261 : vector<1x16xf32> to vector<16xf32>
      %swap3A_263 = arith.index_cast %scan3A_258 : i32 to index
      %swap3A_264 = arith.constant 0 : index
      %swap3A_265 = tpu.vector_load %arg6[%swap3A_263, %swap3A_264] {strides = array<i32>} : memref<256x32xf32, #tpu.memory_space<vmem>>, vector<1x16xf32>,
      %swap3A_266 = vector.shape_cast %swap3A_265 : vector<1x16xf32> to vector<16xf32>
      %swap3A_267 = vector.shape_cast %get3A_262 : vector<16xf32> to vector<1x16xf32>
      tpu.vector_store %arg6[%swap3A_263, %swap3A_264], %swap3A_267 {strides = array<i32>} : memref<256x32xf32, #tpu.memory_space<vmem>>, vector<1x16xf32>,
      %get3A_268 = arith.index_cast %scan3A_258 : i32 to index
      %get3A_269 = arith.constant 16 : index
      %get3A_270 = tpu.vector_load %arg4[%get3A_268, %get3A_269] {strides = array<i32>} : memref<256x128xf32, #tpu.memory_space<vmem>>, vector<1x16xf32>,
      %get3A_271 = vector.shape_cast %get3A_270 : vector<1x16xf32> to vector<16xf32>
      %swap3A_272 = arith.index_cast %scan3A_258 : i32 to index
      %swap3A_273 = arith.constant 16 : index
      %swap3A_274 = tpu.vector_load %arg6[%swap3A_272, %swap3A_273] {strides = array<i32>} : memref<256x32xf32, #tpu.memory_space<vmem>>, vector<1x16xf32>,
      %swap3A_275 = vector.shape_cast %swap3A_274 : vector<1x16xf32> to vector<16xf32>
      %swap3A_276 = vector.shape_cast %get3A_271 : vector<16xf32> to vector<1x16xf32>
      tpu.vector_store %arg6[%swap3A_272, %swap3A_273], %swap3A_276 {strides = array<i32>} : memref<256x32xf32, #tpu.memory_space<vmem>>, vector<1x16xf32>,
    }
    %scan3A_77 = arith.constant 256 : i32
    %add3A_78 = arith.constant 512 : i32
    %add3A_79 = arith.addi %mul3A_2, %add3A_78 : i32
    %dma_start3A_80 = arith.constant 0 : i32
    %dma_start3A_81 = tpu.memref_slice %arg3[%add3A_79, %dma_start3A_80] : memref<32768x32xf32, #tpu.memory_space<hbm>> -> memref<256x32xf32, #tpu.memory_space<hbm>>
    %dma_start3A_82 = arith.constant 0 : i32
    %dma_start3A_83 = tpu.memref_slice %arg3[%add3A_79, %dma_start3A_82] : memref<32768x32xf32, #tpu.memory_space<hbm>> -> memref<256x32xf32, #tpu.memory_space<hbm>>
    tpu.enqueue_dma source(%arg6 : memref<256x32xf32, #tpu.memory_space<vmem>>) target(%dma_start3A_83 : memref<256x32xf32, #tpu.memory_space<hbm>>) target_semaphore(%arg10 : memref<!tpu.dma_semaphore, #tpu.memory_space<semaphore_mem>>)
    %add3A_84 = arith.constant 768 : i32
    %add3A_85 = arith.addi %mul3A_2, %add3A_84 : i32
    %dma_wait3A_86 = arith.constant 512 : i32
    %dma_wait3A_87 = tpu.memref_slice %arg2[%add3A_85, %dma_wait3A_86] : memref<32768x1024xf32, #tpu.memory_space<hbm>> -> memref<256x128xf32, #tpu.memory_space<hbm>>
    %dma_wait3A_88 = arith.constant 512 : i32
    %dma_wait3A_89 = tpu.memref_slice %arg2[%add3A_85, %dma_wait3A_88] : memref<32768x1024xf32, #tpu.memory_space<hbm>> -> memref<256x128xf32, #tpu.memory_space<hbm>>
    tpu.wait_dma2 semaphore(%arg9 : memref<!tpu.dma_semaphore, #tpu.memory_space<semaphore_mem>>) src(%dma_wait3A_89 : memref<256x128xf32, #tpu.memory_space<hbm>>) dst(%arg5 : memref<256x128xf32, #tpu.memory_space<vmem>>)
    %add3A_90 = arith.constant 256 : i32
    %add3A_91 = arith.addi %mul3A_2, %add3A_90 : i32
    %dma_wait3A_92 = arith.constant 0 : i32
    %dma_wait3A_93 = tpu.memref_slice %arg3[%add3A_91, %dma_wait3A_92] : memref<32768x32xf32, #tpu.memory_space<hbm>> -> memref<256x32xf32, #tpu.memory_space<hbm>>
    %dma_wait3A_94 = arith.constant 0 : i32
    %dma_wait3A_95 = tpu.memref_slice %arg3[%add3A_91, %dma_wait3A_94] : memref<32768x32xf32, #tpu.memory_space<hbm>> -> memref<256x32xf32, #tpu.memory_space<hbm>>
    tpu.wait_dma2 semaphore(%arg11 : memref<!tpu.dma_semaphore, #tpu.memory_space<semaphore_mem>>) src(%arg7 : memref<256x32xf32, #tpu.memory_space<vmem>>) dst(%dma_wait3A_95 : memref<256x32xf32, #tpu.memory_space<hbm>>)
    %scan3A_96 = arith.constant 0 : i32
    %scan3A_97 = arith.constant 0 : i32
    %scan3A_98 = arith.constant 256 : i32
    %scan3A_99 = arith.addi %scan3A_97, %scan3A_98 : i32
    %scan3A_100 = arith.constant 8 : i32
    scf.for %scan3A_120 = %scan3A_97 to %scan3A_99 step %scan3A_100  : i32 {
      %get3A = arith.index_cast %scan3A_120 : i32 to index
      %get3A_121 = arith.constant 0 : index
      %get3A_122 = tpu.vector_load %arg5[%get3A, %get3A_121] {strides = array<i32>} : memref<256x128xf32, #tpu.memory_space<vmem>>, vector<1x16xf32>,
      %get3A_123 = vector.shape_cast %get3A_122 : vector<1x16xf32> to vector<16xf32>
      %swap3A = arith.index_cast %scan3A_120 : i32 to index
      %swap3A_124 = arith.constant 0 : index
      %swap3A_125 = tpu.vector_load %arg7[%swap3A, %swap3A_124] {strides = array<i32>} : memref<256x32xf32, #tpu.memory_space<vmem>>, vector<1x16xf32>,
      %swap3A_126 = vector.shape_cast %swap3A_125 : vector<1x16xf32> to vector<16xf32>
      %swap3A_127 = vector.shape_cast %get3A_123 : vector<16xf32> to vector<1x16xf32>
      tpu.vector_store %arg7[%swap3A, %swap3A_124], %swap3A_127 {strides = array<i32>} : memref<256x32xf32, #tpu.memory_space<vmem>>, vector<1x16xf32>,
      %get3A_128 = arith.index_cast %scan3A_120 : i32 to index
      %get3A_129 = arith.constant 16 : index
      %get3A_130 = tpu.vector_load %arg5[%get3A_128, %get3A_129] {strides = array<i32>} : memref<256x128xf32, #tpu.memory_space<vmem>>, vector<1x16xf32>,
      %get3A_131 = vector.shape_cast %get3A_130 : vector<1x16xf32> to vector<16xf32>
      %swap3A_132 = arith.index_cast %scan3A_120 : i32 to index
      %swap3A_133 = arith.constant 16 : index
      %swap3A_134 = tpu.vector_load %arg7[%swap3A_132, %swap3A_133] {strides = array<i32>} : memref<256x32xf32, #tpu.memory_space<vmem>>, vector<1x16xf32>,
      %swap3A_135 = vector.shape_cast %swap3A_134 : vector<1x16xf32> to vector<16xf32>
      %swap3A_136 = vector.shape_cast %get3A_131 : vector<16xf32> to vector<1x16xf32>
      tpu.vector_store %arg7[%swap3A_132, %swap3A_133], %swap3A_136 {strides = array<i32>} : memref<256x32xf32, #tpu.memory_space<vmem>>, vector<1x16xf32>,
      %scan3A_137 = arith.constant 1 : i32
      %scan3A_138 = arith.addi %scan3A_120, %scan3A_137 : i32
      %get3A_139 = arith.index_cast %scan3A_138 : i32 to index
      %get3A_140 = arith.constant 0 : index
      %get3A_141 = tpu.vector_load %arg5[%get3A_139, %get3A_140] {strides = array<i32>} : memref<256x128xf32, #tpu.memory_space<vmem>>, vector<1x16xf32>,
      %get3A_142 = vector.shape_cast %get3A_141 : vector<1x16xf32> to vector<16xf32>
      %swap3A_143 = arith.index_cast %scan3A_138 : i32 to index
      %swap3A_144 = arith.constant 0 : index
      %swap3A_145 = tpu.vector_load %arg7[%swap3A_143, %swap3A_144] {strides = array<i32>} : memref<256x32xf32, #tpu.memory_space<vmem>>, vector<1x16xf32>,
      %swap3A_146 = vector.shape_cast %swap3A_145 : vector<1x16xf32> to vector<16xf32>
      %swap3A_147 = vector.shape_cast %get3A_142 : vector<16xf32> to vector<1x16xf32>
      tpu.vector_store %arg7[%swap3A_143, %swap3A_144], %swap3A_147 {strides = array<i32>} : memref<256x32xf32, #tpu.memory_space<vmem>>, vector<1x16xf32>,
      %get3A_148 = arith.index_cast %scan3A_138 : i32 to index
      %get3A_149 = arith.constant 16 : index
      %get3A_150 = tpu.vector_load %arg5[%get3A_148, %get3A_149] {strides = array<i32>} : memref<256x128xf32, #tpu.memory_space<vmem>>, vector<1x16xf32>,
      %get3A_151 = vector.shape_cast %get3A_150 : vector<1x16xf32> to vector<16xf32>
      %swap3A_152 = arith.index_cast %scan3A_138 : i32 to index
      %swap3A_153 = arith.constant 16 : index
      %swap3A_154 = tpu.vector_load %arg7[%swap3A_152, %swap3A_153] {strides = array<i32>} : memref<256x32xf32, #tpu.memory_space<vmem>>, vector<1x16xf32>,
      %swap3A_155 = vector.shape_cast %swap3A_154 : vector<1x16xf32> to vector<16xf32>
      %swap3A_156 = vector.shape_cast %get3A_151 : vector<16xf32> to vector<1x16xf32>
      tpu.vector_store %arg7[%swap3A_152, %swap3A_153], %swap3A_156 {strides = array<i32>} : memref<256x32xf32, #tpu.memory_space<vmem>>, vector<1x16xf32>,
      %scan3A_157 = arith.constant 2 : i32
      %scan3A_158 = arith.addi %scan3A_120, %scan3A_157 : i32
      %get3A_159 = arith.index_cast %scan3A_158 : i32 to index
      %get3A_160 = arith.constant 0 : index
      %get3A_161 = tpu.vector_load %arg5[%get3A_159, %get3A_160] {strides = array<i32>} : memref<256x128xf32, #tpu.memory_space<vmem>>, vector<1x16xf32>,
      %get3A_162 = vector.shape_cast %get3A_161 : vector<1x16xf32> to vector<16xf32>
      %swap3A_163 = arith.index_cast %scan3A_158 : i32 to index
      %swap3A_164 = arith.constant 0 : index
      %swap3A_165 = tpu.vector_load %arg7[%swap3A_163, %swap3A_164] {strides = array<i32>} : memref<256x32xf32, #tpu.memory_space<vmem>>, vector<1x16xf32>,
      %swap3A_166 = vector.shape_cast %swap3A_165 : vector<1x16xf32> to vector<16xf32>
      %swap3A_167 = vector.shape_cast %get3A_162 : vector<16xf32> to vector<1x16xf32>
      tpu.vector_store %arg7[%swap3A_163, %swap3A_164], %swap3A_167 {strides = array<i32>} : memref<256x32xf32, #tpu.memory_space<vmem>>, vector<1x16xf32>,
      %get3A_168 = arith.index_cast %scan3A_158 : i32 to index
      %get3A_169 = arith.constant 16 : index
      %get3A_170 = tpu.vector_load %arg5[%get3A_168, %get3A_169] {strides = array<i32>} : memref<256x128xf32, #tpu.memory_space<vmem>>, vector<1x16xf32>,
      %get3A_171 = vector.shape_cast %get3A_170 : vector<1x16xf32> to vector<16xf32>
      %swap3A_172 = arith.index_cast %scan3A_158 : i32 to index
      %swap3A_173 = arith.constant 16 : index
      %swap3A_174 = tpu.vector_load %arg7[%swap3A_172, %swap3A_173] {strides = array<i32>} : memref<256x32xf32, #tpu.memory_space<vmem>>, vector<1x16xf32>,
      %swap3A_175 = vector.shape_cast %swap3A_174 : vector<1x16xf32> to vector<16xf32>
      %swap3A_176 = vector.shape_cast %get3A_171 : vector<16xf32> to vector<1x16xf32>
      tpu.vector_store %arg7[%swap3A_172, %swap3A_173], %swap3A_176 {strides = array<i32>} : memref<256x32xf32, #tpu.memory_space<vmem>>, vector<1x16xf32>,
      %scan3A_177 = arith.constant 3 : i32
      %scan3A_178 = arith.addi %scan3A_120, %scan3A_177 : i32
      %get3A_179 = arith.index_cast %scan3A_178 : i32 to index
      %get3A_180 = arith.constant 0 : index
      %get3A_181 = tpu.vector_load %arg5[%get3A_179, %get3A_180] {strides = array<i32>} : memref<256x128xf32, #tpu.memory_space<vmem>>, vector<1x16xf32>,
      %get3A_182 = vector.shape_cast %get3A_181 : vector<1x16xf32> to vector<16xf32>
      %swap3A_183 = arith.index_cast %scan3A_178 : i32 to index
      %swap3A_184 = arith.constant 0 : index
      %swap3A_185 = tpu.vector_load %arg7[%swap3A_183, %swap3A_184] {strides = array<i32>} : memref<256x32xf32, #tpu.memory_space<vmem>>, vector<1x16xf32>,
      %swap3A_186 = vector.shape_cast %swap3A_185 : vector<1x16xf32> to vector<16xf32>
      %swap3A_187 = vector.shape_cast %get3A_182 : vector<16xf32> to vector<1x16xf32>
      tpu.vector_store %arg7[%swap3A_183, %swap3A_184], %swap3A_187 {strides = array<i32>} : memref<256x32xf32, #tpu.memory_space<vmem>>, vector<1x16xf32>,
      %get3A_188 = arith.index_cast %scan3A_178 : i32 to index
      %get3A_189 = arith.constant 16 : index
      %get3A_190 = tpu.vector_load %arg5[%get3A_188, %get3A_189] {strides = array<i32>} : memref<256x128xf32, #tpu.memory_space<vmem>>, vector<1x16xf32>,
      %get3A_191 = vector.shape_cast %get3A_190 : vector<1x16xf32> to vector<16xf32>
      %swap3A_192 = arith.index_cast %scan3A_178 : i32 to index
      %swap3A_193 = arith.constant 16 : index
      %swap3A_194 = tpu.vector_load %arg7[%swap3A_192, %swap3A_193] {strides = array<i32>} : memref<256x32xf32, #tpu.memory_space<vmem>>, vector<1x16xf32>,
      %swap3A_195 = vector.shape_cast %swap3A_194 : vector<1x16xf32> to vector<16xf32>
      %swap3A_196 = vector.shape_cast %get3A_191 : vector<16xf32> to vector<1x16xf32>
      tpu.vector_store %arg7[%swap3A_192, %swap3A_193], %swap3A_196 {strides = array<i32>} : memref<256x32xf32, #tpu.memory_space<vmem>>, vector<1x16xf32>,
      %scan3A_197 = arith.constant 4 : i32
      %scan3A_198 = arith.addi %scan3A_120, %scan3A_197 : i32
      %get3A_199 = arith.index_cast %scan3A_198 : i32 to index
      %get3A_200 = arith.constant 0 : index
      %get3A_201 = tpu.vector_load %arg5[%get3A_199, %get3A_200] {strides = array<i32>} : memref<256x128xf32, #tpu.memory_space<vmem>>, vector<1x16xf32>,
      %get3A_202 = vector.shape_cast %get3A_201 : vector<1x16xf32> to vector<16xf32>
      %swap3A_203 = arith.index_cast %scan3A_198 : i32 to index
      %swap3A_204 = arith.constant 0 : index
      %swap3A_205 = tpu.vector_load %arg7[%swap3A_203, %swap3A_204] {strides = array<i32>} : memref<256x32xf32, #tpu.memory_space<vmem>>, vector<1x16xf32>,
      %swap3A_206 = vector.shape_cast %swap3A_205 : vector<1x16xf32> to vector<16xf32>
      %swap3A_207 = vector.shape_cast %get3A_202 : vector<16xf32> to vector<1x16xf32>
      tpu.vector_store %arg7[%swap3A_203, %swap3A_204], %swap3A_207 {strides = array<i32>} : memref<256x32xf32, #tpu.memory_space<vmem>>, vector<1x16xf32>,
      %get3A_208 = arith.index_cast %scan3A_198 : i32 to index
      %get3A_209 = arith.constant 16 : index
      %get3A_210 = tpu.vector_load %arg5[%get3A_208, %get3A_209] {strides = array<i32>} : memref<256x128xf32, #tpu.memory_space<vmem>>, vector<1x16xf32>,
      %get3A_211 = vector.shape_cast %get3A_210 : vector<1x16xf32> to vector<16xf32>
      %swap3A_212 = arith.index_cast %scan3A_198 : i32 to index
      %swap3A_213 = arith.constant 16 : index
      %swap3A_214 = tpu.vector_load %arg7[%swap3A_212, %swap3A_213] {strides = array<i32>} : memref<256x32xf32, #tpu.memory_space<vmem>>, vector<1x16xf32>,
      %swap3A_215 = vector.shape_cast %swap3A_214 : vector<1x16xf32> to vector<16xf32>
      %swap3A_216 = vector.shape_cast %get3A_211 : vector<16xf32> to vector<1x16xf32>
      tpu.vector_store %arg7[%swap3A_212, %swap3A_213], %swap3A_216 {strides = array<i32>} : memref<256x32xf32, #tpu.memory_space<vmem>>, vector<1x16xf32>,
      %scan3A_217 = arith.constant 5 : i32
      %scan3A_218 = arith.addi %scan3A_120, %scan3A_217 : i32
      %get3A_219 = arith.index_cast %scan3A_218 : i32 to index
      %get3A_220 = arith.constant 0 : index
      %get3A_221 = tpu.vector_load %arg5[%get3A_219, %get3A_220] {strides = array<i32>} : memref<256x128xf32, #tpu.memory_space<vmem>>, vector<1x16xf32>,
      %get3A_222 = vector.shape_cast %get3A_221 : vector<1x16xf32> to vector<16xf32>
      %swap3A_223 = arith.index_cast %scan3A_218 : i32 to index
      %swap3A_224 = arith.constant 0 : index
      %swap3A_225 = tpu.vector_load %arg7[%swap3A_223, %swap3A_224] {strides = array<i32>} : memref<256x32xf32, #tpu.memory_space<vmem>>, vector<1x16xf32>,
      %swap3A_226 = vector.shape_cast %swap3A_225 : vector<1x16xf32> to vector<16xf32>
      %swap3A_227 = vector.shape_cast %get3A_222 : vector<16xf32> to vector<1x16xf32>
      tpu.vector_store %arg7[%swap3A_223, %swap3A_224], %swap3A_227 {strides = array<i32>} : memref<256x32xf32, #tpu.memory_space<vmem>>, vector<1x16xf32>,
      %get3A_228 = arith.index_cast %scan3A_218 : i32 to index
      %get3A_229 = arith.constant 16 : index
      %get3A_230 = tpu.vector_load %arg5[%get3A_228, %get3A_229] {strides = array<i32>} : memref<256x128xf32, #tpu.memory_space<vmem>>, vector<1x16xf32>,
      %get3A_231 = vector.shape_cast %get3A_230 : vector<1x16xf32> to vector<16xf32>
      %swap3A_232 = arith.index_cast %scan3A_218 : i32 to index
      %swap3A_233 = arith.constant 16 : index
      %swap3A_234 = tpu.vector_load %arg7[%swap3A_232, %swap3A_233] {strides = array<i32>} : memref<256x32xf32, #tpu.memory_space<vmem>>, vector<1x16xf32>,
      %swap3A_235 = vector.shape_cast %swap3A_234 : vector<1x16xf32> to vector<16xf32>
      %swap3A_236 = vector.shape_cast %get3A_231 : vector<16xf32> to vector<1x16xf32>
      tpu.vector_store %arg7[%swap3A_232, %swap3A_233], %swap3A_236 {strides = array<i32>} : memref<256x32xf32, #tpu.memory_space<vmem>>, vector<1x16xf32>,
      %scan3A_237 = arith.constant 6 : i32
      %scan3A_238 = arith.addi %scan3A_120, %scan3A_237 : i32
      %get3A_239 = arith.index_cast %scan3A_238 : i32 to index
      %get3A_240 = arith.constant 0 : index
      %get3A_241 = tpu.vector_load %arg5[%get3A_239, %get3A_240] {strides = array<i32>} : memref<256x128xf32, #tpu.memory_space<vmem>>, vector<1x16xf32>,
      %get3A_242 = vector.shape_cast %get3A_241 : vector<1x16xf32> to vector<16xf32>
      %swap3A_243 = arith.index_cast %scan3A_238 : i32 to index
      %swap3A_244 = arith.constant 0 : index
      %swap3A_245 = tpu.vector_load %arg7[%swap3A_243, %swap3A_244] {strides = array<i32>} : memref<256x32xf32, #tpu.memory_space<vmem>>, vector<1x16xf32>,
      %swap3A_246 = vector.shape_cast %swap3A_245 : vector<1x16xf32> to vector<16xf32>
      %swap3A_247 = vector.shape_cast %get3A_242 : vector<16xf32> to vector<1x16xf32>
      tpu.vector_store %arg7[%swap3A_243, %swap3A_244], %swap3A_247 {strides = array<i32>} : memref<256x32xf32, #tpu.memory_space<vmem>>, vector<1x16xf32>,
      %get3A_248 = arith.index_cast %scan3A_238 : i32 to index
      %get3A_249 = arith.constant 16 : index
      %get3A_250 = tpu.vector_load %arg5[%get3A_248, %get3A_249] {strides = array<i32>} : memref<256x128xf32, #tpu.memory_space<vmem>>, vector<1x16xf32>,
      %get3A_251 = vector.shape_cast %get3A_250 : vector<1x16xf32> to vector<16xf32>
      %swap3A_252 = arith.index_cast %scan3A_238 : i32 to index
      %swap3A_253 = arith.constant 16 : index
      %swap3A_254 = tpu.vector_load %arg7[%swap3A_252, %swap3A_253] {strides = array<i32>} : memref<256x32xf32, #tpu.memory_space<vmem>>, vector<1x16xf32>,
      %swap3A_255 = vector.shape_cast %swap3A_254 : vector<1x16xf32> to vector<16xf32>
      %swap3A_256 = vector.shape_cast %get3A_251 : vector<16xf32> to vector<1x16xf32>
      tpu.vector_store %arg7[%swap3A_252, %swap3A_253], %swap3A_256 {strides = array<i32>} : memref<256x32xf32, #tpu.memory_space<vmem>>, vector<1x16xf32>,
      %scan3A_257 = arith.constant 7 : i32
      %scan3A_258 = arith.addi %scan3A_120, %scan3A_257 : i32
      %get3A_259 = arith.index_cast %scan3A_258 : i32 to index
      %get3A_260 = arith.constant 0 : index
      %get3A_261 = tpu.vector_load %arg5[%get3A_259, %get3A_260] {strides = array<i32>} : memref<256x128xf32, #tpu.memory_space<vmem>>, vector<1x16xf32>,
      %get3A_262 = vector.shape_cast %get3A_261 : vector<1x16xf32> to vector<16xf32>
      %swap3A_263 = arith.index_cast %scan3A_258 : i32 to index
      %swap3A_264 = arith.constant 0 : index
      %swap3A_265 = tpu.vector_load %arg7[%swap3A_263, %swap3A_264] {strides = array<i32>} : memref<256x32xf32, #tpu.memory_space<vmem>>, vector<1x16xf32>,
      %swap3A_266 = vector.shape_cast %swap3A_265 : vector<1x16xf32> to vector<16xf32>
      %swap3A_267 = vector.shape_cast %get3A_262 : vector<16xf32> to vector<1x16xf32>
      tpu.vector_store %arg7[%swap3A_263, %swap3A_264], %swap3A_267 {strides = array<i32>} : memref<256x32xf32, #tpu.memory_space<vmem>>, vector<1x16xf32>,
      %get3A_268 = arith.index_cast %scan3A_258 : i32 to index
      %get3A_269 = arith.constant 16 : index
      %get3A_270 = tpu.vector_load %arg5[%get3A_268, %get3A_269] {strides = array<i32>} : memref<256x128xf32, #tpu.memory_space<vmem>>, vector<1x16xf32>,
      %get3A_271 = vector.shape_cast %get3A_270 : vector<1x16xf32> to vector<16xf32>
      %swap3A_272 = arith.index_cast %scan3A_258 : i32 to index
      %swap3A_273 = arith.constant 16 : index
      %swap3A_274 = tpu.vector_load %arg7[%swap3A_272, %swap3A_273] {strides = array<i32>} : memref<256x32xf32, #tpu.memory_space<vmem>>, vector<1x16xf32>,
      %swap3A_275 = vector.shape_cast %swap3A_274 : vector<1x16xf32> to vector<16xf32>
      %swap3A_276 = vector.shape_cast %get3A_271 : vector<16xf32> to vector<1x16xf32>
      tpu.vector_store %arg7[%swap3A_272, %swap3A_273], %swap3A_276 {strides = array<i32>} : memref<256x32xf32, #tpu.memory_space<vmem>>, vector<1x16xf32>,
    }
    %scan3A_101 = arith.constant 256 : i32
    %add3A_102 = arith.constant 768 : i32
    %add3A_103 = arith.addi %mul3A_2, %add3A_102 : i32
    %dma_start3A_104 = arith.constant 0 : i32
    %dma_start3A_105 = tpu.memref_slice %arg3[%add3A_103, %dma_start3A_104] : memref<32768x32xf32, #tpu.memory_space<hbm>> -> memref<256x32xf32, #tpu.memory_space<hbm>>
    %dma_start3A_106 = arith.constant 0 : i32
    %dma_start3A_107 = tpu.memref_slice %arg3[%add3A_103, %dma_start3A_106] : memref<32768x32xf32, #tpu.memory_space<hbm>> -> memref<256x32xf32, #tpu.memory_space<hbm>>
    tpu.enqueue_dma source(%arg7 : memref<256x32xf32, #tpu.memory_space<vmem>>) target(%dma_start3A_107 : memref<256x32xf32, #tpu.memory_space<hbm>>) target_semaphore(%arg11 : memref<!tpu.dma_semaphore, #tpu.memory_space<semaphore_mem>>)
    %add3A_108 = arith.constant 512 : i32
    %add3A_109 = arith.addi %mul3A_2, %add3A_108 : i32
    %dma_wait3A_110 = arith.constant 0 : i32
    %dma_wait3A_111 = tpu.memref_slice %arg3[%add3A_109, %dma_wait3A_110] : memref<32768x32xf32, #tpu.memory_space<hbm>> -> memref<256x32xf32, #tpu.memory_space<hbm>>
    %dma_wait3A_112 = arith.constant 0 : i32
    %dma_wait3A_113 = tpu.memref_slice %arg3[%add3A_109, %dma_wait3A_112] : memref<32768x32xf32, #tpu.memory_space<hbm>> -> memref<256x32xf32, #tpu.memory_space<hbm>>
    tpu.wait_dma2 semaphore(%arg10 : memref<!tpu.dma_semaphore, #tpu.memory_space<semaphore_mem>>) src(%arg6 : memref<256x32xf32, #tpu.memory_space<vmem>>) dst(%dma_wait3A_113 : memref<256x32xf32, #tpu.memory_space<hbm>>)
    %add3A_114 = arith.constant 768 : i32
    %add3A_115 = arith.addi %mul3A_2, %add3A_114 : i32
    %dma_wait3A_116 = arith.constant 0 : i32
    %dma_wait3A_117 = tpu.memref_slice %arg3[%add3A_115, %dma_wait3A_116] : memref<32768x32xf32, #tpu.memory_space<hbm>> -> memref<256x32xf32, #tpu.memory_space<hbm>>
    %dma_wait3A_118 = arith.constant 0 : i32
    %dma_wait3A_119 = tpu.memref_slice %arg3[%add3A_115, %dma_wait3A_118] : memref<32768x32xf32, #tpu.memory_space<hbm>> -> memref<256x32xf32, #tpu.memory_space<hbm>>
    tpu.wait_dma2 semaphore(%arg11 : memref<!tpu.dma_semaphore, #tpu.memory_space<semaphore_mem>>) src(%arg7 : memref<256x32xf32, #tpu.memory_space<vmem>>) dst(%dma_wait3A_119 : memref<256x32xf32, #tpu.memory_space<hbm>>)
    return
  }
}

module attributes {stable_mosaic.version = 14 : i64} {
  func.func @_tc_body(%arg0: i32, %arg1: memref<32768x128xf32, #tpu.memory_space<vmem>>, %arg2: memref<32768x32xf32, #tpu.memory_space<vmem>>) attributes {dimension_semantics = [#tpu.dimension_semantics<arbitrary>], iteration_bounds = array<i64: 1>, scalar_prefetch = 0 : i64, scratch_operands = 0 : i64, tpu.core_type = #tpu.core_type<tc>, window_params = [{transform_indices = @transform_0, window_bounds = array<i64: 32768, 128>}, {transform_indices = @transform_1, window_bounds = array<i64: 32768, 32>}]} {
    %get3A = arith.constant 0 : index
    %get3A_0 = arith.constant 0 : index
    %get3A_1 = vector.load %arg1[%get3A, %get3A_0] : memref<32768x128xf32, #tpu.memory_space<vmem>>, vector<32768x32xf32>
    %swap3A = arith.constant 0 : index
    %swap3A_2 = arith.constant 0 : index
    %swap3A_3 = vector.load %arg2[%swap3A, %swap3A_2] : memref<32768x32xf32, #tpu.memory_space<vmem>>, vector<32768x32xf32>
    tpu.vector_store %arg2[%swap3A, %swap3A_2], %get3A_1 {strides = array<i32>} : memref<32768x32xf32, #tpu.memory_space<vmem>>, vector<32768x32xf32>,
    return
  }
  func.func @transform_0(%arg0: i32) -> (i32, i32) {
    %c6_i32 = arith.constant 6 : i32
    %c0_i32 = arith.constant 0 : i32
    return %arg0, %c6_i32 : i32, i32
  }
  func.func @transform_1(%arg0: i32) -> (i32, i32) {
    %c0_i32 = arith.constant 0 : i32
    %c0_i32_0 = arith.constant 0 : i32
    return %arg0, %c0_i32 : i32, i32
  }
}

</mosaic_0001>

<sc_bundles>
// kernel: kernel.5.cloned.1.call-start
scs
__scs_entry_jumppad:
0x0: {  	(pc) =	sbr.rel $0x88, $3  }
0x1: {  	(tag) =	ssettag $0x0;
	lr =	simm.s32 $0x1  }
0x2: {  	[smem:$0x3FA0] =	sst lr;
	_ =	strace $0xD0000000  }
0x3: {  	_ = 	snop  }
0x4: {  	_ = 	snop  }
0x5: {  	_ = 	snop  }
0x6: {  	_ = 	snop  }
0x7: {  	_ = 	snop  }
__scs_overlays_trampoline_lowered:
0x8: {  	[smem:$0x3FAF] =	sst s0  }
0x9: {  	[smem:$0x3FB0] =	sst s1  }
0xa: {  	[smem:$0x3FB1] =	sst s2  }
0xb: {  	[smem:$0x3FB2] =	sst s3  }
0xc: {  	[smem:$0x3FB3] =	sst s4  }
0xd: {  	[smem:$0x3FB4] =	sst s5  }
0xe: {  	[smem:$0x3FB5] =	sst s6  }
0xf: {  	[smem:$0x3FB6] =	sst s7  }
0x10: {  	[smem:$0x3FB7] =	sst s8  }
0x11: {  	[smem:$0x3FB8] =	sst s9;
	s0 =	simm.s32 @!p0 $0x0  }
0x12: {  	s1 =	sld [smem:$0x3F9E];
	s0 =	simm.s32 @p0 $0x1  }
0x13: {  	[smem:$0x3FB9] =	sst s0;
	s0 =	simm.s32 @!p1 $0x0  }
0x14: {  	s2 =	sld [smem:$0x3F9D];
	s0 =	simm.s32 @p1 $0x1  }
0x15: {  	[smem:$0x3FBA] =	sst s0;
	s0 =	simm.s32 @!p2 $0x0  }
0x16: {  	s3 =	sld [smem:$0x3FDB];
	s0 =	simm.s32 @p2 $0x1  }
0x17: {  	s4 =	simm.s32 $0x1BF5;
	[smem:$0x3FBC] =	sst s0  }
0x18: {  	s0 =	sld [smem:$0x3F9F];
	_ =	swait.ge [sflag:s4], $0x0  }
0x19: {  	s7 =	sld [smem:$0x3FA0]  }
0x1a: {  	s8 =	sadd.s32 $0xFFFFE003, lr  }
0x1b: {  	s9 =	sadd.s32 $0xFFFFFEF7, lr;
	s5 =	simm.s32 $0xFFFFFFFF;
	p2 =	slt.u32 s8, $0xFFFFF086  }
0x1c: {  	p1 =	slt.u32 s9, $0xF7A;
	s5 =	simm.s32 @!p2 $0x0  }
0x1d: {  	s5 =	simm.s32 @p1 $0x1;
	p0 =	seq.s32 s7, s2  }
0x1e: {  	s7 =	smul.u32 @!p0 $0xF7A, s2;
	p2 =	seq.s32 @!p0 s5, $0x0  }
0x1f: {  	s9 =	smul.u32 $0xF7A, s1;
	s8 =	simm.s32 @!p0 $0x1BF5;
	p2 =	por !p2, p0  }
0x20: {  	[sflag:s8] =	ssyncset.s32 @!p0 $0xFFFFF086;
	s6 =	sadd.s32 @!p0 s3, s7;
	s7 =	simm.s32 @!p0 $0x108  }
0x21: {  	s3 =	sadd.s32 s3, s9;
	s6 =	sadd.s32 @!p0 $0x88, s6;
	s7 =	simm.s32 @p2 $0x1082  }
0x22: {  	[simem:s7], [sflag:s8] =	dma.local @!p0 [hbm:s6], $0xF7A  }
0x23: {  	s9 =	sor.u32 $0xD0000000, s2;
	s6 =	simm.s32 $0x108;
	_ =	swait.ge @!p0 [sflag:s8], $0x0  }
0x24: {  	s3 =	sadd.s32 $0x88, s3;
	s6 =	simm.s32 @!p1 $0x1082;
	[sflag:s4] =	ssyncset.s32 $0xFFFFF086  }
0x25: {  	[simem:s6], [sflag:s4] =	dma.local [hbm:s3], $0xF7A  }
0x26: {  	[smem:$0x3FA0] =	sst s1;
	(tag) =	ssettag s2;
	_ =	strace s9  }
0x27: {  	s1 =	sld [smem:$0x3FB0]  }
0x28: {  	s2 =	sld [smem:$0x3FB1]  }
0x29: {  	s4 =	sld [smem:$0x3FB3]  }
0x2a: {  	p0 =	seq.s32 s5, $0x0;
	s5 =	sld [smem:$0x3FB4]  }
0x2b: {  	s6 =	sld [smem:$0x3FB5]  }
0x2c: {  	s7 =	sld [smem:$0x3FB6]  }
0x2d: {  	s3 =	simm.s32 $0x108;
	s8 =	sld [smem:$0x3FB7]  }
0x2e: {  	s3 =	simm.s32 @!p0 $0x1082;
	s9 =	sld [smem:$0x3FB8]  }
0x2f: {  	lr =	sadd.s32 s0, s3;
	s0 =	sld [smem:$0x3FAF]  }
0x30: {  	s3 =	sld [smem:$0x3FB2]  }
0x31: {  	[smem:$0x3FBB] =	sst s10  }
0x32: {  	s10 =	sld [smem:$0x3FB9];
	_ =	sdelay $0x3  }
0x33: {  	p0 =	seq.s32 s10, $0x1;
	s10 =	sld [smem:$0x3FBB];
	_ =	sdelay $0x3  }
0x34: {  	[smem:$0x3FBB] =	sst s10  }
0x35: {  	s10 =	sld [smem:$0x3FBA];
	_ =	sdelay $0x3  }
0x36: {  	p1 =	seq.s32 s10, $0x1;
	s10 =	sld [smem:$0x3FBB];
	_ =	sdelay $0x3  }
0x37: {  	[smem:$0x3FBB] =	sst s10  }
0x38: {  	s10 =	sld [smem:$0x3FBC]  }
0x39: {  	_ = 	snop;
	(pc) =	sbr.ind lr, $3  }
0x3a: {  	_ = 	snop  }
0x3b: {  	_ = 	snop  }
0x3c: {  	p2 =	seq.s32 s10, $0x1;
	s10 =	sld [smem:$0x3FBB]  }
0x3d: {  	_ =	shalt  }
0x3e: {  	_ =	shalt  }
0x3f: {  	_ =	shalt  }
0x40: {  	_ =	shalt  }
0x41: {  	_ =	shalt  }
0x42: {  	_ =	shalt  }
0x43: {  	_ =	shalt  }
0x44: {  	_ =	shalt  }
0x45: {  	_ =	shalt  }
0x46: {  	_ =	shalt  }
0x47: {  	_ =	shalt  }
0x48: {  	_ =	shalt  }
0x49: {  	_ =	shalt  }
0x4a: {  	_ =	shalt  }
0x4b: {  	_ =	shalt  }
0x4c: {  	_ =	shalt  }
0x4d: {  	_ =	shalt  }
0x4e: {  	_ =	shalt  }
0x4f: {  	_ =	shalt  }
0x50: {  	_ =	shalt  }
0x51: {  	_ =	shalt  }
0x52: {  	_ =	shalt  }
0x53: {  	_ =	shalt  }
0x54: {  	_ =	shalt  }
0x55: {  	_ =	shalt  }
0x56: {  	_ =	shalt  }
0x57: {  	_ =	shalt  }
0x58: {  	_ =	shalt  }
0x59: {  	_ =	shalt  }
0x5a: {  	_ =	shalt  }
0x5b: {  	_ =	shalt  }
0x5c: {  	_ =	shalt  }
0x5d: {  	_ =	shalt  }
0x5e: {  	_ =	shalt  }
0x5f: {  	_ =	shalt  }
0x60: {  	_ =	shalt  }
0x61: {  	_ =	shalt  }
0x62: {  	_ =	shalt  }
0x63: {  	_ =	shalt  }
0x64: {  	_ =	shalt  }
0x65: {  	_ =	shalt  }
0x66: {  	_ =	shalt  }
0x67: {  	_ =	shalt  }
0x68: {  	_ =	shalt  }
0x69: {  	_ =	shalt  }
0x6a: {  	_ =	shalt  }
0x6b: {  	_ =	shalt  }
0x6c: {  	_ =	shalt  }
0x6d: {  	_ =	shalt  }
0x6e: {  	_ =	shalt  }
0x6f: {  	_ =	shalt  }
0x70: {  	_ =	shalt  }
0x71: {  	_ =	shalt  }
0x72: {  	_ =	shalt  }
0x73: {  	_ =	shalt  }
0x74: {  	_ =	shalt  }
0x75: {  	_ =	shalt  }
0x76: {  	_ =	shalt  }
0x77: {  	_ =	shalt  }
0x78: {  	_ =	shalt  }
0x79: {  	_ =	shalt  }
0x7a: {  	_ =	shalt  }
0x7b: {  	_ =	shalt  }
0x7c: {  	_ =	shalt  }
0x7d: {  	_ =	shalt  }
0x7e: {  	_ =	shalt  }
0x7f: {  	_ =	shalt  }
0x80: {  	_ =	shalt  }
0x81: {  	_ =	shalt  }
0x82: {  	_ =	shalt  }
0x83: {  	_ =	shalt  }
0x84: {  	_ =	shalt  }
0x85: {  	_ =	shalt  }
0x86: {  	_ =	shalt  }
0x87: {  	_ =	shalt  }
.Lfunc_end0:
.L_simem_size_0:
called_computation_lowered:
.L_overlay_start_0:
0x88: {  	s2 =	sld [smem:$0x3FD9]  }
0x89: {  	s3 =	sld [smem:$0x3FFE];
	_ =	sdelay $0x1  }
0x8a: {  	s1 =	srdreg.scid  }
0x8b: {  	s0 =	sand.u32 $0x1, s1  }
0x8c: {  	s17 =	sshll.u32 s0, $0xA;
	s2 =	sadd.s32 s3, s2  }
0x8d: {  	s2 =	sadd.s32 s2, s17  }
0x8e: {  	[smem:$0x3FC7] =	sst s2  }
0x8f: {  	_ = 	snop  }
0x90: {  	s2 =	sld [smem:$0x3FC9];
	(tm) =	ssettm $0x1  }
0x91: {  	s18 =	sld [smem:$0x3FFB];
	_ =	sdelay $0x3  }
0x92: {  	_ =	strace s18  }
0x93: {  	s3 =	sld [smem:$0x3FFC];
	_ =	sdelay $0x3  }
0x94: {  	_ =	strace s3  }
0x95: {  	s3 =	sld [smem:$0x3FFD];
	_ =	sdelay $0x3  }
0x96: {  	_ =	strace s3  }
0x97: {  	_ =	strace $0x8FFFFFFF  }
0x98: {  	s19 =	sld [smem:$0x3FDB];
	_ =	sdelay $0x1  }
0x99: {  	s4 =	simm.s32 $_scs_section_size  }
0x9a: {  	s5 =	simm.s32 $_size__tile_overlayer_lowered;
	s6 =	simm.s32 $_tile_overlayer_lowered  }
0x9b: {  	s22 =	simm.s32 $0x1BFF;
	s21 =	sshll.u32 s6, $0x1;
	s3 =	sadd.s32 s4, s19  }
0x9c: {  	s7 =	simm.s32 $0x0;
	s20 =	sshll.u32 s5, $0x1;
	s5 =	sadd.s32 s21, s3  }
0x9d: {  	[timem:s7], [sflag:s22] =	dma.local [hbm:s5], s20  }
0x9e: {  	_ =	swait.ge [sflag:s22], s20  }
0x9f: {  	s4 =	ssub.s32 $0x0, s20;
	[sflag:s22] =	ssyncset.done $0x0  }
0xa0: {  	[sflag:s22] =	ssyncadd.s32 s4;
	_ =	sdelay $0x1  }
0xa1: {  	s23 =	simm.s32 $0x1B8B  }
0xa2: {  	_ =	swait.ge [sflag:s23], $0x1  }
0xa3: {  	[sflag:s23] =	ssyncset.done $0x0  }
0xa4: {  	s25 =	simm.s32 $0x1B8E;
	s24 =	sld [smem:$0x3FFE];
	[sflag:s23] =	ssyncadd.s32 $0xFFFFFFFF  }
0xa5: {  	s26 =	simm.s32 $execute0_lowered;
	[smem:$0x3FD2] =	sst s25  }
0xa6: {  	s5 =	sshll.u32 s26, $0x1;
	_ =	strace $0x80000046;
	[dreg:$0x1] =	wrdreg $0xFFFFFFFF  }
0xa7: {  	s28 =	simm.s32 $_size_execute0_lowered;
	s3 =	sadd.s32 s3, s5;
	[dreg:$0x0] =	wrdreg $0x0  }
0xa8: {  	s5 =	sshll.u32 s28, $0x1;
	[dreg:$0x2] =	wrdreg s3  }
0xa9: {  	[dreg:$0x3] =	wrdreg s5  }
0xaa: {  	[dreg:$0x4] =	wrdreg $0xC0  }
0xab: {  	_ =	task [dreg:s7], $0x5FFFF  }
0xac: {  	[dreg:$0x1] =	wrdreg $0xFFFFFFFF  }
0xad: {  	[dreg:$0x0] =	wrdreg $0x60  }
0xae: {  	[dreg:$0x2] =	wrdreg s2  }
0xaf: {  	[dreg:$0x3] =	wrdreg s24  }
0xb0: {  	[dreg:$0x4] =	wrdreg $0x9  }
0xb1: {  	_ =	task.clear_ibuf [dreg:s7], $0x5FFFF;
	_ =	strace $0x90000046  }
0xb2: {  	s29 =	simm.s32 $0x9;
	_ =	strace $0x80000048  }
0xb3: {  	_ =	swait.ge [sflag:s29], $0x1  }
0xb4: {  	[sflag:s29] =	ssyncadd.s32 $0xFFFFFFFF  }
0xb5: {  	_ =	strace $0x90000048  }
0xb6: {  	_ =	sfence  }
0xb7: {  	s30 =	sld [smem:$0x0];
	_ =	sdelay $0x2  }
0xb8: {  	s31 =	sshll.u32 s1, $0xD;
	s1 =	sshrl.u32 s1, $0x2  }
0xb9: {  	s3 =	sand.u32 $0x4000, s31;
	s1 =	sadd.s32 s1, s30  }
0xba: {  	s0 =	sor.u32 s3, s0;
	s1 =	sshll.u32 s1, $0x11  }
0xbb: {  	s0 =	sor.u32 s1, s0  }
0xbc: {  	s0 =	sadd.s32 $0x8F2B, s0  }
0xbd: {  	[sflag:s0] =	ssyncadd.remote.s32 $0x1  }
0xbe: {  	_ =	sfence.sel $0xFFFF  }
0xbf: {  	[dreg:$0x0] =	wrdreg $0xFFFFFFFF;
	(pc) =	sbr.abs _section_cstart, $3  }
0xc0: {  	[dreg:$0x1] =	wrdreg $0xFFFFFFFF  }
0xc1: {  	_ =	task.clear_ibuf [dreg:s7], $0x2FFFF;
	_ =	strace $0x9FFFFFFF  }
0xc2: {  	(tm) =	ssettm $0x7FFFFFFF  }
0xc3: {  	_ =	shalt  }
tec
execute0_lowered:
.L_overlay_start_1:
0x0: {  	(tag) =	ssettag $0x1  }
0x1: {  	s0 =	rddreg [dreg:$0x0]  }
0x2: {  	s1 =	rddreg [dreg:$0x1]  }
0x3: {  	s3 =	srdreg.scid;
	s2 =	simm.s32 $0x0;
	s4 =	stileid.u32  }
0x4: {  	s21 =	simm.s32 $0x2000;
	s22 =	simm.s32 $0x8000;
	s23 =	simm.s32 $0x1  }
0x5: {  	s24 =	simm.s32 $0x10000;
	s25 =	simm.s32 $0x2;
	s26 =	simm.s32 $0x18000  }
0x6: {  	s28 =	simm.s32 $0x3;
	s29 =	simm.s32 $0x4;
	s30 =	simm.s32 $0x0  }
0x7: {  	s3 =	sand.u32 $0x1, s3;
	[smem:$0x7FF] =	sst s2;
	s4 =	sshll.u32 s4, $0xB  }
0x8: {  	s11 =	sadd.s32 $0xE00, s1;
	s5 =	sshll.u32 s3, $0xA;
	s3 =	ssub.s32 $0x2, s3  }
0x9: {  	s1 =	sadd.s32 $0x80E00, s1;
	s5 =	sor.u32 s5, s4;
	s31 =	sshrl.u32 s3, $0x1  }
0xa: {  	_ =	strace $0x80000047;
	s6 =	sshrl.u32 s5, $0x3;
	s19 =	ssub.s32 s3, s31  }
0xb: {  	s10 =	sshll.u32 s5, $0x7;
	s13 =	sshll.u32 s5, $0x4;
	s7 =	sor.u32 $0x20, s6  }
0xc: {  	s3 =	sadd.s32 s0, s10;
	s5 =	sadd.s32 s11, s13;
	s9 =	sor.u32 $0x40, s6  }
0xd: {  	s14 =	sor.u32 $0x60, s6;
	s13 =	sadd.s32 s1, s13;
	s19 =	smax.u32 s19, $0x1  }
0xe: {  	s12 =	sshll.u32 s7, $0xA;
	s15 =	sshll.u32 s9, $0xA;
	s16 =	sshll.u32 s7, $0x7  }
0xf: {  	s17 =	sshll.u32 s14, $0xA;
	s18 =	sshll.u32 s9, $0x7;
	s20 =	sshll.u32 s14, $0x7  }
0x10: {  	s4 =	sadd.s32 s0, s12;
	s6 =	sadd.s32 s0, s15;
	s7 =	sadd.s32 s11, s16  }
0x11: {  	s8 =	sadd.s32 s0, s17;
	s0 =	sadd.s32 $0x100, s0;
	s9 =	sadd.s32 s11, s18  }
0x12: {  	s11 =	sadd.s32 s11, s20;
	s10 =	sadd.s32 s10, s0;
	s12 =	sadd.s32 s12, s0  }
0x13: {  	s14 =	sadd.s32 s15, s0;
	s15 =	sadd.s32 s1, s16;
	s16 =	sadd.s32 s17, s0  }
0x14: {  	s17 =	sadd.s32 s1, s18;
	s18 =	sadd.s32 s1, s20;
	s20 =	simm.s32 $0x400  }
.LBB2_1:
0x15: {  	[tilespmem:s2], [sflag:$0x1] =	stream.strided.gather [hbm4b:s3+s20], $0x8000, s21, s20, $0x38;
	v63 =	vld [tilespmem:$0x0]  }
0x16: {  	_ = 	snop  }
0x17: {  	[tilespmem:s22], [sflag:$0x2] =	stream.strided.gather [hbm4b:s4+s20], $0x8000, s21, s20, $0x38;
	v63 =	vld [tilespmem:$0x0]  }
0x18: {  	_ =	swait.ge [sflag:s23], $0x8000  }
0x19: {  	[sflag:s23] =	ssyncset.done $0x0  }
0x1a: {  	s0 =	simm.s32 $0x200;
	[sflag:s23] =	ssyncadd.s32 $0xFFFF8000  }
0x1b: {  	v0 =	vld [tilespmem:s0+$0xFFFFFE00];
	_ =	sdelay $0x3  }
0x1c: {  	s31 =	simm.s32 $0x10200  }
0x1d: {  	[tilespmem:s31+$0xFFFFFE00] =	vst v0  }
0x1e: {  	v0 =	vld [tilespmem:s0+$0xFFFFFE10];
	_ =	sdelay $0x4  }
0x1f: {  	[tilespmem:s31+$0xFFFFFE10] =	vst v0  }
0x20: {  	v0 =	vld [tilespmem:s0+$0xFFFFFE80];
	_ =	sdelay $0x4  }
0x21: {  	[tilespmem:s31+$0xFFFFFE80] =	vst v0  }
0x22: {  	v0 =	vld [tilespmem:s0+$0xFFFFFE90];
	_ =	sdelay $0x4  }
0x23: {  	[tilespmem:s31+$0xFFFFFE90] =	vst v0  }
0x24: {  	v0 =	vld [tilespmem:s0+$0xFFFFFF00];
	_ =	sdelay $0x4  }
0x25: {  	[tilespmem:s31+$0xFFFFFF00] =	vst v0  }
0x26: {  	v0 =	vld [tilespmem:s0+$0xFFFFFF10];
	_ =	sdelay $0x4  }
0x27: {  	[tilespmem:s31+$0xFFFFFF10] =	vst v0  }
0x28: {  	v0 =	vld [tilespmem:s0+$0xFFFFFF80];
	_ =	sdelay $0x4  }
0x29: {  	[tilespmem:s31+$0xFFFFFF80] =	vst v0  }
0x2a: {  	v0 =	vld [tilespmem:s0+$0xFFFFFF90];
	_ =	sdelay $0x4  }
0x2b: {  	[tilespmem:s31+$0xFFFFFF90] =	vst v0  }
0x2c: {  	v0 =	vld [tilespmem:s0+$0x0];
	_ =	sdelay $0x4  }
0x2d: {  	[tilespmem:s31+$0x0] =	vst v0  }
0x2e: {  	v0 =	vld [tilespmem:s0+$0x10];
	_ =	sdelay $0x4  }
0x2f: {  	[tilespmem:s31+$0x10] =	vst v0  }
0x30: {  	v0 =	vld [tilespmem:s0+$0x80];
	_ =	sdelay $0x4  }
0x31: {  	[tilespmem:s31+$0x80] =	vst v0  }
0x32: {  	v0 =	vld [tilespmem:s0+$0x90];
	_ =	sdelay $0x4  }
0x33: {  	[tilespmem:s31+$0x90] =	vst v0  }
0x34: {  	v0 =	vld [tilespmem:s0+$0x100];
	_ =	sdelay $0x4  }
0x35: {  	[tilespmem:s31+$0x100] =	vst v0  }
0x36: {  	v0 =	vld [tilespmem:s0+$0x110];
	_ =	sdelay $0x4  }
0x37: {  	[tilespmem:s31+$0x110] =	vst v0  }
0x38: {  	v0 =	vld [tilespmem:s0+$0x180];
	_ =	sdelay $0x4  }
0x39: {  	[tilespmem:s31+$0x180] =	vst v0  }
0x3a: {  	v0 =	vld [tilespmem:s0+$0x190];
	_ =	sdelay $0x4  }
0x3b: {  	s1 =	simm.s32 $0x600;
	s0 =	simm.s32 $0x0;
	[tilespmem:s31+$0x190] =	vst v0  }
.LBB2_2:
0x3c: {  	v0 =	vld [tilespmem:s1+$0xFFFFFE00];
	s0 =	sadd.s32 $0x8, s0  }
0x3d: {  	p0 =	slt.u32 s0, $0xF8;
	_ =	sdelay $0x2  }
0x3e: {  	s31 =	sadd.s32 $0x400, s31  }
0x3f: {  	[tilespmem:s31+$0xFFFFFE00] =	vst v0  }
0x40: {  	v0 =	vld [tilespmem:s1+$0xFFFFFE10];
	_ =	sdelay $0x4  }
0x41: {  	[tilespmem:s31+$0xFFFFFE10] =	vst v0  }
0x42: {  	v0 =	vld [tilespmem:s1+$0xFFFFFE80];
	_ =	sdelay $0x4  }
0x43: {  	[tilespmem:s31+$0xFFFFFE80] =	vst v0  }
0x44: {  	v0 =	vld [tilespmem:s1+$0xFFFFFE90];
	_ =	sdelay $0x4  }
0x45: {  	[tilespmem:s31+$0xFFFFFE90] =	vst v0  }
0x46: {  	v0 =	vld [tilespmem:s1+$0xFFFFFF00];
	_ =	sdelay $0x4  }
0x47: {  	[tilespmem:s31+$0xFFFFFF00] =	vst v0  }
0x48: {  	v0 =	vld [tilespmem:s1+$0xFFFFFF10];
	_ =	sdelay $0x4  }
0x49: {  	[tilespmem:s31+$0xFFFFFF10] =	vst v0  }
0x4a: {  	v0 =	vld [tilespmem:s1+$0xFFFFFF80];
	_ =	sdelay $0x4  }
0x4b: {  	[tilespmem:s31+$0xFFFFFF80] =	vst v0  }
0x4c: {  	v0 =	vld [tilespmem:s1+$0xFFFFFF90];
	_ =	sdelay $0x4  }
0x4d: {  	[tilespmem:s31+$0xFFFFFF90] =	vst v0  }
0x4e: {  	v0 =	vld [tilespmem:s1+$0x0];
	_ =	sdelay $0x4  }
0x4f: {  	[tilespmem:s31+$0x0] =	vst v0  }
0x50: {  	v0 =	vld [tilespmem:s1+$0x10];
	_ =	sdelay $0x4  }
0x51: {  	[tilespmem:s31+$0x10] =	vst v0  }
0x52: {  	v0 =	vld [tilespmem:s1+$0x80];
	_ =	sdelay $0x4  }
0x53: {  	[tilespmem:s31+$0x80] =	vst v0  }
0x54: {  	v0 =	vld [tilespmem:s1+$0x90];
	_ =	sdelay $0x4  }
0x55: {  	[tilespmem:s31+$0x90] =	vst v0  }
0x56: {  	v0 =	vld [tilespmem:s1+$0x100];
	_ =	sdelay $0x4  }
0x57: {  	[tilespmem:s31+$0x100] =	vst v0  }
0x58: {  	v0 =	vld [tilespmem:s1+$0x110];
	_ =	sdelay $0x4  }
0x59: {  	[tilespmem:s31+$0x110] =	vst v0  }
0x5a: {  	v0 =	vld [tilespmem:s1+$0x180];
	_ =	sdelay $0x4  }
0x5b: {  	[tilespmem:s31+$0x180] =	vst v0  }
0x5c: {  	v0 =	vld [tilespmem:s1+$0x190]  }
.Ltmp0:
0x5d: {  	(pc) =	sbr.rel @p0 .LBB2_2-.Ltmp0, $2  }
0x5e: {  	_ =	sdelay $0x2  }
0x5f: {  	s1 =	sadd.s32 $0x400, s1;
	[tilespmem:s31+$0x190] =	vst v0  }
0x60: {  	[hbm4b:s5+s2] =	stream.linear.scatter [tilespmem:s24], [sflag:$0x3], $0x8000, $0x38;
	v63 =	vld [tilespmem:$0x0]  }
0x61: {  	_ = 	snop  }
0x62: {  	[tilespmem:s2], [sflag:$0x1] =	stream.strided.gather [hbm4b:s6+s20], $0x8000, s21, s20, $0x38;
	v63 =	vld [tilespmem:$0x0]  }
0x63: {  	_ =	swait.ge [sflag:s25], $0x8000  }
0x64: {  	[sflag:s25] =	ssyncset.done $0x0  }
0x65: {  	s0 =	simm.s32 $0x8200;
	[sflag:s25] =	ssyncadd.s32 $0xFFFF8000  }
0x66: {  	v0 =	vld [tilespmem:s0+$0xFFFFFE00];
	_ =	sdelay $0x3  }
0x67: {  	s31 =	simm.s32 $0x18200  }
0x68: {  	[tilespmem:s31+$0xFFFFFE00] =	vst v0  }
0x69: {  	v0 =	vld [tilespmem:s0+$0xFFFFFE10];
	_ =	sdelay $0x4  }
0x6a: {  	[tilespmem:s31+$0xFFFFFE10] =	vst v0  }
0x6b: {  	v0 =	vld [tilespmem:s0+$0xFFFFFE80];
	_ =	sdelay $0x4  }
0x6c: {  	[tilespmem:s31+$0xFFFFFE80] =	vst v0  }
0x6d: {  	v0 =	vld [tilespmem:s0+$0xFFFFFE90];
	_ =	sdelay $0x4  }
0x6e: {  	[tilespmem:s31+$0xFFFFFE90] =	vst v0  }
0x6f: {  	v0 =	vld [tilespmem:s0+$0xFFFFFF00];
	_ =	sdelay $0x4  }
0x70: {  	[tilespmem:s31+$0xFFFFFF00] =	vst v0  }
0x71: {  	v0 =	vld [tilespmem:s0+$0xFFFFFF10];
	_ =	sdelay $0x4  }
0x72: {  	[tilespmem:s31+$0xFFFFFF10] =	vst v0  }
0x73: {  	v0 =	vld [tilespmem:s0+$0xFFFFFF80];
	_ =	sdelay $0x4  }
0x74: {  	[tilespmem:s31+$0xFFFFFF80] =	vst v0  }
0x75: {  	v0 =	vld [tilespmem:s0+$0xFFFFFF90];
	_ =	sdelay $0x4  }
0x76: {  	[tilespmem:s31+$0xFFFFFF90] =	vst v0  }
0x77: {  	v0 =	vld [tilespmem:s0+$0x0];
	_ =	sdelay $0x4  }
0x78: {  	[tilespmem:s31+$0x0] =	vst v0  }
0x79: {  	v0 =	vld [tilespmem:s0+$0x10];
	_ =	sdelay $0x4  }
0x7a: {  	[tilespmem:s31+$0x10] =	vst v0  }
0x7b: {  	v0 =	vld [tilespmem:s0+$0x80];
	_ =	sdelay $0x4  }
0x7c: {  	[tilespmem:s31+$0x80] =	vst v0  }
0x7d: {  	v0 =	vld [tilespmem:s0+$0x90];
	_ =	sdelay $0x4  }
0x7e: {  	[tilespmem:s31+$0x90] =	vst v0  }
0x7f: {  	v0 =	vld [tilespmem:s0+$0x100];
	_ =	sdelay $0x4  }
0x80: {  	[tilespmem:s31+$0x100] =	vst v0  }
0x81: {  	v0 =	vld [tilespmem:s0+$0x110];
	_ =	sdelay $0x4  }
0x82: {  	[tilespmem:s31+$0x110] =	vst v0  }
0x83: {  	v0 =	vld [tilespmem:s0+$0x180];
	_ =	sdelay $0x4  }
0x84: {  	[tilespmem:s31+$0x180] =	vst v0  }
0x85: {  	v0 =	vld [tilespmem:s0+$0x190];
	_ =	sdelay $0x4  }
0x86: {  	s1 =	simm.s32 $0x8600;
	s0 =	simm.s32 $0x0;
	[tilespmem:s31+$0x190] =	vst v0  }
.LBB2_4:
0x87: {  	v0 =	vld [tilespmem:s1+$0xFFFFFE00];
	s0 =	sadd.s32 $0x8, s0  }
0x88: {  	p0 =	slt.u32 s0, $0xF8;
	_ =	sdelay $0x2  }
0x89: {  	s31 =	sadd.s32 $0x400, s31  }
0x8a: {  	[tilespmem:s31+$0xFFFFFE00] =	vst v0  }
0x8b: {  	v0 =	vld [tilespmem:s1+$0xFFFFFE10];
	_ =	sdelay $0x4  }
0x8c: {  	[tilespmem:s31+$0xFFFFFE10] =	vst v0  }
0x8d: {  	v0 =	vld [tilespmem:s1+$0xFFFFFE80];
	_ =	sdelay $0x4  }
0x8e: {  	[tilespmem:s31+$0xFFFFFE80] =	vst v0  }
0x8f: {  	v0 =	vld [tilespmem:s1+$0xFFFFFE90];
	_ =	sdelay $0x4  }
0x90: {  	[tilespmem:s31+$0xFFFFFE90] =	vst v0  }
0x91: {  	v0 =	vld [tilespmem:s1+$0xFFFFFF00];
	_ =	sdelay $0x4  }
0x92: {  	[tilespmem:s31+$0xFFFFFF00] =	vst v0  }
0x93: {  	v0 =	vld [tilespmem:s1+$0xFFFFFF10];
	_ =	sdelay $0x4  }
0x94: {  	[tilespmem:s31+$0xFFFFFF10] =	vst v0  }
0x95: {  	v0 =	vld [tilespmem:s1+$0xFFFFFF80];
	_ =	sdelay $0x4  }
0x96: {  	[tilespmem:s31+$0xFFFFFF80] =	vst v0  }
0x97: {  	v0 =	vld [tilespmem:s1+$0xFFFFFF90];
	_ =	sdelay $0x4  }
0x98: {  	[tilespmem:s31+$0xFFFFFF90] =	vst v0  }
0x99: {  	v0 =	vld [tilespmem:s1+$0x0];
	_ =	sdelay $0x4  }
0x9a: {  	[tilespmem:s31+$0x0] =	vst v0  }
0x9b: {  	v0 =	vld [tilespmem:s1+$0x10];
	_ =	sdelay $0x4  }
0x9c: {  	[tilespmem:s31+$0x10] =	vst v0  }
0x9d: {  	v0 =	vld [tilespmem:s1+$0x80];
	_ =	sdelay $0x4  }
0x9e: {  	[tilespmem:s31+$0x80] =	vst v0  }
0x9f: {  	v0 =	vld [tilespmem:s1+$0x90];
	_ =	sdelay $0x4  }
0xa0: {  	[tilespmem:s31+$0x90] =	vst v0  }
0xa1: {  	v0 =	vld [tilespmem:s1+$0x100];
	_ =	sdelay $0x4  }
0xa2: {  	[tilespmem:s31+$0x100] =	vst v0  }
0xa3: {  	v0 =	vld [tilespmem:s1+$0x110];
	_ =	sdelay $0x4  }
0xa4: {  	[tilespmem:s31+$0x110] =	vst v0  }
0xa5: {  	v0 =	vld [tilespmem:s1+$0x180];
	_ =	sdelay $0x4  }
0xa6: {  	[tilespmem:s31+$0x180] =	vst v0  }
0xa7: {  	v0 =	vld [tilespmem:s1+$0x190]  }
.Ltmp1:
0xa8: {  	(pc) =	sbr.rel @p0 .LBB2_4-.Ltmp1, $2  }
0xa9: {  	_ =	sdelay $0x2  }
0xaa: {  	s1 =	sadd.s32 $0x400, s1;
	[tilespmem:s31+$0x190] =	vst v0  }
0xab: {  	[hbm4b:s7+s2] =	stream.linear.scatter [tilespmem:s26], [sflag:$0x4], $0x8000, $0x38;
	v63 =	vld [tilespmem:$0x0]  }
0xac: {  	_ = 	snop  }
0xad: {  	[tilespmem:s22], [sflag:$0x2] =	stream.strided.gather [hbm4b:s8+s20], $0x8000, s21, s20, $0x38;
	v63 =	vld [tilespmem:$0x0]  }
0xae: {  	_ =	swait.ge [sflag:s23], $0x8000  }
0xaf: {  	[sflag:s23] =	ssyncset.done $0x0  }
0xb0: {  	[sflag:s23] =	ssyncadd.s32 $0xFFFF8000  }
0xb1: {  	_ =	swait.ge [sflag:s28], $0x8000  }
0xb2: {  	[sflag:s28] =	ssyncset.done $0x0  }
0xb3: {  	s0 =	simm.s32 $0x200;
	[sflag:s28] =	ssyncadd.s32 $0xFFFF8000  }
0xb4: {  	v0 =	vld [tilespmem:s0+$0xFFFFFE00];
	_ =	sdelay $0x3  }
0xb5: {  	s31 =	simm.s32 $0x10200  }
0xb6: {  	[tilespmem:s31+$0xFFFFFE00] =	vst v0  }
0xb7: {  	v0 =	vld [tilespmem:s0+$0xFFFFFE10];
	_ =	sdelay $0x4  }
0xb8: {  	[tilespmem:s31+$0xFFFFFE10] =	vst v0  }
0xb9: {  	v0 =	vld [tilespmem:s0+$0xFFFFFE80];
	_ =	sdelay $0x4  }
0xba: {  	[tilespmem:s31+$0xFFFFFE80] =	vst v0  }
0xbb: {  	v0 =	vld [tilespmem:s0+$0xFFFFFE90];
	_ =	sdelay $0x4  }
0xbc: {  	[tilespmem:s31+$0xFFFFFE90] =	vst v0  }
0xbd: {  	v0 =	vld [tilespmem:s0+$0xFFFFFF00];
	_ =	sdelay $0x4  }
0xbe: {  	[tilespmem:s31+$0xFFFFFF00] =	vst v0  }
0xbf: {  	v0 =	vld [tilespmem:s0+$0xFFFFFF10];
	_ =	sdelay $0x4  }
0xc0: {  	[tilespmem:s31+$0xFFFFFF10] =	vst v0  }
0xc1: {  	v0 =	vld [tilespmem:s0+$0xFFFFFF80];
	_ =	sdelay $0x4  }
0xc2: {  	[tilespmem:s31+$0xFFFFFF80] =	vst v0  }
0xc3: {  	v0 =	vld [tilespmem:s0+$0xFFFFFF90];
	_ =	sdelay $0x4  }
0xc4: {  	[tilespmem:s31+$0xFFFFFF90] =	vst v0  }
0xc5: {  	v0 =	vld [tilespmem:s0+$0x0];
	_ =	sdelay $0x4  }
0xc6: {  	[tilespmem:s31+$0x0] =	vst v0  }
0xc7: {  	v0 =	vld [tilespmem:s0+$0x10];
	_ =	sdelay $0x4  }
0xc8: {  	[tilespmem:s31+$0x10] =	vst v0  }
0xc9: {  	v0 =	vld [tilespmem:s0+$0x80];
	_ =	sdelay $0x4  }
0xca: {  	[tilespmem:s31+$0x80] =	vst v0  }
0xcb: {  	v0 =	vld [tilespmem:s0+$0x90];
	_ =	sdelay $0x4  }
0xcc: {  	[tilespmem:s31+$0x90] =	vst v0  }
0xcd: {  	v0 =	vld [tilespmem:s0+$0x100];
	_ =	sdelay $0x4  }
0xce: {  	[tilespmem:s31+$0x100] =	vst v0  }
0xcf: {  	v0 =	vld [tilespmem:s0+$0x110];
	_ =	sdelay $0x4  }
0xd0: {  	[tilespmem:s31+$0x110] =	vst v0  }
0xd1: {  	v0 =	vld [tilespmem:s0+$0x180];
	_ =	sdelay $0x4  }
0xd2: {  	[tilespmem:s31+$0x180] =	vst v0  }
0xd3: {  	v0 =	vld [tilespmem:s0+$0x190];
	_ =	sdelay $0x4  }
0xd4: {  	s1 =	simm.s32 $0x600;
	s0 =	simm.s32 $0x0;
	[tilespmem:s31+$0x190] =	vst v0  }
.LBB2_6:
0xd5: {  	v0 =	vld [tilespmem:s1+$0xFFFFFE00];
	s0 =	sadd.s32 $0x8, s0  }
0xd6: {  	p0 =	slt.u32 s0, $0xF8;
	_ =	sdelay $0x2  }
0xd7: {  	s31 =	sadd.s32 $0x400, s31  }
0xd8: {  	[tilespmem:s31+$0xFFFFFE00] =	vst v0  }
0xd9: {  	v0 =	vld [tilespmem:s1+$0xFFFFFE10];
	_ =	sdelay $0x4  }
0xda: {  	[tilespmem:s31+$0xFFFFFE10] =	vst v0  }
0xdb: {  	v0 =	vld [tilespmem:s1+$0xFFFFFE80];
	_ =	sdelay $0x4  }
0xdc: {  	[tilespmem:s31+$0xFFFFFE80] =	vst v0  }
0xdd: {  	v0 =	vld [tilespmem:s1+$0xFFFFFE90];
	_ =	sdelay $0x4  }
0xde: {  	[tilespmem:s31+$0xFFFFFE90] =	vst v0  }
0xdf: {  	v0 =	vld [tilespmem:s1+$0xFFFFFF00];
	_ =	sdelay $0x4  }
0xe0: {  	[tilespmem:s31+$0xFFFFFF00] =	vst v0  }
0xe1: {  	v0 =	vld [tilespmem:s1+$0xFFFFFF10];
	_ =	sdelay $0x4  }
0xe2: {  	[tilespmem:s31+$0xFFFFFF10] =	vst v0  }
0xe3: {  	v0 =	vld [tilespmem:s1+$0xFFFFFF80];
	_ =	sdelay $0x4  }
0xe4: {  	[tilespmem:s31+$0xFFFFFF80] =	vst v0  }
0xe5: {  	v0 =	vld [tilespmem:s1+$0xFFFFFF90];
	_ =	sdelay $0x4  }
0xe6: {  	[tilespmem:s31+$0xFFFFFF90] =	vst v0  }
0xe7: {  	v0 =	vld [tilespmem:s1+$0x0];
	_ =	sdelay $0x4  }
0xe8: {  	[tilespmem:s31+$0x0] =	vst v0  }
0xe9: {  	v0 =	vld [tilespmem:s1+$0x10];
	_ =	sdelay $0x4  }
0xea: {  	[tilespmem:s31+$0x10] =	vst v0  }
0xeb: {  	v0 =	vld [tilespmem:s1+$0x80];
	_ =	sdelay $0x4  }
0xec: {  	[tilespmem:s31+$0x80] =	vst v0  }
0xed: {  	v0 =	vld [tilespmem:s1+$0x90];
	_ =	sdelay $0x4  }
0xee: {  	[tilespmem:s31+$0x90] =	vst v0  }
0xef: {  	v0 =	vld [tilespmem:s1+$0x100];
	_ =	sdelay $0x4  }
0xf0: {  	[tilespmem:s31+$0x100] =	vst v0  }
0xf1: {  	v0 =	vld [tilespmem:s1+$0x110];
	_ =	sdelay $0x4  }
0xf2: {  	[tilespmem:s31+$0x110] =	vst v0  }
0xf3: {  	v0 =	vld [tilespmem:s1+$0x180];
	_ =	sdelay $0x4  }
0xf4: {  	[tilespmem:s31+$0x180] =	vst v0  }
0xf5: {  	v0 =	vld [tilespmem:s1+$0x190]  }
.Ltmp2:
0xf6: {  	(pc) =	sbr.rel @p0 .LBB2_6-.Ltmp2, $2  }
0xf7: {  	_ =	sdelay $0x2  }
0xf8: {  	s1 =	sadd.s32 $0x400, s1;
	[tilespmem:s31+$0x190] =	vst v0  }
0xf9: {  	[hbm4b:s9+s2] =	stream.linear.scatter [tilespmem:s24], [sflag:$0x3], $0x8000, $0x38;
	v63 =	vld [tilespmem:$0x0]  }
0xfa: {  	_ = 	snop  }
0xfb: {  	[tilespmem:s2], [sflag:$0x1] =	stream.strided.gather [hbm4b:s10+s20], $0x8000, s21, s20, $0x38;
	v63 =	vld [tilespmem:$0x0]  }
0xfc: {  	_ =	swait.ge [sflag:s25], $0x8000  }
0xfd: {  	[sflag:s25] =	ssyncset.done $0x0  }
0xfe: {  	[sflag:s25] =	ssyncadd.s32 $0xFFFF8000  }
0xff: {  	_ =	swait.ge [sflag:s29], $0x8000  }
0x100: {  	[sflag:s29] =	ssyncset.done $0x0  }
0x101: {  	s0 =	simm.s32 $0x8200;
	[sflag:s29] =	ssyncadd.s32 $0xFFFF8000  }
0x102: {  	v0 =	vld [tilespmem:s0+$0xFFFFFE00];
	_ =	sdelay $0x3  }
0x103: {  	s31 =	simm.s32 $0x18200  }
0x104: {  	[tilespmem:s31+$0xFFFFFE00] =	vst v0  }
0x105: {  	v0 =	vld [tilespmem:s0+$0xFFFFFE10];
	_ =	sdelay $0x4  }
0x106: {  	[tilespmem:s31+$0xFFFFFE10] =	vst v0  }
0x107: {  	v0 =	vld [tilespmem:s0+$0xFFFFFE80];
	_ =	sdelay $0x4  }
0x108: {  	[tilespmem:s31+$0xFFFFFE80] =	vst v0  }
0x109: {  	v0 =	vld [tilespmem:s0+$0xFFFFFE90];
	_ =	sdelay $0x4  }
0x10a: {  	[tilespmem:s31+$0xFFFFFE90] =	vst v0  }
0x10b: {  	v0 =	vld [tilespmem:s0+$0xFFFFFF00];
	_ =	sdelay $0x4  }
0x10c: {  	[tilespmem:s31+$0xFFFFFF00] =	vst v0  }
0x10d: {  	v0 =	vld [tilespmem:s0+$0xFFFFFF10];
	_ =	sdelay $0x4  }
0x10e: {  	[tilespmem:s31+$0xFFFFFF10] =	vst v0  }
0x10f: {  	v0 =	vld [tilespmem:s0+$0xFFFFFF80];
	_ =	sdelay $0x4  }
0x110: {  	[tilespmem:s31+$0xFFFFFF80] =	vst v0  }
0x111: {  	v0 =	vld [tilespmem:s0+$0xFFFFFF90];
	_ =	sdelay $0x4  }
0x112: {  	[tilespmem:s31+$0xFFFFFF90] =	vst v0  }
0x113: {  	v0 =	vld [tilespmem:s0+$0x0];
	_ =	sdelay $0x4  }
0x114: {  	[tilespmem:s31+$0x0] =	vst v0  }
0x115: {  	v0 =	vld [tilespmem:s0+$0x10];
	_ =	sdelay $0x4  }
0x116: {  	[tilespmem:s31+$0x10] =	vst v0  }
0x117: {  	v0 =	vld [tilespmem:s0+$0x80];
	_ =	sdelay $0x4  }
0x118: {  	[tilespmem:s31+$0x80] =	vst v0  }
0x119: {  	v0 =	vld [tilespmem:s0+$0x90];
	_ =	sdelay $0x4  }
0x11a: {  	[tilespmem:s31+$0x90] =	vst v0  }
0x11b: {  	v0 =	vld [tilespmem:s0+$0x100];
	_ =	sdelay $0x4  }
0x11c: {  	[tilespmem:s31+$0x100] =	vst v0  }
0x11d: {  	v0 =	vld [tilespmem:s0+$0x110];
	_ =	sdelay $0x4  }
0x11e: {  	[tilespmem:s31+$0x110] =	vst v0  }
0x11f: {  	v0 =	vld [tilespmem:s0+$0x180];
	_ =	sdelay $0x4  }
0x120: {  	[tilespmem:s31+$0x180] =	vst v0  }
0x121: {  	v0 =	vld [tilespmem:s0+$0x190];
	_ =	sdelay $0x4  }
0x122: {  	s1 =	simm.s32 $0x8600;
	s0 =	simm.s32 $0x0;
	[tilespmem:s31+$0x190] =	vst v0  }
.LBB2_8:
0x123: {  	v0 =	vld [tilespmem:s1+$0xFFFFFE00];
	s0 =	sadd.s32 $0x8, s0  }
0x124: {  	p0 =	slt.u32 s0, $0xF8;
	_ =	sdelay $0x2  }
0x125: {  	s31 =	sadd.s32 $0x400, s31  }
0x126: {  	[tilespmem:s31+$0xFFFFFE00] =	vst v0  }
0x127: {  	v0 =	vld [tilespmem:s1+$0xFFFFFE10];
	_ =	sdelay $0x4  }
0x128: {  	[tilespmem:s31+$0xFFFFFE10] =	vst v0  }
0x129: {  	v0 =	vld [tilespmem:s1+$0xFFFFFE80];
	_ =	sdelay $0x4  }
0x12a: {  	[tilespmem:s31+$0xFFFFFE80] =	vst v0  }
0x12b: {  	v0 =	vld [tilespmem:s1+$0xFFFFFE90];
	_ =	sdelay $0x4  }
0x12c: {  	[tilespmem:s31+$0xFFFFFE90] =	vst v0  }
0x12d: {  	v0 =	vld [tilespmem:s1+$0xFFFFFF00];
	_ =	sdelay $0x4  }
0x12e: {  	[tilespmem:s31+$0xFFFFFF00] =	vst v0  }
0x12f: {  	v0 =	vld [tilespmem:s1+$0xFFFFFF10];
	_ =	sdelay $0x4  }
0x130: {  	[tilespmem:s31+$0xFFFFFF10] =	vst v0  }
0x131: {  	v0 =	vld [tilespmem:s1+$0xFFFFFF80];
	_ =	sdelay $0x4  }
0x132: {  	[tilespmem:s31+$0xFFFFFF80] =	vst v0  }
0x133: {  	v0 =	vld [tilespmem:s1+$0xFFFFFF90];
	_ =	sdelay $0x4  }
0x134: {  	[tilespmem:s31+$0xFFFFFF90] =	vst v0  }
0x135: {  	v0 =	vld [tilespmem:s1+$0x0];
	_ =	sdelay $0x4  }
0x136: {  	[tilespmem:s31+$0x0] =	vst v0  }
0x137: {  	v0 =	vld [tilespmem:s1+$0x10];
	_ =	sdelay $0x4  }
0x138: {  	[tilespmem:s31+$0x10] =	vst v0  }
0x139: {  	v0 =	vld [tilespmem:s1+$0x80];
	_ =	sdelay $0x4  }
0x13a: {  	[tilespmem:s31+$0x80] =	vst v0  }
0x13b: {  	v0 =	vld [tilespmem:s1+$0x90];
	_ =	sdelay $0x4  }
0x13c: {  	[tilespmem:s31+$0x90] =	vst v0  }
0x13d: {  	v0 =	vld [tilespmem:s1+$0x100];
	_ =	sdelay $0x4  }
0x13e: {  	[tilespmem:s31+$0x100] =	vst v0  }
0x13f: {  	v0 =	vld [tilespmem:s1+$0x110];
	_ =	sdelay $0x4  }
0x140: {  	[tilespmem:s31+$0x110] =	vst v0  }
0x141: {  	v0 =	vld [tilespmem:s1+$0x180];
	_ =	sdelay $0x4  }
0x142: {  	[tilespmem:s31+$0x180] =	vst v0  }
0x143: {  	v0 =	vld [tilespmem:s1+$0x190]  }
.Ltmp3:
0x144: {  	(pc) =	sbr.rel @p0 .LBB2_8-.Ltmp3, $2  }
0x145: {  	_ =	sdelay $0x2  }
0x146: {  	s1 =	sadd.s32 $0x400, s1;
	[tilespmem:s31+$0x190] =	vst v0  }
0x147: {  	[hbm4b:s11+s2] =	stream.linear.scatter [tilespmem:s26], [sflag:$0x4], $0x8000, $0x38;
	v63 =	vld [tilespmem:$0x0]  }
0x148: {  	_ = 	snop  }
0x149: {  	[tilespmem:s22], [sflag:$0x2] =	stream.strided.gather [hbm4b:s12+s20], $0x8000, s21, s20, $0x38;
	v63 =	vld [tilespmem:$0x0]  }
0x14a: {  	_ =	swait.ge [sflag:s23], $0x8000  }
0x14b: {  	[sflag:s23] =	ssyncset.done $0x0  }
0x14c: {  	[sflag:s23] =	ssyncadd.s32 $0xFFFF8000  }
0x14d: {  	_ =	swait.ge [sflag:s28], $0x8000  }
0x14e: {  	[sflag:s28] =	ssyncset.done $0x0  }
0x14f: {  	s0 =	simm.s32 $0x200;
	[sflag:s28] =	ssyncadd.s32 $0xFFFF8000  }
0x150: {  	v0 =	vld [tilespmem:s0+$0xFFFFFE00];
	_ =	sdelay $0x3  }
0x151: {  	s31 =	simm.s32 $0x10200  }
0x152: {  	[tilespmem:s31+$0xFFFFFE00] =	vst v0  }
0x153: {  	v0 =	vld [tilespmem:s0+$0xFFFFFE10];
	_ =	sdelay $0x4  }
0x154: {  	[tilespmem:s31+$0xFFFFFE10] =	vst v0  }
0x155: {  	v0 =	vld [tilespmem:s0+$0xFFFFFE80];
	_ =	sdelay $0x4  }
0x156: {  	[tilespmem:s31+$0xFFFFFE80] =	vst v0  }
0x157: {  	v0 =	vld [tilespmem:s0+$0xFFFFFE90];
	_ =	sdelay $0x4  }
0x158: {  	[tilespmem:s31+$0xFFFFFE90] =	vst v0  }
0x159: {  	v0 =	vld [tilespmem:s0+$0xFFFFFF00];
	_ =	sdelay $0x4  }
0x15a: {  	[tilespmem:s31+$0xFFFFFF00] =	vst v0  }
0x15b: {  	v0 =	vld [tilespmem:s0+$0xFFFFFF10];
	_ =	sdelay $0x4  }
0x15c: {  	[tilespmem:s31+$0xFFFFFF10] =	vst v0  }
0x15d: {  	v0 =	vld [tilespmem:s0+$0xFFFFFF80];
	_ =	sdelay $0x4  }
0x15e: {  	[tilespmem:s31+$0xFFFFFF80] =	vst v0  }
0x15f: {  	v0 =	vld [tilespmem:s0+$0xFFFFFF90];
	_ =	sdelay $0x4  }
0x160: {  	[tilespmem:s31+$0xFFFFFF90] =	vst v0  }
0x161: {  	v0 =	vld [tilespmem:s0+$0x0];
	_ =	sdelay $0x4  }
0x162: {  	[tilespmem:s31+$0x0] =	vst v0  }
0x163: {  	v0 =	vld [tilespmem:s0+$0x10];
	_ =	sdelay $0x4  }
0x164: {  	[tilespmem:s31+$0x10] =	vst v0  }
0x165: {  	v0 =	vld [tilespmem:s0+$0x80];
	_ =	sdelay $0x4  }
0x166: {  	[tilespmem:s31+$0x80] =	vst v0  }
0x167: {  	v0 =	vld [tilespmem:s0+$0x90];
	_ =	sdelay $0x4  }
0x168: {  	[tilespmem:s31+$0x90] =	vst v0  }
0x169: {  	v0 =	vld [tilespmem:s0+$0x100];
	_ =	sdelay $0x4  }
0x16a: {  	[tilespmem:s31+$0x100] =	vst v0  }
0x16b: {  	v0 =	vld [tilespmem:s0+$0x110];
	_ =	sdelay $0x4  }
0x16c: {  	[tilespmem:s31+$0x110] =	vst v0  }
0x16d: {  	v0 =	vld [tilespmem:s0+$0x180];
	_ =	sdelay $0x4  }
0x16e: {  	[tilespmem:s31+$0x180] =	vst v0  }
0x16f: {  	v0 =	vld [tilespmem:s0+$0x190];
	_ =	sdelay $0x4  }
0x170: {  	s1 =	simm.s32 $0x600;
	s0 =	simm.s32 $0x0;
	[tilespmem:s31+$0x190] =	vst v0  }
.LBB2_10:
0x171: {  	v0 =	vld [tilespmem:s1+$0xFFFFFE00];
	s0 =	sadd.s32 $0x8, s0  }
0x172: {  	p0 =	slt.u32 s0, $0xF8;
	_ =	sdelay $0x2  }
0x173: {  	s31 =	sadd.s32 $0x400, s31  }
0x174: {  	[tilespmem:s31+$0xFFFFFE00] =	vst v0  }
0x175: {  	v0 =	vld [tilespmem:s1+$0xFFFFFE10];
	_ =	sdelay $0x4  }
0x176: {  	[tilespmem:s31+$0xFFFFFE10] =	vst v0  }
0x177: {  	v0 =	vld [tilespmem:s1+$0xFFFFFE80];
	_ =	sdelay $0x4  }
0x178: {  	[tilespmem:s31+$0xFFFFFE80] =	vst v0  }
0x179: {  	v0 =	vld [tilespmem:s1+$0xFFFFFE90];
	_ =	sdelay $0x4  }
0x17a: {  	[tilespmem:s31+$0xFFFFFE90] =	vst v0  }
0x17b: {  	v0 =	vld [tilespmem:s1+$0xFFFFFF00];
	_ =	sdelay $0x4  }
0x17c: {  	[tilespmem:s31+$0xFFFFFF00] =	vst v0  }
0x17d: {  	v0 =	vld [tilespmem:s1+$0xFFFFFF10];
	_ =	sdelay $0x4  }
0x17e: {  	[tilespmem:s31+$0xFFFFFF10] =	vst v0  }
0x17f: {  	v0 =	vld [tilespmem:s1+$0xFFFFFF80];
	_ =	sdelay $0x4  }
0x180: {  	[tilespmem:s31+$0xFFFFFF80] =	vst v0  }
0x181: {  	v0 =	vld [tilespmem:s1+$0xFFFFFF90];
	_ =	sdelay $0x4  }
0x182: {  	[tilespmem:s31+$0xFFFFFF90] =	vst v0  }
0x183: {  	v0 =	vld [tilespmem:s1+$0x0];
	_ =	sdelay $0x4  }
0x184: {  	[tilespmem:s31+$0x0] =	vst v0  }
0x185: {  	v0 =	vld [tilespmem:s1+$0x10];
	_ =	sdelay $0x4  }
0x186: {  	[tilespmem:s31+$0x10] =	vst v0  }
0x187: {  	v0 =	vld [tilespmem:s1+$0x80];
	_ =	sdelay $0x4  }
0x188: {  	[tilespmem:s31+$0x80] =	vst v0  }
0x189: {  	v0 =	vld [tilespmem:s1+$0x90];
	_ =	sdelay $0x4  }
0x18a: {  	[tilespmem:s31+$0x90] =	vst v0  }
0x18b: {  	v0 =	vld [tilespmem:s1+$0x100];
	_ =	sdelay $0x4  }
0x18c: {  	[tilespmem:s31+$0x100] =	vst v0  }
0x18d: {  	v0 =	vld [tilespmem:s1+$0x110];
	_ =	sdelay $0x4  }
0x18e: {  	[tilespmem:s31+$0x110] =	vst v0  }
0x18f: {  	v0 =	vld [tilespmem:s1+$0x180];
	_ =	sdelay $0x4  }
0x190: {  	[tilespmem:s31+$0x180] =	vst v0  }
0x191: {  	v0 =	vld [tilespmem:s1+$0x190]  }
.Ltmp4:
0x192: {  	(pc) =	sbr.rel @p0 .LBB2_10-.Ltmp4, $2  }
0x193: {  	_ =	sdelay $0x2  }
0x194: {  	s1 =	sadd.s32 $0x400, s1;
	[tilespmem:s31+$0x190] =	vst v0  }
0x195: {  	[hbm4b:s13+s2] =	stream.linear.scatter [tilespmem:s24], [sflag:$0x3], $0x8000, $0x38;
	v63 =	vld [tilespmem:$0x0]  }
0x196: {  	_ = 	snop  }
0x197: {  	[tilespmem:s2], [sflag:$0x1] =	stream.strided.gather [hbm4b:s14+s20], $0x8000, s21, s20, $0x38;
	v63 =	vld [tilespmem:$0x0]  }
0x198: {  	_ =	swait.ge [sflag:s25], $0x8000  }
0x199: {  	[sflag:s25] =	ssyncset.done $0x0  }
0x19a: {  	[sflag:s25] =	ssyncadd.s32 $0xFFFF8000  }
0x19b: {  	_ =	swait.ge [sflag:s29], $0x8000  }
0x19c: {  	[sflag:s29] =	ssyncset.done $0x0  }
0x19d: {  	s0 =	simm.s32 $0x8200;
	[sflag:s29] =	ssyncadd.s32 $0xFFFF8000  }
0x19e: {  	v0 =	vld [tilespmem:s0+$0xFFFFFE00];
	_ =	sdelay $0x3  }
0x19f: {  	s31 =	simm.s32 $0x18200  }
0x1a0: {  	[tilespmem:s31+$0xFFFFFE00] =	vst v0  }
0x1a1: {  	v0 =	vld [tilespmem:s0+$0xFFFFFE10];
	_ =	sdelay $0x4  }
0x1a2: {  	[tilespmem:s31+$0xFFFFFE10] =	vst v0  }
0x1a3: {  	v0 =	vld [tilespmem:s0+$0xFFFFFE80];
	_ =	sdelay $0x4  }
0x1a4: {  	[tilespmem:s31+$0xFFFFFE80] =	vst v0  }
0x1a5: {  	v0 =	vld [tilespmem:s0+$0xFFFFFE90];
	_ =	sdelay $0x4  }
0x1a6: {  	[tilespmem:s31+$0xFFFFFE90] =	vst v0  }
0x1a7: {  	v0 =	vld [tilespmem:s0+$0xFFFFFF00];
	_ =	sdelay $0x4  }
0x1a8: {  	[tilespmem:s31+$0xFFFFFF00] =	vst v0  }
0x1a9: {  	v0 =	vld [tilespmem:s0+$0xFFFFFF10];
	_ =	sdelay $0x4  }
0x1aa: {  	[tilespmem:s31+$0xFFFFFF10] =	vst v0  }
0x1ab: {  	v0 =	vld [tilespmem:s0+$0xFFFFFF80];
	_ =	sdelay $0x4  }
0x1ac: {  	[tilespmem:s31+$0xFFFFFF80] =	vst v0  }
0x1ad: {  	v0 =	vld [tilespmem:s0+$0xFFFFFF90];
	_ =	sdelay $0x4  }
0x1ae: {  	[tilespmem:s31+$0xFFFFFF90] =	vst v0  }
0x1af: {  	v0 =	vld [tilespmem:s0+$0x0];
	_ =	sdelay $0x4  }
0x1b0: {  	[tilespmem:s31+$0x0] =	vst v0  }
0x1b1: {  	v0 =	vld [tilespmem:s0+$0x10];
	_ =	sdelay $0x4  }
0x1b2: {  	[tilespmem:s31+$0x10] =	vst v0  }
0x1b3: {  	v0 =	vld [tilespmem:s0+$0x80];
	_ =	sdelay $0x4  }
0x1b4: {  	[tilespmem:s31+$0x80] =	vst v0  }
0x1b5: {  	v0 =	vld [tilespmem:s0+$0x90];
	_ =	sdelay $0x4  }
0x1b6: {  	[tilespmem:s31+$0x90] =	vst v0  }
0x1b7: {  	v0 =	vld [tilespmem:s0+$0x100];
	_ =	sdelay $0x4  }
0x1b8: {  	[tilespmem:s31+$0x100] =	vst v0  }
0x1b9: {  	v0 =	vld [tilespmem:s0+$0x110];
	_ =	sdelay $0x4  }
0x1ba: {  	[tilespmem:s31+$0x110] =	vst v0  }
0x1bb: {  	v0 =	vld [tilespmem:s0+$0x180];
	_ =	sdelay $0x4  }
0x1bc: {  	[tilespmem:s31+$0x180] =	vst v0  }
0x1bd: {  	v0 =	vld [tilespmem:s0+$0x190];
	_ =	sdelay $0x4  }
0x1be: {  	s1 =	simm.s32 $0x8600;
	s0 =	simm.s32 $0x0;
	[tilespmem:s31+$0x190] =	vst v0  }
.LBB2_12:
0x1bf: {  	v0 =	vld [tilespmem:s1+$0xFFFFFE00];
	s0 =	sadd.s32 $0x8, s0  }
0x1c0: {  	p0 =	slt.u32 s0, $0xF8;
	_ =	sdelay $0x2  }
0x1c1: {  	s31 =	sadd.s32 $0x400, s31  }
0x1c2: {  	[tilespmem:s31+$0xFFFFFE00] =	vst v0  }
0x1c3: {  	v0 =	vld [tilespmem:s1+$0xFFFFFE10];
	_ =	sdelay $0x4  }
0x1c4: {  	[tilespmem:s31+$0xFFFFFE10] =	vst v0  }
0x1c5: {  	v0 =	vld [tilespmem:s1+$0xFFFFFE80];
	_ =	sdelay $0x4  }
0x1c6: {  	[tilespmem:s31+$0xFFFFFE80] =	vst v0  }
0x1c7: {  	v0 =	vld [tilespmem:s1+$0xFFFFFE90];
	_ =	sdelay $0x4  }
0x1c8: {  	[tilespmem:s31+$0xFFFFFE90] =	vst v0  }
0x1c9: {  	v0 =	vld [tilespmem:s1+$0xFFFFFF00];
	_ =	sdelay $0x4  }
0x1ca: {  	[tilespmem:s31+$0xFFFFFF00] =	vst v0  }
0x1cb: {  	v0 =	vld [tilespmem:s1+$0xFFFFFF10];
	_ =	sdelay $0x4  }
0x1cc: {  	[tilespmem:s31+$0xFFFFFF10] =	vst v0  }
0x1cd: {  	v0 =	vld [tilespmem:s1+$0xFFFFFF80];
	_ =	sdelay $0x4  }
0x1ce: {  	[tilespmem:s31+$0xFFFFFF80] =	vst v0  }
0x1cf: {  	v0 =	vld [tilespmem:s1+$0xFFFFFF90];
	_ =	sdelay $0x4  }
0x1d0: {  	[tilespmem:s31+$0xFFFFFF90] =	vst v0  }
0x1d1: {  	v0 =	vld [tilespmem:s1+$0x0];
	_ =	sdelay $0x4  }
0x1d2: {  	[tilespmem:s31+$0x0] =	vst v0  }
0x1d3: {  	v0 =	vld [tilespmem:s1+$0x10];
	_ =	sdelay $0x4  }
0x1d4: {  	[tilespmem:s31+$0x10] =	vst v0  }
0x1d5: {  	v0 =	vld [tilespmem:s1+$0x80];
	_ =	sdelay $0x4  }
0x1d6: {  	[tilespmem:s31+$0x80] =	vst v0  }
0x1d7: {  	v0 =	vld [tilespmem:s1+$0x90];
	_ =	sdelay $0x4  }
0x1d8: {  	[tilespmem:s31+$0x90] =	vst v0  }
0x1d9: {  	v0 =	vld [tilespmem:s1+$0x100];
	_ =	sdelay $0x4  }
0x1da: {  	[tilespmem:s31+$0x100] =	vst v0  }
0x1db: {  	v0 =	vld [tilespmem:s1+$0x110];
	_ =	sdelay $0x4  }
0x1dc: {  	[tilespmem:s31+$0x110] =	vst v0  }
0x1dd: {  	v0 =	vld [tilespmem:s1+$0x180];
	_ =	sdelay $0x4  }
0x1de: {  	[tilespmem:s31+$0x180] =	vst v0  }
0x1df: {  	v0 =	vld [tilespmem:s1+$0x190]  }
.Ltmp5:
0x1e0: {  	(pc) =	sbr.rel @p0 .LBB2_12-.Ltmp5, $2  }
0x1e1: {  	_ =	sdelay $0x2  }
0x1e2: {  	s1 =	sadd.s32 $0x400, s1;
	[tilespmem:s31+$0x190] =	vst v0  }
0x1e3: {  	[hbm4b:s15+s2] =	stream.linear.scatter [tilespmem:s26], [sflag:$0x4], $0x8000, $0x38;
	v63 =	vld [tilespmem:$0x0]  }
0x1e4: {  	_ = 	snop  }
0x1e5: {  	[tilespmem:s22], [sflag:$0x2] =	stream.strided.gather [hbm4b:s16+s20], $0x8000, s21, s20, $0x38;
	v63 =	vld [tilespmem:$0x0]  }
0x1e6: {  	_ =	swait.ge [sflag:s23], $0x8000  }
0x1e7: {  	[sflag:s23] =	ssyncset.done $0x0  }
0x1e8: {  	[sflag:s23] =	ssyncadd.s32 $0xFFFF8000  }
0x1e9: {  	_ =	swait.ge [sflag:s28], $0x8000  }
0x1ea: {  	[sflag:s28] =	ssyncset.done $0x0  }
0x1eb: {  	s0 =	simm.s32 $0x200;
	[sflag:s28] =	ssyncadd.s32 $0xFFFF8000  }
0x1ec: {  	v0 =	vld [tilespmem:s0+$0xFFFFFE00];
	_ =	sdelay $0x3  }
0x1ed: {  	s31 =	simm.s32 $0x10200  }
0x1ee: {  	[tilespmem:s31+$0xFFFFFE00] =	vst v0  }
0x1ef: {  	v0 =	vld [tilespmem:s0+$0xFFFFFE10];
	_ =	sdelay $0x4  }
0x1f0: {  	[tilespmem:s31+$0xFFFFFE10] =	vst v0  }
0x1f1: {  	v0 =	vld [tilespmem:s0+$0xFFFFFE80];
	_ =	sdelay $0x4  }
0x1f2: {  	[tilespmem:s31+$0xFFFFFE80] =	vst v0  }
0x1f3: {  	v0 =	vld [tilespmem:s0+$0xFFFFFE90];
	_ =	sdelay $0x4  }
0x1f4: {  	[tilespmem:s31+$0xFFFFFE90] =	vst v0  }
0x1f5: {  	v0 =	vld [tilespmem:s0+$0xFFFFFF00];
	_ =	sdelay $0x4  }
0x1f6: {  	[tilespmem:s31+$0xFFFFFF00] =	vst v0  }
0x1f7: {  	v0 =	vld [tilespmem:s0+$0xFFFFFF10];
	_ =	sdelay $0x4  }
0x1f8: {  	[tilespmem:s31+$0xFFFFFF10] =	vst v0  }
0x1f9: {  	v0 =	vld [tilespmem:s0+$0xFFFFFF80];
	_ =	sdelay $0x4  }
0x1fa: {  	[tilespmem:s31+$0xFFFFFF80] =	vst v0  }
0x1fb: {  	v0 =	vld [tilespmem:s0+$0xFFFFFF90];
	_ =	sdelay $0x4  }
0x1fc: {  	[tilespmem:s31+$0xFFFFFF90] =	vst v0  }
0x1fd: {  	v0 =	vld [tilespmem:s0+$0x0];
	_ =	sdelay $0x4  }
0x1fe: {  	[tilespmem:s31+$0x0] =	vst v0  }
0x1ff: {  	v0 =	vld [tilespmem:s0+$0x10];
	_ =	sdelay $0x4  }
0x200: {  	[tilespmem:s31+$0x10] =	vst v0  }
0x201: {  	v0 =	vld [tilespmem:s0+$0x80];
	_ =	sdelay $0x4  }
0x202: {  	[tilespmem:s31+$0x80] =	vst v0  }
0x203: {  	v0 =	vld [tilespmem:s0+$0x90];
	_ =	sdelay $0x4  }
0x204: {  	[tilespmem:s31+$0x90] =	vst v0  }
0x205: {  	v0 =	vld [tilespmem:s0+$0x100];
	_ =	sdelay $0x4  }
0x206: {  	[tilespmem:s31+$0x100] =	vst v0  }
0x207: {  	v0 =	vld [tilespmem:s0+$0x110];
	_ =	sdelay $0x4  }
0x208: {  	[tilespmem:s31+$0x110] =	vst v0  }
0x209: {  	v0 =	vld [tilespmem:s0+$0x180];
	_ =	sdelay $0x4  }
0x20a: {  	[tilespmem:s31+$0x180] =	vst v0  }
0x20b: {  	v0 =	vld [tilespmem:s0+$0x190];
	_ =	sdelay $0x4  }
0x20c: {  	s1 =	simm.s32 $0x600;
	s0 =	simm.s32 $0x0;
	[tilespmem:s31+$0x190] =	vst v0  }
.LBB2_14:
0x20d: {  	v0 =	vld [tilespmem:s1+$0xFFFFFE00];
	s0 =	sadd.s32 $0x8, s0  }
0x20e: {  	p0 =	slt.u32 s0, $0xF8;
	_ =	sdelay $0x2  }
0x20f: {  	s31 =	sadd.s32 $0x400, s31  }
0x210: {  	[tilespmem:s31+$0xFFFFFE00] =	vst v0  }
0x211: {  	v0 =	vld [tilespmem:s1+$0xFFFFFE10];
	_ =	sdelay $0x4  }
0x212: {  	[tilespmem:s31+$0xFFFFFE10] =	vst v0  }
0x213: {  	v0 =	vld [tilespmem:s1+$0xFFFFFE80];
	_ =	sdelay $0x4  }
0x214: {  	[tilespmem:s31+$0xFFFFFE80] =	vst v0  }
0x215: {  	v0 =	vld [tilespmem:s1+$0xFFFFFE90];
	_ =	sdelay $0x4  }
0x216: {  	[tilespmem:s31+$0xFFFFFE90] =	vst v0  }
0x217: {  	v0 =	vld [tilespmem:s1+$0xFFFFFF00];
	_ =	sdelay $0x4  }
0x218: {  	[tilespmem:s31+$0xFFFFFF00] =	vst v0  }
0x219: {  	v0 =	vld [tilespmem:s1+$0xFFFFFF10];
	_ =	sdelay $0x4  }
0x21a: {  	[tilespmem:s31+$0xFFFFFF10] =	vst v0  }
0x21b: {  	v0 =	vld [tilespmem:s1+$0xFFFFFF80];
	_ =	sdelay $0x4  }
0x21c: {  	[tilespmem:s31+$0xFFFFFF80] =	vst v0  }
0x21d: {  	v0 =	vld [tilespmem:s1+$0xFFFFFF90];
	_ =	sdelay $0x4  }
0x21e: {  	[tilespmem:s31+$0xFFFFFF90] =	vst v0  }
0x21f: {  	v0 =	vld [tilespmem:s1+$0x0];
	_ =	sdelay $0x4  }
0x220: {  	[tilespmem:s31+$0x0] =	vst v0  }
0x221: {  	v0 =	vld [tilespmem:s1+$0x10];
	_ =	sdelay $0x4  }
0x222: {  	[tilespmem:s31+$0x10] =	vst v0  }
0x223: {  	v0 =	vld [tilespmem:s1+$0x80];
	_ =	sdelay $0x4  }
0x224: {  	[tilespmem:s31+$0x80] =	vst v0  }
0x225: {  	v0 =	vld [tilespmem:s1+$0x90];
	_ =	sdelay $0x4  }
0x226: {  	[tilespmem:s31+$0x90] =	vst v0  }
0x227: {  	v0 =	vld [tilespmem:s1+$0x100];
	_ =	sdelay $0x4  }
0x228: {  	[tilespmem:s31+$0x100] =	vst v0  }
0x229: {  	v0 =	vld [tilespmem:s1+$0x110];
	_ =	sdelay $0x4  }
0x22a: {  	[tilespmem:s31+$0x110] =	vst v0  }
0x22b: {  	v0 =	vld [tilespmem:s1+$0x180];
	_ =	sdelay $0x4  }
0x22c: {  	[tilespmem:s31+$0x180] =	vst v0  }
0x22d: {  	v0 =	vld [tilespmem:s1+$0x190]  }
.Ltmp6:
0x22e: {  	(pc) =	sbr.rel @p0 .LBB2_14-.Ltmp6, $2  }
0x22f: {  	_ =	sdelay $0x2  }
0x230: {  	s1 =	sadd.s32 $0x400, s1;
	[tilespmem:s31+$0x190] =	vst v0  }
0x231: {  	[hbm4b:s17+s2] =	stream.linear.scatter [tilespmem:s24], [sflag:$0x3], $0x8000, $0x38;
	v63 =	vld [tilespmem:$0x0]  }
0x232: {  	_ =	swait.ge [sflag:s25], $0x8000  }
0x233: {  	[sflag:s25] =	ssyncset.done $0x0  }
0x234: {  	[sflag:s25] =	ssyncadd.s32 $0xFFFF8000  }
0x235: {  	_ =	swait.ge [sflag:s29], $0x8000  }
0x236: {  	[sflag:s29] =	ssyncset.done $0x0  }
0x237: {  	s0 =	simm.s32 $0x8200;
	[sflag:s29] =	ssyncadd.s32 $0xFFFF8000  }
0x238: {  	v0 =	vld [tilespmem:s0+$0xFFFFFE00];
	_ =	sdelay $0x3  }
0x239: {  	s31 =	simm.s32 $0x18200  }
0x23a: {  	[tilespmem:s31+$0xFFFFFE00] =	vst v0  }
0x23b: {  	v0 =	vld [tilespmem:s0+$0xFFFFFE10];
	_ =	sdelay $0x4  }
0x23c: {  	[tilespmem:s31+$0xFFFFFE10] =	vst v0  }
0x23d: {  	v0 =	vld [tilespmem:s0+$0xFFFFFE80];
	_ =	sdelay $0x4  }
0x23e: {  	[tilespmem:s31+$0xFFFFFE80] =	vst v0  }
0x23f: {  	v0 =	vld [tilespmem:s0+$0xFFFFFE90];
	_ =	sdelay $0x4  }
0x240: {  	[tilespmem:s31+$0xFFFFFE90] =	vst v0  }
0x241: {  	v0 =	vld [tilespmem:s0+$0xFFFFFF00];
	_ =	sdelay $0x4  }
0x242: {  	[tilespmem:s31+$0xFFFFFF00] =	vst v0  }
0x243: {  	v0 =	vld [tilespmem:s0+$0xFFFFFF10];
	_ =	sdelay $0x4  }
0x244: {  	[tilespmem:s31+$0xFFFFFF10] =	vst v0  }
0x245: {  	v0 =	vld [tilespmem:s0+$0xFFFFFF80];
	_ =	sdelay $0x4  }
0x246: {  	[tilespmem:s31+$0xFFFFFF80] =	vst v0  }
0x247: {  	v0 =	vld [tilespmem:s0+$0xFFFFFF90];
	_ =	sdelay $0x4  }
0x248: {  	[tilespmem:s31+$0xFFFFFF90] =	vst v0  }
0x249: {  	v0 =	vld [tilespmem:s0+$0x0];
	_ =	sdelay $0x4  }
0x24a: {  	[tilespmem:s31+$0x0] =	vst v0  }
0x24b: {  	v0 =	vld [tilespmem:s0+$0x10];
	_ =	sdelay $0x4  }
0x24c: {  	[tilespmem:s31+$0x10] =	vst v0  }
0x24d: {  	v0 =	vld [tilespmem:s0+$0x80];
	_ =	sdelay $0x4  }
0x24e: {  	[tilespmem:s31+$0x80] =	vst v0  }
0x24f: {  	v0 =	vld [tilespmem:s0+$0x90];
	_ =	sdelay $0x4  }
0x250: {  	[tilespmem:s31+$0x90] =	vst v0  }
0x251: {  	v0 =	vld [tilespmem:s0+$0x100];
	_ =	sdelay $0x4  }
0x252: {  	[tilespmem:s31+$0x100] =	vst v0  }
0x253: {  	v0 =	vld [tilespmem:s0+$0x110];
	_ =	sdelay $0x4  }
0x254: {  	[tilespmem:s31+$0x110] =	vst v0  }
0x255: {  	v0 =	vld [tilespmem:s0+$0x180];
	_ =	sdelay $0x4  }
0x256: {  	[tilespmem:s31+$0x180] =	vst v0  }
0x257: {  	v0 =	vld [tilespmem:s0+$0x190];
	_ =	sdelay $0x4  }
0x258: {  	s1 =	simm.s32 $0x8600;
	s0 =	simm.s32 $0x0;
	[tilespmem:s31+$0x190] =	vst v0  }
.LBB2_16:
0x259: {  	v0 =	vld [tilespmem:s1+$0xFFFFFE00];
	s0 =	sadd.s32 $0x8, s0  }
0x25a: {  	p0 =	slt.u32 s0, $0xF8;
	_ =	sdelay $0x2  }
0x25b: {  	s31 =	sadd.s32 $0x400, s31  }
0x25c: {  	[tilespmem:s31+$0xFFFFFE00] =	vst v0  }
0x25d: {  	v0 =	vld [tilespmem:s1+$0xFFFFFE10];
	_ =	sdelay $0x4  }
0x25e: {  	[tilespmem:s31+$0xFFFFFE10] =	vst v0  }
0x25f: {  	v0 =	vld [tilespmem:s1+$0xFFFFFE80];
	_ =	sdelay $0x4  }
0x260: {  	[tilespmem:s31+$0xFFFFFE80] =	vst v0  }
0x261: {  	v0 =	vld [tilespmem:s1+$0xFFFFFE90];
	_ =	sdelay $0x4  }
0x262: {  	[tilespmem:s31+$0xFFFFFE90] =	vst v0  }
0x263: {  	v0 =	vld [tilespmem:s1+$0xFFFFFF00];
	_ =	sdelay $0x4  }
0x264: {  	[tilespmem:s31+$0xFFFFFF00] =	vst v0  }
0x265: {  	v0 =	vld [tilespmem:s1+$0xFFFFFF10];
	_ =	sdelay $0x4  }
0x266: {  	[tilespmem:s31+$0xFFFFFF10] =	vst v0  }
0x267: {  	v0 =	vld [tilespmem:s1+$0xFFFFFF80];
	_ =	sdelay $0x4  }
0x268: {  	[tilespmem:s31+$0xFFFFFF80] =	vst v0  }
0x269: {  	v0 =	vld [tilespmem:s1+$0xFFFFFF90];
	_ =	sdelay $0x4  }
0x26a: {  	[tilespmem:s31+$0xFFFFFF90] =	vst v0  }
0x26b: {  	v0 =	vld [tilespmem:s1+$0x0];
	_ =	sdelay $0x4  }
0x26c: {  	[tilespmem:s31+$0x0] =	vst v0  }
0x26d: {  	v0 =	vld [tilespmem:s1+$0x10];
	_ =	sdelay $0x4  }
0x26e: {  	[tilespmem:s31+$0x10] =	vst v0  }
0x26f: {  	v0 =	vld [tilespmem:s1+$0x80];
	_ =	sdelay $0x4  }
0x270: {  	[tilespmem:s31+$0x80] =	vst v0  }
0x271: {  	v0 =	vld [tilespmem:s1+$0x90];
	_ =	sdelay $0x4  }
0x272: {  	[tilespmem:s31+$0x90] =	vst v0  }
0x273: {  	v0 =	vld [tilespmem:s1+$0x100];
	_ =	sdelay $0x4  }
0x274: {  	[tilespmem:s31+$0x100] =	vst v0  }
0x275: {  	v0 =	vld [tilespmem:s1+$0x110];
	_ =	sdelay $0x4  }
0x276: {  	[tilespmem:s31+$0x110] =	vst v0  }
0x277: {  	v0 =	vld [tilespmem:s1+$0x180];
	_ =	sdelay $0x4  }
0x278: {  	[tilespmem:s31+$0x180] =	vst v0  }
0x279: {  	v0 =	vld [tilespmem:s1+$0x190]  }
.Ltmp7:
0x27a: {  	(pc) =	sbr.rel @p0 .LBB2_16-.Ltmp7, $2  }
0x27b: {  	_ =	sdelay $0x2  }
0x27c: {  	s1 =	sadd.s32 $0x400, s1;
	[tilespmem:s31+$0x190] =	vst v0  }
0x27d: {  	[hbm4b:s18+s2] =	stream.linear.scatter [tilespmem:s26], [sflag:$0x4], $0x8000, $0x38;
	v63 =	vld [tilespmem:$0x0]  }
0x27e: {  	s30 =	sadd.s32 $0x1, s30  }
0x27f: {  	_ =	swait.ge [sflag:s28], $0x8000;
	p0 =	sne.s32 s30, s19  }
.Ltmp8:
0x280: {  	[sflag:s28] =	ssyncset.done $0x0;
	(pc) =	sbr.rel @p0 .LBB2_1-.Ltmp8, $4  }
0x281: {  	[sflag:s28] =	ssyncadd.s32 $0xFFFF8000  }
0x282: {  	_ =	swait.ge [sflag:s29], $0x8000  }
0x283: {  	[sflag:s29] =	ssyncset.done $0x0  }
0x284: {  	[sflag:s29] =	ssyncadd.s32 $0xFFFF8000  }
0x285: {  	_ =	sfence.sel $0x180000  }
0x286: {  	[bflag:$0x0] =	sbarrier.arrive $0xFFFF  }
0x287: {  	_ =	strace $0x90000047  }
0x288: {  	s0 =	stileid.u32;
	[bflag:$0x2] =	sbarrier.arrive $0xFFFF  }
0x289: {  	p0 =	sne.s32 s0, $0x0;
	s0 =	rddreg [dreg:$0x2]  }
0x28a: {  	s0 =	sadd.s32 @!p0 $0x100000, s0  }
0x28b: {  	[sflag:s0] =	ssyncadd.tile.s32 @!p0 $0x1;
	_ =	shalt  }
.Lfunc_end2:
_tile_overlayer_lowered:
.L_overlay_start_2:
0x28c: {  	(tag) =	ssettag $0x2  }
0x28d: {  	s0 =	rddreg [dreg:$0x0];
	s2 =	stileid.u32  }
0x28e: {  	s1 =	rddreg [dreg:$0x1];
	p0 =	sne.s32 s2, $0x0  }
0x28f: {  	s3 =	rddreg [dreg:$0x2];
	[bflag:$0x3] =	sbarrier.arrive $0xFFFF;
	s2 =	simm.s32 @!p0 $0x1C05  }
0x290: {  	[timem:s3], [sflag:s2] =	dma.local @!p0 [hbm:s0], s1  }
0x291: {  	s0 =	simm.s32 @!p0 $0x5  }
0x292: {  	_ =	swait.ge @!p0 [sflag:s0], s1  }
0x293: {  	s1 =	ssub.s32 @!p0 $0x0, s1;
	[sflag:s0] =	ssyncset.done @!p0 $0x0  }
0x294: {  	[sflag:s0] =	ssyncadd.s32 @!p0 s1  }
0x295: {  	[bflag:$0x3] =	sbarrier.arrive $0xFFFF  }
0x296: {  	_ =	shalt  }

// kernel: kernel.8.cloned.1.call-start
scs
__scs_entry_jumppad:
0x0: {  	(pc) =	sbr.rel $0x88, $3  }
0x1: {  	(tag) =	ssettag $0x0;
	lr =	simm.s32 $0x1  }
0x2: {  	[smem:$0x3FA0] =	sst lr;
	_ =	strace $0xD0000000  }
0x3: {  	_ = 	snop  }
0x4: {  	_ = 	snop  }
0x5: {  	_ = 	snop  }
0x6: {  	_ = 	snop  }
0x7: {  	_ = 	snop  }
__scs_overlays_trampoline_lowered:
0x8: {  	[smem:$0x3FAF] =	sst s0  }
0x9: {  	[smem:$0x3FB0] =	sst s1  }
0xa: {  	[smem:$0x3FB1] =	sst s2  }
0xb: {  	[smem:$0x3FB2] =	sst s3  }
0xc: {  	[smem:$0x3FB3] =	sst s4  }
0xd: {  	[smem:$0x3FB4] =	sst s5  }
0xe: {  	[smem:$0x3FB5] =	sst s6  }
0xf: {  	[smem:$0x3FB6] =	sst s7  }
0x10: {  	[smem:$0x3FB7] =	sst s8  }
0x11: {  	[smem:$0x3FB8] =	sst s9;
	s0 =	simm.s32 @!p0 $0x0  }
0x12: {  	s1 =	sld [smem:$0x3F9E];
	s0 =	simm.s32 @p0 $0x1  }
0x13: {  	[smem:$0x3FB9] =	sst s0;
	s0 =	simm.s32 @!p1 $0x0  }
0x14: {  	s2 =	sld [smem:$0x3F9D];
	s0 =	simm.s32 @p1 $0x1  }
0x15: {  	[smem:$0x3FBA] =	sst s0;
	s0 =	simm.s32 @!p2 $0x0  }
0x16: {  	s3 =	sld [smem:$0x3FDB];
	s0 =	simm.s32 @p2 $0x1  }
0x17: {  	s4 =	simm.s32 $0x1BF5;
	[smem:$0x3FBC] =	sst s0  }
0x18: {  	s0 =	sld [smem:$0x3F9F];
	_ =	swait.ge [sflag:s4], $0x0  }
0x19: {  	s7 =	sld [smem:$0x3FA0]  }
0x1a: {  	s8 =	sadd.s32 $0xFFFFE003, lr  }
0x1b: {  	s9 =	sadd.s32 $0xFFFFFEF7, lr;
	s5 =	simm.s32 $0xFFFFFFFF;
	p2 =	slt.u32 s8, $0xFFFFF086  }
0x1c: {  	p1 =	slt.u32 s9, $0xF7A;
	s5 =	simm.s32 @!p2 $0x0  }
0x1d: {  	s5 =	simm.s32 @p1 $0x1;
	p0 =	seq.s32 s7, s2  }
0x1e: {  	s7 =	smul.u32 @!p0 $0xF7A, s2;
	p2 =	seq.s32 @!p0 s5, $0x0  }
0x1f: {  	s9 =	smul.u32 $0xF7A, s1;
	s8 =	simm.s32 @!p0 $0x1BF5;
	p2 =	por !p2, p0  }
0x20: {  	[sflag:s8] =	ssyncset.s32 @!p0 $0xFFFFF086;
	s6 =	sadd.s32 @!p0 s3, s7;
	s7 =	simm.s32 @!p0 $0x108  }
0x21: {  	s3 =	sadd.s32 s3, s9;
	s6 =	sadd.s32 @!p0 $0x88, s6;
	s7 =	simm.s32 @p2 $0x1082  }
0x22: {  	[simem:s7], [sflag:s8] =	dma.local @!p0 [hbm:s6], $0xF7A  }
0x23: {  	s9 =	sor.u32 $0xD0000000, s2;
	s6 =	simm.s32 $0x108;
	_ =	swait.ge @!p0 [sflag:s8], $0x0  }
0x24: {  	s3 =	sadd.s32 $0x88, s3;
	s6 =	simm.s32 @!p1 $0x1082;
	[sflag:s4] =	ssyncset.s32 $0xFFFFF086  }
0x25: {  	[simem:s6], [sflag:s4] =	dma.local [hbm:s3], $0xF7A  }
0x26: {  	[smem:$0x3FA0] =	sst s1;
	(tag) =	ssettag s2;
	_ =	strace s9  }
0x27: {  	s1 =	sld [smem:$0x3FB0]  }
0x28: {  	s2 =	sld [smem:$0x3FB1]  }
0x29: {  	s4 =	sld [smem:$0x3FB3]  }
0x2a: {  	p0 =	seq.s32 s5, $0x0;
	s5 =	sld [smem:$0x3FB4]  }
0x2b: {  	s6 =	sld [smem:$0x3FB5]  }
0x2c: {  	s7 =	sld [smem:$0x3FB6]  }
0x2d: {  	s3 =	simm.s32 $0x108;
	s8 =	sld [smem:$0x3FB7]  }
0x2e: {  	s3 =	simm.s32 @!p0 $0x1082;
	s9 =	sld [smem:$0x3FB8]  }
0x2f: {  	lr =	sadd.s32 s0, s3;
	s0 =	sld [smem:$0x3FAF]  }
0x30: {  	s3 =	sld [smem:$0x3FB2]  }
0x31: {  	[smem:$0x3FBB] =	sst s10  }
0x32: {  	s10 =	sld [smem:$0x3FB9];
	_ =	sdelay $0x3  }
0x33: {  	p0 =	seq.s32 s10, $0x1;
	s10 =	sld [smem:$0x3FBB];
	_ =	sdelay $0x3  }
0x34: {  	[smem:$0x3FBB] =	sst s10  }
0x35: {  	s10 =	sld [smem:$0x3FBA];
	_ =	sdelay $0x3  }
0x36: {  	p1 =	seq.s32 s10, $0x1;
	s10 =	sld [smem:$0x3FBB];
	_ =	sdelay $0x3  }
0x37: {  	[smem:$0x3FBB] =	sst s10  }
0x38: {  	s10 =	sld [smem:$0x3FBC]  }
0x39: {  	_ = 	snop;
	(pc) =	sbr.ind lr, $3  }
0x3a: {  	_ = 	snop  }
0x3b: {  	_ = 	snop  }
0x3c: {  	p2 =	seq.s32 s10, $0x1;
	s10 =	sld [smem:$0x3FBB]  }
0x3d: {  	_ =	shalt  }
0x3e: {  	_ =	shalt  }
0x3f: {  	_ =	shalt  }
0x40: {  	_ =	shalt  }
0x41: {  	_ =	shalt  }
0x42: {  	_ =	shalt  }
0x43: {  	_ =	shalt  }
0x44: {  	_ =	shalt  }
0x45: {  	_ =	shalt  }
0x46: {  	_ =	shalt  }
0x47: {  	_ =	shalt  }
0x48: {  	_ =	shalt  }
0x49: {  	_ =	shalt  }
0x4a: {  	_ =	shalt  }
0x4b: {  	_ =	shalt  }
0x4c: {  	_ =	shalt  }
0x4d: {  	_ =	shalt  }
0x4e: {  	_ =	shalt  }
0x4f: {  	_ =	shalt  }
0x50: {  	_ =	shalt  }
0x51: {  	_ =	shalt  }
0x52: {  	_ =	shalt  }
0x53: {  	_ =	shalt  }
0x54: {  	_ =	shalt  }
0x55: {  	_ =	shalt  }
0x56: {  	_ =	shalt  }
0x57: {  	_ =	shalt  }
0x58: {  	_ =	shalt  }
0x59: {  	_ =	shalt  }
0x5a: {  	_ =	shalt  }
0x5b: {  	_ =	shalt  }
0x5c: {  	_ =	shalt  }
0x5d: {  	_ =	shalt  }
0x5e: {  	_ =	shalt  }
0x5f: {  	_ =	shalt  }
0x60: {  	_ =	shalt  }
0x61: {  	_ =	shalt  }
0x62: {  	_ =	shalt  }
0x63: {  	_ =	shalt  }
0x64: {  	_ =	shalt  }
0x65: {  	_ =	shalt  }
0x66: {  	_ =	shalt  }
0x67: {  	_ =	shalt  }
0x68: {  	_ =	shalt  }
0x69: {  	_ =	shalt  }
0x6a: {  	_ =	shalt  }
0x6b: {  	_ =	shalt  }
0x6c: {  	_ =	shalt  }
0x6d: {  	_ =	shalt  }
0x6e: {  	_ =	shalt  }
0x6f: {  	_ =	shalt  }
0x70: {  	_ =	shalt  }
0x71: {  	_ =	shalt  }
0x72: {  	_ =	shalt  }
0x73: {  	_ =	shalt  }
0x74: {  	_ =	shalt  }
0x75: {  	_ =	shalt  }
0x76: {  	_ =	shalt  }
0x77: {  	_ =	shalt  }
0x78: {  	_ =	shalt  }
0x79: {  	_ =	shalt  }
0x7a: {  	_ =	shalt  }
0x7b: {  	_ =	shalt  }
0x7c: {  	_ =	shalt  }
0x7d: {  	_ =	shalt  }
0x7e: {  	_ =	shalt  }
0x7f: {  	_ =	shalt  }
0x80: {  	_ =	shalt  }
0x81: {  	_ =	shalt  }
0x82: {  	_ =	shalt  }
0x83: {  	_ =	shalt  }
0x84: {  	_ =	shalt  }
0x85: {  	_ =	shalt  }
0x86: {  	_ =	shalt  }
0x87: {  	_ =	shalt  }
.Lfunc_end0:
.L_simem_size_0:
called_computation.1_lowered:
.L_overlay_start_0:
0x88: {  	s2 =	sld [smem:$0x3FD9]  }
0x89: {  	s3 =	sld [smem:$0x3FFE];
	_ =	sdelay $0x1  }
0x8a: {  	s1 =	srdreg.scid  }
0x8b: {  	s0 =	sand.u32 $0x1, s1  }
0x8c: {  	s17 =	sshll.u32 s0, $0xA;
	s2 =	sadd.s32 s3, s2  }
0x8d: {  	s2 =	sadd.s32 s2, s17  }
0x8e: {  	[smem:$0x3FC7] =	sst s2  }
0x8f: {  	_ = 	snop  }
0x90: {  	s18 =	sld [smem:$0x3FC9];
	(tm) =	ssettm $0x1  }
0x91: {  	s19 =	sld [smem:$0x3FFB];
	_ =	sdelay $0x3  }
0x92: {  	_ =	strace s19  }
0x93: {  	s2 =	sld [smem:$0x3FFC];
	_ =	sdelay $0x3  }
0x94: {  	_ =	strace s2  }
0x95: {  	s2 =	sld [smem:$0x3FFD];
	_ =	sdelay $0x3  }
0x96: {  	_ =	strace s2  }
0x97: {  	_ =	strace $0x8FFFFFFF  }
0x98: {  	s20 =	sld [smem:$0x3FDB];
	_ =	sdelay $0x1  }
0x99: {  	s4 =	simm.s32 $_scs_section_size  }
0x9a: {  	s5 =	simm.s32 $_size__tile_overlayer_lowered;
	s6 =	simm.s32 $_tile_overlayer_lowered  }
0x9b: {  	s7 =	simm.s32 $0x1BFF;
	s21 =	sshll.u32 s6, $0x1;
	s4 =	sadd.s32 s4, s20  }
0x9c: {  	s22 =	simm.s32 $0x0;
	s5 =	sshll.u32 s5, $0x1;
	s6 =	sadd.s32 s21, s4  }
0x9d: {  	[timem:s22], [sflag:s7] =	dma.local [hbm:s6], s5  }
0x9e: {  	_ =	swait.ge [sflag:s7], s5  }
0x9f: {  	s5 =	ssub.s32 $0x0, s5;
	[sflag:s7] =	ssyncset.done $0x0  }
0xa0: {  	[sflag:s7] =	ssyncadd.s32 s5;
	_ =	sdelay $0x1  }
0xa1: {  	s23 =	simm.s32 $0x1B8B  }
0xa2: {  	_ =	swait.ge [sflag:s23], $0x1  }
0xa3: {  	[sflag:s23] =	ssyncset.done $0x0  }
0xa4: {  	[sflag:s23] =	ssyncadd.s32 $0xFFFFFFFF  }
0xa5: {  	s5 =	sld [smem:$0x0]  }
0xa6: {  	s6 =	sand.u32 $0xFFFFFFFE, s1  }
0xa7: {  	p0 =	sne.s32 s1, s6  }
0xa8: {  	s6 =	sshll.u32 @p0 s6, $0xE  }
0xa9: {  	s6 =	sadd.s32 @p0 $0x11B8D, s6;
	s7 =	sshll.u32 @p0 s5, $0x11  }
0xaa: {  	s6 =	sor.u32 @p0 s7, s6  }
0xab: {  	[sflag:s6] =	ssyncadd.remote.s32 @p0 $0x1;
	_ =	sdelay $0x1  }
0xac: {  	s6 =	simm.s32 @p0 $0x1B8D  }
0xad: {  	_ =	swait.eq @p0 [sflag:s6], $0x1  }
0xae: {  	[sflag:s6] =	ssyncadd.s32 @p0 $0xFFFFFFFF  }
0xaf: {  	s7 =	sshll.u32 @!p0 s1, $0xE  }
0xb0: {  	s7 =	sor.u32 @!p0 $0x4000, s7;
	s6 =	simm.s32 @!p0 $0x1B8D  }
0xb1: {  	s5 =	sshll.u32 @!p0 s5, $0x11;
	s7 =	sadd.s32 @!p0 $0x11B8D, s7;
	_ =	swait.eq @!p0 [sflag:s6], $0x1  }
0xb2: {  	s5 =	sor.u32 @!p0 s5, s7;
	[sflag:s6] =	ssyncadd.s32 @!p0 $0xFFFFFFFF  }
0xb3: {  	s25 =	simm.s32 $0x1B8E;
	s24 =	sld [smem:$0x3FFE];
	[sflag:s5] =	ssyncadd.remote.s32 @!p0 $0x1  }
0xb4: {  	s26 =	simm.s32 $execute0_lowered;
	[smem:$0x3FD2] =	sst s25  }
0xb5: {  	s6 =	sshll.u32 s26, $0x1;
	_ =	strace $0x80000049;
	[dreg:$0x1] =	wrdreg $0xFFFFFFFF  }
0xb6: {  	s28 =	simm.s32 $_size_execute0_lowered;
	s4 =	sadd.s32 s4, s6;
	[dreg:$0x0] =	wrdreg $0x0  }
0xb7: {  	s6 =	sshll.u32 s28, $0x1;
	[dreg:$0x2] =	wrdreg s4  }
0xb8: {  	[dreg:$0x3] =	wrdreg s6  }
0xb9: {  	[dreg:$0x4] =	wrdreg $0xC0  }
0xba: {  	_ =	task [dreg:s22], $0x5FFFF  }
0xbb: {  	[dreg:$0x1] =	wrdreg $0xFFFFFFFF  }
0xbc: {  	[dreg:$0x0] =	wrdreg $0x60  }
0xbd: {  	[dreg:$0x2] =	wrdreg s18  }
0xbe: {  	[dreg:$0x3] =	wrdreg s24  }
0xbf: {  	[dreg:$0x4] =	wrdreg $0xA  }
0xc0: {  	_ =	task.clear_ibuf [dreg:s22], $0x5FFFF;
	_ =	strace $0x90000049  }
0xc1: {  	s29 =	simm.s32 $0xA;
	_ =	strace $0x8000004B  }
0xc2: {  	_ =	swait.ge [sflag:s29], $0x1  }
0xc3: {  	[sflag:s29] =	ssyncadd.s32 $0xFFFFFFFF  }
0xc4: {  	_ =	strace $0x9000004B  }
0xc5: {  	_ =	sfence  }
0xc6: {  	s30 =	sld [smem:$0x0];
	_ =	sdelay $0x2  }
0xc7: {  	s31 =	sshll.u32 s1, $0xD;
	s1 =	sshrl.u32 s1, $0x2  }
0xc8: {  	s4 =	sand.u32 $0x4000, s31;
	s1 =	sadd.s32 s1, s30  }
0xc9: {  	s0 =	sor.u32 s4, s0;
	s1 =	sshll.u32 s1, $0x11  }
0xca: {  	s0 =	sor.u32 s1, s0  }
0xcb: {  	s0 =	sadd.s32 $0x8F2B, s0  }
0xcc: {  	[sflag:s0] =	ssyncadd.remote.s32 $0x1  }
0xcd: {  	_ =	sfence.sel $0xFFFF  }
0xce: {  	[dreg:$0x0] =	wrdreg $0xFFFFFFFF;
	(pc) =	sbr.abs _section_cstart, $3  }
0xcf: {  	[dreg:$0x1] =	wrdreg $0xFFFFFFFF  }
0xd0: {  	_ =	task.clear_ibuf [dreg:s22], $0x2FFFF;
	_ =	strace $0x9FFFFFFF  }
0xd1: {  	(tm) =	ssettm $0x7FFFFFFF  }
tec
execute0_lowered:
.L_overlay_start_1:
0x0: {  	(tag) =	ssettag $0x1  }
0x1: {  	s3 =	rddreg [dreg:$0x0]  }
0x2: {  	s4 =	rddreg [dreg:$0x1]  }
0x3: {  	s0 =	rddreg [dreg:$0x2]  }
0x4: {  	s2 =	simm.s32 $0x0;
	s5 =	srdreg.scid;
	s1 =	stileid.u32  }
0x5: {  	s14 =	simm.s32 $0x8000;
	s15 =	simm.s32 $0x1;
	s16 =	simm.s32 $0x10000  }
0x6: {  	s17 =	simm.s32 $0x2;
	s18 =	simm.s32 $0x18000;
	s19 =	simm.s32 $0x3  }
0x7: {  	s20 =	simm.s32 $0x4;
	s21 =	simm.s32 $0x0;
	[smem:$0x7FF] =	sst s2  }
0x8: {  	s5 =	sand.u32 $0x1, s5;
	s7 =	sshll.u32 s1, $0xB;
	s10 =	sadd.s32 $0x100E00, s4  }
0x9: {  	s8 =	sadd.s32 $0x200, s3;
	s6 =	ssub.s32 $0x2, s5;
	s5 =	sshll.u32 s5, $0xA  }
0xa: {  	_ =	strace $0x8000004A;
	s26 =	sshrl.u32 s6, $0x1;
	s5 =	sor.u32 s5, s7  }
0xb: {  	s7 =	sshll.u32 s5, $0x7;
	s9 =	sshrl.u32 s5, $0x3;
	s11 =	ssub.s32 s6, s26  }
0xc: {  	s5 =	sshll.u32 s5, $0x4;
	s3 =	sadd.s32 s7, s8;
	s28 =	sor.u32 $0x20, s9  }
0xd: {  	s12 =	sor.u32 $0x40, s9;
	s5 =	sadd.s32 s10, s5;
	s13 =	sor.u32 $0x60, s9  }
0xe: {  	s11 =	smax.u32 s11, $0x1;
	s29 =	sshll.u32 s28, $0xA;
	s30 =	sshll.u32 s12, $0xA  }
0xf: {  	s7 =	sshll.u32 s28, $0x7;
	s9 =	sshll.u32 s13, $0xA;
	s12 =	sshll.u32 s12, $0x7  }
0x10: {  	s31 =	sshll.u32 s13, $0x7;
	s13 =	simm.s32 $0x2000;
	s4 =	sadd.s32 s29, s8  }
0x11: {  	s6 =	sadd.s32 s30, s8;
	s7 =	sadd.s32 s10, s7;
	s8 =	sadd.s32 s9, s8  }
0x12: {  	s9 =	sadd.s32 s10, s12;
	s10 =	sadd.s32 s10, s31;
	s12 =	simm.s32 $0x400  }
.LBB2_1:
0x13: {  	[tilespmem:s2], [sflag:$0x1] =	stream.strided.gather [hbm4b:s3+s12], $0x8000, s13, s12, $0x38;
	v63 =	vld [tilespmem:$0x0]  }
0x14: {  	_ = 	snop  }
0x15: {  	[tilespmem:s14], [sflag:$0x2] =	stream.strided.gather [hbm4b:s4+s12], $0x8000, s13, s12, $0x38;
	v63 =	vld [tilespmem:$0x0]  }
0x16: {  	_ =	swait.ge [sflag:s15], $0x8000  }
0x17: {  	[sflag:s15] =	ssyncset.done $0x0  }
0x18: {  	s23 =	simm.s32 $0x200;
	[sflag:s15] =	ssyncadd.s32 $0xFFFF8000  }
0x19: {  	v0 =	vld [tilespmem:s23+$0xFFFFFE00];
	_ =	sdelay $0x3  }
0x1a: {  	s22 =	simm.s32 $0x10200  }
0x1b: {  	[tilespmem:s22+$0xFFFFFE00] =	vst v0  }
0x1c: {  	v0 =	vld [tilespmem:s23+$0xFFFFFE10];
	_ =	sdelay $0x4  }
0x1d: {  	[tilespmem:s22+$0xFFFFFE10] =	vst v0  }
0x1e: {  	v0 =	vld [tilespmem:s23+$0xFFFFFE80];
	_ =	sdelay $0x4  }
0x1f: {  	[tilespmem:s22+$0xFFFFFE80] =	vst v0  }
0x20: {  	v0 =	vld [tilespmem:s23+$0xFFFFFE90];
	_ =	sdelay $0x4  }
0x21: {  	[tilespmem:s22+$0xFFFFFE90] =	vst v0  }
0x22: {  	v0 =	vld [tilespmem:s23+$0xFFFFFF00];
	_ =	sdelay $0x4  }
0x23: {  	[tilespmem:s22+$0xFFFFFF00] =	vst v0  }
0x24: {  	v0 =	vld [tilespmem:s23+$0xFFFFFF10];
	_ =	sdelay $0x4  }
0x25: {  	[tilespmem:s22+$0xFFFFFF10] =	vst v0  }
0x26: {  	v0 =	vld [tilespmem:s23+$0xFFFFFF80];
	_ =	sdelay $0x4  }
0x27: {  	[tilespmem:s22+$0xFFFFFF80] =	vst v0  }
0x28: {  	v0 =	vld [tilespmem:s23+$0xFFFFFF90];
	_ =	sdelay $0x4  }
0x29: {  	[tilespmem:s22+$0xFFFFFF90] =	vst v0  }
0x2a: {  	v0 =	vld [tilespmem:s23+$0x0];
	_ =	sdelay $0x4  }
0x2b: {  	[tilespmem:s22+$0x0] =	vst v0  }
0x2c: {  	v0 =	vld [tilespmem:s23+$0x10];
	_ =	sdelay $0x4  }
0x2d: {  	[tilespmem:s22+$0x10] =	vst v0  }
0x2e: {  	v0 =	vld [tilespmem:s23+$0x80];
	_ =	sdelay $0x4  }
0x2f: {  	[tilespmem:s22+$0x80] =	vst v0  }
0x30: {  	v0 =	vld [tilespmem:s23+$0x90];
	_ =	sdelay $0x4  }
0x31: {  	[tilespmem:s22+$0x90] =	vst v0  }
0x32: {  	v0 =	vld [tilespmem:s23+$0x100];
	_ =	sdelay $0x4  }
0x33: {  	[tilespmem:s22+$0x100] =	vst v0  }
0x34: {  	v0 =	vld [tilespmem:s23+$0x110];
	_ =	sdelay $0x4  }
0x35: {  	[tilespmem:s22+$0x110] =	vst v0  }
0x36: {  	v0 =	vld [tilespmem:s23+$0x180];
	_ =	sdelay $0x4  }
0x37: {  	[tilespmem:s22+$0x180] =	vst v0  }
0x38: {  	v0 =	vld [tilespmem:s23+$0x190];
	_ =	sdelay $0x4  }
0x39: {  	s24 =	simm.s32 $0x600;
	s23 =	simm.s32 $0x0;
	[tilespmem:s22+$0x190] =	vst v0  }
.LBB2_2:
0x3a: {  	v0 =	vld [tilespmem:s24+$0xFFFFFE00];
	s23 =	sadd.s32 $0x8, s23  }
0x3b: {  	p0 =	slt.u32 s23, $0xF8;
	_ =	sdelay $0x2  }
0x3c: {  	s22 =	sadd.s32 $0x400, s22  }
0x3d: {  	[tilespmem:s22+$0xFFFFFE00] =	vst v0  }
0x3e: {  	v0 =	vld [tilespmem:s24+$0xFFFFFE10];
	_ =	sdelay $0x4  }
0x3f: {  	[tilespmem:s22+$0xFFFFFE10] =	vst v0  }
0x40: {  	v0 =	vld [tilespmem:s24+$0xFFFFFE80];
	_ =	sdelay $0x4  }
0x41: {  	[tilespmem:s22+$0xFFFFFE80] =	vst v0  }
0x42: {  	v0 =	vld [tilespmem:s24+$0xFFFFFE90];
	_ =	sdelay $0x4  }
0x43: {  	[tilespmem:s22+$0xFFFFFE90] =	vst v0  }
0x44: {  	v0 =	vld [tilespmem:s24+$0xFFFFFF00];
	_ =	sdelay $0x4  }
0x45: {  	[tilespmem:s22+$0xFFFFFF00] =	vst v0  }
0x46: {  	v0 =	vld [tilespmem:s24+$0xFFFFFF10];
	_ =	sdelay $0x4  }
0x47: {  	[tilespmem:s22+$0xFFFFFF10] =	vst v0  }
0x48: {  	v0 =	vld [tilespmem:s24+$0xFFFFFF80];
	_ =	sdelay $0x4  }
0x49: {  	[tilespmem:s22+$0xFFFFFF80] =	vst v0  }
0x4a: {  	v0 =	vld [tilespmem:s24+$0xFFFFFF90];
	_ =	sdelay $0x4  }
0x4b: {  	[tilespmem:s22+$0xFFFFFF90] =	vst v0  }
0x4c: {  	v0 =	vld [tilespmem:s24+$0x0];
	_ =	sdelay $0x4  }
0x4d: {  	[tilespmem:s22+$0x0] =	vst v0  }
0x4e: {  	v0 =	vld [tilespmem:s24+$0x10];
	_ =	sdelay $0x4  }
0x4f: {  	[tilespmem:s22+$0x10] =	vst v0  }
0x50: {  	v0 =	vld [tilespmem:s24+$0x80];
	_ =	sdelay $0x4  }
0x51: {  	[tilespmem:s22+$0x80] =	vst v0  }
0x52: {  	v0 =	vld [tilespmem:s24+$0x90];
	_ =	sdelay $0x4  }
0x53: {  	[tilespmem:s22+$0x90] =	vst v0  }
0x54: {  	v0 =	vld [tilespmem:s24+$0x100];
	_ =	sdelay $0x4  }
0x55: {  	[tilespmem:s22+$0x100] =	vst v0  }
0x56: {  	v0 =	vld [tilespmem:s24+$0x110];
	_ =	sdelay $0x4  }
0x57: {  	[tilespmem:s22+$0x110] =	vst v0  }
0x58: {  	v0 =	vld [tilespmem:s24+$0x180];
	_ =	sdelay $0x4  }
0x59: {  	[tilespmem:s22+$0x180] =	vst v0  }
0x5a: {  	v0 =	vld [tilespmem:s24+$0x190]  }
.Ltmp0:
0x5b: {  	(pc) =	sbr.rel @p0 .LBB2_2-.Ltmp0, $2  }
0x5c: {  	_ =	sdelay $0x2  }
0x5d: {  	s24 =	sadd.s32 $0x400, s24;
	[tilespmem:s22+$0x190] =	vst v0  }
0x5e: {  	[hbm4b:s5+s2] =	stream.linear.scatter [tilespmem:s16], [sflag:$0x3], $0x8000, $0x38;
	v63 =	vld [tilespmem:$0x0]  }
0x5f: {  	_ = 	snop  }
0x60: {  	[tilespmem:s2], [sflag:$0x1] =	stream.strided.gather [hbm4b:s6+s12], $0x8000, s13, s12, $0x38;
	v63 =	vld [tilespmem:$0x0]  }
0x61: {  	_ =	swait.ge [sflag:s17], $0x8000  }
0x62: {  	[sflag:s17] =	ssyncset.done $0x0  }
0x63: {  	s23 =	simm.s32 $0x8200;
	[sflag:s17] =	ssyncadd.s32 $0xFFFF8000  }
0x64: {  	v0 =	vld [tilespmem:s23+$0xFFFFFE00];
	_ =	sdelay $0x3  }
0x65: {  	s22 =	simm.s32 $0x18200  }
0x66: {  	[tilespmem:s22+$0xFFFFFE00] =	vst v0  }
0x67: {  	v0 =	vld [tilespmem:s23+$0xFFFFFE10];
	_ =	sdelay $0x4  }
0x68: {  	[tilespmem:s22+$0xFFFFFE10] =	vst v0  }
0x69: {  	v0 =	vld [tilespmem:s23+$0xFFFFFE80];
	_ =	sdelay $0x4  }
0x6a: {  	[tilespmem:s22+$0xFFFFFE80] =	vst v0  }
0x6b: {  	v0 =	vld [tilespmem:s23+$0xFFFFFE90];
	_ =	sdelay $0x4  }
0x6c: {  	[tilespmem:s22+$0xFFFFFE90] =	vst v0  }
0x6d: {  	v0 =	vld [tilespmem:s23+$0xFFFFFF00];
	_ =	sdelay $0x4  }
0x6e: {  	[tilespmem:s22+$0xFFFFFF00] =	vst v0  }
0x6f: {  	v0 =	vld [tilespmem:s23+$0xFFFFFF10];
	_ =	sdelay $0x4  }
0x70: {  	[tilespmem:s22+$0xFFFFFF10] =	vst v0  }
0x71: {  	v0 =	vld [tilespmem:s23+$0xFFFFFF80];
	_ =	sdelay $0x4  }
0x72: {  	[tilespmem:s22+$0xFFFFFF80] =	vst v0  }
0x73: {  	v0 =	vld [tilespmem:s23+$0xFFFFFF90];
	_ =	sdelay $0x4  }
0x74: {  	[tilespmem:s22+$0xFFFFFF90] =	vst v0  }
0x75: {  	v0 =	vld [tilespmem:s23+$0x0];
	_ =	sdelay $0x4  }
0x76: {  	[tilespmem:s22+$0x0] =	vst v0  }
0x77: {  	v0 =	vld [tilespmem:s23+$0x10];
	_ =	sdelay $0x4  }
0x78: {  	[tilespmem:s22+$0x10] =	vst v0  }
0x79: {  	v0 =	vld [tilespmem:s23+$0x80];
	_ =	sdelay $0x4  }
0x7a: {  	[tilespmem:s22+$0x80] =	vst v0  }
0x7b: {  	v0 =	vld [tilespmem:s23+$0x90];
	_ =	sdelay $0x4  }
0x7c: {  	[tilespmem:s22+$0x90] =	vst v0  }
0x7d: {  	v0 =	vld [tilespmem:s23+$0x100];
	_ =	sdelay $0x4  }
0x7e: {  	[tilespmem:s22+$0x100] =	vst v0  }
0x7f: {  	v0 =	vld [tilespmem:s23+$0x110];
	_ =	sdelay $0x4  }
0x80: {  	[tilespmem:s22+$0x110] =	vst v0  }
0x81: {  	v0 =	vld [tilespmem:s23+$0x180];
	_ =	sdelay $0x4  }
0x82: {  	[tilespmem:s22+$0x180] =	vst v0  }
0x83: {  	v0 =	vld [tilespmem:s23+$0x190];
	_ =	sdelay $0x4  }
0x84: {  	s24 =	simm.s32 $0x8600;
	s23 =	simm.s32 $0x0;
	[tilespmem:s22+$0x190] =	vst v0  }
.LBB2_4:
0x85: {  	v0 =	vld [tilespmem:s24+$0xFFFFFE00];
	s23 =	sadd.s32 $0x8, s23  }
0x86: {  	p0 =	slt.u32 s23, $0xF8;
	_ =	sdelay $0x2  }
0x87: {  	s22 =	sadd.s32 $0x400, s22  }
0x88: {  	[tilespmem:s22+$0xFFFFFE00] =	vst v0  }
0x89: {  	v0 =	vld [tilespmem:s24+$0xFFFFFE10];
	_ =	sdelay $0x4  }
0x8a: {  	[tilespmem:s22+$0xFFFFFE10] =	vst v0  }
0x8b: {  	v0 =	vld [tilespmem:s24+$0xFFFFFE80];
	_ =	sdelay $0x4  }
0x8c: {  	[tilespmem:s22+$0xFFFFFE80] =	vst v0  }
0x8d: {  	v0 =	vld [tilespmem:s24+$0xFFFFFE90];
	_ =	sdelay $0x4  }
0x8e: {  	[tilespmem:s22+$0xFFFFFE90] =	vst v0  }
0x8f: {  	v0 =	vld [tilespmem:s24+$0xFFFFFF00];
	_ =	sdelay $0x4  }
0x90: {  	[tilespmem:s22+$0xFFFFFF00] =	vst v0  }
0x91: {  	v0 =	vld [tilespmem:s24+$0xFFFFFF10];
	_ =	sdelay $0x4  }
0x92: {  	[tilespmem:s22+$0xFFFFFF10] =	vst v0  }
0x93: {  	v0 =	vld [tilespmem:s24+$0xFFFFFF80];
	_ =	sdelay $0x4  }
0x94: {  	[tilespmem:s22+$0xFFFFFF80] =	vst v0  }
0x95: {  	v0 =	vld [tilespmem:s24+$0xFFFFFF90];
	_ =	sdelay $0x4  }
0x96: {  	[tilespmem:s22+$0xFFFFFF90] =	vst v0  }
0x97: {  	v0 =	vld [tilespmem:s24+$0x0];
	_ =	sdelay $0x4  }
0x98: {  	[tilespmem:s22+$0x0] =	vst v0  }
0x99: {  	v0 =	vld [tilespmem:s24+$0x10];
	_ =	sdelay $0x4  }
0x9a: {  	[tilespmem:s22+$0x10] =	vst v0  }
0x9b: {  	v0 =	vld [tilespmem:s24+$0x80];
	_ =	sdelay $0x4  }
0x9c: {  	[tilespmem:s22+$0x80] =	vst v0  }
0x9d: {  	v0 =	vld [tilespmem:s24+$0x90];
	_ =	sdelay $0x4  }
0x9e: {  	[tilespmem:s22+$0x90] =	vst v0  }
0x9f: {  	v0 =	vld [tilespmem:s24+$0x100];
	_ =	sdelay $0x4  }
0xa0: {  	[tilespmem:s22+$0x100] =	vst v0  }
0xa1: {  	v0 =	vld [tilespmem:s24+$0x110];
	_ =	sdelay $0x4  }
0xa2: {  	[tilespmem:s22+$0x110] =	vst v0  }
0xa3: {  	v0 =	vld [tilespmem:s24+$0x180];
	_ =	sdelay $0x4  }
0xa4: {  	[tilespmem:s22+$0x180] =	vst v0  }
0xa5: {  	v0 =	vld [tilespmem:s24+$0x190]  }
.Ltmp1:
0xa6: {  	(pc) =	sbr.rel @p0 .LBB2_4-.Ltmp1, $2  }
0xa7: {  	_ =	sdelay $0x2  }
0xa8: {  	s24 =	sadd.s32 $0x400, s24;
	[tilespmem:s22+$0x190] =	vst v0  }
0xa9: {  	[hbm4b:s7+s2] =	stream.linear.scatter [tilespmem:s18], [sflag:$0x4], $0x8000, $0x38;
	v63 =	vld [tilespmem:$0x0]  }
0xaa: {  	_ = 	snop  }
0xab: {  	[tilespmem:s14], [sflag:$0x2] =	stream.strided.gather [hbm4b:s8+s12], $0x8000, s13, s12, $0x38;
	v63 =	vld [tilespmem:$0x0]  }
0xac: {  	_ =	swait.ge [sflag:s15], $0x8000  }
0xad: {  	[sflag:s15] =	ssyncset.done $0x0  }
0xae: {  	[sflag:s15] =	ssyncadd.s32 $0xFFFF8000  }
0xaf: {  	_ =	swait.ge [sflag:s19], $0x8000  }
0xb0: {  	[sflag:s19] =	ssyncset.done $0x0  }
0xb1: {  	s23 =	simm.s32 $0x200;
	[sflag:s19] =	ssyncadd.s32 $0xFFFF8000  }
0xb2: {  	v0 =	vld [tilespmem:s23+$0xFFFFFE00];
	_ =	sdelay $0x3  }
0xb3: {  	s22 =	simm.s32 $0x10200  }
0xb4: {  	[tilespmem:s22+$0xFFFFFE00] =	vst v0  }
0xb5: {  	v0 =	vld [tilespmem:s23+$0xFFFFFE10];
	_ =	sdelay $0x4  }
0xb6: {  	[tilespmem:s22+$0xFFFFFE10] =	vst v0  }
0xb7: {  	v0 =	vld [tilespmem:s23+$0xFFFFFE80];
	_ =	sdelay $0x4  }
0xb8: {  	[tilespmem:s22+$0xFFFFFE80] =	vst v0  }
0xb9: {  	v0 =	vld [tilespmem:s23+$0xFFFFFE90];
	_ =	sdelay $0x4  }
0xba: {  	[tilespmem:s22+$0xFFFFFE90] =	vst v0  }
0xbb: {  	v0 =	vld [tilespmem:s23+$0xFFFFFF00];
	_ =	sdelay $0x4  }
0xbc: {  	[tilespmem:s22+$0xFFFFFF00] =	vst v0  }
0xbd: {  	v0 =	vld [tilespmem:s23+$0xFFFFFF10];
	_ =	sdelay $0x4  }
0xbe: {  	[tilespmem:s22+$0xFFFFFF10] =	vst v0  }
0xbf: {  	v0 =	vld [tilespmem:s23+$0xFFFFFF80];
	_ =	sdelay $0x4  }
0xc0: {  	[tilespmem:s22+$0xFFFFFF80] =	vst v0  }
0xc1: {  	v0 =	vld [tilespmem:s23+$0xFFFFFF90];
	_ =	sdelay $0x4  }
0xc2: {  	[tilespmem:s22+$0xFFFFFF90] =	vst v0  }
0xc3: {  	v0 =	vld [tilespmem:s23+$0x0];
	_ =	sdelay $0x4  }
0xc4: {  	[tilespmem:s22+$0x0] =	vst v0  }
0xc5: {  	v0 =	vld [tilespmem:s23+$0x10];
	_ =	sdelay $0x4  }
0xc6: {  	[tilespmem:s22+$0x10] =	vst v0  }
0xc7: {  	v0 =	vld [tilespmem:s23+$0x80];
	_ =	sdelay $0x4  }
0xc8: {  	[tilespmem:s22+$0x80] =	vst v0  }
0xc9: {  	v0 =	vld [tilespmem:s23+$0x90];
	_ =	sdelay $0x4  }
0xca: {  	[tilespmem:s22+$0x90] =	vst v0  }
0xcb: {  	v0 =	vld [tilespmem:s23+$0x100];
	_ =	sdelay $0x4  }
0xcc: {  	[tilespmem:s22+$0x100] =	vst v0  }
0xcd: {  	v0 =	vld [tilespmem:s23+$0x110];
	_ =	sdelay $0x4  }
0xce: {  	[tilespmem:s22+$0x110] =	vst v0  }
0xcf: {  	v0 =	vld [tilespmem:s23+$0x180];
	_ =	sdelay $0x4  }
0xd0: {  	[tilespmem:s22+$0x180] =	vst v0  }
0xd1: {  	v0 =	vld [tilespmem:s23+$0x190];
	_ =	sdelay $0x4  }
0xd2: {  	s24 =	simm.s32 $0x600;
	s23 =	simm.s32 $0x0;
	[tilespmem:s22+$0x190] =	vst v0  }
.LBB2_6:
0xd3: {  	v0 =	vld [tilespmem:s24+$0xFFFFFE00];
	s23 =	sadd.s32 $0x8, s23  }
0xd4: {  	p0 =	slt.u32 s23, $0xF8;
	_ =	sdelay $0x2  }
0xd5: {  	s22 =	sadd.s32 $0x400, s22  }
0xd6: {  	[tilespmem:s22+$0xFFFFFE00] =	vst v0  }
0xd7: {  	v0 =	vld [tilespmem:s24+$0xFFFFFE10];
	_ =	sdelay $0x4  }
0xd8: {  	[tilespmem:s22+$0xFFFFFE10] =	vst v0  }
0xd9: {  	v0 =	vld [tilespmem:s24+$0xFFFFFE80];
	_ =	sdelay $0x4  }
0xda: {  	[tilespmem:s22+$0xFFFFFE80] =	vst v0  }
0xdb: {  	v0 =	vld [tilespmem:s24+$0xFFFFFE90];
	_ =	sdelay $0x4  }
0xdc: {  	[tilespmem:s22+$0xFFFFFE90] =	vst v0  }
0xdd: {  	v0 =	vld [tilespmem:s24+$0xFFFFFF00];
	_ =	sdelay $0x4  }
0xde: {  	[tilespmem:s22+$0xFFFFFF00] =	vst v0  }
0xdf: {  	v0 =	vld [tilespmem:s24+$0xFFFFFF10];
	_ =	sdelay $0x4  }
0xe0: {  	[tilespmem:s22+$0xFFFFFF10] =	vst v0  }
0xe1: {  	v0 =	vld [tilespmem:s24+$0xFFFFFF80];
	_ =	sdelay $0x4  }
0xe2: {  	[tilespmem:s22+$0xFFFFFF80] =	vst v0  }
0xe3: {  	v0 =	vld [tilespmem:s24+$0xFFFFFF90];
	_ =	sdelay $0x4  }
0xe4: {  	[tilespmem:s22+$0xFFFFFF90] =	vst v0  }
0xe5: {  	v0 =	vld [tilespmem:s24+$0x0];
	_ =	sdelay $0x4  }
0xe6: {  	[tilespmem:s22+$0x0] =	vst v0  }
0xe7: {  	v0 =	vld [tilespmem:s24+$0x10];
	_ =	sdelay $0x4  }
0xe8: {  	[tilespmem:s22+$0x10] =	vst v0  }
0xe9: {  	v0 =	vld [tilespmem:s24+$0x80];
	_ =	sdelay $0x4  }
0xea: {  	[tilespmem:s22+$0x80] =	vst v0  }
0xeb: {  	v0 =	vld [tilespmem:s24+$0x90];
	_ =	sdelay $0x4  }
0xec: {  	[tilespmem:s22+$0x90] =	vst v0  }
0xed: {  	v0 =	vld [tilespmem:s24+$0x100];
	_ =	sdelay $0x4  }
0xee: {  	[tilespmem:s22+$0x100] =	vst v0  }
0xef: {  	v0 =	vld [tilespmem:s24+$0x110];
	_ =	sdelay $0x4  }
0xf0: {  	[tilespmem:s22+$0x110] =	vst v0  }
0xf1: {  	v0 =	vld [tilespmem:s24+$0x180];
	_ =	sdelay $0x4  }
0xf2: {  	[tilespmem:s22+$0x180] =	vst v0  }
0xf3: {  	v0 =	vld [tilespmem:s24+$0x190]  }
.Ltmp2:
0xf4: {  	(pc) =	sbr.rel @p0 .LBB2_6-.Ltmp2, $2  }
0xf5: {  	_ =	sdelay $0x2  }
0xf6: {  	s24 =	sadd.s32 $0x400, s24;
	[tilespmem:s22+$0x190] =	vst v0  }
0xf7: {  	[hbm4b:s9+s2] =	stream.linear.scatter [tilespmem:s16], [sflag:$0x3], $0x8000, $0x38;
	v63 =	vld [tilespmem:$0x0]  }
0xf8: {  	_ =	swait.ge [sflag:s17], $0x8000  }
0xf9: {  	[sflag:s17] =	ssyncset.done $0x0  }
0xfa: {  	[sflag:s17] =	ssyncadd.s32 $0xFFFF8000  }
0xfb: {  	_ =	swait.ge [sflag:s20], $0x8000  }
0xfc: {  	[sflag:s20] =	ssyncset.done $0x0  }
0xfd: {  	s23 =	simm.s32 $0x8200;
	[sflag:s20] =	ssyncadd.s32 $0xFFFF8000  }
0xfe: {  	v0 =	vld [tilespmem:s23+$0xFFFFFE00];
	_ =	sdelay $0x3  }
0xff: {  	s22 =	simm.s32 $0x18200  }
0x100: {  	[tilespmem:s22+$0xFFFFFE00] =	vst v0  }
0x101: {  	v0 =	vld [tilespmem:s23+$0xFFFFFE10];
	_ =	sdelay $0x4  }
0x102: {  	[tilespmem:s22+$0xFFFFFE10] =	vst v0  }
0x103: {  	v0 =	vld [tilespmem:s23+$0xFFFFFE80];
	_ =	sdelay $0x4  }
0x104: {  	[tilespmem:s22+$0xFFFFFE80] =	vst v0  }
0x105: {  	v0 =	vld [tilespmem:s23+$0xFFFFFE90];
	_ =	sdelay $0x4  }
0x106: {  	[tilespmem:s22+$0xFFFFFE90] =	vst v0  }
0x107: {  	v0 =	vld [tilespmem:s23+$0xFFFFFF00];
	_ =	sdelay $0x4  }
0x108: {  	[tilespmem:s22+$0xFFFFFF00] =	vst v0  }
0x109: {  	v0 =	vld [tilespmem:s23+$0xFFFFFF10];
	_ =	sdelay $0x4  }
0x10a: {  	[tilespmem:s22+$0xFFFFFF10] =	vst v0  }
0x10b: {  	v0 =	vld [tilespmem:s23+$0xFFFFFF80];
	_ =	sdelay $0x4  }
0x10c: {  	[tilespmem:s22+$0xFFFFFF80] =	vst v0  }
0x10d: {  	v0 =	vld [tilespmem:s23+$0xFFFFFF90];
	_ =	sdelay $0x4  }
0x10e: {  	[tilespmem:s22+$0xFFFFFF90] =	vst v0  }
0x10f: {  	v0 =	vld [tilespmem:s23+$0x0];
	_ =	sdelay $0x4  }
0x110: {  	[tilespmem:s22+$0x0] =	vst v0  }
0x111: {  	v0 =	vld [tilespmem:s23+$0x10];
	_ =	sdelay $0x4  }
0x112: {  	[tilespmem:s22+$0x10] =	vst v0  }
0x113: {  	v0 =	vld [tilespmem:s23+$0x80];
	_ =	sdelay $0x4  }
0x114: {  	[tilespmem:s22+$0x80] =	vst v0  }
0x115: {  	v0 =	vld [tilespmem:s23+$0x90];
	_ =	sdelay $0x4  }
0x116: {  	[tilespmem:s22+$0x90] =	vst v0  }
0x117: {  	v0 =	vld [tilespmem:s23+$0x100];
	_ =	sdelay $0x4  }
0x118: {  	[tilespmem:s22+$0x100] =	vst v0  }
0x119: {  	v0 =	vld [tilespmem:s23+$0x110];
	_ =	sdelay $0x4  }
0x11a: {  	[tilespmem:s22+$0x110] =	vst v0  }
0x11b: {  	v0 =	vld [tilespmem:s23+$0x180];
	_ =	sdelay $0x4  }
0x11c: {  	[tilespmem:s22+$0x180] =	vst v0  }
0x11d: {  	v0 =	vld [tilespmem:s23+$0x190];
	_ =	sdelay $0x4  }
0x11e: {  	s24 =	simm.s32 $0x8600;
	s23 =	simm.s32 $0x0;
	[tilespmem:s22+$0x190] =	vst v0  }
.LBB2_8:
0x11f: {  	v0 =	vld [tilespmem:s24+$0xFFFFFE00];
	s23 =	sadd.s32 $0x8, s23  }
0x120: {  	p0 =	slt.u32 s23, $0xF8;
	_ =	sdelay $0x2  }
0x121: {  	s22 =	sadd.s32 $0x400, s22  }
0x122: {  	[tilespmem:s22+$0xFFFFFE00] =	vst v0  }
0x123: {  	v0 =	vld [tilespmem:s24+$0xFFFFFE10];
	_ =	sdelay $0x4  }
0x124: {  	[tilespmem:s22+$0xFFFFFE10] =	vst v0  }
0x125: {  	v0 =	vld [tilespmem:s24+$0xFFFFFE80];
	_ =	sdelay $0x4  }
0x126: {  	[tilespmem:s22+$0xFFFFFE80] =	vst v0  }
0x127: {  	v0 =	vld [tilespmem:s24+$0xFFFFFE90];
	_ =	sdelay $0x4  }
0x128: {  	[tilespmem:s22+$0xFFFFFE90] =	vst v0  }
0x129: {  	v0 =	vld [tilespmem:s24+$0xFFFFFF00];
	_ =	sdelay $0x4  }
0x12a: {  	[tilespmem:s22+$0xFFFFFF00] =	vst v0  }
0x12b: {  	v0 =	vld [tilespmem:s24+$0xFFFFFF10];
	_ =	sdelay $0x4  }
0x12c: {  	[tilespmem:s22+$0xFFFFFF10] =	vst v0  }
0x12d: {  	v0 =	vld [tilespmem:s24+$0xFFFFFF80];
	_ =	sdelay $0x4  }
0x12e: {  	[tilespmem:s22+$0xFFFFFF80] =	vst v0  }
0x12f: {  	v0 =	vld [tilespmem:s24+$0xFFFFFF90];
	_ =	sdelay $0x4  }
0x130: {  	[tilespmem:s22+$0xFFFFFF90] =	vst v0  }
0x131: {  	v0 =	vld [tilespmem:s24+$0x0];
	_ =	sdelay $0x4  }
0x132: {  	[tilespmem:s22+$0x0] =	vst v0  }
0x133: {  	v0 =	vld [tilespmem:s24+$0x10];
	_ =	sdelay $0x4  }
0x134: {  	[tilespmem:s22+$0x10] =	vst v0  }
0x135: {  	v0 =	vld [tilespmem:s24+$0x80];
	_ =	sdelay $0x4  }
0x136: {  	[tilespmem:s22+$0x80] =	vst v0  }
0x137: {  	v0 =	vld [tilespmem:s24+$0x90];
	_ =	sdelay $0x4  }
0x138: {  	[tilespmem:s22+$0x90] =	vst v0  }
0x139: {  	v0 =	vld [tilespmem:s24+$0x100];
	_ =	sdelay $0x4  }
0x13a: {  	[tilespmem:s22+$0x100] =	vst v0  }
0x13b: {  	v0 =	vld [tilespmem:s24+$0x110];
	_ =	sdelay $0x4  }
0x13c: {  	[tilespmem:s22+$0x110] =	vst v0  }
0x13d: {  	v0 =	vld [tilespmem:s24+$0x180];
	_ =	sdelay $0x4  }
0x13e: {  	[tilespmem:s22+$0x180] =	vst v0  }
0x13f: {  	v0 =	vld [tilespmem:s24+$0x190]  }
.Ltmp3:
0x140: {  	(pc) =	sbr.rel @p0 .LBB2_8-.Ltmp3, $2  }
0x141: {  	_ =	sdelay $0x2  }
0x142: {  	s24 =	sadd.s32 $0x400, s24;
	[tilespmem:s22+$0x190] =	vst v0  }
0x143: {  	[hbm4b:s10+s2] =	stream.linear.scatter [tilespmem:s18], [sflag:$0x4], $0x8000, $0x38;
	v63 =	vld [tilespmem:$0x0]  }
0x144: {  	s21 =	sadd.s32 $0x1, s21  }
0x145: {  	_ =	swait.ge [sflag:s19], $0x8000;
	p0 =	sne.s32 s21, s11  }
.Ltmp4:
0x146: {  	[sflag:s19] =	ssyncset.done $0x0;
	(pc) =	sbr.rel @p0 .LBB2_1-.Ltmp4, $4  }
0x147: {  	[sflag:s19] =	ssyncadd.s32 $0xFFFF8000  }
0x148: {  	_ =	swait.ge [sflag:s20], $0x8000  }
0x149: {  	[sflag:s20] =	ssyncset.done $0x0  }
0x14a: {  	[sflag:s20] =	ssyncadd.s32 $0xFFFF8000  }
0x14b: {  	_ =	sfence.sel $0x180000  }
0x14c: {  	[bflag:$0x0] =	sbarrier.arrive $0xFFFF  }
0x14d: {  	p0 =	sne.s32 s1, $0x0;
	_ =	strace $0x9000004A  }
0x14e: {  	s0 =	sadd.s32 @!p0 $0x100000, s0;
	[bflag:$0x2] =	sbarrier.arrive $0xFFFF  }
0x14f: {  	[sflag:s0] =	ssyncadd.tile.s32 @!p0 $0x1;
	_ =	shalt  }
.Lfunc_end2:
_tile_overlayer_lowered:
.L_overlay_start_2:
0x150: {  	(tag) =	ssettag $0x2  }
0x151: {  	s0 =	rddreg [dreg:$0x0];
	s2 =	stileid.u32  }
0x152: {  	s1 =	rddreg [dreg:$0x1];
	p0 =	sne.s32 s2, $0x0  }
0x153: {  	s3 =	rddreg [dreg:$0x2];
	[bflag:$0x3] =	sbarrier.arrive $0xFFFF;
	s2 =	simm.s32 @!p0 $0x1C05  }
0x154: {  	[timem:s3], [sflag:s2] =	dma.local @!p0 [hbm:s0], s1  }
0x155: {  	s0 =	simm.s32 @!p0 $0x5  }
0x156: {  	_ =	swait.ge @!p0 [sflag:s0], s1  }
0x157: {  	s1 =	ssub.s32 @!p0 $0x0, s1;
	[sflag:s0] =	ssyncset.done @!p0 $0x0  }
0x158: {  	[sflag:s0] =	ssyncadd.s32 @!p0 s1  }
0x159: {  	[bflag:$0x3] =	sbarrier.arrive $0xFFFF  }
0x15a: {  	_ =	shalt  }

</sc_bundles>
